<compile_context>
chip_gen: v7x
topology: tpu7x:2x2x1
jax: 0.10.2.dev20260603
libtpu: 0.0.44.dev20260713+nightly
codegen_flags: <defaults>
</compile_context>

<pallas_src>
import jax
import jax.numpy as jnp
from jax import lax
from jax.experimental import pallas as pl
from jax.experimental.pallas import tpu as pltpu
from jax.experimental.pallas import tpu_sc as plsc

N = 10000
E = 320000
H = 128
G = 64
C = 10

NC = 2
NS = 16
NW = NC * NS

EW = E // NW
CH = 128
NFULL = EW // CH
TAIL = EW - NFULL * CH
ZR = 624
ZREM = N - NS * ZR

_MESH = plsc.VectorSubcoreMesh(core_axis_name="c", subcore_axis_name="s",
                               num_cores=NC, num_subcores=NS)


def _deg_body(d_hbm, out_hbm, deg_sh, ones_v, dbuf, dbuf_t, zb):
    c = lax.axis_index("c")
    s = lax.axis_index("s")
    wid = c * NS + s

    def setrow(i, carry):
        ones_v[i, pl.ds(0, 16)] = jnp.ones((16,), jnp.float32)
        zb[i, pl.ds(0, 16)] = jnp.zeros((16,), jnp.float32)
        return carry

    lax.fori_loop(0, CH, setrow, 0)
    for k, sz in ((0, 128), (128, 128), (256, 128), (384, 128), (512, 112)):
        pltpu.sync_copy(zb.at[pl.ds(0, sz)],
                        deg_sh.at[pl.ds(s * ZR + k, sz)])

    @pl.when(s == NS - 1)
    def _():
        pltpu.sync_copy(zb.at[pl.ds(0, ZREM)],
                        deg_sh.at[pl.ds(NS * ZR, ZREM)])

    plsc.subcore_barrier()

    base = wid * EW

    def chunk(i, carry):
        pltpu.sync_copy(d_hbm.at[pl.ds(base + i * CH, CH)], dbuf.at[0])
        pltpu.sync_copy(ones_v, deg_sh.at[dbuf.at[0]], add=True)
        return carry

    lax.fori_loop(0, NFULL, chunk, 0)
    pltpu.sync_copy(d_hbm.at[pl.ds(base + NFULL * CH, TAIL)], dbuf_t)
    pltpu.sync_copy(ones_v.at[pl.ds(0, TAIL)], deg_sh.at[dbuf_t], add=True)
    plsc.subcore_barrier()
    pltpu.sync_copy(deg_sh.at[pl.ds(s * ZR, ZR)],
                    out_hbm.at[c, pl.ds(s * ZR, ZR)])

    @pl.when(s == NS - 1)
    def _():
        pltpu.sync_copy(deg_sh.at[pl.ds(NS * ZR, ZREM)],
                        out_hbm.at[c, pl.ds(NS * ZR, ZREM)])


def _deg_partials(d):
    f = pl.kernel(
        _deg_body,
        out_type=jax.ShapeDtypeStruct((NC, N, 16), jnp.float32),
        mesh=_MESH,
        scratch_types=[
            pltpu.VMEM_SHARED((N, 16), jnp.float32),
            pltpu.VMEM((CH, 16), jnp.float32),
            pltpu.VMEM((1, CH), jnp.int32),
            pltpu.VMEM((TAIL,), jnp.int32),
            pltpu.VMEM((CH, 16), jnp.float32),
        ],
    )
    return f(d)


def _agg_body(y_hbm, s_hbm, d_hbm, out_hbm, acc_sh, sbuf, dbuf, rows,
              sbuf_t, dbuf_t, gsem, tsem):
    c = lax.axis_index("c")
    s = lax.axis_index("s")
    wid = c * NS + s

    def zrow(i, carry):
        for j in range(H // 16):
            rows[0, i, pl.ds(j * 16, 16)] = jnp.zeros((16,), jnp.float32)
        return carry

    lax.fori_loop(0, 128, zrow, 0)
    for k, sz in ((0, 128), (128, 128), (256, 128), (384, 128), (512, 112)):
        pltpu.sync_copy(rows.at[0, pl.ds(0, sz)],
                        acc_sh.at[pl.ds(s * ZR + k, sz)])

    @pl.when(s == NS - 1)
    def _():
        pltpu.sync_copy(rows.at[0, pl.ds(0, ZREM)],
                        acc_sh.at[pl.ds(NS * ZR, ZREM)])

    plsc.subcore_barrier()

    base = wid * EW

    def stage_idx(i, p):
        off = base + i * CH
        pltpu.sync_copy(s_hbm.at[pl.ds(off, CH)], sbuf.at[p])
        pltpu.sync_copy(d_hbm.at[pl.ds(off, CH)], dbuf.at[p])

    def group(g, carry):
        for p in range(2):
            i = g * 2 + p
            stage_idx(i, p)
            gd = pltpu.async_copy(y_hbm.at[sbuf.at[p]], rows.at[p], gsem)

            @pl.when(i >= 1)
            def _():
                pltpu.sync_copy(rows.at[1 - p], acc_sh.at[dbuf.at[1 - p]],
                                add=True)

            gd.wait()
        return carry

    lax.fori_loop(0, NFULL // 2, group, 0)
    pltpu.sync_copy(rows.at[(NFULL - 1) % 2],
                    acc_sh.at[dbuf.at[(NFULL - 1) % 2]], add=True)

    off = base + NFULL * CH
    pltpu.sync_copy(s_hbm.at[pl.ds(off, TAIL)], sbuf_t)
    pltpu.sync_copy(d_hbm.at[pl.ds(off, TAIL)], dbuf_t)
    pltpu.async_copy(y_hbm.at[sbuf_t], rows.at[0, pl.ds(0, TAIL)], tsem).wait()
    pltpu.sync_copy(rows.at[0, pl.ds(0, TAIL)], acc_sh.at[dbuf_t], add=True)
    plsc.subcore_barrier()
    pltpu.sync_copy(acc_sh.at[pl.ds(s * ZR, ZR)],
                    out_hbm.at[c, pl.ds(s * ZR, ZR)])

    @pl.when(s == NS - 1)
    def _():
        pltpu.sync_copy(acc_sh.at[pl.ds(NS * ZR, ZREM)],
                        out_hbm.at[c, pl.ds(NS * ZR, ZREM)])


def _agg_partials(y, s, d):
    f = pl.kernel(
        _agg_body,
        out_type=jax.ShapeDtypeStruct((NC, N, H), jnp.float32),
        mesh=_MESH,
        scratch_types=[
            pltpu.VMEM_SHARED((N, H), jnp.float32),
            pltpu.VMEM((2, CH), jnp.int32),
            pltpu.VMEM((2, CH), jnp.int32),
            pltpu.VMEM((2, CH, H), jnp.float32),
            pltpu.VMEM((TAIL,), jnp.int32),
            pltpu.VMEM((TAIL,), jnp.int32),
            pltpu.SemaphoreType.DMA,
            pltpu.SemaphoreType.DMA,
        ],
    )
    return f(y, s, d)


PCH = 64
NPCH = (N + PCH - 1) // PCH
PTAIL = N - (NPCH - 1) * PCH


def _pool_body(h_hbm, b_hbm, mx_hbm, sm_hbm, cn_hbm,
               rowbuf, bbuf, rowbuf_t, bbuf_t, mx, sm, cn):
    c = lax.axis_index("c")
    s = lax.axis_index("s")
    wid = c * NS + s

    neg_inf = jnp.full((16,), -jnp.inf, dtype=jnp.float32)

    def initrow(i, carry):
        for j in range(H // 16):
            mx[i, pl.ds(j * 16, 16)] = neg_inf
            sm[i, pl.ds(j * 16, 16)] = jnp.zeros((16,), jnp.float32)
        cn[i, pl.ds(0, 16)] = jnp.zeros((16,), jnp.float32)
        return carry

    lax.fori_loop(0, G, initrow, 0)

    ones16 = jnp.ones((16,), jnp.float32)

    def accum_row(rb, bb, i):
        g = bb[pl.ds(i, 16)][0]
        plsc.addupdate(cn.at[g], ones16)
        for j in range(H // 16):
            r = rb[i, pl.ds(j * 16, 16)]
            plsc.addupdate(sm.at[g, pl.ds(j * 16, 16)], r)
            m = mx[g, pl.ds(j * 16, 16)]
            mx[g, pl.ds(j * 16, 16)] = jnp.maximum(m, r)

    def do_chunk(jj, carry):
        k = wid + jj * NW

        @pl.when(k < NPCH - 1)
        def _():
            pltpu.sync_copy(h_hbm.at[pl.ds(k * PCH, PCH)], rowbuf)
            pltpu.sync_copy(b_hbm.at[pl.ds(k * PCH, PCH)], bbuf.at[pl.ds(0, PCH)])

            def row(i, cc):
                accum_row(rowbuf, bbuf, i)
                return cc

            lax.fori_loop(0, PCH, row, 0)

        @pl.when(k == NPCH - 1)
        def _():
            pltpu.sync_copy(h_hbm.at[pl.ds((NPCH - 1) * PCH, PTAIL)], rowbuf_t)
            pltpu.sync_copy(b_hbm.at[pl.ds((NPCH - 1) * PCH, PTAIL)],
                            bbuf_t.at[pl.ds(0, PTAIL)])

            def row(i, cc):
                accum_row(rowbuf_t, bbuf_t, i)
                return cc

            lax.fori_loop(0, PTAIL, row, 0)

        return carry

    lax.fori_loop(0, (NPCH + NW - 1) // NW, do_chunk, 0)

    pltpu.sync_copy(mx, mx_hbm.at[wid])
    pltpu.sync_copy(sm, sm_hbm.at[wid])
    pltpu.sync_copy(cn, cn_hbm.at[wid])


def _pool_partials(h, batch):
    f = pl.kernel(
        _pool_body,
        out_type=(
            jax.ShapeDtypeStruct((NW, G, H), jnp.float32),
            jax.ShapeDtypeStruct((NW, G, H), jnp.float32),
            jax.ShapeDtypeStruct((NW, G, 16), jnp.float32),
        ),
        mesh=_MESH,
        scratch_types=[
            pltpu.VMEM((PCH, H), jnp.float32),
            pltpu.VMEM((PCH + 16,), jnp.int32),
            pltpu.VMEM((PTAIL, H), jnp.float32),
            pltpu.VMEM((PTAIL + 16,), jnp.int32),
            pltpu.VMEM((G, H), jnp.float32),
            pltpu.VMEM((G, H), jnp.float32),
            pltpu.VMEM((G, 16), jnp.float32),
        ],
    )
    return f(h, batch)


RB = 1000


def _dinv_from_parts(deg_parts):
    deg = 1.0 + deg_parts[0, :, 0] + deg_parts[1, :, 0]
    return 1.0 / jnp.sqrt(deg)


def _xw_body(x_ref, w_ref, degp_ref, y_ref):
    dinv = _dinv_from_parts(degp_ref[...])
    xw = jnp.dot(x_ref[...], w_ref[...], preferred_element_type=jnp.float32)
    y_ref[...] = dinv[:, None] * xw


def _xw_scaled(x, w, deg_parts):
    fin = x.shape[1]
    return pl.pallas_call(
        _xw_body,
        grid=(N // RB,),
        in_specs=[
            pl.BlockSpec((RB, fin), lambda i: (i, 0)),
            pl.BlockSpec((fin, H), lambda i: (0, 0)),
            pl.BlockSpec((NC, RB, 16), lambda i: (0, i, 0)),
        ],
        out_specs=pl.BlockSpec((RB, H), lambda i: (i, 0)),
        out_shape=jax.ShapeDtypeStruct((N, H), jnp.float32),
    )(x, w, deg_parts)


def _combine_mm_body(aggp_ref, y_ref, degp_ref, b_ref, w_ref, out_ref):
    dinv = _dinv_from_parts(degp_ref[...])
    h = aggp_ref[0] + aggp_ref[1] + y_ref[...]
    h = jax.nn.relu(dinv[:, None] * h + b_ref[...])
    hw = jnp.dot(h, w_ref[...], preferred_element_type=jnp.float32)
    out_ref[...] = dinv[:, None] * hw


def _combine_matmul(aggp, y, deg_parts, b, w):
    return pl.pallas_call(
        _combine_mm_body,
        grid=(N // RB,),
        in_specs=[
            pl.BlockSpec((NC, RB, H), lambda i: (0, i, 0)),
            pl.BlockSpec((RB, H), lambda i: (i, 0)),
            pl.BlockSpec((NC, RB, 16), lambda i: (0, i, 0)),
            pl.BlockSpec((1, H), lambda i: (0, 0)),
            pl.BlockSpec((H, H), lambda i: (0, 0)),
        ],
        out_specs=pl.BlockSpec((RB, H), lambda i: (i, 0)),
        out_shape=jax.ShapeDtypeStruct((N, H), jnp.float32),
    )(aggp, y, deg_parts, b, w)


def _combine_body(aggp_ref, y_ref, degp_ref, b_ref, out_ref):
    dinv = _dinv_from_parts(degp_ref[...])
    h = aggp_ref[0] + aggp_ref[1] + y_ref[...]
    out_ref[...] = jax.nn.relu(dinv[:, None] * h + b_ref[...])


def _combine(aggp, y, deg_parts, b):
    return pl.pallas_call(
        _combine_body,
        grid=(N // RB,),
        in_specs=[
            pl.BlockSpec((NC, RB, H), lambda i: (0, i, 0)),
            pl.BlockSpec((RB, H), lambda i: (i, 0)),
            pl.BlockSpec((NC, RB, 16), lambda i: (0, i, 0)),
            pl.BlockSpec((1, H), lambda i: (0, 0)),
        ],
        out_specs=pl.BlockSpec((RB, H), lambda i: (i, 0)),
        out_shape=jax.ShapeDtypeStruct((N, H), jnp.float32),
    )(aggp, y, deg_parts, b)


def _final_body(mxp_ref, smp_ref, cnp_ref, w_ref, b_ref, out_ref):
    mx = jnp.max(mxp_ref[...], axis=0)
    sm = jnp.sum(smp_ref[...], axis=0)
    cnt = jnp.sum(cnp_ref[..., 0], axis=0)
    mean = sm / jnp.maximum(cnt, 1.0)[:, None]
    z = jnp.concatenate([mx, mean], axis=1)
    z = jnp.dot(z, w_ref[...], preferred_element_type=jnp.float32) + b_ref[...]
    m = jnp.max(z, axis=1, keepdims=True)
    lse = jnp.log(jnp.sum(jnp.exp(z - m), axis=1, keepdims=True)) + m
    out_ref[...] = z - lse


def _final(mxp, smp, cnp, lin_W, lin_b):
    return pl.pallas_call(
        _final_body,
        out_shape=jax.ShapeDtypeStruct((G, C), jnp.float32),
    )(mxp, smp, cnp, lin_W, lin_b.reshape(1, C))


def kernel(x, edge_index, batch, W1, b1, W2, b2, lin_W, lin_b):
    s = edge_index[0]
    d = edge_index[1]
    deg_parts = _deg_partials(d)
    y1 = _xw_scaled(x, W1, deg_parts)
    agg1 = _agg_partials(y1, s, d)
    y2 = _combine_matmul(agg1, y1, deg_parts, b1.reshape(1, H), W2)
    agg2 = _agg_partials(y2, s, d)
    h2 = _combine(agg2, y2, deg_parts, b2.reshape(1, H))
    mxp, smp, cnp = _pool_partials(h2, batch)
    return _final(mxp, smp, cnp, lin_W, lin_b)

# --- scband reference (transcript-rebuilt; emitter-appended) ---
"""Pipeline reference for scband-graph-gcn-5471788335200 (READ-ONLY COPY).

The authoritative reference and input builder live on the scoring server;
editing this copy changes nothing except your own understanding.
"""

import jax, jax.numpy as jnp
import numpy as np

N = 10000
E = 320000
F_IN = 128
H = 128
C = 10
G = 64


def setup_inputs(seed: int = 0) -> dict:
    key = jax.random.key(seed)
    ks = jax.random.split(key, 10)
    x = jax.random.normal(ks[0], (N, F_IN), dtype=jnp.float32)
    edge_index = jax.random.randint(ks[1], (2, E), 0, N, dtype=jnp.int32)
    batch = jnp.sort(jax.random.randint(ks[2], (N,), 0, G, dtype=jnp.int32))
    # GCNConv layer 1: nfeat -> nhid
    W1 = jax.random.normal(ks[3], (F_IN, H), dtype=jnp.float32) * (1.0 / np.sqrt(F_IN))
    b1 = jnp.zeros((H,), dtype=jnp.float32)
    # GCNConv layer 2: nhid -> nhid
    W2 = jax.random.normal(ks[4], (H, H), dtype=jnp.float32) * (1.0 / np.sqrt(H))
    b2 = jnp.zeros((H,), dtype=jnp.float32)
    # final linear: 2*nhid -> nclass (max pool concat mean pool)
    lin_W = jax.random.normal(ks[5], (2 * H, C), dtype=jnp.float32) * (1.0 / np.sqrt(2 * H))
    lin_b = jnp.zeros((C,), dtype=jnp.float32)
    return {"x": x, "edge_index": edge_index, "batch": batch,
            "W1": W1, "b1": b1, "W2": W2, "b2": b2,
            "lin_W": lin_W, "lin_b": lin_b}


def _gcn_conv(x, edge_index, W, b):
    # PyG GCNConv: add self-loops, symmetric normalization, linear transform, scatter-add aggregation
    src = edge_index[0]
    dst = edge_index[1]
    loop = jnp.arange(N, dtype=edge_index.dtype)
    s = jnp.concatenate([src, loop])
    d = jnp.concatenate([dst, loop])
    ew = jnp.ones(s.shape[0], dtype=jnp.float32)
    deg = jnp.zeros((N,), dtype=jnp.float32).at[d].add(ew)
    dinv = jnp.where(deg > 0, 1.0 / jnp.sqrt(deg), 0.0)
    norm = dinv[s] * ew * dinv[d]
    xw = x @ W
    msg = xw[s] * norm[:, None]
    out = jnp.zeros((N, W.shape[1]), dtype=jnp.float32).at[d].add(msg)
    return out + b


def reference(x, edge_index, batch, W1, b1, W2, b2, lin_W, lin_b):
    # dropout is identity at eval time (p applied only in training)
    h = jax.nn.relu(_gcn_conv(x, edge_index, W1, b1))
    h = jax.nn.relu(_gcn_conv(h, edge_index, W2, b2))
    # global_max_pool / global_mean_pool over batch segments
    mx = jax.ops.segment_max(h, batch, num_segments=G)
    sm = jax.ops.segment_sum(h, batch, num_segments=G)
    cnt = jax.ops.segment_sum(jnp.ones((N, 1), dtype=jnp.float32), batch, num_segments=G)
    mean = sm / jnp.maximum(cnt, 1.0)
    z = jnp.concatenate([mx, mean], axis=-1) @ lin_W + lin_b
    return jax.nn.log_softmax(z, axis=1)

if __name__ == "__main__":
    import jax
    _d = setup_inputs()
    print(jax.jit(kernel)(*tuple(_d.values())))

</pallas_src>

<mosaic_0001>
#map = affine_map<(d0, d1) -> (0, 0)>
#map1 = affine_map<(d0, d1) -> (0)>
#map2 = affine_map<(d0, d1) -> (0, 0, 0)>
module attributes {stable_mosaic.version = 14 : i64} {
  func.func @_pool_body(%arg0: i32, %arg1: i32, %arg2: memref<10000x128xf32, #tpu.memory_space<hbm>>, %arg3: memref<10000xi32, #tpu.memory_space<hbm>>, %arg4: memref<32x64x128xf32, #tpu.memory_space<hbm>>, %arg5: memref<32x64x128xf32, #tpu.memory_space<hbm>>, %arg6: memref<32x64x16xf32, #tpu.memory_space<hbm>>, %arg7: memref<64x128xf32, #tpu.memory_space<vmem>>, %arg8: memref<80xi32, #tpu.memory_space<vmem>>, %arg9: memref<16x128xf32, #tpu.memory_space<vmem>>, %arg10: memref<32xi32, #tpu.memory_space<vmem>>, %arg11: memref<64x128xf32, #tpu.memory_space<vmem>>, %arg12: memref<64x128xf32, #tpu.memory_space<vmem>>, %arg13: memref<64x16xf32, #tpu.memory_space<vmem>>) attributes {dimension_semantics = [#tpu.dimension_semantics<core_parallel>, #tpu.dimension_semantics<subcore_parallel>], iteration_bounds = array<i64: 2, 16>, scalar_prefetch = 0 : i64, scratch_operands = 7 : i64, tpu.core_type = #tpu.core_type<sc_vector_subcore>, window_params = [{transform_indices = #map}, {transform_indices = #map1}, {transform_indices = #map2}, {transform_indices = #map2}, {transform_indices = #map2}]} {
    %mul3A = arith.constant 16 : i32
    %mul3A_0 = arith.muli %arg0, %mul3A : i32
    %add3A = arith.addi %mul3A_0, %arg1 : i32
    %broadcast_in_dim3A = arith.constant 0xFF800000 : f32
    %broadcast_in_dim3A_1 = vector.broadcast %broadcast_in_dim3A : f32 to vector<16xf32>
    %scan3A = arith.constant 0 : i32
    %scan3A_2 = arith.constant 0 : i32
    %scan3A_3 = arith.constant 64 : i32
    %scan3A_4 = arith.addi %scan3A_2, %scan3A_3 : i32
    %scan3A_5 = arith.constant 1 : i32
    scf.for %scan3A_15 = %scan3A_2 to %scan3A_4 step %scan3A_5  : i32 {
      %swap3A = arith.index_cast %scan3A_15 : i32 to index
      %swap3A_16 = arith.constant 0 : index
      %swap3A_17 = tpu.vector_load %arg11[%swap3A, %swap3A_16] {strides = array<i32>} : memref<64x128xf32, #tpu.memory_space<vmem>>, vector<1x16xf32>,
      %swap3A_18 = vector.shape_cast %swap3A_17 : vector<1x16xf32> to vector<16xf32>
      %swap3A_19 = vector.shape_cast %broadcast_in_dim3A_1 : vector<16xf32> to vector<1x16xf32>
      tpu.vector_store %arg11[%swap3A, %swap3A_16], %swap3A_19 {strides = array<i32>} : memref<64x128xf32, #tpu.memory_space<vmem>>, vector<1x16xf32>,
      %broadcast_in_dim3A_20 = arith.constant 0.000000e+00 : f32
      %broadcast_in_dim3A_21 = vector.broadcast %broadcast_in_dim3A_20 : f32 to vector<16xf32>
      %swap3A_22 = arith.index_cast %scan3A_15 : i32 to index
      %swap3A_23 = arith.constant 0 : index
      %swap3A_24 = tpu.vector_load %arg12[%swap3A_22, %swap3A_23] {strides = array<i32>} : memref<64x128xf32, #tpu.memory_space<vmem>>, vector<1x16xf32>,
      %swap3A_25 = vector.shape_cast %swap3A_24 : vector<1x16xf32> to vector<16xf32>
      %swap3A_26 = vector.shape_cast %broadcast_in_dim3A_21 : vector<16xf32> to vector<1x16xf32>
      tpu.vector_store %arg12[%swap3A_22, %swap3A_23], %swap3A_26 {strides = array<i32>} : memref<64x128xf32, #tpu.memory_space<vmem>>, vector<1x16xf32>,
      %swap3A_27 = arith.index_cast %scan3A_15 : i32 to index
      %swap3A_28 = arith.constant 16 : index
      %swap3A_29 = tpu.vector_load %arg11[%swap3A_27, %swap3A_28] {strides = array<i32>} : memref<64x128xf32, #tpu.memory_space<vmem>>, vector<1x16xf32>,
      %swap3A_30 = vector.shape_cast %swap3A_29 : vector<1x16xf32> to vector<16xf32>
      %swap3A_31 = vector.shape_cast %broadcast_in_dim3A_1 : vector<16xf32> to vector<1x16xf32>
      tpu.vector_store %arg11[%swap3A_27, %swap3A_28], %swap3A_31 {strides = array<i32>} : memref<64x128xf32, #tpu.memory_space<vmem>>, vector<1x16xf32>,
      %broadcast_in_dim3A_32 = arith.constant 0.000000e+00 : f32
      %broadcast_in_dim3A_33 = vector.broadcast %broadcast_in_dim3A_32 : f32 to vector<16xf32>
      %swap3A_34 = arith.index_cast %scan3A_15 : i32 to index
      %swap3A_35 = arith.constant 16 : index
      %swap3A_36 = tpu.vector_load %arg12[%swap3A_34, %swap3A_35] {strides = array<i32>} : memref<64x128xf32, #tpu.memory_space<vmem>>, vector<1x16xf32>,
      %swap3A_37 = vector.shape_cast %swap3A_36 : vector<1x16xf32> to vector<16xf32>
      %swap3A_38 = vector.shape_cast %broadcast_in_dim3A_33 : vector<16xf32> to vector<1x16xf32>
      tpu.vector_store %arg12[%swap3A_34, %swap3A_35], %swap3A_38 {strides = array<i32>} : memref<64x128xf32, #tpu.memory_space<vmem>>, vector<1x16xf32>,
      %swap3A_39 = arith.index_cast %scan3A_15 : i32 to index
      %swap3A_40 = arith.constant 32 : index
      %swap3A_41 = tpu.vector_load %arg11[%swap3A_39, %swap3A_40] {strides = array<i32>} : memref<64x128xf32, #tpu.memory_space<vmem>>, vector<1x16xf32>,
      %swap3A_42 = vector.shape_cast %swap3A_41 : vector<1x16xf32> to vector<16xf32>
      %swap3A_43 = vector.shape_cast %broadcast_in_dim3A_1 : vector<16xf32> to vector<1x16xf32>
      tpu.vector_store %arg11[%swap3A_39, %swap3A_40], %swap3A_43 {strides = array<i32>} : memref<64x128xf32, #tpu.memory_space<vmem>>, vector<1x16xf32>,
      %broadcast_in_dim3A_44 = arith.constant 0.000000e+00 : f32
      %broadcast_in_dim3A_45 = vector.broadcast %broadcast_in_dim3A_44 : f32 to vector<16xf32>
      %swap3A_46 = arith.index_cast %scan3A_15 : i32 to index
      %swap3A_47 = arith.constant 32 : index
      %swap3A_48 = tpu.vector_load %arg12[%swap3A_46, %swap3A_47] {strides = array<i32>} : memref<64x128xf32, #tpu.memory_space<vmem>>, vector<1x16xf32>,
      %swap3A_49 = vector.shape_cast %swap3A_48 : vector<1x16xf32> to vector<16xf32>
      %swap3A_50 = vector.shape_cast %broadcast_in_dim3A_45 : vector<16xf32> to vector<1x16xf32>
      tpu.vector_store %arg12[%swap3A_46, %swap3A_47], %swap3A_50 {strides = array<i32>} : memref<64x128xf32, #tpu.memory_space<vmem>>, vector<1x16xf32>,
      %swap3A_51 = arith.index_cast %scan3A_15 : i32 to index
      %swap3A_52 = arith.constant 48 : index
      %swap3A_53 = tpu.vector_load %arg11[%swap3A_51, %swap3A_52] {strides = array<i32>} : memref<64x128xf32, #tpu.memory_space<vmem>>, vector<1x16xf32>,
      %swap3A_54 = vector.shape_cast %swap3A_53 : vector<1x16xf32> to vector<16xf32>
      %swap3A_55 = vector.shape_cast %broadcast_in_dim3A_1 : vector<16xf32> to vector<1x16xf32>
      tpu.vector_store %arg11[%swap3A_51, %swap3A_52], %swap3A_55 {strides = array<i32>} : memref<64x128xf32, #tpu.memory_space<vmem>>, vector<1x16xf32>,
      %broadcast_in_dim3A_56 = arith.constant 0.000000e+00 : f32
      %broadcast_in_dim3A_57 = vector.broadcast %broadcast_in_dim3A_56 : f32 to vector<16xf32>
      %swap3A_58 = arith.index_cast %scan3A_15 : i32 to index
      %swap3A_59 = arith.constant 48 : index
      %swap3A_60 = tpu.vector_load %arg12[%swap3A_58, %swap3A_59] {strides = array<i32>} : memref<64x128xf32, #tpu.memory_space<vmem>>, vector<1x16xf32>,
      %swap3A_61 = vector.shape_cast %swap3A_60 : vector<1x16xf32> to vector<16xf32>
      %swap3A_62 = vector.shape_cast %broadcast_in_dim3A_57 : vector<16xf32> to vector<1x16xf32>
      tpu.vector_store %arg12[%swap3A_58, %swap3A_59], %swap3A_62 {strides = array<i32>} : memref<64x128xf32, #tpu.memory_space<vmem>>, vector<1x16xf32>,
      %swap3A_63 = arith.index_cast %scan3A_15 : i32 to index
      %swap3A_64 = arith.constant 64 : index
      %swap3A_65 = tpu.vector_load %arg11[%swap3A_63, %swap3A_64] {strides = array<i32>} : memref<64x128xf32, #tpu.memory_space<vmem>>, vector<1x16xf32>,
      %swap3A_66 = vector.shape_cast %swap3A_65 : vector<1x16xf32> to vector<16xf32>
      %swap3A_67 = vector.shape_cast %broadcast_in_dim3A_1 : vector<16xf32> to vector<1x16xf32>
      tpu.vector_store %arg11[%swap3A_63, %swap3A_64], %swap3A_67 {strides = array<i32>} : memref<64x128xf32, #tpu.memory_space<vmem>>, vector<1x16xf32>,
      %broadcast_in_dim3A_68 = arith.constant 0.000000e+00 : f32
      %broadcast_in_dim3A_69 = vector.broadcast %broadcast_in_dim3A_68 : f32 to vector<16xf32>
      %swap3A_70 = arith.index_cast %scan3A_15 : i32 to index
      %swap3A_71 = arith.constant 64 : index
      %swap3A_72 = tpu.vector_load %arg12[%swap3A_70, %swap3A_71] {strides = array<i32>} : memref<64x128xf32, #tpu.memory_space<vmem>>, vector<1x16xf32>,
      %swap3A_73 = vector.shape_cast %swap3A_72 : vector<1x16xf32> to vector<16xf32>
      %swap3A_74 = vector.shape_cast %broadcast_in_dim3A_69 : vector<16xf32> to vector<1x16xf32>
      tpu.vector_store %arg12[%swap3A_70, %swap3A_71], %swap3A_74 {strides = array<i32>} : memref<64x128xf32, #tpu.memory_space<vmem>>, vector<1x16xf32>,
      %swap3A_75 = arith.index_cast %scan3A_15 : i32 to index
      %swap3A_76 = arith.constant 80 : index
      %swap3A_77 = tpu.vector_load %arg11[%swap3A_75, %swap3A_76] {strides = array<i32>} : memref<64x128xf32, #tpu.memory_space<vmem>>, vector<1x16xf32>,
      %swap3A_78 = vector.shape_cast %swap3A_77 : vector<1x16xf32> to vector<16xf32>
      %swap3A_79 = vector.shape_cast %broadcast_in_dim3A_1 : vector<16xf32> to vector<1x16xf32>
      tpu.vector_store %arg11[%swap3A_75, %swap3A_76], %swap3A_79 {strides = array<i32>} : memref<64x128xf32, #tpu.memory_space<vmem>>, vector<1x16xf32>,
      %broadcast_in_dim3A_80 = arith.constant 0.000000e+00 : f32
      %broadcast_in_dim3A_81 = vector.broadcast %broadcast_in_dim3A_80 : f32 to vector<16xf32>
      %swap3A_82 = arith.index_cast %scan3A_15 : i32 to index
      %swap3A_83 = arith.constant 80 : index
      %swap3A_84 = tpu.vector_load %arg12[%swap3A_82, %swap3A_83] {strides = array<i32>} : memref<64x128xf32, #tpu.memory_space<vmem>>, vector<1x16xf32>,
      %swap3A_85 = vector.shape_cast %swap3A_84 : vector<1x16xf32> to vector<16xf32>
      %swap3A_86 = vector.shape_cast %broadcast_in_dim3A_81 : vector<16xf32> to vector<1x16xf32>
      tpu.vector_store %arg12[%swap3A_82, %swap3A_83], %swap3A_86 {strides = array<i32>} : memref<64x128xf32, #tpu.memory_space<vmem>>, vector<1x16xf32>,
      %swap3A_87 = arith.index_cast %scan3A_15 : i32 to index
      %swap3A_88 = arith.constant 96 : index
      %swap3A_89 = tpu.vector_load %arg11[%swap3A_87, %swap3A_88] {strides = array<i32>} : memref<64x128xf32, #tpu.memory_space<vmem>>, vector<1x16xf32>,
      %swap3A_90 = vector.shape_cast %swap3A_89 : vector<1x16xf32> to vector<16xf32>
      %swap3A_91 = vector.shape_cast %broadcast_in_dim3A_1 : vector<16xf32> to vector<1x16xf32>
      tpu.vector_store %arg11[%swap3A_87, %swap3A_88], %swap3A_91 {strides = array<i32>} : memref<64x128xf32, #tpu.memory_space<vmem>>, vector<1x16xf32>,
      %broadcast_in_dim3A_92 = arith.constant 0.000000e+00 : f32
      %broadcast_in_dim3A_93 = vector.broadcast %broadcast_in_dim3A_92 : f32 to vector<16xf32>
      %swap3A_94 = arith.index_cast %scan3A_15 : i32 to index
      %swap3A_95 = arith.constant 96 : index
      %swap3A_96 = tpu.vector_load %arg12[%swap3A_94, %swap3A_95] {strides = array<i32>} : memref<64x128xf32, #tpu.memory_space<vmem>>, vector<1x16xf32>,
      %swap3A_97 = vector.shape_cast %swap3A_96 : vector<1x16xf32> to vector<16xf32>
      %swap3A_98 = vector.shape_cast %broadcast_in_dim3A_93 : vector<16xf32> to vector<1x16xf32>
      tpu.vector_store %arg12[%swap3A_94, %swap3A_95], %swap3A_98 {strides = array<i32>} : memref<64x128xf32, #tpu.memory_space<vmem>>, vector<1x16xf32>,
      %swap3A_99 = arith.index_cast %scan3A_15 : i32 to index
      %swap3A_100 = arith.constant 112 : index
      %swap3A_101 = tpu.vector_load %arg11[%swap3A_99, %swap3A_100] {strides = array<i32>} : memref<64x128xf32, #tpu.memory_space<vmem>>, vector<1x16xf32>,
      %swap3A_102 = vector.shape_cast %swap3A_101 : vector<1x16xf32> to vector<16xf32>
      %swap3A_103 = vector.shape_cast %broadcast_in_dim3A_1 : vector<16xf32> to vector<1x16xf32>
      tpu.vector_store %arg11[%swap3A_99, %swap3A_100], %swap3A_103 {strides = array<i32>} : memref<64x128xf32, #tpu.memory_space<vmem>>, vector<1x16xf32>,
      %broadcast_in_dim3A_104 = arith.constant 0.000000e+00 : f32
      %broadcast_in_dim3A_105 = vector.broadcast %broadcast_in_dim3A_104 : f32 to vector<16xf32>
      %swap3A_106 = arith.index_cast %scan3A_15 : i32 to index
      %swap3A_107 = arith.constant 112 : index
      %swap3A_108 = tpu.vector_load %arg12[%swap3A_106, %swap3A_107] {strides = array<i32>} : memref<64x128xf32, #tpu.memory_space<vmem>>, vector<1x16xf32>,
      %swap3A_109 = vector.shape_cast %swap3A_108 : vector<1x16xf32> to vector<16xf32>
      %swap3A_110 = vector.shape_cast %broadcast_in_dim3A_105 : vector<16xf32> to vector<1x16xf32>
      tpu.vector_store %arg12[%swap3A_106, %swap3A_107], %swap3A_110 {strides = array<i32>} : memref<64x128xf32, #tpu.memory_space<vmem>>, vector<1x16xf32>,
      %broadcast_in_dim3A_111 = arith.constant 0.000000e+00 : f32
      %broadcast_in_dim3A_112 = vector.broadcast %broadcast_in_dim3A_111 : f32 to vector<16xf32>
      %swap3A_113 = arith.index_cast %scan3A_15 : i32 to index
      %swap3A_114 = arith.constant 0 : index
      %swap3A_115 = tpu.vector_load %arg13[%swap3A_113, %swap3A_114] {strides = array<i32>} : memref<64x16xf32, #tpu.memory_space<vmem>>, vector<1x16xf32>,
      %swap3A_116 = vector.shape_cast %swap3A_115 : vector<1x16xf32> to vector<16xf32>
      %swap3A_117 = vector.shape_cast %broadcast_in_dim3A_112 : vector<16xf32> to vector<1x16xf32>
      tpu.vector_store %arg13[%swap3A_113, %swap3A_114], %swap3A_117 {strides = array<i32>} : memref<64x16xf32, #tpu.memory_space<vmem>>, vector<1x16xf32>,
    }
    %scan3A_6 = arith.constant 64 : i32
    %broadcast_in_dim3A_7 = arith.constant 1.000000e+00 : f32
    %broadcast_in_dim3A_8 = vector.broadcast %broadcast_in_dim3A_7 : f32 to vector<16xf32>
    %scan3A_9 = arith.constant 0 : i32
    %scan3A_10 = arith.constant 0 : i32
    %scan3A_11 = arith.constant 5 : i32
    %scan3A_12 = arith.addi %scan3A_10, %scan3A_11 : i32
    %scan3A_13 = arith.constant 1 : i32
    scf.for %scan3A_15 = %scan3A_10 to %scan3A_12 step %scan3A_13  : i32 {
      %mul3A_16 = arith.constant 32 : i32
      %mul3A_17 = arith.muli %scan3A_15, %mul3A_16 : i32
      %add3A_18 = arith.addi %add3A, %mul3A_17 : i32
      %lt3A = arith.constant 156 : i32
      %lt3A_19 = arith.cmpi slt, %add3A_18, %lt3A : i32
      %convert_element_type3A = arith.extui %lt3A_19 : i1 to i32
      %cond3A = arith.constant 0 : i32
      %cond3A_20 = arith.cmpi ne, %convert_element_type3A, %cond3A : i32
      scf.if %cond3A_20 {
        %mul3A_25 = arith.constant 64 : i32
        %mul3A_26 = arith.muli %add3A_18, %mul3A_25 : i32
        "tpu.region"() ({
          %run_scoped3A = tpu.sem_alloc : memref<!tpu.dma_semaphore, #tpu.memory_space<semaphore_mem>>
          %dma_start3A = arith.constant 0 : i32
          %dma_start3A_35 = tpu.memref_slice %arg2[%mul3A_26, %dma_start3A] : memref<10000x128xf32, #tpu.memory_space<hbm>> -> memref<64x128xf32, #tpu.memory_space<hbm>>
          %dma_start3A_36 = arith.constant 0 : i32
          %dma_start3A_37 = tpu.memref_slice %arg2[%mul3A_26, %dma_start3A_36] : memref<10000x128xf32, #tpu.memory_space<hbm>> -> memref<64x128xf32, #tpu.memory_space<hbm>>
          tpu.enqueue_dma source(%dma_start3A_37 : memref<64x128xf32, #tpu.memory_space<hbm>>) target(%arg7 : memref<64x128xf32, #tpu.memory_space<vmem>>) target_semaphore(%run_scoped3A : memref<!tpu.dma_semaphore, #tpu.memory_space<semaphore_mem>>)
          %dma_wait3A = arith.constant 0 : i32
          %dma_wait3A_38 = tpu.memref_slice %arg2[%mul3A_26, %dma_wait3A] : memref<10000x128xf32, #tpu.memory_space<hbm>> -> memref<64x128xf32, #tpu.memory_space<hbm>>
          %dma_wait3A_39 = arith.constant 0 : i32
          %dma_wait3A_40 = tpu.memref_slice %arg2[%mul3A_26, %dma_wait3A_39] : memref<10000x128xf32, #tpu.memory_space<hbm>> -> memref<64x128xf32, #tpu.memory_space<hbm>>
          tpu.wait_dma2 semaphore(%run_scoped3A : memref<!tpu.dma_semaphore, #tpu.memory_space<semaphore_mem>>) src(%dma_wait3A_40 : memref<64x128xf32, #tpu.memory_space<hbm>>) dst(%arg7 : memref<64x128xf32, #tpu.memory_space<vmem>>)
          tpu.yield
        }) : () -> ()
        %mul3A_27 = arith.constant 64 : i32
        %mul3A_28 = arith.muli %add3A_18, %mul3A_27 : i32
        "tpu.region"() ({
          %run_scoped3A = tpu.sem_alloc : memref<!tpu.dma_semaphore, #tpu.memory_space<semaphore_mem>>
          %dma_start3A = arith.constant 0 : i32
          %dma_start3A_35 = tpu.memref_slice %arg8[%dma_start3A] : memref<80xi32, #tpu.memory_space<vmem>> -> memref<64xi32, #tpu.memory_space<vmem>>
          %dma_start3A_36 = tpu.memref_slice %arg3[%mul3A_28] : memref<10000xi32, #tpu.memory_space<hbm>> -> memref<64xi32, #tpu.memory_space<hbm>>
          %dma_start3A_37 = arith.constant 0 : i32
          %dma_start3A_38 = tpu.memref_slice %arg8[%dma_start3A_37] : memref<80xi32, #tpu.memory_space<vmem>> -> memref<64xi32, #tpu.memory_space<vmem>>
          %dma_start3A_39 = tpu.memref_slice %arg3[%mul3A_28] : memref<10000xi32, #tpu.memory_space<hbm>> -> memref<64xi32, #tpu.memory_space<hbm>>
          tpu.enqueue_dma source(%dma_start3A_39 : memref<64xi32, #tpu.memory_space<hbm>>) target(%dma_start3A_38 : memref<64xi32, #tpu.memory_space<vmem>>) target_semaphore(%run_scoped3A : memref<!tpu.dma_semaphore, #tpu.memory_space<semaphore_mem>>)
          %dma_wait3A = arith.constant 0 : i32
          %dma_wait3A_40 = tpu.memref_slice %arg8[%dma_wait3A] : memref<80xi32, #tpu.memory_space<vmem>> -> memref<64xi32, #tpu.memory_space<vmem>>
          %dma_wait3A_41 = tpu.memref_slice %arg3[%mul3A_28] : memref<10000xi32, #tpu.memory_space<hbm>> -> memref<64xi32, #tpu.memory_space<hbm>>
          %dma_wait3A_42 = arith.constant 0 : i32
          %dma_wait3A_43 = tpu.memref_slice %arg8[%dma_wait3A_42] : memref<80xi32, #tpu.memory_space<vmem>> -> memref<64xi32, #tpu.memory_space<vmem>>
          %dma_wait3A_44 = tpu.memref_slice %arg3[%mul3A_28] : memref<10000xi32, #tpu.memory_space<hbm>> -> memref<64xi32, #tpu.memory_space<hbm>>
          tpu.wait_dma2 semaphore(%run_scoped3A : memref<!tpu.dma_semaphore, #tpu.memory_space<semaphore_mem>>) src(%dma_wait3A_44 : memref<64xi32, #tpu.memory_space<hbm>>) dst(%dma_wait3A_43 : memref<64xi32, #tpu.memory_space<vmem>>)
          tpu.yield
        }) : () -> ()
        %scan3A_29 = arith.constant 0 : i32
        %scan3A_30 = arith.constant 0 : i32
        %scan3A_31 = arith.constant 64 : i32
        %scan3A_32 = arith.addi %scan3A_30, %scan3A_31 : i32
        %scan3A_33 = arith.constant 1 : i32
        scf.for %scan3A_35 = %scan3A_30 to %scan3A_32 step %scan3A_33  : i32 {
          %get3A = arith.index_cast %scan3A_35 : i32 to index
          %get3A_36 = tpu.vector_load %arg8[%get3A] {strides = array<i32>} : memref<80xi32, #tpu.memory_space<vmem>>, vector<16xi32>,
          %get3A_37 = vector.shape_cast %get3A_36 : vector<16xi32> to vector<16xi32>
          %slice3A = vector.extract_strided_slice %get3A_37 {offsets = [0], sizes = [1], strides = [1]} : vector<16xi32> to vector<1xi32>
          %squeeze3A = vector.extract %slice3A[0] : i32 from vector<1xi32>
          %swap3A = arith.index_cast %squeeze3A : i32 to index
          %swap3A_38 = arith.constant 0 : index
          %swap3A_39 = tpu.vector_load %arg13[%swap3A, %swap3A_38] {strides = array<i32>} : memref<64x16xf32, #tpu.memory_space<vmem>>, vector<1x16xf32>,
          %swap3A_40 = vector.shape_cast %swap3A_39 : vector<1x16xf32> to vector<16xf32>
          %swap3A_41 = vector.shape_cast %broadcast_in_dim3A_8 : vector<16xf32> to vector<1x16xf32>
          tpu.vector_store %arg13[%swap3A, %swap3A_38], %swap3A_41 {add = true, strides = array<i32>} : memref<64x16xf32, #tpu.memory_space<vmem>>, vector<1x16xf32>,
          %get3A_42 = arith.index_cast %scan3A_35 : i32 to index
          %get3A_43 = arith.constant 0 : index
          %get3A_44 = tpu.vector_load %arg7[%get3A_42, %get3A_43] {strides = array<i32>} : memref<64x128xf32, #tpu.memory_space<vmem>>, vector<1x16xf32>,
          %get3A_45 = vector.shape_cast %get3A_44 : vector<1x16xf32> to vector<16xf32>
          %swap3A_46 = arith.index_cast %squeeze3A : i32 to index
          %swap3A_47 = arith.constant 0 : index
          %swap3A_48 = tpu.vector_load %arg12[%swap3A_46, %swap3A_47] {strides = array<i32>} : memref<64x128xf32, #tpu.memory_space<vmem>>, vector<1x16xf32>,
          %swap3A_49 = vector.shape_cast %swap3A_48 : vector<1x16xf32> to vector<16xf32>
          %swap3A_50 = vector.shape_cast %get3A_45 : vector<16xf32> to vector<1x16xf32>
          tpu.vector_store %arg12[%swap3A_46, %swap3A_47], %swap3A_50 {add = true, strides = array<i32>} : memref<64x128xf32, #tpu.memory_space<vmem>>, vector<1x16xf32>,
          %get3A_51 = arith.index_cast %squeeze3A : i32 to index
          %get3A_52 = arith.constant 0 : index
          %get3A_53 = tpu.vector_load %arg11[%get3A_51, %get3A_52] {strides = array<i32>} : memref<64x128xf32, #tpu.memory_space<vmem>>, vector<1x16xf32>,
          %get3A_54 = vector.shape_cast %get3A_53 : vector<1x16xf32> to vector<16xf32>
          %max3A = arith.maximumf %get3A_54, %get3A_45 : vector<16xf32>
          %swap3A_55 = arith.index_cast %squeeze3A : i32 to index
          %swap3A_56 = arith.constant 0 : index
          %swap3A_57 = tpu.vector_load %arg11[%swap3A_55, %swap3A_56] {strides = array<i32>} : memref<64x128xf32, #tpu.memory_space<vmem>>, vector<1x16xf32>,
          %swap3A_58 = vector.shape_cast %swap3A_57 : vector<1x16xf32> to vector<16xf32>
          %swap3A_59 = vector.shape_cast %max3A : vector<16xf32> to vector<1x16xf32>
          tpu.vector_store %arg11[%swap3A_55, %swap3A_56], %swap3A_59 {strides = array<i32>} : memref<64x128xf32, #tpu.memory_space<vmem>>, vector<1x16xf32>,
          %get3A_60 = arith.index_cast %scan3A_35 : i32 to index
          %get3A_61 = arith.constant 16 : index
          %get3A_62 = tpu.vector_load %arg7[%get3A_60, %get3A_61] {strides = array<i32>} : memref<64x128xf32, #tpu.memory_space<vmem>>, vector<1x16xf32>,
          %get3A_63 = vector.shape_cast %get3A_62 : vector<1x16xf32> to vector<16xf32>
          %swap3A_64 = arith.index_cast %squeeze3A : i32 to index
          %swap3A_65 = arith.constant 16 : index
          %swap3A_66 = tpu.vector_load %arg12[%swap3A_64, %swap3A_65] {strides = array<i32>} : memref<64x128xf32, #tpu.memory_space<vmem>>, vector<1x16xf32>,
          %swap3A_67 = vector.shape_cast %swap3A_66 : vector<1x16xf32> to vector<16xf32>
          %swap3A_68 = vector.shape_cast %get3A_63 : vector<16xf32> to vector<1x16xf32>
          tpu.vector_store %arg12[%swap3A_64, %swap3A_65], %swap3A_68 {add = true, strides = array<i32>} : memref<64x128xf32, #tpu.memory_space<vmem>>, vector<1x16xf32>,
          %get3A_69 = arith.index_cast %squeeze3A : i32 to index
          %get3A_70 = arith.constant 16 : index
          %get3A_71 = tpu.vector_load %arg11[%get3A_69, %get3A_70] {strides = array<i32>} : memref<64x128xf32, #tpu.memory_space<vmem>>, vector<1x16xf32>,
          %get3A_72 = vector.shape_cast %get3A_71 : vector<1x16xf32> to vector<16xf32>
          %max3A_73 = arith.maximumf %get3A_72, %get3A_63 : vector<16xf32>
          %swap3A_74 = arith.index_cast %squeeze3A : i32 to index
          %swap3A_75 = arith.constant 16 : index
          %swap3A_76 = tpu.vector_load %arg11[%swap3A_74, %swap3A_75] {strides = array<i32>} : memref<64x128xf32, #tpu.memory_space<vmem>>, vector<1x16xf32>,
          %swap3A_77 = vector.shape_cast %swap3A_76 : vector<1x16xf32> to vector<16xf32>
          %swap3A_78 = vector.shape_cast %max3A_73 : vector<16xf32> to vector<1x16xf32>
          tpu.vector_store %arg11[%swap3A_74, %swap3A_75], %swap3A_78 {strides = array<i32>} : memref<64x128xf32, #tpu.memory_space<vmem>>, vector<1x16xf32>,
          %get3A_79 = arith.index_cast %scan3A_35 : i32 to index
          %get3A_80 = arith.constant 32 : index
          %get3A_81 = tpu.vector_load %arg7[%get3A_79, %get3A_80] {strides = array<i32>} : memref<64x128xf32, #tpu.memory_space<vmem>>, vector<1x16xf32>,
          %get3A_82 = vector.shape_cast %get3A_81 : vector<1x16xf32> to vector<16xf32>
          %swap3A_83 = arith.index_cast %squeeze3A : i32 to index
          %swap3A_84 = arith.constant 32 : index
          %swap3A_85 = tpu.vector_load %arg12[%swap3A_83, %swap3A_84] {strides = array<i32>} : memref<64x128xf32, #tpu.memory_space<vmem>>, vector<1x16xf32>,
          %swap3A_86 = vector.shape_cast %swap3A_85 : vector<1x16xf32> to vector<16xf32>
          %swap3A_87 = vector.shape_cast %get3A_82 : vector<16xf32> to vector<1x16xf32>
          tpu.vector_store %arg12[%swap3A_83, %swap3A_84], %swap3A_87 {add = true, strides = array<i32>} : memref<64x128xf32, #tpu.memory_space<vmem>>, vector<1x16xf32>,
          %get3A_88 = arith.index_cast %squeeze3A : i32 to index
          %get3A_89 = arith.constant 32 : index
          %get3A_90 = tpu.vector_load %arg11[%get3A_88, %get3A_89] {strides = array<i32>} : memref<64x128xf32, #tpu.memory_space<vmem>>, vector<1x16xf32>,
          %get3A_91 = vector.shape_cast %get3A_90 : vector<1x16xf32> to vector<16xf32>
          %max3A_92 = arith.maximumf %get3A_91, %get3A_82 : vector<16xf32>
          %swap3A_93 = arith.index_cast %squeeze3A : i32 to index
          %swap3A_94 = arith.constant 32 : index
          %swap3A_95 = tpu.vector_load %arg11[%swap3A_93, %swap3A_94] {strides = array<i32>} : memref<64x128xf32, #tpu.memory_space<vmem>>, vector<1x16xf32>,
          %swap3A_96 = vector.shape_cast %swap3A_95 : vector<1x16xf32> to vector<16xf32>
          %swap3A_97 = vector.shape_cast %max3A_92 : vector<16xf32> to vector<1x16xf32>
          tpu.vector_store %arg11[%swap3A_93, %swap3A_94], %swap3A_97 {strides = array<i32>} : memref<64x128xf32, #tpu.memory_space<vmem>>, vector<1x16xf32>,
          %get3A_98 = arith.index_cast %scan3A_35 : i32 to index
          %get3A_99 = arith.constant 48 : index
          %get3A_100 = tpu.vector_load %arg7[%get3A_98, %get3A_99] {strides = array<i32>} : memref<64x128xf32, #tpu.memory_space<vmem>>, vector<1x16xf32>,
          %get3A_101 = vector.shape_cast %get3A_100 : vector<1x16xf32> to vector<16xf32>
          %swap3A_102 = arith.index_cast %squeeze3A : i32 to index
          %swap3A_103 = arith.constant 48 : index
          %swap3A_104 = tpu.vector_load %arg12[%swap3A_102, %swap3A_103] {strides = array<i32>} : memref<64x128xf32, #tpu.memory_space<vmem>>, vector<1x16xf32>,
          %swap3A_105 = vector.shape_cast %swap3A_104 : vector<1x16xf32> to vector<16xf32>
          %swap3A_106 = vector.shape_cast %get3A_101 : vector<16xf32> to vector<1x16xf32>
          tpu.vector_store %arg12[%swap3A_102, %swap3A_103], %swap3A_106 {add = true, strides = array<i32>} : memref<64x128xf32, #tpu.memory_space<vmem>>, vector<1x16xf32>,
          %get3A_107 = arith.index_cast %squeeze3A : i32 to index
          %get3A_108 = arith.constant 48 : index
          %get3A_109 = tpu.vector_load %arg11[%get3A_107, %get3A_108] {strides = array<i32>} : memref<64x128xf32, #tpu.memory_space<vmem>>, vector<1x16xf32>,
          %get3A_110 = vector.shape_cast %get3A_109 : vector<1x16xf32> to vector<16xf32>
          %max3A_111 = arith.maximumf %get3A_110, %get3A_101 : vector<16xf32>
          %swap3A_112 = arith.index_cast %squeeze3A : i32 to index
          %swap3A_113 = arith.constant 48 : index
          %swap3A_114 = tpu.vector_load %arg11[%swap3A_112, %swap3A_113] {strides = array<i32>} : memref<64x128xf32, #tpu.memory_space<vmem>>, vector<1x16xf32>,
          %swap3A_115 = vector.shape_cast %swap3A_114 : vector<1x16xf32> to vector<16xf32>
          %swap3A_116 = vector.shape_cast %max3A_111 : vector<16xf32> to vector<1x16xf32>
          tpu.vector_store %arg11[%swap3A_112, %swap3A_113], %swap3A_116 {strides = array<i32>} : memref<64x128xf32, #tpu.memory_space<vmem>>, vector<1x16xf32>,
          %get3A_117 = arith.index_cast %scan3A_35 : i32 to index
          %get3A_118 = arith.constant 64 : index
          %get3A_119 = tpu.vector_load %arg7[%get3A_117, %get3A_118] {strides = array<i32>} : memref<64x128xf32, #tpu.memory_space<vmem>>, vector<1x16xf32>,
          %get3A_120 = vector.shape_cast %get3A_119 : vector<1x16xf32> to vector<16xf32>
          %swap3A_121 = arith.index_cast %squeeze3A : i32 to index
          %swap3A_122 = arith.constant 64 : index
          %swap3A_123 = tpu.vector_load %arg12[%swap3A_121, %swap3A_122] {strides = array<i32>} : memref<64x128xf32, #tpu.memory_space<vmem>>, vector<1x16xf32>,
          %swap3A_124 = vector.shape_cast %swap3A_123 : vector<1x16xf32> to vector<16xf32>
          %swap3A_125 = vector.shape_cast %get3A_120 : vector<16xf32> to vector<1x16xf32>
          tpu.vector_store %arg12[%swap3A_121, %swap3A_122], %swap3A_125 {add = true, strides = array<i32>} : memref<64x128xf32, #tpu.memory_space<vmem>>, vector<1x16xf32>,
          %get3A_126 = arith.index_cast %squeeze3A : i32 to index
          %get3A_127 = arith.constant 64 : index
          %get3A_128 = tpu.vector_load %arg11[%get3A_126, %get3A_127] {strides = array<i32>} : memref<64x128xf32, #tpu.memory_space<vmem>>, vector<1x16xf32>,
          %get3A_129 = vector.shape_cast %get3A_128 : vector<1x16xf32> to vector<16xf32>
          %max3A_130 = arith.maximumf %get3A_129, %get3A_120 : vector<16xf32>
          %swap3A_131 = arith.index_cast %squeeze3A : i32 to index
          %swap3A_132 = arith.constant 64 : index
          %swap3A_133 = tpu.vector_load %arg11[%swap3A_131, %swap3A_132] {strides = array<i32>} : memref<64x128xf32, #tpu.memory_space<vmem>>, vector<1x16xf32>,
          %swap3A_134 = vector.shape_cast %swap3A_133 : vector<1x16xf32> to vector<16xf32>
          %swap3A_135 = vector.shape_cast %max3A_130 : vector<16xf32> to vector<1x16xf32>
          tpu.vector_store %arg11[%swap3A_131, %swap3A_132], %swap3A_135 {strides = array<i32>} : memref<64x128xf32, #tpu.memory_space<vmem>>, vector<1x16xf32>,
          %get3A_136 = arith.index_cast %scan3A_35 : i32 to index
          %get3A_137 = arith.constant 80 : index
          %get3A_138 = tpu.vector_load %arg7[%get3A_136, %get3A_137] {strides = array<i32>} : memref<64x128xf32, #tpu.memory_space<vmem>>, vector<1x16xf32>,
          %get3A_139 = vector.shape_cast %get3A_138 : vector<1x16xf32> to vector<16xf32>
          %swap3A_140 = arith.index_cast %squeeze3A : i32 to index
          %swap3A_141 = arith.constant 80 : index
          %swap3A_142 = tpu.vector_load %arg12[%swap3A_140, %swap3A_141] {strides = array<i32>} : memref<64x128xf32, #tpu.memory_space<vmem>>, vector<1x16xf32>,
          %swap3A_143 = vector.shape_cast %swap3A_142 : vector<1x16xf32> to vector<16xf32>
          %swap3A_144 = vector.shape_cast %get3A_139 : vector<16xf32> to vector<1x16xf32>
          tpu.vector_store %arg12[%swap3A_140, %swap3A_141], %swap3A_144 {add = true, strides = array<i32>} : memref<64x128xf32, #tpu.memory_space<vmem>>, vector<1x16xf32>,
          %get3A_145 = arith.index_cast %squeeze3A : i32 to index
          %get3A_146 = arith.constant 80 : index
          %get3A_147 = tpu.vector_load %arg11[%get3A_145, %get3A_146] {strides = array<i32>} : memref<64x128xf32, #tpu.memory_space<vmem>>, vector<1x16xf32>,
          %get3A_148 = vector.shape_cast %get3A_147 : vector<1x16xf32> to vector<16xf32>
          %max3A_149 = arith.maximumf %get3A_148, %get3A_139 : vector<16xf32>
          %swap3A_150 = arith.index_cast %squeeze3A : i32 to index
          %swap3A_151 = arith.constant 80 : index
          %swap3A_152 = tpu.vector_load %arg11[%swap3A_150, %swap3A_151] {strides = array<i32>} : memref<64x128xf32, #tpu.memory_space<vmem>>, vector<1x16xf32>,
          %swap3A_153 = vector.shape_cast %swap3A_152 : vector<1x16xf32> to vector<16xf32>
          %swap3A_154 = vector.shape_cast %max3A_149 : vector<16xf32> to vector<1x16xf32>
          tpu.vector_store %arg11[%swap3A_150, %swap3A_151], %swap3A_154 {strides = array<i32>} : memref<64x128xf32, #tpu.memory_space<vmem>>, vector<1x16xf32>,
          %get3A_155 = arith.index_cast %scan3A_35 : i32 to index
          %get3A_156 = arith.constant 96 : index
          %get3A_157 = tpu.vector_load %arg7[%get3A_155, %get3A_156] {strides = array<i32>} : memref<64x128xf32, #tpu.memory_space<vmem>>, vector<1x16xf32>,
          %get3A_158 = vector.shape_cast %get3A_157 : vector<1x16xf32> to vector<16xf32>
          %swap3A_159 = arith.index_cast %squeeze3A : i32 to index
          %swap3A_160 = arith.constant 96 : index
          %swap3A_161 = tpu.vector_load %arg12[%swap3A_159, %swap3A_160] {strides = array<i32>} : memref<64x128xf32, #tpu.memory_space<vmem>>, vector<1x16xf32>,
          %swap3A_162 = vector.shape_cast %swap3A_161 : vector<1x16xf32> to vector<16xf32>
          %swap3A_163 = vector.shape_cast %get3A_158 : vector<16xf32> to vector<1x16xf32>
          tpu.vector_store %arg12[%swap3A_159, %swap3A_160], %swap3A_163 {add = true, strides = array<i32>} : memref<64x128xf32, #tpu.memory_space<vmem>>, vector<1x16xf32>,
          %get3A_164 = arith.index_cast %squeeze3A : i32 to index
          %get3A_165 = arith.constant 96 : index
          %get3A_166 = tpu.vector_load %arg11[%get3A_164, %get3A_165] {strides = array<i32>} : memref<64x128xf32, #tpu.memory_space<vmem>>, vector<1x16xf32>,
          %get3A_167 = vector.shape_cast %get3A_166 : vector<1x16xf32> to vector<16xf32>
          %max3A_168 = arith.maximumf %get3A_167, %get3A_158 : vector<16xf32>
          %swap3A_169 = arith.index_cast %squeeze3A : i32 to index
          %swap3A_170 = arith.constant 96 : index
          %swap3A_171 = tpu.vector_load %arg11[%swap3A_169, %swap3A_170] {strides = array<i32>} : memref<64x128xf32, #tpu.memory_space<vmem>>, vector<1x16xf32>,
          %swap3A_172 = vector.shape_cast %swap3A_171 : vector<1x16xf32> to vector<16xf32>
          %swap3A_173 = vector.shape_cast %max3A_168 : vector<16xf32> to vector<1x16xf32>
          tpu.vector_store %arg11[%swap3A_169, %swap3A_170], %swap3A_173 {strides = array<i32>} : memref<64x128xf32, #tpu.memory_space<vmem>>, vector<1x16xf32>,
          %get3A_174 = arith.index_cast %scan3A_35 : i32 to index
          %get3A_175 = arith.constant 112 : index
          %get3A_176 = tpu.vector_load %arg7[%get3A_174, %get3A_175] {strides = array<i32>} : memref<64x128xf32, #tpu.memory_space<vmem>>, vector<1x16xf32>,
          %get3A_177 = vector.shape_cast %get3A_176 : vector<1x16xf32> to vector<16xf32>
          %swap3A_178 = arith.index_cast %squeeze3A : i32 to index
          %swap3A_179 = arith.constant 112 : index
          %swap3A_180 = tpu.vector_load %arg12[%swap3A_178, %swap3A_179] {strides = array<i32>} : memref<64x128xf32, #tpu.memory_space<vmem>>, vector<1x16xf32>,
          %swap3A_181 = vector.shape_cast %swap3A_180 : vector<1x16xf32> to vector<16xf32>
          %swap3A_182 = vector.shape_cast %get3A_177 : vector<16xf32> to vector<1x16xf32>
          tpu.vector_store %arg12[%swap3A_178, %swap3A_179], %swap3A_182 {add = true, strides = array<i32>} : memref<64x128xf32, #tpu.memory_space<vmem>>, vector<1x16xf32>,
          %get3A_183 = arith.index_cast %squeeze3A : i32 to index
          %get3A_184 = arith.constant 112 : index
          %get3A_185 = tpu.vector_load %arg11[%get3A_183, %get3A_184] {strides = array<i32>} : memref<64x128xf32, #tpu.memory_space<vmem>>, vector<1x16xf32>,
          %get3A_186 = vector.shape_cast %get3A_185 : vector<1x16xf32> to vector<16xf32>
          %max3A_187 = arith.maximumf %get3A_186, %get3A_177 : vector<16xf32>
          %swap3A_188 = arith.index_cast %squeeze3A : i32 to index
          %swap3A_189 = arith.constant 112 : index
          %swap3A_190 = tpu.vector_load %arg11[%swap3A_188, %swap3A_189] {strides = array<i32>} : memref<64x128xf32, #tpu.memory_space<vmem>>, vector<1x16xf32>,
          %swap3A_191 = vector.shape_cast %swap3A_190 : vector<1x16xf32> to vector<16xf32>
          %swap3A_192 = vector.shape_cast %max3A_187 : vector<16xf32> to vector<1x16xf32>
          tpu.vector_store %arg11[%swap3A_188, %swap3A_189], %swap3A_192 {strides = array<i32>} : memref<64x128xf32, #tpu.memory_space<vmem>>, vector<1x16xf32>,
        }
        %scan3A_34 = arith.constant 64 : i32
      } else {
      }
      %eq3A = arith.constant 156 : i32
      %eq3A_21 = arith.cmpi eq, %add3A_18, %eq3A : i32
      %convert_element_type3A_22 = arith.extui %eq3A_21 : i1 to i32
      %cond3A_23 = arith.constant 0 : i32
      %cond3A_24 = arith.cmpi ne, %convert_element_type3A_22, %cond3A_23 : i32
      scf.if %cond3A_24 {
        "tpu.region"() ({
          %run_scoped3A = tpu.sem_alloc : memref<!tpu.dma_semaphore, #tpu.memory_space<semaphore_mem>>
          %dma_start3A = arith.constant 9984 : i32
          %dma_start3A_31 = arith.constant 0 : i32
          %dma_start3A_32 = tpu.memref_slice %arg2[%dma_start3A, %dma_start3A_31] : memref<10000x128xf32, #tpu.memory_space<hbm>> -> memref<16x128xf32, #tpu.memory_space<hbm>>
          %dma_start3A_33 = arith.constant 9984 : i32
          %dma_start3A_34 = arith.constant 0 : i32
          %dma_start3A_35 = tpu.memref_slice %arg2[%dma_start3A_33, %dma_start3A_34] : memref<10000x128xf32, #tpu.memory_space<hbm>> -> memref<16x128xf32, #tpu.memory_space<hbm>>
          tpu.enqueue_dma source(%dma_start3A_35 : memref<16x128xf32, #tpu.memory_space<hbm>>) target(%arg9 : memref<16x128xf32, #tpu.memory_space<vmem>>) target_semaphore(%run_scoped3A : memref<!tpu.dma_semaphore, #tpu.memory_space<semaphore_mem>>)
          %dma_wait3A = arith.constant 9984 : i32
          %dma_wait3A_36 = arith.constant 0 : i32
          %dma_wait3A_37 = tpu.memref_slice %arg2[%dma_wait3A, %dma_wait3A_36] : memref<10000x128xf32, #tpu.memory_space<hbm>> -> memref<16x128xf32, #tpu.memory_space<hbm>>
          %dma_wait3A_38 = arith.constant 9984 : i32
          %dma_wait3A_39 = arith.constant 0 : i32
          %dma_wait3A_40 = tpu.memref_slice %arg2[%dma_wait3A_38, %dma_wait3A_39] : memref<10000x128xf32, #tpu.memory_space<hbm>> -> memref<16x128xf32, #tpu.memory_space<hbm>>
          tpu.wait_dma2 semaphore(%run_scoped3A : memref<!tpu.dma_semaphore, #tpu.memory_space<semaphore_mem>>) src(%dma_wait3A_40 : memref<16x128xf32, #tpu.memory_space<hbm>>) dst(%arg9 : memref<16x128xf32, #tpu.memory_space<vmem>>)
          tpu.yield
        }) : () -> ()
        "tpu.region"() ({
          %run_scoped3A = tpu.sem_alloc : memref<!tpu.dma_semaphore, #tpu.memory_space<semaphore_mem>>
          %dma_start3A = arith.constant 0 : i32
          %dma_start3A_31 = tpu.memref_slice %arg10[%dma_start3A] : memref<32xi32, #tpu.memory_space<vmem>> -> memref<16xi32, #tpu.memory_space<vmem>>
          %dma_start3A_32 = arith.constant 9984 : i32
          %dma_start3A_33 = tpu.memref_slice %arg3[%dma_start3A_32] : memref<10000xi32, #tpu.memory_space<hbm>> -> memref<16xi32, #tpu.memory_space<hbm>>
          %dma_start3A_34 = arith.constant 0 : i32
          %dma_start3A_35 = tpu.memref_slice %arg10[%dma_start3A_34] : memref<32xi32, #tpu.memory_space<vmem>> -> memref<16xi32, #tpu.memory_space<vmem>>
          %dma_start3A_36 = arith.constant 9984 : i32
          %dma_start3A_37 = tpu.memref_slice %arg3[%dma_start3A_36] : memref<10000xi32, #tpu.memory_space<hbm>> -> memref<16xi32, #tpu.memory_space<hbm>>
          tpu.enqueue_dma source(%dma_start3A_37 : memref<16xi32, #tpu.memory_space<hbm>>) target(%dma_start3A_35 : memref<16xi32, #tpu.memory_space<vmem>>) target_semaphore(%run_scoped3A : memref<!tpu.dma_semaphore, #tpu.memory_space<semaphore_mem>>)
          %dma_wait3A = arith.constant 0 : i32
          %dma_wait3A_38 = tpu.memref_slice %arg10[%dma_wait3A] : memref<32xi32, #tpu.memory_space<vmem>> -> memref<16xi32, #tpu.memory_space<vmem>>
          %dma_wait3A_39 = arith.constant 9984 : i32
          %dma_wait3A_40 = tpu.memref_slice %arg3[%dma_wait3A_39] : memref<10000xi32, #tpu.memory_space<hbm>> -> memref<16xi32, #tpu.memory_space<hbm>>
          %dma_wait3A_41 = arith.constant 0 : i32
          %dma_wait3A_42 = tpu.memref_slice %arg10[%dma_wait3A_41] : memref<32xi32, #tpu.memory_space<vmem>> -> memref<16xi32, #tpu.memory_space<vmem>>
          %dma_wait3A_43 = arith.constant 9984 : i32
          %dma_wait3A_44 = tpu.memref_slice %arg3[%dma_wait3A_43] : memref<10000xi32, #tpu.memory_space<hbm>> -> memref<16xi32, #tpu.memory_space<hbm>>
          tpu.wait_dma2 semaphore(%run_scoped3A : memref<!tpu.dma_semaphore, #tpu.memory_space<semaphore_mem>>) src(%dma_wait3A_44 : memref<16xi32, #tpu.memory_space<hbm>>) dst(%dma_wait3A_42 : memref<16xi32, #tpu.memory_space<vmem>>)
          tpu.yield
        }) : () -> ()
        %scan3A_25 = arith.constant 0 : i32
        %scan3A_26 = arith.constant 0 : i32
        %scan3A_27 = arith.constant 16 : i32
        %scan3A_28 = arith.addi %scan3A_26, %scan3A_27 : i32
        %scan3A_29 = arith.constant 1 : i32
        scf.for %scan3A_31 = %scan3A_26 to %scan3A_28 step %scan3A_29  : i32 {
          %get3A = arith.index_cast %scan3A_31 : i32 to index
          %get3A_32 = tpu.vector_load %arg10[%get3A] {strides = array<i32>} : memref<32xi32, #tpu.memory_space<vmem>>, vector<16xi32>,
          %get3A_33 = vector.shape_cast %get3A_32 : vector<16xi32> to vector<16xi32>
          %slice3A = vector.extract_strided_slice %get3A_33 {offsets = [0], sizes = [1], strides = [1]} : vector<16xi32> to vector<1xi32>
          %squeeze3A = vector.extract %slice3A[0] : i32 from vector<1xi32>
          %swap3A = arith.index_cast %squeeze3A : i32 to index
          %swap3A_34 = arith.constant 0 : index
          %swap3A_35 = tpu.vector_load %arg13[%swap3A, %swap3A_34] {strides = array<i32>} : memref<64x16xf32, #tpu.memory_space<vmem>>, vector<1x16xf32>,
          %swap3A_36 = vector.shape_cast %swap3A_35 : vector<1x16xf32> to vector<16xf32>
          %swap3A_37 = vector.shape_cast %broadcast_in_dim3A_8 : vector<16xf32> to vector<1x16xf32>
          tpu.vector_store %arg13[%swap3A, %swap3A_34], %swap3A_37 {add = true, strides = array<i32>} : memref<64x16xf32, #tpu.memory_space<vmem>>, vector<1x16xf32>,
          %get3A_38 = arith.index_cast %scan3A_31 : i32 to index
          %get3A_39 = arith.constant 0 : index
          %get3A_40 = tpu.vector_load %arg9[%get3A_38, %get3A_39] {strides = array<i32>} : memref<16x128xf32, #tpu.memory_space<vmem>>, vector<1x16xf32>,
          %get3A_41 = vector.shape_cast %get3A_40 : vector<1x16xf32> to vector<16xf32>
          %swap3A_42 = arith.index_cast %squeeze3A : i32 to index
          %swap3A_43 = arith.constant 0 : index
          %swap3A_44 = tpu.vector_load %arg12[%swap3A_42, %swap3A_43] {strides = array<i32>} : memref<64x128xf32, #tpu.memory_space<vmem>>, vector<1x16xf32>,
          %swap3A_45 = vector.shape_cast %swap3A_44 : vector<1x16xf32> to vector<16xf32>
          %swap3A_46 = vector.shape_cast %get3A_41 : vector<16xf32> to vector<1x16xf32>
          tpu.vector_store %arg12[%swap3A_42, %swap3A_43], %swap3A_46 {add = true, strides = array<i32>} : memref<64x128xf32, #tpu.memory_space<vmem>>, vector<1x16xf32>,
          %get3A_47 = arith.index_cast %squeeze3A : i32 to index
          %get3A_48 = arith.constant 0 : index
          %get3A_49 = tpu.vector_load %arg11[%get3A_47, %get3A_48] {strides = array<i32>} : memref<64x128xf32, #tpu.memory_space<vmem>>, vector<1x16xf32>,
          %get3A_50 = vector.shape_cast %get3A_49 : vector<1x16xf32> to vector<16xf32>
          %max3A = arith.maximumf %get3A_50, %get3A_41 : vector<16xf32>
          %swap3A_51 = arith.index_cast %squeeze3A : i32 to index
          %swap3A_52 = arith.constant 0 : index
          %swap3A_53 = tpu.vector_load %arg11[%swap3A_51, %swap3A_52] {strides = array<i32>} : memref<64x128xf32, #tpu.memory_space<vmem>>, vector<1x16xf32>,
          %swap3A_54 = vector.shape_cast %swap3A_53 : vector<1x16xf32> to vector<16xf32>
          %swap3A_55 = vector.shape_cast %max3A : vector<16xf32> to vector<1x16xf32>
          tpu.vector_store %arg11[%swap3A_51, %swap3A_52], %swap3A_55 {strides = array<i32>} : memref<64x128xf32, #tpu.memory_space<vmem>>, vector<1x16xf32>,
          %get3A_56 = arith.index_cast %scan3A_31 : i32 to index
          %get3A_57 = arith.constant 16 : index
          %get3A_58 = tpu.vector_load %arg9[%get3A_56, %get3A_57] {strides = array<i32>} : memref<16x128xf32, #tpu.memory_space<vmem>>, vector<1x16xf32>,
          %get3A_59 = vector.shape_cast %get3A_58 : vector<1x16xf32> to vector<16xf32>
          %swap3A_60 = arith.index_cast %squeeze3A : i32 to index
          %swap3A_61 = arith.constant 16 : index
          %swap3A_62 = tpu.vector_load %arg12[%swap3A_60, %swap3A_61] {strides = array<i32>} : memref<64x128xf32, #tpu.memory_space<vmem>>, vector<1x16xf32>,
          %swap3A_63 = vector.shape_cast %swap3A_62 : vector<1x16xf32> to vector<16xf32>
          %swap3A_64 = vector.shape_cast %get3A_59 : vector<16xf32> to vector<1x16xf32>
          tpu.vector_store %arg12[%swap3A_60, %swap3A_61], %swap3A_64 {add = true, strides = array<i32>} : memref<64x128xf32, #tpu.memory_space<vmem>>, vector<1x16xf32>,
          %get3A_65 = arith.index_cast %squeeze3A : i32 to index
          %get3A_66 = arith.constant 16 : index
          %get3A_67 = tpu.vector_load %arg11[%get3A_65, %get3A_66] {strides = array<i32>} : memref<64x128xf32, #tpu.memory_space<vmem>>, vector<1x16xf32>,
          %get3A_68 = vector.shape_cast %get3A_67 : vector<1x16xf32> to vector<16xf32>
          %max3A_69 = arith.maximumf %get3A_68, %get3A_59 : vector<16xf32>
          %swap3A_70 = arith.index_cast %squeeze3A : i32 to index
          %swap3A_71 = arith.constant 16 : index
          %swap3A_72 = tpu.vector_load %arg11[%swap3A_70, %swap3A_71] {strides = array<i32>} : memref<64x128xf32, #tpu.memory_space<vmem>>, vector<1x16xf32>,
          %swap3A_73 = vector.shape_cast %swap3A_72 : vector<1x16xf32> to vector<16xf32>
          %swap3A_74 = vector.shape_cast %max3A_69 : vector<16xf32> to vector<1x16xf32>
          tpu.vector_store %arg11[%swap3A_70, %swap3A_71], %swap3A_74 {strides = array<i32>} : memref<64x128xf32, #tpu.memory_space<vmem>>, vector<1x16xf32>,
          %get3A_75 = arith.index_cast %scan3A_31 : i32 to index
          %get3A_76 = arith.constant 32 : index
          %get3A_77 = tpu.vector_load %arg9[%get3A_75, %get3A_76] {strides = array<i32>} : memref<16x128xf32, #tpu.memory_space<vmem>>, vector<1x16xf32>,
          %get3A_78 = vector.shape_cast %get3A_77 : vector<1x16xf32> to vector<16xf32>
          %swap3A_79 = arith.index_cast %squeeze3A : i32 to index
          %swap3A_80 = arith.constant 32 : index
          %swap3A_81 = tpu.vector_load %arg12[%swap3A_79, %swap3A_80] {strides = array<i32>} : memref<64x128xf32, #tpu.memory_space<vmem>>, vector<1x16xf32>,
          %swap3A_82 = vector.shape_cast %swap3A_81 : vector<1x16xf32> to vector<16xf32>
          %swap3A_83 = vector.shape_cast %get3A_78 : vector<16xf32> to vector<1x16xf32>
          tpu.vector_store %arg12[%swap3A_79, %swap3A_80], %swap3A_83 {add = true, strides = array<i32>} : memref<64x128xf32, #tpu.memory_space<vmem>>, vector<1x16xf32>,
          %get3A_84 = arith.index_cast %squeeze3A : i32 to index
          %get3A_85 = arith.constant 32 : index
          %get3A_86 = tpu.vector_load %arg11[%get3A_84, %get3A_85] {strides = array<i32>} : memref<64x128xf32, #tpu.memory_space<vmem>>, vector<1x16xf32>,
          %get3A_87 = vector.shape_cast %get3A_86 : vector<1x16xf32> to vector<16xf32>
          %max3A_88 = arith.maximumf %get3A_87, %get3A_78 : vector<16xf32>
          %swap3A_89 = arith.index_cast %squeeze3A : i32 to index
          %swap3A_90 = arith.constant 32 : index
          %swap3A_91 = tpu.vector_load %arg11[%swap3A_89, %swap3A_90] {strides = array<i32>} : memref<64x128xf32, #tpu.memory_space<vmem>>, vector<1x16xf32>,
          %swap3A_92 = vector.shape_cast %swap3A_91 : vector<1x16xf32> to vector<16xf32>
          %swap3A_93 = vector.shape_cast %max3A_88 : vector<16xf32> to vector<1x16xf32>
          tpu.vector_store %arg11[%swap3A_89, %swap3A_90], %swap3A_93 {strides = array<i32>} : memref<64x128xf32, #tpu.memory_space<vmem>>, vector<1x16xf32>,
          %get3A_94 = arith.index_cast %scan3A_31 : i32 to index
          %get3A_95 = arith.constant 48 : index
          %get3A_96 = tpu.vector_load %arg9[%get3A_94, %get3A_95] {strides = array<i32>} : memref<16x128xf32, #tpu.memory_space<vmem>>, vector<1x16xf32>,
          %get3A_97 = vector.shape_cast %get3A_96 : vector<1x16xf32> to vector<16xf32>
          %swap3A_98 = arith.index_cast %squeeze3A : i32 to index
          %swap3A_99 = arith.constant 48 : index
          %swap3A_100 = tpu.vector_load %arg12[%swap3A_98, %swap3A_99] {strides = array<i32>} : memref<64x128xf32, #tpu.memory_space<vmem>>, vector<1x16xf32>,
          %swap3A_101 = vector.shape_cast %swap3A_100 : vector<1x16xf32> to vector<16xf32>
          %swap3A_102 = vector.shape_cast %get3A_97 : vector<16xf32> to vector<1x16xf32>
          tpu.vector_store %arg12[%swap3A_98, %swap3A_99], %swap3A_102 {add = true, strides = array<i32>} : memref<64x128xf32, #tpu.memory_space<vmem>>, vector<1x16xf32>,
          %get3A_103 = arith.index_cast %squeeze3A : i32 to index
          %get3A_104 = arith.constant 48 : index
          %get3A_105 = tpu.vector_load %arg11[%get3A_103, %get3A_104] {strides = array<i32>} : memref<64x128xf32, #tpu.memory_space<vmem>>, vector<1x16xf32>,
          %get3A_106 = vector.shape_cast %get3A_105 : vector<1x16xf32> to vector<16xf32>
          %max3A_107 = arith.maximumf %get3A_106, %get3A_97 : vector<16xf32>
          %swap3A_108 = arith.index_cast %squeeze3A : i32 to index
          %swap3A_109 = arith.constant 48 : index
          %swap3A_110 = tpu.vector_load %arg11[%swap3A_108, %swap3A_109] {strides = array<i32>} : memref<64x128xf32, #tpu.memory_space<vmem>>, vector<1x16xf32>,
          %swap3A_111 = vector.shape_cast %swap3A_110 : vector<1x16xf32> to vector<16xf32>
          %swap3A_112 = vector.shape_cast %max3A_107 : vector<16xf32> to vector<1x16xf32>
          tpu.vector_store %arg11[%swap3A_108, %swap3A_109], %swap3A_112 {strides = array<i32>} : memref<64x128xf32, #tpu.memory_space<vmem>>, vector<1x16xf32>,
          %get3A_113 = arith.index_cast %scan3A_31 : i32 to index
          %get3A_114 = arith.constant 64 : index
          %get3A_115 = tpu.vector_load %arg9[%get3A_113, %get3A_114] {strides = array<i32>} : memref<16x128xf32, #tpu.memory_space<vmem>>, vector<1x16xf32>,
          %get3A_116 = vector.shape_cast %get3A_115 : vector<1x16xf32> to vector<16xf32>
          %swap3A_117 = arith.index_cast %squeeze3A : i32 to index
          %swap3A_118 = arith.constant 64 : index
          %swap3A_119 = tpu.vector_load %arg12[%swap3A_117, %swap3A_118] {strides = array<i32>} : memref<64x128xf32, #tpu.memory_space<vmem>>, vector<1x16xf32>,
          %swap3A_120 = vector.shape_cast %swap3A_119 : vector<1x16xf32> to vector<16xf32>
          %swap3A_121 = vector.shape_cast %get3A_116 : vector<16xf32> to vector<1x16xf32>
          tpu.vector_store %arg12[%swap3A_117, %swap3A_118], %swap3A_121 {add = true, strides = array<i32>} : memref<64x128xf32, #tpu.memory_space<vmem>>, vector<1x16xf32>,
          %get3A_122 = arith.index_cast %squeeze3A : i32 to index
          %get3A_123 = arith.constant 64 : index
          %get3A_124 = tpu.vector_load %arg11[%get3A_122, %get3A_123] {strides = array<i32>} : memref<64x128xf32, #tpu.memory_space<vmem>>, vector<1x16xf32>,
          %get3A_125 = vector.shape_cast %get3A_124 : vector<1x16xf32> to vector<16xf32>
          %max3A_126 = arith.maximumf %get3A_125, %get3A_116 : vector<16xf32>
          %swap3A_127 = arith.index_cast %squeeze3A : i32 to index
          %swap3A_128 = arith.constant 64 : index
          %swap3A_129 = tpu.vector_load %arg11[%swap3A_127, %swap3A_128] {strides = array<i32>} : memref<64x128xf32, #tpu.memory_space<vmem>>, vector<1x16xf32>,
          %swap3A_130 = vector.shape_cast %swap3A_129 : vector<1x16xf32> to vector<16xf32>
          %swap3A_131 = vector.shape_cast %max3A_126 : vector<16xf32> to vector<1x16xf32>
          tpu.vector_store %arg11[%swap3A_127, %swap3A_128], %swap3A_131 {strides = array<i32>} : memref<64x128xf32, #tpu.memory_space<vmem>>, vector<1x16xf32>,
          %get3A_132 = arith.index_cast %scan3A_31 : i32 to index
          %get3A_133 = arith.constant 80 : index
          %get3A_134 = tpu.vector_load %arg9[%get3A_132, %get3A_133] {strides = array<i32>} : memref<16x128xf32, #tpu.memory_space<vmem>>, vector<1x16xf32>,
          %get3A_135 = vector.shape_cast %get3A_134 : vector<1x16xf32> to vector<16xf32>
          %swap3A_136 = arith.index_cast %squeeze3A : i32 to index
          %swap3A_137 = arith.constant 80 : index
          %swap3A_138 = tpu.vector_load %arg12[%swap3A_136, %swap3A_137] {strides = array<i32>} : memref<64x128xf32, #tpu.memory_space<vmem>>, vector<1x16xf32>,
          %swap3A_139 = vector.shape_cast %swap3A_138 : vector<1x16xf32> to vector<16xf32>
          %swap3A_140 = vector.shape_cast %get3A_135 : vector<16xf32> to vector<1x16xf32>
          tpu.vector_store %arg12[%swap3A_136, %swap3A_137], %swap3A_140 {add = true, strides = array<i32>} : memref<64x128xf32, #tpu.memory_space<vmem>>, vector<1x16xf32>,
          %get3A_141 = arith.index_cast %squeeze3A : i32 to index
          %get3A_142 = arith.constant 80 : index
          %get3A_143 = tpu.vector_load %arg11[%get3A_141, %get3A_142] {strides = array<i32>} : memref<64x128xf32, #tpu.memory_space<vmem>>, vector<1x16xf32>,
          %get3A_144 = vector.shape_cast %get3A_143 : vector<1x16xf32> to vector<16xf32>
          %max3A_145 = arith.maximumf %get3A_144, %get3A_135 : vector<16xf32>
          %swap3A_146 = arith.index_cast %squeeze3A : i32 to index
          %swap3A_147 = arith.constant 80 : index
          %swap3A_148 = tpu.vector_load %arg11[%swap3A_146, %swap3A_147] {strides = array<i32>} : memref<64x128xf32, #tpu.memory_space<vmem>>, vector<1x16xf32>,
          %swap3A_149 = vector.shape_cast %swap3A_148 : vector<1x16xf32> to vector<16xf32>
          %swap3A_150 = vector.shape_cast %max3A_145 : vector<16xf32> to vector<1x16xf32>
          tpu.vector_store %arg11[%swap3A_146, %swap3A_147], %swap3A_150 {strides = array<i32>} : memref<64x128xf32, #tpu.memory_space<vmem>>, vector<1x16xf32>,
          %get3A_151 = arith.index_cast %scan3A_31 : i32 to index
          %get3A_152 = arith.constant 96 : index
          %get3A_153 = tpu.vector_load %arg9[%get3A_151, %get3A_152] {strides = array<i32>} : memref<16x128xf32, #tpu.memory_space<vmem>>, vector<1x16xf32>,
          %get3A_154 = vector.shape_cast %get3A_153 : vector<1x16xf32> to vector<16xf32>
          %swap3A_155 = arith.index_cast %squeeze3A : i32 to index
          %swap3A_156 = arith.constant 96 : index
          %swap3A_157 = tpu.vector_load %arg12[%swap3A_155, %swap3A_156] {strides = array<i32>} : memref<64x128xf32, #tpu.memory_space<vmem>>, vector<1x16xf32>,
          %swap3A_158 = vector.shape_cast %swap3A_157 : vector<1x16xf32> to vector<16xf32>
          %swap3A_159 = vector.shape_cast %get3A_154 : vector<16xf32> to vector<1x16xf32>
          tpu.vector_store %arg12[%swap3A_155, %swap3A_156], %swap3A_159 {add = true, strides = array<i32>} : memref<64x128xf32, #tpu.memory_space<vmem>>, vector<1x16xf32>,
          %get3A_160 = arith.index_cast %squeeze3A : i32 to index
          %get3A_161 = arith.constant 96 : index
          %get3A_162 = tpu.vector_load %arg11[%get3A_160, %get3A_161] {strides = array<i32>} : memref<64x128xf32, #tpu.memory_space<vmem>>, vector<1x16xf32>,
          %get3A_163 = vector.shape_cast %get3A_162 : vector<1x16xf32> to vector<16xf32>
          %max3A_164 = arith.maximumf %get3A_163, %get3A_154 : vector<16xf32>
          %swap3A_165 = arith.index_cast %squeeze3A : i32 to index
          %swap3A_166 = arith.constant 96 : index
          %swap3A_167 = tpu.vector_load %arg11[%swap3A_165, %swap3A_166] {strides = array<i32>} : memref<64x128xf32, #tpu.memory_space<vmem>>, vector<1x16xf32>,
          %swap3A_168 = vector.shape_cast %swap3A_167 : vector<1x16xf32> to vector<16xf32>
          %swap3A_169 = vector.shape_cast %max3A_164 : vector<16xf32> to vector<1x16xf32>
          tpu.vector_store %arg11[%swap3A_165, %swap3A_166], %swap3A_169 {strides = array<i32>} : memref<64x128xf32, #tpu.memory_space<vmem>>, vector<1x16xf32>,
          %get3A_170 = arith.index_cast %scan3A_31 : i32 to index
          %get3A_171 = arith.constant 112 : index
          %get3A_172 = tpu.vector_load %arg9[%get3A_170, %get3A_171] {strides = array<i32>} : memref<16x128xf32, #tpu.memory_space<vmem>>, vector<1x16xf32>,
          %get3A_173 = vector.shape_cast %get3A_172 : vector<1x16xf32> to vector<16xf32>
          %swap3A_174 = arith.index_cast %squeeze3A : i32 to index
          %swap3A_175 = arith.constant 112 : index
          %swap3A_176 = tpu.vector_load %arg12[%swap3A_174, %swap3A_175] {strides = array<i32>} : memref<64x128xf32, #tpu.memory_space<vmem>>, vector<1x16xf32>,
          %swap3A_177 = vector.shape_cast %swap3A_176 : vector<1x16xf32> to vector<16xf32>
          %swap3A_178 = vector.shape_cast %get3A_173 : vector<16xf32> to vector<1x16xf32>
          tpu.vector_store %arg12[%swap3A_174, %swap3A_175], %swap3A_178 {add = true, strides = array<i32>} : memref<64x128xf32, #tpu.memory_space<vmem>>, vector<1x16xf32>,
          %get3A_179 = arith.index_cast %squeeze3A : i32 to index
          %get3A_180 = arith.constant 112 : index
          %get3A_181 = tpu.vector_load %arg11[%get3A_179, %get3A_180] {strides = array<i32>} : memref<64x128xf32, #tpu.memory_space<vmem>>, vector<1x16xf32>,
          %get3A_182 = vector.shape_cast %get3A_181 : vector<1x16xf32> to vector<16xf32>
          %max3A_183 = arith.maximumf %get3A_182, %get3A_173 : vector<16xf32>
          %swap3A_184 = arith.index_cast %squeeze3A : i32 to index
          %swap3A_185 = arith.constant 112 : index
          %swap3A_186 = tpu.vector_load %arg11[%swap3A_184, %swap3A_185] {strides = array<i32>} : memref<64x128xf32, #tpu.memory_space<vmem>>, vector<1x16xf32>,
          %swap3A_187 = vector.shape_cast %swap3A_186 : vector<1x16xf32> to vector<16xf32>
          %swap3A_188 = vector.shape_cast %max3A_183 : vector<16xf32> to vector<1x16xf32>
          tpu.vector_store %arg11[%swap3A_184, %swap3A_185], %swap3A_188 {strides = array<i32>} : memref<64x128xf32, #tpu.memory_space<vmem>>, vector<1x16xf32>,
        }
        %scan3A_30 = arith.constant 16 : i32
      } else {
      }
    }
    %scan3A_14 = arith.constant 5 : i32
    "tpu.region"() ({
      %run_scoped3A = tpu.sem_alloc : memref<!tpu.dma_semaphore, #tpu.memory_space<semaphore_mem>>
      %dma_start3A = arith.constant 0 : i32
      %dma_start3A_15 = arith.constant 0 : i32
      %dma_start3A_16 = tpu.memref_slice %arg4[%add3A, %dma_start3A, %dma_start3A_15] : memref<32x64x128xf32, #tpu.memory_space<hbm>> -> memref<1x64x128xf32, #tpu.memory_space<hbm>>
      %dma_start3A_17 = tpu.memref_squeeze %dma_start3A_16 : memref<1x64x128xf32, #tpu.memory_space<hbm>> -> memref<64x128xf32, #tpu.memory_space<hbm>>
      %dma_start3A_18 = arith.constant 0 : i32
      %dma_start3A_19 = arith.constant 0 : i32
      %dma_start3A_20 = tpu.memref_slice %arg4[%add3A, %dma_start3A_18, %dma_start3A_19] : memref<32x64x128xf32, #tpu.memory_space<hbm>> -> memref<1x64x128xf32, #tpu.memory_space<hbm>>
      %dma_start3A_21 = tpu.memref_squeeze %dma_start3A_20 : memref<1x64x128xf32, #tpu.memory_space<hbm>> -> memref<64x128xf32, #tpu.memory_space<hbm>>
      tpu.enqueue_dma source(%arg11 : memref<64x128xf32, #tpu.memory_space<vmem>>) target(%dma_start3A_21 : memref<64x128xf32, #tpu.memory_space<hbm>>) target_semaphore(%run_scoped3A : memref<!tpu.dma_semaphore, #tpu.memory_space<semaphore_mem>>)
      %dma_wait3A = arith.constant 0 : i32
      %dma_wait3A_22 = arith.constant 0 : i32
      %dma_wait3A_23 = tpu.memref_slice %arg4[%add3A, %dma_wait3A, %dma_wait3A_22] : memref<32x64x128xf32, #tpu.memory_space<hbm>> -> memref<1x64x128xf32, #tpu.memory_space<hbm>>
      %dma_wait3A_24 = tpu.memref_squeeze %dma_wait3A_23 : memref<1x64x128xf32, #tpu.memory_space<hbm>> -> memref<64x128xf32, #tpu.memory_space<hbm>>
      %dma_wait3A_25 = arith.constant 0 : i32
      %dma_wait3A_26 = arith.constant 0 : i32
      %dma_wait3A_27 = tpu.memref_slice %arg4[%add3A, %dma_wait3A_25, %dma_wait3A_26] : memref<32x64x128xf32, #tpu.memory_space<hbm>> -> memref<1x64x128xf32, #tpu.memory_space<hbm>>
      %dma_wait3A_28 = tpu.memref_squeeze %dma_wait3A_27 : memref<1x64x128xf32, #tpu.memory_space<hbm>> -> memref<64x128xf32, #tpu.memory_space<hbm>>
      tpu.wait_dma2 semaphore(%run_scoped3A : memref<!tpu.dma_semaphore, #tpu.memory_space<semaphore_mem>>) src(%arg11 : memref<64x128xf32, #tpu.memory_space<vmem>>) dst(%dma_wait3A_28 : memref<64x128xf32, #tpu.memory_space<hbm>>)
      tpu.yield
    }) : () -> ()
    "tpu.region"() ({
      %run_scoped3A = tpu.sem_alloc : memref<!tpu.dma_semaphore, #tpu.memory_space<semaphore_mem>>
      %dma_start3A = arith.constant 0 : i32
      %dma_start3A_15 = arith.constant 0 : i32
      %dma_start3A_16 = tpu.memref_slice %arg5[%add3A, %dma_start3A, %dma_start3A_15] : memref<32x64x128xf32, #tpu.memory_space<hbm>> -> memref<1x64x128xf32, #tpu.memory_space<hbm>>
      %dma_start3A_17 = tpu.memref_squeeze %dma_start3A_16 : memref<1x64x128xf32, #tpu.memory_space<hbm>> -> memref<64x128xf32, #tpu.memory_space<hbm>>
      %dma_start3A_18 = arith.constant 0 : i32
      %dma_start3A_19 = arith.constant 0 : i32
      %dma_start3A_20 = tpu.memref_slice %arg5[%add3A, %dma_start3A_18, %dma_start3A_19] : memref<32x64x128xf32, #tpu.memory_space<hbm>> -> memref<1x64x128xf32, #tpu.memory_space<hbm>>
      %dma_start3A_21 = tpu.memref_squeeze %dma_start3A_20 : memref<1x64x128xf32, #tpu.memory_space<hbm>> -> memref<64x128xf32, #tpu.memory_space<hbm>>
      tpu.enqueue_dma source(%arg12 : memref<64x128xf32, #tpu.memory_space<vmem>>) target(%dma_start3A_21 : memref<64x128xf32, #tpu.memory_space<hbm>>) target_semaphore(%run_scoped3A : memref<!tpu.dma_semaphore, #tpu.memory_space<semaphore_mem>>)
      %dma_wait3A = arith.constant 0 : i32
      %dma_wait3A_22 = arith.constant 0 : i32
      %dma_wait3A_23 = tpu.memref_slice %arg5[%add3A, %dma_wait3A, %dma_wait3A_22] : memref<32x64x128xf32, #tpu.memory_space<hbm>> -> memref<1x64x128xf32, #tpu.memory_space<hbm>>
      %dma_wait3A_24 = tpu.memref_squeeze %dma_wait3A_23 : memref<1x64x128xf32, #tpu.memory_space<hbm>> -> memref<64x128xf32, #tpu.memory_space<hbm>>
      %dma_wait3A_25 = arith.constant 0 : i32
      %dma_wait3A_26 = arith.constant 0 : i32
      %dma_wait3A_27 = tpu.memref_slice %arg5[%add3A, %dma_wait3A_25, %dma_wait3A_26] : memref<32x64x128xf32, #tpu.memory_space<hbm>> -> memref<1x64x128xf32, #tpu.memory_space<hbm>>
      %dma_wait3A_28 = tpu.memref_squeeze %dma_wait3A_27 : memref<1x64x128xf32, #tpu.memory_space<hbm>> -> memref<64x128xf32, #tpu.memory_space<hbm>>
      tpu.wait_dma2 semaphore(%run_scoped3A : memref<!tpu.dma_semaphore, #tpu.memory_space<semaphore_mem>>) src(%arg12 : memref<64x128xf32, #tpu.memory_space<vmem>>) dst(%dma_wait3A_28 : memref<64x128xf32, #tpu.memory_space<hbm>>)
      tpu.yield
    }) : () -> ()
    "tpu.region"() ({
      %run_scoped3A = tpu.sem_alloc : memref<!tpu.dma_semaphore, #tpu.memory_space<semaphore_mem>>
      %dma_start3A = arith.constant 0 : i32
      %dma_start3A_15 = arith.constant 0 : i32
      %dma_start3A_16 = tpu.memref_slice %arg6[%add3A, %dma_start3A, %dma_start3A_15] : memref<32x64x16xf32, #tpu.memory_space<hbm>> -> memref<1x64x16xf32, #tpu.memory_space<hbm>>
      %dma_start3A_17 = tpu.memref_squeeze %dma_start3A_16 : memref<1x64x16xf32, #tpu.memory_space<hbm>> -> memref<64x16xf32, #tpu.memory_space<hbm>>
      %dma_start3A_18 = arith.constant 0 : i32
      %dma_start3A_19 = arith.constant 0 : i32
      %dma_start3A_20 = tpu.memref_slice %arg6[%add3A, %dma_start3A_18, %dma_start3A_19] : memref<32x64x16xf32, #tpu.memory_space<hbm>> -> memref<1x64x16xf32, #tpu.memory_space<hbm>>
      %dma_start3A_21 = tpu.memref_squeeze %dma_start3A_20 : memref<1x64x16xf32, #tpu.memory_space<hbm>> -> memref<64x16xf32, #tpu.memory_space<hbm>>
      tpu.enqueue_dma source(%arg13 : memref<64x16xf32, #tpu.memory_space<vmem>>) target(%dma_start3A_21 : memref<64x16xf32, #tpu.memory_space<hbm>>) target_semaphore(%run_scoped3A : memref<!tpu.dma_semaphore, #tpu.memory_space<semaphore_mem>>)
      %dma_wait3A = arith.constant 0 : i32
      %dma_wait3A_22 = arith.constant 0 : i32
      %dma_wait3A_23 = tpu.memref_slice %arg6[%add3A, %dma_wait3A, %dma_wait3A_22] : memref<32x64x16xf32, #tpu.memory_space<hbm>> -> memref<1x64x16xf32, #tpu.memory_space<hbm>>
      %dma_wait3A_24 = tpu.memref_squeeze %dma_wait3A_23 : memref<1x64x16xf32, #tpu.memory_space<hbm>> -> memref<64x16xf32, #tpu.memory_space<hbm>>
      %dma_wait3A_25 = arith.constant 0 : i32
      %dma_wait3A_26 = arith.constant 0 : i32
      %dma_wait3A_27 = tpu.memref_slice %arg6[%add3A, %dma_wait3A_25, %dma_wait3A_26] : memref<32x64x16xf32, #tpu.memory_space<hbm>> -> memref<1x64x16xf32, #tpu.memory_space<hbm>>
      %dma_wait3A_28 = tpu.memref_squeeze %dma_wait3A_27 : memref<1x64x16xf32, #tpu.memory_space<hbm>> -> memref<64x16xf32, #tpu.memory_space<hbm>>
      tpu.wait_dma2 semaphore(%run_scoped3A : memref<!tpu.dma_semaphore, #tpu.memory_space<semaphore_mem>>) src(%arg13 : memref<64x16xf32, #tpu.memory_space<vmem>>) dst(%dma_wait3A_28 : memref<64x16xf32, #tpu.memory_space<hbm>>)
      tpu.yield
    }) : () -> ()
    return
  }
}

#map = affine_map<(d0, d1) -> (0, 0)>
#map1 = affine_map<(d0, d1) -> (0)>
#map2 = affine_map<(d0, d1) -> (0, 0, 0)>
module attributes {stable_mosaic.version = 14 : i64} {
  func.func @_agg_body(%arg0: i32, %arg1: i32, %arg2: memref<10000x128xf32, #tpu.memory_space<hbm>>, %arg3: memref<320000xi32, #tpu.memory_space<hbm>>, %arg4: memref<320000xi32, #tpu.memory_space<hbm>>, %arg5: memref<2x10000x128xf32, #tpu.memory_space<hbm>>, %arg6: memref<10000x128xf32, #tpu.memory_space<vmem_shared>>, %arg7: memref<2x128xi32, #tpu.memory_space<vmem>>, %arg8: memref<2x128xi32, #tpu.memory_space<vmem>>, %arg9: memref<2x128x128xf32, #tpu.memory_space<vmem>>, %arg10: memref<16xi32, #tpu.memory_space<vmem>>, %arg11: memref<16xi32, #tpu.memory_space<vmem>>, %arg12: memref<!tpu.dma_semaphore, #tpu.memory_space<semaphore_mem>>, %arg13: memref<!tpu.dma_semaphore, #tpu.memory_space<semaphore_mem>>) attributes {dimension_semantics = [#tpu.dimension_semantics<core_parallel>, #tpu.dimension_semantics<subcore_parallel>], iteration_bounds = array<i64: 2, 16>, scalar_prefetch = 0 : i64, scratch_operands = 8 : i64, tpu.core_type = #tpu.core_type<sc_vector_subcore>, window_params = [{transform_indices = #map}, {transform_indices = #map1}, {transform_indices = #map1}, {transform_indices = #map2}]} {
    %mul3A = arith.constant 16 : i32
    %mul3A_0 = arith.muli %arg0, %mul3A : i32
    %add3A = arith.addi %mul3A_0, %arg1 : i32
    %scan3A = arith.constant 0 : i32
    %scan3A_1 = arith.constant 0 : i32
    %scan3A_2 = arith.constant 128 : i32
    %scan3A_3 = arith.addi %scan3A_1, %scan3A_2 : i32
    %scan3A_4 = arith.constant 1 : i32
    scf.for %scan3A_69 = %scan3A_1 to %scan3A_3 step %scan3A_4  : i32 {
      %broadcast_in_dim3A = arith.constant 0.000000e+00 : f32
      %broadcast_in_dim3A_70 = vector.broadcast %broadcast_in_dim3A : f32 to vector<16xf32>
      %swap3A = arith.constant 0 : i32
      %swap3A_71 = arith.index_cast %swap3A : i32 to index
      %swap3A_72 = arith.index_cast %scan3A_69 : i32 to index
      %swap3A_73 = arith.constant 0 : index
      %swap3A_74 = tpu.vector_load %arg9[%swap3A_71, %swap3A_72, %swap3A_73] {strides = array<i32>} : memref<2x128x128xf32, #tpu.memory_space<vmem>>, vector<1x1x16xf32>,
      %swap3A_75 = vector.shape_cast %swap3A_74 : vector<1x1x16xf32> to vector<16xf32>
      %swap3A_76 = vector.shape_cast %broadcast_in_dim3A_70 : vector<16xf32> to vector<1x1x16xf32>
      tpu.vector_store %arg9[%swap3A_71, %swap3A_72, %swap3A_73], %swap3A_76 {strides = array<i32>} : memref<2x128x128xf32, #tpu.memory_space<vmem>>, vector<1x1x16xf32>,
      %broadcast_in_dim3A_77 = arith.constant 0.000000e+00 : f32
      %broadcast_in_dim3A_78 = vector.broadcast %broadcast_in_dim3A_77 : f32 to vector<16xf32>
      %swap3A_79 = arith.constant 0 : i32
      %swap3A_80 = arith.index_cast %swap3A_79 : i32 to index
      %swap3A_81 = arith.index_cast %scan3A_69 : i32 to index
      %swap3A_82 = arith.constant 16 : index
      %swap3A_83 = tpu.vector_load %arg9[%swap3A_80, %swap3A_81, %swap3A_82] {strides = array<i32>} : memref<2x128x128xf32, #tpu.memory_space<vmem>>, vector<1x1x16xf32>,
      %swap3A_84 = vector.shape_cast %swap3A_83 : vector<1x1x16xf32> to vector<16xf32>
      %swap3A_85 = vector.shape_cast %broadcast_in_dim3A_78 : vector<16xf32> to vector<1x1x16xf32>
      tpu.vector_store %arg9[%swap3A_80, %swap3A_81, %swap3A_82], %swap3A_85 {strides = array<i32>} : memref<2x128x128xf32, #tpu.memory_space<vmem>>, vector<1x1x16xf32>,
      %broadcast_in_dim3A_86 = arith.constant 0.000000e+00 : f32
      %broadcast_in_dim3A_87 = vector.broadcast %broadcast_in_dim3A_86 : f32 to vector<16xf32>
      %swap3A_88 = arith.constant 0 : i32
      %swap3A_89 = arith.index_cast %swap3A_88 : i32 to index
      %swap3A_90 = arith.index_cast %scan3A_69 : i32 to index
      %swap3A_91 = arith.constant 32 : index
      %swap3A_92 = tpu.vector_load %arg9[%swap3A_89, %swap3A_90, %swap3A_91] {strides = array<i32>} : memref<2x128x128xf32, #tpu.memory_space<vmem>>, vector<1x1x16xf32>,
      %swap3A_93 = vector.shape_cast %swap3A_92 : vector<1x1x16xf32> to vector<16xf32>
      %swap3A_94 = vector.shape_cast %broadcast_in_dim3A_87 : vector<16xf32> to vector<1x1x16xf32>
      tpu.vector_store %arg9[%swap3A_89, %swap3A_90, %swap3A_91], %swap3A_94 {strides = array<i32>} : memref<2x128x128xf32, #tpu.memory_space<vmem>>, vector<1x1x16xf32>,
      %broadcast_in_dim3A_95 = arith.constant 0.000000e+00 : f32
      %broadcast_in_dim3A_96 = vector.broadcast %broadcast_in_dim3A_95 : f32 to vector<16xf32>
      %swap3A_97 = arith.constant 0 : i32
      %swap3A_98 = arith.index_cast %swap3A_97 : i32 to index
      %swap3A_99 = arith.index_cast %scan3A_69 : i32 to index
      %swap3A_100 = arith.constant 48 : index
      %swap3A_101 = tpu.vector_load %arg9[%swap3A_98, %swap3A_99, %swap3A_100] {strides = array<i32>} : memref<2x128x128xf32, #tpu.memory_space<vmem>>, vector<1x1x16xf32>,
      %swap3A_102 = vector.shape_cast %swap3A_101 : vector<1x1x16xf32> to vector<16xf32>
      %swap3A_103 = vector.shape_cast %broadcast_in_dim3A_96 : vector<16xf32> to vector<1x1x16xf32>
      tpu.vector_store %arg9[%swap3A_98, %swap3A_99, %swap3A_100], %swap3A_103 {strides = array<i32>} : memref<2x128x128xf32, #tpu.memory_space<vmem>>, vector<1x1x16xf32>,
      %broadcast_in_dim3A_104 = arith.constant 0.000000e+00 : f32
      %broadcast_in_dim3A_105 = vector.broadcast %broadcast_in_dim3A_104 : f32 to vector<16xf32>
      %swap3A_106 = arith.constant 0 : i32
      %swap3A_107 = arith.index_cast %swap3A_106 : i32 to index
      %swap3A_108 = arith.index_cast %scan3A_69 : i32 to index
      %swap3A_109 = arith.constant 64 : index
      %swap3A_110 = tpu.vector_load %arg9[%swap3A_107, %swap3A_108, %swap3A_109] {strides = array<i32>} : memref<2x128x128xf32, #tpu.memory_space<vmem>>, vector<1x1x16xf32>,
      %swap3A_111 = vector.shape_cast %swap3A_110 : vector<1x1x16xf32> to vector<16xf32>
      %swap3A_112 = vector.shape_cast %broadcast_in_dim3A_105 : vector<16xf32> to vector<1x1x16xf32>
      tpu.vector_store %arg9[%swap3A_107, %swap3A_108, %swap3A_109], %swap3A_112 {strides = array<i32>} : memref<2x128x128xf32, #tpu.memory_space<vmem>>, vector<1x1x16xf32>,
      %broadcast_in_dim3A_113 = arith.constant 0.000000e+00 : f32
      %broadcast_in_dim3A_114 = vector.broadcast %broadcast_in_dim3A_113 : f32 to vector<16xf32>
      %swap3A_115 = arith.constant 0 : i32
      %swap3A_116 = arith.index_cast %swap3A_115 : i32 to index
      %swap3A_117 = arith.index_cast %scan3A_69 : i32 to index
      %swap3A_118 = arith.constant 80 : index
      %swap3A_119 = tpu.vector_load %arg9[%swap3A_116, %swap3A_117, %swap3A_118] {strides = array<i32>} : memref<2x128x128xf32, #tpu.memory_space<vmem>>, vector<1x1x16xf32>,
      %swap3A_120 = vector.shape_cast %swap3A_119 : vector<1x1x16xf32> to vector<16xf32>
      %swap3A_121 = vector.shape_cast %broadcast_in_dim3A_114 : vector<16xf32> to vector<1x1x16xf32>
      tpu.vector_store %arg9[%swap3A_116, %swap3A_117, %swap3A_118], %swap3A_121 {strides = array<i32>} : memref<2x128x128xf32, #tpu.memory_space<vmem>>, vector<1x1x16xf32>,
      %broadcast_in_dim3A_122 = arith.constant 0.000000e+00 : f32
      %broadcast_in_dim3A_123 = vector.broadcast %broadcast_in_dim3A_122 : f32 to vector<16xf32>
      %swap3A_124 = arith.constant 0 : i32
      %swap3A_125 = arith.index_cast %swap3A_124 : i32 to index
      %swap3A_126 = arith.index_cast %scan3A_69 : i32 to index
      %swap3A_127 = arith.constant 96 : index
      %swap3A_128 = tpu.vector_load %arg9[%swap3A_125, %swap3A_126, %swap3A_127] {strides = array<i32>} : memref<2x128x128xf32, #tpu.memory_space<vmem>>, vector<1x1x16xf32>,
      %swap3A_129 = vector.shape_cast %swap3A_128 : vector<1x1x16xf32> to vector<16xf32>
      %swap3A_130 = vector.shape_cast %broadcast_in_dim3A_123 : vector<16xf32> to vector<1x1x16xf32>
      tpu.vector_store %arg9[%swap3A_125, %swap3A_126, %swap3A_127], %swap3A_130 {strides = array<i32>} : memref<2x128x128xf32, #tpu.memory_space<vmem>>, vector<1x1x16xf32>,
      %broadcast_in_dim3A_131 = arith.constant 0.000000e+00 : f32
      %broadcast_in_dim3A_132 = vector.broadcast %broadcast_in_dim3A_131 : f32 to vector<16xf32>
      %swap3A_133 = arith.constant 0 : i32
      %swap3A_134 = arith.index_cast %swap3A_133 : i32 to index
      %swap3A_135 = arith.index_cast %scan3A_69 : i32 to index
      %swap3A_136 = arith.constant 112 : index
      %swap3A_137 = tpu.vector_load %arg9[%swap3A_134, %swap3A_135, %swap3A_136] {strides = array<i32>} : memref<2x128x128xf32, #tpu.memory_space<vmem>>, vector<1x1x16xf32>,
      %swap3A_138 = vector.shape_cast %swap3A_137 : vector<1x1x16xf32> to vector<16xf32>
      %swap3A_139 = vector.shape_cast %broadcast_in_dim3A_132 : vector<16xf32> to vector<1x1x16xf32>
      tpu.vector_store %arg9[%swap3A_134, %swap3A_135, %swap3A_136], %swap3A_139 {strides = array<i32>} : memref<2x128x128xf32, #tpu.memory_space<vmem>>, vector<1x1x16xf32>,
    }
    %scan3A_5 = arith.constant 128 : i32
    %mul3A_6 = arith.constant 624 : i32
    %mul3A_7 = arith.muli %arg1, %mul3A_6 : i32
    %add3A_8 = arith.constant 0 : i32
    %add3A_9 = arith.addi %mul3A_7, %add3A_8 : i32
    %run_scoped3A = arith.constant 0 : i32
    "tpu.region"() ({
      %run_scoped3A_69 = tpu.sem_alloc : memref<!tpu.dma_semaphore, #tpu.memory_space<semaphore_mem>>
      %dma_start3A_70 = arith.constant 0 : i32
      %dma_start3A_71 = arith.constant 0 : i32
      %dma_start3A_72 = tpu.memref_slice %arg9[%run_scoped3A, %dma_start3A_70, %dma_start3A_71] : memref<2x128x128xf32, #tpu.memory_space<vmem>> -> memref<1x128x128xf32, #tpu.memory_space<vmem>>
      %dma_start3A_73 = tpu.memref_squeeze %dma_start3A_72 : memref<1x128x128xf32, #tpu.memory_space<vmem>> -> memref<128x128xf32, #tpu.memory_space<vmem>>
      %dma_start3A_74 = arith.constant 0 : i32
      %dma_start3A_75 = tpu.memref_slice %arg6[%add3A_9, %dma_start3A_74] : memref<10000x128xf32, #tpu.memory_space<vmem_shared>> -> memref<128x128xf32, #tpu.memory_space<vmem_shared>>
      %dma_start3A_76 = arith.constant 0 : i32
      %dma_start3A_77 = tpu.memref_slice %arg6[%add3A_9, %dma_start3A_76] : memref<10000x128xf32, #tpu.memory_space<vmem_shared>> -> memref<128x128xf32, #tpu.memory_space<vmem_shared>>
      %dma_start3A_78 = arith.constant 0 : i32
      %dma_start3A_79 = arith.constant 0 : i32
      %dma_start3A_80 = tpu.memref_slice %arg9[%run_scoped3A, %dma_start3A_78, %dma_start3A_79] : memref<2x128x128xf32, #tpu.memory_space<vmem>> -> memref<1x128x128xf32, #tpu.memory_space<vmem>>
      %dma_start3A_81 = tpu.memref_squeeze %dma_start3A_80 : memref<1x128x128xf32, #tpu.memory_space<vmem>> -> memref<128x128xf32, #tpu.memory_space<vmem>>
      tpu.enqueue_dma source(%dma_start3A_81 : memref<128x128xf32, #tpu.memory_space<vmem>>) target(%dma_start3A_77 : memref<128x128xf32, #tpu.memory_space<vmem_shared>>) target_semaphore(%run_scoped3A_69 : memref<!tpu.dma_semaphore, #tpu.memory_space<semaphore_mem>>)
      %dma_wait3A_82 = arith.constant 0 : i32
      %dma_wait3A_83 = arith.constant 0 : i32
      %dma_wait3A_84 = tpu.memref_slice %arg9[%run_scoped3A, %dma_wait3A_82, %dma_wait3A_83] : memref<2x128x128xf32, #tpu.memory_space<vmem>> -> memref<1x128x128xf32, #tpu.memory_space<vmem>>
      %dma_wait3A_85 = tpu.memref_squeeze %dma_wait3A_84 : memref<1x128x128xf32, #tpu.memory_space<vmem>> -> memref<128x128xf32, #tpu.memory_space<vmem>>
      %dma_wait3A_86 = arith.constant 0 : i32
      %dma_wait3A_87 = tpu.memref_slice %arg6[%add3A_9, %dma_wait3A_86] : memref<10000x128xf32, #tpu.memory_space<vmem_shared>> -> memref<128x128xf32, #tpu.memory_space<vmem_shared>>
      %dma_wait3A_88 = arith.constant 0 : i32
      %dma_wait3A_89 = tpu.memref_slice %arg6[%add3A_9, %dma_wait3A_88] : memref<10000x128xf32, #tpu.memory_space<vmem_shared>> -> memref<128x128xf32, #tpu.memory_space<vmem_shared>>
      %dma_wait3A_90 = arith.constant 0 : i32
      %dma_wait3A_91 = arith.constant 0 : i32
      %dma_wait3A_92 = tpu.memref_slice %arg9[%run_scoped3A, %dma_wait3A_90, %dma_wait3A_91] : memref<2x128x128xf32, #tpu.memory_space<vmem>> -> memref<1x128x128xf32, #tpu.memory_space<vmem>>
      %dma_wait3A_93 = tpu.memref_squeeze %dma_wait3A_92 : memref<1x128x128xf32, #tpu.memory_space<vmem>> -> memref<128x128xf32, #tpu.memory_space<vmem>>
      tpu.wait_dma2 semaphore(%run_scoped3A_69 : memref<!tpu.dma_semaphore, #tpu.memory_space<semaphore_mem>>) src(%dma_wait3A_93 : memref<128x128xf32, #tpu.memory_space<vmem>>) dst(%dma_wait3A_89 : memref<128x128xf32, #tpu.memory_space<vmem_shared>>)
      tpu.yield
    }) : () -> ()
    %mul3A_10 = arith.constant 624 : i32
    %mul3A_11 = arith.muli %arg1, %mul3A_10 : i32
    %add3A_12 = arith.constant 128 : i32
    %add3A_13 = arith.addi %mul3A_11, %add3A_12 : i32
    %run_scoped3A_14 = arith.constant 0 : i32
    "tpu.region"() ({
      %run_scoped3A_69 = tpu.sem_alloc : memref<!tpu.dma_semaphore, #tpu.memory_space<semaphore_mem>>
      %dma_start3A_70 = arith.constant 0 : i32
      %dma_start3A_71 = arith.constant 0 : i32
      %dma_start3A_72 = tpu.memref_slice %arg9[%run_scoped3A_14, %dma_start3A_70, %dma_start3A_71] : memref<2x128x128xf32, #tpu.memory_space<vmem>> -> memref<1x128x128xf32, #tpu.memory_space<vmem>>
      %dma_start3A_73 = tpu.memref_squeeze %dma_start3A_72 : memref<1x128x128xf32, #tpu.memory_space<vmem>> -> memref<128x128xf32, #tpu.memory_space<vmem>>
      %dma_start3A_74 = arith.constant 0 : i32
      %dma_start3A_75 = tpu.memref_slice %arg6[%add3A_13, %dma_start3A_74] : memref<10000x128xf32, #tpu.memory_space<vmem_shared>> -> memref<128x128xf32, #tpu.memory_space<vmem_shared>>
      %dma_start3A_76 = arith.constant 0 : i32
      %dma_start3A_77 = tpu.memref_slice %arg6[%add3A_13, %dma_start3A_76] : memref<10000x128xf32, #tpu.memory_space<vmem_shared>> -> memref<128x128xf32, #tpu.memory_space<vmem_shared>>
      %dma_start3A_78 = arith.constant 0 : i32
      %dma_start3A_79 = arith.constant 0 : i32
      %dma_start3A_80 = tpu.memref_slice %arg9[%run_scoped3A_14, %dma_start3A_78, %dma_start3A_79] : memref<2x128x128xf32, #tpu.memory_space<vmem>> -> memref<1x128x128xf32, #tpu.memory_space<vmem>>
      %dma_start3A_81 = tpu.memref_squeeze %dma_start3A_80 : memref<1x128x128xf32, #tpu.memory_space<vmem>> -> memref<128x128xf32, #tpu.memory_space<vmem>>
      tpu.enqueue_dma source(%dma_start3A_81 : memref<128x128xf32, #tpu.memory_space<vmem>>) target(%dma_start3A_77 : memref<128x128xf32, #tpu.memory_space<vmem_shared>>) target_semaphore(%run_scoped3A_69 : memref<!tpu.dma_semaphore, #tpu.memory_space<semaphore_mem>>)
      %dma_wait3A_82 = arith.constant 0 : i32
      %dma_wait3A_83 = arith.constant 0 : i32
      %dma_wait3A_84 = tpu.memref_slice %arg9[%run_scoped3A_14, %dma_wait3A_82, %dma_wait3A_83] : memref<2x128x128xf32, #tpu.memory_space<vmem>> -> memref<1x128x128xf32, #tpu.memory_space<vmem>>
      %dma_wait3A_85 = tpu.memref_squeeze %dma_wait3A_84 : memref<1x128x128xf32, #tpu.memory_space<vmem>> -> memref<128x128xf32, #tpu.memory_space<vmem>>
      %dma_wait3A_86 = arith.constant 0 : i32
      %dma_wait3A_87 = tpu.memref_slice %arg6[%add3A_13, %dma_wait3A_86] : memref<10000x128xf32, #tpu.memory_space<vmem_shared>> -> memref<128x128xf32, #tpu.memory_space<vmem_shared>>
      %dma_wait3A_88 = arith.constant 0 : i32
      %dma_wait3A_89 = tpu.memref_slice %arg6[%add3A_13, %dma_wait3A_88] : memref<10000x128xf32, #tpu.memory_space<vmem_shared>> -> memref<128x128xf32, #tpu.memory_space<vmem_shared>>
      %dma_wait3A_90 = arith.constant 0 : i32
      %dma_wait3A_91 = arith.constant 0 : i32
      %dma_wait3A_92 = tpu.memref_slice %arg9[%run_scoped3A_14, %dma_wait3A_90, %dma_wait3A_91] : memref<2x128x128xf32, #tpu.memory_space<vmem>> -> memref<1x128x128xf32, #tpu.memory_space<vmem>>
      %dma_wait3A_93 = tpu.memref_squeeze %dma_wait3A_92 : memref<1x128x128xf32, #tpu.memory_space<vmem>> -> memref<128x128xf32, #tpu.memory_space<vmem>>
      tpu.wait_dma2 semaphore(%run_scoped3A_69 : memref<!tpu.dma_semaphore, #tpu.memory_space<semaphore_mem>>) src(%dma_wait3A_93 : memref<128x128xf32, #tpu.memory_space<vmem>>) dst(%dma_wait3A_89 : memref<128x128xf32, #tpu.memory_space<vmem_shared>>)
      tpu.yield
    }) : () -> ()
    %mul3A_15 = arith.constant 624 : i32
    %mul3A_16 = arith.muli %arg1, %mul3A_15 : i32
    %add3A_17 = arith.constant 256 : i32
    %add3A_18 = arith.addi %mul3A_16, %add3A_17 : i32
    %run_scoped3A_19 = arith.constant 0 : i32
    "tpu.region"() ({
      %run_scoped3A_69 = tpu.sem_alloc : memref<!tpu.dma_semaphore, #tpu.memory_space<semaphore_mem>>
      %dma_start3A_70 = arith.constant 0 : i32
      %dma_start3A_71 = arith.constant 0 : i32
      %dma_start3A_72 = tpu.memref_slice %arg9[%run_scoped3A_19, %dma_start3A_70, %dma_start3A_71] : memref<2x128x128xf32, #tpu.memory_space<vmem>> -> memref<1x128x128xf32, #tpu.memory_space<vmem>>
      %dma_start3A_73 = tpu.memref_squeeze %dma_start3A_72 : memref<1x128x128xf32, #tpu.memory_space<vmem>> -> memref<128x128xf32, #tpu.memory_space<vmem>>
      %dma_start3A_74 = arith.constant 0 : i32
      %dma_start3A_75 = tpu.memref_slice %arg6[%add3A_18, %dma_start3A_74] : memref<10000x128xf32, #tpu.memory_space<vmem_shared>> -> memref<128x128xf32, #tpu.memory_space<vmem_shared>>
      %dma_start3A_76 = arith.constant 0 : i32
      %dma_start3A_77 = tpu.memref_slice %arg6[%add3A_18, %dma_start3A_76] : memref<10000x128xf32, #tpu.memory_space<vmem_shared>> -> memref<128x128xf32, #tpu.memory_space<vmem_shared>>
      %dma_start3A_78 = arith.constant 0 : i32
      %dma_start3A_79 = arith.constant 0 : i32
      %dma_start3A_80 = tpu.memref_slice %arg9[%run_scoped3A_19, %dma_start3A_78, %dma_start3A_79] : memref<2x128x128xf32, #tpu.memory_space<vmem>> -> memref<1x128x128xf32, #tpu.memory_space<vmem>>
      %dma_start3A_81 = tpu.memref_squeeze %dma_start3A_80 : memref<1x128x128xf32, #tpu.memory_space<vmem>> -> memref<128x128xf32, #tpu.memory_space<vmem>>
      tpu.enqueue_dma source(%dma_start3A_81 : memref<128x128xf32, #tpu.memory_space<vmem>>) target(%dma_start3A_77 : memref<128x128xf32, #tpu.memory_space<vmem_shared>>) target_semaphore(%run_scoped3A_69 : memref<!tpu.dma_semaphore, #tpu.memory_space<semaphore_mem>>)
      %dma_wait3A_82 = arith.constant 0 : i32
      %dma_wait3A_83 = arith.constant 0 : i32
      %dma_wait3A_84 = tpu.memref_slice %arg9[%run_scoped3A_19, %dma_wait3A_82, %dma_wait3A_83] : memref<2x128x128xf32, #tpu.memory_space<vmem>> -> memref<1x128x128xf32, #tpu.memory_space<vmem>>
      %dma_wait3A_85 = tpu.memref_squeeze %dma_wait3A_84 : memref<1x128x128xf32, #tpu.memory_space<vmem>> -> memref<128x128xf32, #tpu.memory_space<vmem>>
      %dma_wait3A_86 = arith.constant 0 : i32
      %dma_wait3A_87 = tpu.memref_slice %arg6[%add3A_18, %dma_wait3A_86] : memref<10000x128xf32, #tpu.memory_space<vmem_shared>> -> memref<128x128xf32, #tpu.memory_space<vmem_shared>>
      %dma_wait3A_88 = arith.constant 0 : i32
      %dma_wait3A_89 = tpu.memref_slice %arg6[%add3A_18, %dma_wait3A_88] : memref<10000x128xf32, #tpu.memory_space<vmem_shared>> -> memref<128x128xf32, #tpu.memory_space<vmem_shared>>
      %dma_wait3A_90 = arith.constant 0 : i32
      %dma_wait3A_91 = arith.constant 0 : i32
      %dma_wait3A_92 = tpu.memref_slice %arg9[%run_scoped3A_19, %dma_wait3A_90, %dma_wait3A_91] : memref<2x128x128xf32, #tpu.memory_space<vmem>> -> memref<1x128x128xf32, #tpu.memory_space<vmem>>
      %dma_wait3A_93 = tpu.memref_squeeze %dma_wait3A_92 : memref<1x128x128xf32, #tpu.memory_space<vmem>> -> memref<128x128xf32, #tpu.memory_space<vmem>>
      tpu.wait_dma2 semaphore(%run_scoped3A_69 : memref<!tpu.dma_semaphore, #tpu.memory_space<semaphore_mem>>) src(%dma_wait3A_93 : memref<128x128xf32, #tpu.memory_space<vmem>>) dst(%dma_wait3A_89 : memref<128x128xf32, #tpu.memory_space<vmem_shared>>)
      tpu.yield
    }) : () -> ()
    %mul3A_20 = arith.constant 624 : i32
    %mul3A_21 = arith.muli %arg1, %mul3A_20 : i32
    %add3A_22 = arith.constant 384 : i32
    %add3A_23 = arith.addi %mul3A_21, %add3A_22 : i32
    %run_scoped3A_24 = arith.constant 0 : i32
    "tpu.region"() ({
      %run_scoped3A_69 = tpu.sem_alloc : memref<!tpu.dma_semaphore, #tpu.memory_space<semaphore_mem>>
      %dma_start3A_70 = arith.constant 0 : i32
      %dma_start3A_71 = arith.constant 0 : i32
      %dma_start3A_72 = tpu.memref_slice %arg9[%run_scoped3A_24, %dma_start3A_70, %dma_start3A_71] : memref<2x128x128xf32, #tpu.memory_space<vmem>> -> memref<1x128x128xf32, #tpu.memory_space<vmem>>
      %dma_start3A_73 = tpu.memref_squeeze %dma_start3A_72 : memref<1x128x128xf32, #tpu.memory_space<vmem>> -> memref<128x128xf32, #tpu.memory_space<vmem>>
      %dma_start3A_74 = arith.constant 0 : i32
      %dma_start3A_75 = tpu.memref_slice %arg6[%add3A_23, %dma_start3A_74] : memref<10000x128xf32, #tpu.memory_space<vmem_shared>> -> memref<128x128xf32, #tpu.memory_space<vmem_shared>>
      %dma_start3A_76 = arith.constant 0 : i32
      %dma_start3A_77 = tpu.memref_slice %arg6[%add3A_23, %dma_start3A_76] : memref<10000x128xf32, #tpu.memory_space<vmem_shared>> -> memref<128x128xf32, #tpu.memory_space<vmem_shared>>
      %dma_start3A_78 = arith.constant 0 : i32
      %dma_start3A_79 = arith.constant 0 : i32
      %dma_start3A_80 = tpu.memref_slice %arg9[%run_scoped3A_24, %dma_start3A_78, %dma_start3A_79] : memref<2x128x128xf32, #tpu.memory_space<vmem>> -> memref<1x128x128xf32, #tpu.memory_space<vmem>>
      %dma_start3A_81 = tpu.memref_squeeze %dma_start3A_80 : memref<1x128x128xf32, #tpu.memory_space<vmem>> -> memref<128x128xf32, #tpu.memory_space<vmem>>
      tpu.enqueue_dma source(%dma_start3A_81 : memref<128x128xf32, #tpu.memory_space<vmem>>) target(%dma_start3A_77 : memref<128x128xf32, #tpu.memory_space<vmem_shared>>) target_semaphore(%run_scoped3A_69 : memref<!tpu.dma_semaphore, #tpu.memory_space<semaphore_mem>>)
      %dma_wait3A_82 = arith.constant 0 : i32
      %dma_wait3A_83 = arith.constant 0 : i32
      %dma_wait3A_84 = tpu.memref_slice %arg9[%run_scoped3A_24, %dma_wait3A_82, %dma_wait3A_83] : memref<2x128x128xf32, #tpu.memory_space<vmem>> -> memref<1x128x128xf32, #tpu.memory_space<vmem>>
      %dma_wait3A_85 = tpu.memref_squeeze %dma_wait3A_84 : memref<1x128x128xf32, #tpu.memory_space<vmem>> -> memref<128x128xf32, #tpu.memory_space<vmem>>
      %dma_wait3A_86 = arith.constant 0 : i32
      %dma_wait3A_87 = tpu.memref_slice %arg6[%add3A_23, %dma_wait3A_86] : memref<10000x128xf32, #tpu.memory_space<vmem_shared>> -> memref<128x128xf32, #tpu.memory_space<vmem_shared>>
      %dma_wait3A_88 = arith.constant 0 : i32
      %dma_wait3A_89 = tpu.memref_slice %arg6[%add3A_23, %dma_wait3A_88] : memref<10000x128xf32, #tpu.memory_space<vmem_shared>> -> memref<128x128xf32, #tpu.memory_space<vmem_shared>>
      %dma_wait3A_90 = arith.constant 0 : i32
      %dma_wait3A_91 = arith.constant 0 : i32
      %dma_wait3A_92 = tpu.memref_slice %arg9[%run_scoped3A_24, %dma_wait3A_90, %dma_wait3A_91] : memref<2x128x128xf32, #tpu.memory_space<vmem>> -> memref<1x128x128xf32, #tpu.memory_space<vmem>>
      %dma_wait3A_93 = tpu.memref_squeeze %dma_wait3A_92 : memref<1x128x128xf32, #tpu.memory_space<vmem>> -> memref<128x128xf32, #tpu.memory_space<vmem>>
      tpu.wait_dma2 semaphore(%run_scoped3A_69 : memref<!tpu.dma_semaphore, #tpu.memory_space<semaphore_mem>>) src(%dma_wait3A_93 : memref<128x128xf32, #tpu.memory_space<vmem>>) dst(%dma_wait3A_89 : memref<128x128xf32, #tpu.memory_space<vmem_shared>>)
      tpu.yield
    }) : () -> ()
    %mul3A_25 = arith.constant 624 : i32
    %mul3A_26 = arith.muli %arg1, %mul3A_25 : i32
    %add3A_27 = arith.constant 512 : i32
    %add3A_28 = arith.addi %mul3A_26, %add3A_27 : i32
    %run_scoped3A_29 = arith.constant 0 : i32
    "tpu.region"() ({
      %run_scoped3A_69 = tpu.sem_alloc : memref<!tpu.dma_semaphore, #tpu.memory_space<semaphore_mem>>
      %dma_start3A_70 = arith.constant 0 : i32
      %dma_start3A_71 = arith.constant 0 : i32
      %dma_start3A_72 = tpu.memref_slice %arg9[%run_scoped3A_29, %dma_start3A_70, %dma_start3A_71] : memref<2x128x128xf32, #tpu.memory_space<vmem>> -> memref<1x112x128xf32, #tpu.memory_space<vmem>>
      %dma_start3A_73 = tpu.memref_squeeze %dma_start3A_72 : memref<1x112x128xf32, #tpu.memory_space<vmem>> -> memref<112x128xf32, #tpu.memory_space<vmem>>
      %dma_start3A_74 = arith.constant 0 : i32
      %dma_start3A_75 = tpu.memref_slice %arg6[%add3A_28, %dma_start3A_74] : memref<10000x128xf32, #tpu.memory_space<vmem_shared>> -> memref<112x128xf32, #tpu.memory_space<vmem_shared>>
      %dma_start3A_76 = arith.constant 0 : i32
      %dma_start3A_77 = tpu.memref_slice %arg6[%add3A_28, %dma_start3A_76] : memref<10000x128xf32, #tpu.memory_space<vmem_shared>> -> memref<112x128xf32, #tpu.memory_space<vmem_shared>>
      %dma_start3A_78 = arith.constant 0 : i32
      %dma_start3A_79 = arith.constant 0 : i32
      %dma_start3A_80 = tpu.memref_slice %arg9[%run_scoped3A_29, %dma_start3A_78, %dma_start3A_79] : memref<2x128x128xf32, #tpu.memory_space<vmem>> -> memref<1x112x128xf32, #tpu.memory_space<vmem>>
      %dma_start3A_81 = tpu.memref_squeeze %dma_start3A_80 : memref<1x112x128xf32, #tpu.memory_space<vmem>> -> memref<112x128xf32, #tpu.memory_space<vmem>>
      tpu.enqueue_dma source(%dma_start3A_81 : memref<112x128xf32, #tpu.memory_space<vmem>>) target(%dma_start3A_77 : memref<112x128xf32, #tpu.memory_space<vmem_shared>>) target_semaphore(%run_scoped3A_69 : memref<!tpu.dma_semaphore, #tpu.memory_space<semaphore_mem>>)
      %dma_wait3A_82 = arith.constant 0 : i32
      %dma_wait3A_83 = arith.constant 0 : i32
      %dma_wait3A_84 = tpu.memref_slice %arg9[%run_scoped3A_29, %dma_wait3A_82, %dma_wait3A_83] : memref<2x128x128xf32, #tpu.memory_space<vmem>> -> memref<1x112x128xf32, #tpu.memory_space<vmem>>
      %dma_wait3A_85 = tpu.memref_squeeze %dma_wait3A_84 : memref<1x112x128xf32, #tpu.memory_space<vmem>> -> memref<112x128xf32, #tpu.memory_space<vmem>>
      %dma_wait3A_86 = arith.constant 0 : i32
      %dma_wait3A_87 = tpu.memref_slice %arg6[%add3A_28, %dma_wait3A_86] : memref<10000x128xf32, #tpu.memory_space<vmem_shared>> -> memref<112x128xf32, #tpu.memory_space<vmem_shared>>
      %dma_wait3A_88 = arith.constant 0 : i32
      %dma_wait3A_89 = tpu.memref_slice %arg6[%add3A_28, %dma_wait3A_88] : memref<10000x128xf32, #tpu.memory_space<vmem_shared>> -> memref<112x128xf32, #tpu.memory_space<vmem_shared>>
      %dma_wait3A_90 = arith.constant 0 : i32
      %dma_wait3A_91 = arith.constant 0 : i32
      %dma_wait3A_92 = tpu.memref_slice %arg9[%run_scoped3A_29, %dma_wait3A_90, %dma_wait3A_91] : memref<2x128x128xf32, #tpu.memory_space<vmem>> -> memref<1x112x128xf32, #tpu.memory_space<vmem>>
      %dma_wait3A_93 = tpu.memref_squeeze %dma_wait3A_92 : memref<1x112x128xf32, #tpu.memory_space<vmem>> -> memref<112x128xf32, #tpu.memory_space<vmem>>
      tpu.wait_dma2 semaphore(%run_scoped3A_69 : memref<!tpu.dma_semaphore, #tpu.memory_space<semaphore_mem>>) src(%dma_wait3A_93 : memref<112x128xf32, #tpu.memory_space<vmem>>) dst(%dma_wait3A_89 : memref<112x128xf32, #tpu.memory_space<vmem_shared>>)
      tpu.yield
    }) : () -> ()
    %eq3A = arith.constant 15 : i32
    %eq3A_30 = arith.cmpi eq, %arg1, %eq3A : i32
    %convert_element_type3A = arith.extui %eq3A_30 : i1 to i32
    %cond3A = arith.constant 0 : i32
    %cond3A_31 = arith.cmpi ne, %convert_element_type3A, %cond3A : i32
    scf.if %cond3A_31 {
      %run_scoped3A_69 = arith.constant 0 : i32
      "tpu.region"() ({
        %run_scoped3A_70 = tpu.sem_alloc : memref<!tpu.dma_semaphore, #tpu.memory_space<semaphore_mem>>
        %dma_start3A_71 = arith.constant 0 : i32
        %dma_start3A_72 = arith.constant 0 : i32
        %dma_start3A_73 = tpu.memref_slice %arg9[%run_scoped3A_69, %dma_start3A_71, %dma_start3A_72] : memref<2x128x128xf32, #tpu.memory_space<vmem>> -> memref<1x16x128xf32, #tpu.memory_space<vmem>>
        %dma_start3A_74 = tpu.memref_squeeze %dma_start3A_73 : memref<1x16x128xf32, #tpu.memory_space<vmem>> -> memref<16x128xf32, #tpu.memory_space<vmem>>
        %dma_start3A_75 = arith.constant 9984 : i32
        %dma_start3A_76 = arith.constant 0 : i32
        %dma_start3A_77 = tpu.memref_slice %arg6[%dma_start3A_75, %dma_start3A_76] : memref<10000x128xf32, #tpu.memory_space<vmem_shared>> -> memref<16x128xf32, #tpu.memory_space<vmem_shared>>
        %dma_start3A_78 = arith.constant 9984 : i32
        %dma_start3A_79 = arith.constant 0 : i32
        %dma_start3A_80 = tpu.memref_slice %arg6[%dma_start3A_78, %dma_start3A_79] : memref<10000x128xf32, #tpu.memory_space<vmem_shared>> -> memref<16x128xf32, #tpu.memory_space<vmem_shared>>
        %dma_start3A_81 = arith.constant 0 : i32
        %dma_start3A_82 = arith.constant 0 : i32
        %dma_start3A_83 = tpu.memref_slice %arg9[%run_scoped3A_69, %dma_start3A_81, %dma_start3A_82] : memref<2x128x128xf32, #tpu.memory_space<vmem>> -> memref<1x16x128xf32, #tpu.memory_space<vmem>>
        %dma_start3A_84 = tpu.memref_squeeze %dma_start3A_83 : memref<1x16x128xf32, #tpu.memory_space<vmem>> -> memref<16x128xf32, #tpu.memory_space<vmem>>
        tpu.enqueue_dma source(%dma_start3A_84 : memref<16x128xf32, #tpu.memory_space<vmem>>) target(%dma_start3A_80 : memref<16x128xf32, #tpu.memory_space<vmem_shared>>) target_semaphore(%run_scoped3A_70 : memref<!tpu.dma_semaphore, #tpu.memory_space<semaphore_mem>>)
        %dma_wait3A_85 = arith.constant 0 : i32
        %dma_wait3A_86 = arith.constant 0 : i32
        %dma_wait3A_87 = tpu.memref_slice %arg9[%run_scoped3A_69, %dma_wait3A_85, %dma_wait3A_86] : memref<2x128x128xf32, #tpu.memory_space<vmem>> -> memref<1x16x128xf32, #tpu.memory_space<vmem>>
        %dma_wait3A_88 = tpu.memref_squeeze %dma_wait3A_87 : memref<1x16x128xf32, #tpu.memory_space<vmem>> -> memref<16x128xf32, #tpu.memory_space<vmem>>
        %dma_wait3A_89 = arith.constant 9984 : i32
        %dma_wait3A_90 = arith.constant 0 : i32
        %dma_wait3A_91 = tpu.memref_slice %arg6[%dma_wait3A_89, %dma_wait3A_90] : memref<10000x128xf32, #tpu.memory_space<vmem_shared>> -> memref<16x128xf32, #tpu.memory_space<vmem_shared>>
        %dma_wait3A_92 = arith.constant 9984 : i32
        %dma_wait3A_93 = arith.constant 0 : i32
        %dma_wait3A_94 = tpu.memref_slice %arg6[%dma_wait3A_92, %dma_wait3A_93] : memref<10000x128xf32, #tpu.memory_space<vmem_shared>> -> memref<16x128xf32, #tpu.memory_space<vmem_shared>>
        %dma_wait3A_95 = arith.constant 0 : i32
        %dma_wait3A_96 = arith.constant 0 : i32
        %dma_wait3A_97 = tpu.memref_slice %arg9[%run_scoped3A_69, %dma_wait3A_95, %dma_wait3A_96] : memref<2x128x128xf32, #tpu.memory_space<vmem>> -> memref<1x16x128xf32, #tpu.memory_space<vmem>>
        %dma_wait3A_98 = tpu.memref_squeeze %dma_wait3A_97 : memref<1x16x128xf32, #tpu.memory_space<vmem>> -> memref<16x128xf32, #tpu.memory_space<vmem>>
        tpu.wait_dma2 semaphore(%run_scoped3A_70 : memref<!tpu.dma_semaphore, #tpu.memory_space<semaphore_mem>>) src(%dma_wait3A_98 : memref<16x128xf32, #tpu.memory_space<vmem>>) dst(%dma_wait3A_94 : memref<16x128xf32, #tpu.memory_space<vmem_shared>>)
        tpu.yield
      }) : () -> ()
    } else {
    }
    %barrier3A = arith.constant 0 : index
    tpu.barrier barrier_id(%barrier3A)
    %mul3A_32 = arith.constant 10000 : i32
    %mul3A_33 = arith.muli %add3A, %mul3A_32 : i32
    %scan3A_34 = arith.constant 0 : i32
    %scan3A_35 = arith.constant 0 : i32
    %scan3A_36 = arith.constant 39 : i32
    %scan3A_37 = arith.addi %scan3A_35, %scan3A_36 : i32
    %scan3A_38 = arith.constant 1 : i32
    scf.for %scan3A_69 = %scan3A_35 to %scan3A_37 step %scan3A_38  : i32 {
      %mul3A_70 = arith.constant 2 : i32
      %mul3A_71 = arith.muli %scan3A_69, %mul3A_70 : i32
      %add3A_72 = arith.constant 0 : i32
      %add3A_73 = arith.addi %mul3A_71, %add3A_72 : i32
      %mul3A_74 = arith.constant 128 : i32
      %mul3A_75 = arith.muli %add3A_73, %mul3A_74 : i32
      %add3A_76 = arith.addi %mul3A_33, %mul3A_75 : i32
      %run_scoped3A_77 = arith.constant 0 : i32
      "tpu.region"() ({
        %run_scoped3A_145 = tpu.sem_alloc : memref<!tpu.dma_semaphore, #tpu.memory_space<semaphore_mem>>
        %dma_start3A_146 = arith.constant 0 : i32
        %dma_start3A_147 = tpu.memref_slice %arg7[%run_scoped3A_77, %dma_start3A_146] : memref<2x128xi32, #tpu.memory_space<vmem>> -> memref<1x128xi32, #tpu.memory_space<vmem>>
        %dma_start3A_148 = tpu.memref_squeeze %dma_start3A_147 : memref<1x128xi32, #tpu.memory_space<vmem>> -> memref<128xi32, #tpu.memory_space<vmem>>
        %dma_start3A_149 = tpu.memref_slice %arg3[%add3A_76] : memref<320000xi32, #tpu.memory_space<hbm>> -> memref<128xi32, #tpu.memory_space<hbm>>
        %dma_start3A_150 = arith.constant 0 : i32
        %dma_start3A_151 = tpu.memref_slice %arg7[%run_scoped3A_77, %dma_start3A_150] : memref<2x128xi32, #tpu.memory_space<vmem>> -> memref<1x128xi32, #tpu.memory_space<vmem>>
        %dma_start3A_152 = tpu.memref_squeeze %dma_start3A_151 : memref<1x128xi32, #tpu.memory_space<vmem>> -> memref<128xi32, #tpu.memory_space<vmem>>
        %dma_start3A_153 = tpu.memref_slice %arg3[%add3A_76] : memref<320000xi32, #tpu.memory_space<hbm>> -> memref<128xi32, #tpu.memory_space<hbm>>
        tpu.enqueue_dma source(%dma_start3A_153 : memref<128xi32, #tpu.memory_space<hbm>>) target(%dma_start3A_152 : memref<128xi32, #tpu.memory_space<vmem>>) target_semaphore(%run_scoped3A_145 : memref<!tpu.dma_semaphore, #tpu.memory_space<semaphore_mem>>)
        %dma_wait3A_154 = arith.constant 0 : i32
        %dma_wait3A_155 = tpu.memref_slice %arg7[%run_scoped3A_77, %dma_wait3A_154] : memref<2x128xi32, #tpu.memory_space<vmem>> -> memref<1x128xi32, #tpu.memory_space<vmem>>
        %dma_wait3A_156 = tpu.memref_squeeze %dma_wait3A_155 : memref<1x128xi32, #tpu.memory_space<vmem>> -> memref<128xi32, #tpu.memory_space<vmem>>
        %dma_wait3A_157 = tpu.memref_slice %arg3[%add3A_76] : memref<320000xi32, #tpu.memory_space<hbm>> -> memref<128xi32, #tpu.memory_space<hbm>>
        %dma_wait3A_158 = arith.constant 0 : i32
        %dma_wait3A_159 = tpu.memref_slice %arg7[%run_scoped3A_77, %dma_wait3A_158] : memref<2x128xi32, #tpu.memory_space<vmem>> -> memref<1x128xi32, #tpu.memory_space<vmem>>
        %dma_wait3A_160 = tpu.memref_squeeze %dma_wait3A_159 : memref<1x128xi32, #tpu.memory_space<vmem>> -> memref<128xi32, #tpu.memory_space<vmem>>
        %dma_wait3A_161 = tpu.memref_slice %arg3[%add3A_76] : memref<320000xi32, #tpu.memory_space<hbm>> -> memref<128xi32, #tpu.memory_space<hbm>>
        tpu.wait_dma2 semaphore(%run_scoped3A_145 : memref<!tpu.dma_semaphore, #tpu.memory_space<semaphore_mem>>) src(%dma_wait3A_161 : memref<128xi32, #tpu.memory_space<hbm>>) dst(%dma_wait3A_160 : memref<128xi32, #tpu.memory_space<vmem>>)
        tpu.yield
      }) : () -> ()
      %run_scoped3A_78 = arith.constant 0 : i32
      "tpu.region"() ({
        %run_scoped3A_145 = tpu.sem_alloc : memref<!tpu.dma_semaphore, #tpu.memory_space<semaphore_mem>>
        %dma_start3A_146 = arith.constant 0 : i32
        %dma_start3A_147 = tpu.memref_slice %arg8[%run_scoped3A_78, %dma_start3A_146] : memref<2x128xi32, #tpu.memory_space<vmem>> -> memref<1x128xi32, #tpu.memory_space<vmem>>
        %dma_start3A_148 = tpu.memref_squeeze %dma_start3A_147 : memref<1x128xi32, #tpu.memory_space<vmem>> -> memref<128xi32, #tpu.memory_space<vmem>>
        %dma_start3A_149 = tpu.memref_slice %arg4[%add3A_76] : memref<320000xi32, #tpu.memory_space<hbm>> -> memref<128xi32, #tpu.memory_space<hbm>>
        %dma_start3A_150 = arith.constant 0 : i32
        %dma_start3A_151 = tpu.memref_slice %arg8[%run_scoped3A_78, %dma_start3A_150] : memref<2x128xi32, #tpu.memory_space<vmem>> -> memref<1x128xi32, #tpu.memory_space<vmem>>
        %dma_start3A_152 = tpu.memref_squeeze %dma_start3A_151 : memref<1x128xi32, #tpu.memory_space<vmem>> -> memref<128xi32, #tpu.memory_space<vmem>>
        %dma_start3A_153 = tpu.memref_slice %arg4[%add3A_76] : memref<320000xi32, #tpu.memory_space<hbm>> -> memref<128xi32, #tpu.memory_space<hbm>>
        tpu.enqueue_dma source(%dma_start3A_153 : memref<128xi32, #tpu.memory_space<hbm>>) target(%dma_start3A_152 : memref<128xi32, #tpu.memory_space<vmem>>) target_semaphore(%run_scoped3A_145 : memref<!tpu.dma_semaphore, #tpu.memory_space<semaphore_mem>>)
        %dma_wait3A_154 = arith.constant 0 : i32
        %dma_wait3A_155 = tpu.memref_slice %arg8[%run_scoped3A_78, %dma_wait3A_154] : memref<2x128xi32, #tpu.memory_space<vmem>> -> memref<1x128xi32, #tpu.memory_space<vmem>>
        %dma_wait3A_156 = tpu.memref_squeeze %dma_wait3A_155 : memref<1x128xi32, #tpu.memory_space<vmem>> -> memref<128xi32, #tpu.memory_space<vmem>>
        %dma_wait3A_157 = tpu.memref_slice %arg4[%add3A_76] : memref<320000xi32, #tpu.memory_space<hbm>> -> memref<128xi32, #tpu.memory_space<hbm>>
        %dma_wait3A_158 = arith.constant 0 : i32
        %dma_wait3A_159 = tpu.memref_slice %arg8[%run_scoped3A_78, %dma_wait3A_158] : memref<2x128xi32, #tpu.memory_space<vmem>> -> memref<1x128xi32, #tpu.memory_space<vmem>>
        %dma_wait3A_160 = tpu.memref_squeeze %dma_wait3A_159 : memref<1x128xi32, #tpu.memory_space<vmem>> -> memref<128xi32, #tpu.memory_space<vmem>>
        %dma_wait3A_161 = tpu.memref_slice %arg4[%add3A_76] : memref<320000xi32, #tpu.memory_space<hbm>> -> memref<128xi32, #tpu.memory_space<hbm>>
        tpu.wait_dma2 semaphore(%run_scoped3A_145 : memref<!tpu.dma_semaphore, #tpu.memory_space<semaphore_mem>>) src(%dma_wait3A_161 : memref<128xi32, #tpu.memory_space<hbm>>) dst(%dma_wait3A_160 : memref<128xi32, #tpu.memory_space<vmem>>)
        tpu.yield
      }) : () -> ()
      %dma_start3A_79 = arith.constant 0 : i32
      %dma_start3A_80 = arith.constant 0 : i32
      %dma_start3A_81 = arith.constant 0 : i32
      %dma_start3A_82 = arith.constant 0 : i32
      %dma_start3A_83 = tpu.memref_slice %arg9[%dma_start3A_80, %dma_start3A_81, %dma_start3A_82] : memref<2x128x128xf32, #tpu.memory_space<vmem>> -> memref<1x128x128xf32, #tpu.memory_space<vmem>>
      %dma_start3A_84 = tpu.memref_squeeze %dma_start3A_83 : memref<1x128x128xf32, #tpu.memory_space<vmem>> -> memref<128x128xf32, #tpu.memory_space<vmem>>
      %dma_start3A_85 = arith.constant 0 : i32
      %dma_start3A_86 = tpu.memref_slice %arg7[%dma_start3A_79, %dma_start3A_85] : memref<2x128xi32, #tpu.memory_space<vmem>> -> memref<1x128xi32, #tpu.memory_space<vmem>>
      %dma_start3A_87 = tpu.memref_squeeze %dma_start3A_86 : memref<1x128xi32, #tpu.memory_space<vmem>> -> memref<128xi32, #tpu.memory_space<vmem>>
      %dma_start3A_88 = arith.constant 0 : i32
      %dma_start3A_89 = arith.constant 0 : i32
      %dma_start3A_90 = tpu.memref_slice %arg2[%dma_start3A_88, %dma_start3A_89] : memref<10000x128xf32, #tpu.memory_space<hbm>> -> memref<10000x128xf32, #tpu.memory_space<hbm>>
      tpu.enqueue_indirect_dma source(%dma_start3A_90 : memref<10000x128xf32, #tpu.memory_space<hbm>>) target(%dma_start3A_84 : memref<128x128xf32, #tpu.memory_space<vmem>>) offsets(%dma_start3A_87 : memref<128xi32, #tpu.memory_space<vmem>>) semaphore(%arg12 : memref<!tpu.dma_semaphore, #tpu.memory_space<semaphore_mem>>)
      %ge3A = arith.constant 1 : i32
      %ge3A_91 = arith.cmpi sge, %add3A_73, %ge3A : i32
      %convert_element_type3A_92 = arith.extui %ge3A_91 : i1 to i32
      %cond3A_93 = arith.constant 0 : i32
      %cond3A_94 = arith.cmpi ne, %convert_element_type3A_92, %cond3A_93 : i32
      scf.if %cond3A_94 {
        %run_scoped3A_145 = arith.constant 1 : i32
        %run_scoped3A_146 = arith.constant 1 : i32
        "tpu.region"() ({
          %run_scoped3A_147 = tpu.sem_alloc : memref<!tpu.dma_semaphore, #tpu.memory_space<semaphore_mem>>
          %dma_start3A_148 = arith.constant 0 : i32
          %dma_start3A_149 = arith.constant 0 : i32
          %dma_start3A_150 = tpu.memref_slice %arg9[%run_scoped3A_145, %dma_start3A_148, %dma_start3A_149] : memref<2x128x128xf32, #tpu.memory_space<vmem>> -> memref<1x128x128xf32, #tpu.memory_space<vmem>>
          %dma_start3A_151 = tpu.memref_squeeze %dma_start3A_150 : memref<1x128x128xf32, #tpu.memory_space<vmem>> -> memref<128x128xf32, #tpu.memory_space<vmem>>
          %dma_start3A_152 = arith.constant 0 : i32
          %dma_start3A_153 = tpu.memref_slice %arg8[%run_scoped3A_146, %dma_start3A_152] : memref<2x128xi32, #tpu.memory_space<vmem>> -> memref<1x128xi32, #tpu.memory_space<vmem>>
          %dma_start3A_154 = tpu.memref_squeeze %dma_start3A_153 : memref<1x128xi32, #tpu.memory_space<vmem>> -> memref<128xi32, #tpu.memory_space<vmem>>
          %dma_start3A_155 = arith.constant 0 : i32
          %dma_start3A_156 = arith.constant 0 : i32
          %dma_start3A_157 = tpu.memref_slice %arg6[%dma_start3A_155, %dma_start3A_156] : memref<10000x128xf32, #tpu.memory_space<vmem_shared>> -> memref<10000x128xf32, #tpu.memory_space<vmem_shared>>
          tpu.enqueue_indirect_dma source(%dma_start3A_151 : memref<128x128xf32, #tpu.memory_space<vmem>>) target(%dma_start3A_157 : memref<10000x128xf32, #tpu.memory_space<vmem_shared>>) offsets(%dma_start3A_154 : memref<128xi32, #tpu.memory_space<vmem>>) semaphore(%run_scoped3A_147 : memref<!tpu.dma_semaphore, #tpu.memory_space<semaphore_mem>>) {add = true}
          %dma_wait3A_158 = arith.constant 0 : i32
          %dma_wait3A_159 = arith.constant 0 : i32
          %dma_wait3A_160 = tpu.memref_slice %arg9[%run_scoped3A_145, %dma_wait3A_158, %dma_wait3A_159] : memref<2x128x128xf32, #tpu.memory_space<vmem>> -> memref<1x128x128xf32, #tpu.memory_space<vmem>>
          %dma_wait3A_161 = tpu.memref_squeeze %dma_wait3A_160 : memref<1x128x128xf32, #tpu.memory_space<vmem>> -> memref<128x128xf32, #tpu.memory_space<vmem>>
          %dma_wait3A_162 = arith.constant 0 : i32
          %dma_wait3A_163 = tpu.memref_slice %arg8[%run_scoped3A_146, %dma_wait3A_162] : memref<2x128xi32, #tpu.memory_space<vmem>> -> memref<1x128xi32, #tpu.memory_space<vmem>>
          %dma_wait3A_164 = tpu.memref_squeeze %dma_wait3A_163 : memref<1x128xi32, #tpu.memory_space<vmem>> -> memref<128xi32, #tpu.memory_space<vmem>>
          %dma_wait3A_165 = arith.constant 0 : i32
          %dma_wait3A_166 = arith.constant 0 : i32
          %dma_wait3A_167 = tpu.memref_slice %arg6[%dma_wait3A_165, %dma_wait3A_166] : memref<10000x128xf32, #tpu.memory_space<vmem_shared>> -> memref<10000x128xf32, #tpu.memory_space<vmem_shared>>
          tpu.wait_indirect_dma semaphore(%run_scoped3A_147 : memref<!tpu.dma_semaphore, #tpu.memory_space<semaphore_mem>>) src(%dma_wait3A_161 : memref<128x128xf32, #tpu.memory_space<vmem>>) dst(%dma_wait3A_167 : memref<10000x128xf32, #tpu.memory_space<vmem_shared>>)
          tpu.yield
        }) : () -> ()
      } else {
      }
      %dma_wait3A_95 = arith.constant 0 : i32
      %dma_wait3A_96 = arith.constant 0 : i32
      %dma_wait3A_97 = arith.constant 0 : i32
      %dma_wait3A_98 = arith.constant 0 : i32
      %dma_wait3A_99 = tpu.memref_slice %arg9[%dma_wait3A_96, %dma_wait3A_97, %dma_wait3A_98] : memref<2x128x128xf32, #tpu.memory_space<vmem>> -> memref<1x128x128xf32, #tpu.memory_space<vmem>>
      %dma_wait3A_100 = tpu.memref_squeeze %dma_wait3A_99 : memref<1x128x128xf32, #tpu.memory_space<vmem>> -> memref<128x128xf32, #tpu.memory_space<vmem>>
      %dma_wait3A_101 = arith.constant 0 : i32
      %dma_wait3A_102 = tpu.memref_slice %arg7[%dma_wait3A_95, %dma_wait3A_101] : memref<2x128xi32, #tpu.memory_space<vmem>> -> memref<1x128xi32, #tpu.memory_space<vmem>>
      %dma_wait3A_103 = tpu.memref_squeeze %dma_wait3A_102 : memref<1x128xi32, #tpu.memory_space<vmem>> -> memref<128xi32, #tpu.memory_space<vmem>>
      %dma_wait3A_104 = arith.constant 0 : i32
      %dma_wait3A_105 = arith.constant 0 : i32
      %dma_wait3A_106 = tpu.memref_slice %arg2[%dma_wait3A_104, %dma_wait3A_105] : memref<10000x128xf32, #tpu.memory_space<hbm>> -> memref<10000x128xf32, #tpu.memory_space<hbm>>
      tpu.wait_indirect_dma semaphore(%arg12 : memref<!tpu.dma_semaphore, #tpu.memory_space<semaphore_mem>>) src(%dma_wait3A_106 : memref<10000x128xf32, #tpu.memory_space<hbm>>) dst(%dma_wait3A_100 : memref<128x128xf32, #tpu.memory_space<vmem>>)
      %mul3A_107 = arith.constant 2 : i32
      %mul3A_108 = arith.muli %scan3A_69, %mul3A_107 : i32
      %add3A_109 = arith.constant 1 : i32
      %add3A_110 = arith.addi %mul3A_108, %add3A_109 : i32
      %mul3A_111 = arith.constant 128 : i32
      %mul3A_112 = arith.muli %add3A_110, %mul3A_111 : i32
      %add3A_113 = arith.addi %mul3A_33, %mul3A_112 : i32
      %run_scoped3A_114 = arith.constant 1 : i32
      "tpu.region"() ({
        %run_scoped3A_145 = tpu.sem_alloc : memref<!tpu.dma_semaphore, #tpu.memory_space<semaphore_mem>>
        %dma_start3A_146 = arith.constant 0 : i32
        %dma_start3A_147 = tpu.memref_slice %arg7[%run_scoped3A_114, %dma_start3A_146] : memref<2x128xi32, #tpu.memory_space<vmem>> -> memref<1x128xi32, #tpu.memory_space<vmem>>
        %dma_start3A_148 = tpu.memref_squeeze %dma_start3A_147 : memref<1x128xi32, #tpu.memory_space<vmem>> -> memref<128xi32, #tpu.memory_space<vmem>>
        %dma_start3A_149 = tpu.memref_slice %arg3[%add3A_113] : memref<320000xi32, #tpu.memory_space<hbm>> -> memref<128xi32, #tpu.memory_space<hbm>>
        %dma_start3A_150 = arith.constant 0 : i32
        %dma_start3A_151 = tpu.memref_slice %arg7[%run_scoped3A_114, %dma_start3A_150] : memref<2x128xi32, #tpu.memory_space<vmem>> -> memref<1x128xi32, #tpu.memory_space<vmem>>
        %dma_start3A_152 = tpu.memref_squeeze %dma_start3A_151 : memref<1x128xi32, #tpu.memory_space<vmem>> -> memref<128xi32, #tpu.memory_space<vmem>>
        %dma_start3A_153 = tpu.memref_slice %arg3[%add3A_113] : memref<320000xi32, #tpu.memory_space<hbm>> -> memref<128xi32, #tpu.memory_space<hbm>>
        tpu.enqueue_dma source(%dma_start3A_153 : memref<128xi32, #tpu.memory_space<hbm>>) target(%dma_start3A_152 : memref<128xi32, #tpu.memory_space<vmem>>) target_semaphore(%run_scoped3A_145 : memref<!tpu.dma_semaphore, #tpu.memory_space<semaphore_mem>>)
        %dma_wait3A_154 = arith.constant 0 : i32
        %dma_wait3A_155 = tpu.memref_slice %arg7[%run_scoped3A_114, %dma_wait3A_154] : memref<2x128xi32, #tpu.memory_space<vmem>> -> memref<1x128xi32, #tpu.memory_space<vmem>>
        %dma_wait3A_156 = tpu.memref_squeeze %dma_wait3A_155 : memref<1x128xi32, #tpu.memory_space<vmem>> -> memref<128xi32, #tpu.memory_space<vmem>>
        %dma_wait3A_157 = tpu.memref_slice %arg3[%add3A_113] : memref<320000xi32, #tpu.memory_space<hbm>> -> memref<128xi32, #tpu.memory_space<hbm>>
        %dma_wait3A_158 = arith.constant 0 : i32
        %dma_wait3A_159 = tpu.memref_slice %arg7[%run_scoped3A_114, %dma_wait3A_158] : memref<2x128xi32, #tpu.memory_space<vmem>> -> memref<1x128xi32, #tpu.memory_space<vmem>>
        %dma_wait3A_160 = tpu.memref_squeeze %dma_wait3A_159 : memref<1x128xi32, #tpu.memory_space<vmem>> -> memref<128xi32, #tpu.memory_space<vmem>>
        %dma_wait3A_161 = tpu.memref_slice %arg3[%add3A_113] : memref<320000xi32, #tpu.memory_space<hbm>> -> memref<128xi32, #tpu.memory_space<hbm>>
        tpu.wait_dma2 semaphore(%run_scoped3A_145 : memref<!tpu.dma_semaphore, #tpu.memory_space<semaphore_mem>>) src(%dma_wait3A_161 : memref<128xi32, #tpu.memory_space<hbm>>) dst(%dma_wait3A_160 : memref<128xi32, #tpu.memory_space<vmem>>)
        tpu.yield
      }) : () -> ()
      %run_scoped3A_115 = arith.constant 1 : i32
      "tpu.region"() ({
        %run_scoped3A_145 = tpu.sem_alloc : memref<!tpu.dma_semaphore, #tpu.memory_space<semaphore_mem>>
        %dma_start3A_146 = arith.constant 0 : i32
        %dma_start3A_147 = tpu.memref_slice %arg8[%run_scoped3A_115, %dma_start3A_146] : memref<2x128xi32, #tpu.memory_space<vmem>> -> memref<1x128xi32, #tpu.memory_space<vmem>>
        %dma_start3A_148 = tpu.memref_squeeze %dma_start3A_147 : memref<1x128xi32, #tpu.memory_space<vmem>> -> memref<128xi32, #tpu.memory_space<vmem>>
        %dma_start3A_149 = tpu.memref_slice %arg4[%add3A_113] : memref<320000xi32, #tpu.memory_space<hbm>> -> memref<128xi32, #tpu.memory_space<hbm>>
        %dma_start3A_150 = arith.constant 0 : i32
        %dma_start3A_151 = tpu.memref_slice %arg8[%run_scoped3A_115, %dma_start3A_150] : memref<2x128xi32, #tpu.memory_space<vmem>> -> memref<1x128xi32, #tpu.memory_space<vmem>>
        %dma_start3A_152 = tpu.memref_squeeze %dma_start3A_151 : memref<1x128xi32, #tpu.memory_space<vmem>> -> memref<128xi32, #tpu.memory_space<vmem>>
        %dma_start3A_153 = tpu.memref_slice %arg4[%add3A_113] : memref<320000xi32, #tpu.memory_space<hbm>> -> memref<128xi32, #tpu.memory_space<hbm>>
        tpu.enqueue_dma source(%dma_start3A_153 : memref<128xi32, #tpu.memory_space<hbm>>) target(%dma_start3A_152 : memref<128xi32, #tpu.memory_space<vmem>>) target_semaphore(%run_scoped3A_145 : memref<!tpu.dma_semaphore, #tpu.memory_space<semaphore_mem>>)
        %dma_wait3A_154 = arith.constant 0 : i32
        %dma_wait3A_155 = tpu.memref_slice %arg8[%run_scoped3A_115, %dma_wait3A_154] : memref<2x128xi32, #tpu.memory_space<vmem>> -> memref<1x128xi32, #tpu.memory_space<vmem>>
        %dma_wait3A_156 = tpu.memref_squeeze %dma_wait3A_155 : memref<1x128xi32, #tpu.memory_space<vmem>> -> memref<128xi32, #tpu.memory_space<vmem>>
        %dma_wait3A_157 = tpu.memref_slice %arg4[%add3A_113] : memref<320000xi32, #tpu.memory_space<hbm>> -> memref<128xi32, #tpu.memory_space<hbm>>
        %dma_wait3A_158 = arith.constant 0 : i32
        %dma_wait3A_159 = tpu.memref_slice %arg8[%run_scoped3A_115, %dma_wait3A_158] : memref<2x128xi32, #tpu.memory_space<vmem>> -> memref<1x128xi32, #tpu.memory_space<vmem>>
        %dma_wait3A_160 = tpu.memref_squeeze %dma_wait3A_159 : memref<1x128xi32, #tpu.memory_space<vmem>> -> memref<128xi32, #tpu.memory_space<vmem>>
        %dma_wait3A_161 = tpu.memref_slice %arg4[%add3A_113] : memref<320000xi32, #tpu.memory_space<hbm>> -> memref<128xi32, #tpu.memory_space<hbm>>
        tpu.wait_dma2 semaphore(%run_scoped3A_145 : memref<!tpu.dma_semaphore, #tpu.memory_space<semaphore_mem>>) src(%dma_wait3A_161 : memref<128xi32, #tpu.memory_space<hbm>>) dst(%dma_wait3A_160 : memref<128xi32, #tpu.memory_space<vmem>>)
        tpu.yield
      }) : () -> ()
      %dma_start3A_116 = arith.constant 1 : i32
      %dma_start3A_117 = arith.constant 1 : i32
      %dma_start3A_118 = arith.constant 0 : i32
      %dma_start3A_119 = arith.constant 0 : i32
      %dma_start3A_120 = tpu.memref_slice %arg9[%dma_start3A_117, %dma_start3A_118, %dma_start3A_119] : memref<2x128x128xf32, #tpu.memory_space<vmem>> -> memref<1x128x128xf32, #tpu.memory_space<vmem>>
      %dma_start3A_121 = tpu.memref_squeeze %dma_start3A_120 : memref<1x128x128xf32, #tpu.memory_space<vmem>> -> memref<128x128xf32, #tpu.memory_space<vmem>>
      %dma_start3A_122 = arith.constant 0 : i32
      %dma_start3A_123 = tpu.memref_slice %arg7[%dma_start3A_116, %dma_start3A_122] : memref<2x128xi32, #tpu.memory_space<vmem>> -> memref<1x128xi32, #tpu.memory_space<vmem>>
      %dma_start3A_124 = tpu.memref_squeeze %dma_start3A_123 : memref<1x128xi32, #tpu.memory_space<vmem>> -> memref<128xi32, #tpu.memory_space<vmem>>
      %dma_start3A_125 = arith.constant 0 : i32
      %dma_start3A_126 = arith.constant 0 : i32
      %dma_start3A_127 = tpu.memref_slice %arg2[%dma_start3A_125, %dma_start3A_126] : memref<10000x128xf32, #tpu.memory_space<hbm>> -> memref<10000x128xf32, #tpu.memory_space<hbm>>
      tpu.enqueue_indirect_dma source(%dma_start3A_127 : memref<10000x128xf32, #tpu.memory_space<hbm>>) target(%dma_start3A_121 : memref<128x128xf32, #tpu.memory_space<vmem>>) offsets(%dma_start3A_124 : memref<128xi32, #tpu.memory_space<vmem>>) semaphore(%arg12 : memref<!tpu.dma_semaphore, #tpu.memory_space<semaphore_mem>>)
      %ge3A_128 = arith.constant 1 : i32
      %ge3A_129 = arith.cmpi sge, %add3A_110, %ge3A_128 : i32
      %convert_element_type3A_130 = arith.extui %ge3A_129 : i1 to i32
      %cond3A_131 = arith.constant 0 : i32
      %cond3A_132 = arith.cmpi ne, %convert_element_type3A_130, %cond3A_131 : i32
      scf.if %cond3A_132 {
        %run_scoped3A_145 = arith.constant 0 : i32
        %run_scoped3A_146 = arith.constant 0 : i32
        "tpu.region"() ({
          %run_scoped3A_147 = tpu.sem_alloc : memref<!tpu.dma_semaphore, #tpu.memory_space<semaphore_mem>>
          %dma_start3A_148 = arith.constant 0 : i32
          %dma_start3A_149 = arith.constant 0 : i32
          %dma_start3A_150 = tpu.memref_slice %arg9[%run_scoped3A_145, %dma_start3A_148, %dma_start3A_149] : memref<2x128x128xf32, #tpu.memory_space<vmem>> -> memref<1x128x128xf32, #tpu.memory_space<vmem>>
          %dma_start3A_151 = tpu.memref_squeeze %dma_start3A_150 : memref<1x128x128xf32, #tpu.memory_space<vmem>> -> memref<128x128xf32, #tpu.memory_space<vmem>>
          %dma_start3A_152 = arith.constant 0 : i32
          %dma_start3A_153 = tpu.memref_slice %arg8[%run_scoped3A_146, %dma_start3A_152] : memref<2x128xi32, #tpu.memory_space<vmem>> -> memref<1x128xi32, #tpu.memory_space<vmem>>
          %dma_start3A_154 = tpu.memref_squeeze %dma_start3A_153 : memref<1x128xi32, #tpu.memory_space<vmem>> -> memref<128xi32, #tpu.memory_space<vmem>>
          %dma_start3A_155 = arith.constant 0 : i32
          %dma_start3A_156 = arith.constant 0 : i32
          %dma_start3A_157 = tpu.memref_slice %arg6[%dma_start3A_155, %dma_start3A_156] : memref<10000x128xf32, #tpu.memory_space<vmem_shared>> -> memref<10000x128xf32, #tpu.memory_space<vmem_shared>>
          tpu.enqueue_indirect_dma source(%dma_start3A_151 : memref<128x128xf32, #tpu.memory_space<vmem>>) target(%dma_start3A_157 : memref<10000x128xf32, #tpu.memory_space<vmem_shared>>) offsets(%dma_start3A_154 : memref<128xi32, #tpu.memory_space<vmem>>) semaphore(%run_scoped3A_147 : memref<!tpu.dma_semaphore, #tpu.memory_space<semaphore_mem>>) {add = true}
          %dma_wait3A_158 = arith.constant 0 : i32
          %dma_wait3A_159 = arith.constant 0 : i32
          %dma_wait3A_160 = tpu.memref_slice %arg9[%run_scoped3A_145, %dma_wait3A_158, %dma_wait3A_159] : memref<2x128x128xf32, #tpu.memory_space<vmem>> -> memref<1x128x128xf32, #tpu.memory_space<vmem>>
          %dma_wait3A_161 = tpu.memref_squeeze %dma_wait3A_160 : memref<1x128x128xf32, #tpu.memory_space<vmem>> -> memref<128x128xf32, #tpu.memory_space<vmem>>
          %dma_wait3A_162 = arith.constant 0 : i32
          %dma_wait3A_163 = tpu.memref_slice %arg8[%run_scoped3A_146, %dma_wait3A_162] : memref<2x128xi32, #tpu.memory_space<vmem>> -> memref<1x128xi32, #tpu.memory_space<vmem>>
          %dma_wait3A_164 = tpu.memref_squeeze %dma_wait3A_163 : memref<1x128xi32, #tpu.memory_space<vmem>> -> memref<128xi32, #tpu.memory_space<vmem>>
          %dma_wait3A_165 = arith.constant 0 : i32
          %dma_wait3A_166 = arith.constant 0 : i32
          %dma_wait3A_167 = tpu.memref_slice %arg6[%dma_wait3A_165, %dma_wait3A_166] : memref<10000x128xf32, #tpu.memory_space<vmem_shared>> -> memref<10000x128xf32, #tpu.memory_space<vmem_shared>>
          tpu.wait_indirect_dma semaphore(%run_scoped3A_147 : memref<!tpu.dma_semaphore, #tpu.memory_space<semaphore_mem>>) src(%dma_wait3A_161 : memref<128x128xf32, #tpu.memory_space<vmem>>) dst(%dma_wait3A_167 : memref<10000x128xf32, #tpu.memory_space<vmem_shared>>)
          tpu.yield
        }) : () -> ()
      } else {
      }
      %dma_wait3A_133 = arith.constant 1 : i32
      %dma_wait3A_134 = arith.constant 1 : i32
      %dma_wait3A_135 = arith.constant 0 : i32
      %dma_wait3A_136 = arith.constant 0 : i32
      %dma_wait3A_137 = tpu.memref_slice %arg9[%dma_wait3A_134, %dma_wait3A_135, %dma_wait3A_136] : memref<2x128x128xf32, #tpu.memory_space<vmem>> -> memref<1x128x128xf32, #tpu.memory_space<vmem>>
      %dma_wait3A_138 = tpu.memref_squeeze %dma_wait3A_137 : memref<1x128x128xf32, #tpu.memory_space<vmem>> -> memref<128x128xf32, #tpu.memory_space<vmem>>
      %dma_wait3A_139 = arith.constant 0 : i32
      %dma_wait3A_140 = tpu.memref_slice %arg7[%dma_wait3A_133, %dma_wait3A_139] : memref<2x128xi32, #tpu.memory_space<vmem>> -> memref<1x128xi32, #tpu.memory_space<vmem>>
      %dma_wait3A_141 = tpu.memref_squeeze %dma_wait3A_140 : memref<1x128xi32, #tpu.memory_space<vmem>> -> memref<128xi32, #tpu.memory_space<vmem>>
      %dma_wait3A_142 = arith.constant 0 : i32
      %dma_wait3A_143 = arith.constant 0 : i32
      %dma_wait3A_144 = tpu.memref_slice %arg2[%dma_wait3A_142, %dma_wait3A_143] : memref<10000x128xf32, #tpu.memory_space<hbm>> -> memref<10000x128xf32, #tpu.memory_space<hbm>>
      tpu.wait_indirect_dma semaphore(%arg12 : memref<!tpu.dma_semaphore, #tpu.memory_space<semaphore_mem>>) src(%dma_wait3A_144 : memref<10000x128xf32, #tpu.memory_space<hbm>>) dst(%dma_wait3A_138 : memref<128x128xf32, #tpu.memory_space<vmem>>)
    }
    %scan3A_39 = arith.constant 39 : i32
    %run_scoped3A_40 = arith.constant 1 : i32
    %run_scoped3A_41 = arith.constant 1 : i32
    "tpu.region"() ({
      %run_scoped3A_69 = tpu.sem_alloc : memref<!tpu.dma_semaphore, #tpu.memory_space<semaphore_mem>>
      %dma_start3A_70 = arith.constant 0 : i32
      %dma_start3A_71 = arith.constant 0 : i32
      %dma_start3A_72 = tpu.memref_slice %arg9[%run_scoped3A_40, %dma_start3A_70, %dma_start3A_71] : memref<2x128x128xf32, #tpu.memory_space<vmem>> -> memref<1x128x128xf32, #tpu.memory_space<vmem>>
      %dma_start3A_73 = tpu.memref_squeeze %dma_start3A_72 : memref<1x128x128xf32, #tpu.memory_space<vmem>> -> memref<128x128xf32, #tpu.memory_space<vmem>>
      %dma_start3A_74 = arith.constant 0 : i32
      %dma_start3A_75 = tpu.memref_slice %arg8[%run_scoped3A_41, %dma_start3A_74] : memref<2x128xi32, #tpu.memory_space<vmem>> -> memref<1x128xi32, #tpu.memory_space<vmem>>
      %dma_start3A_76 = tpu.memref_squeeze %dma_start3A_75 : memref<1x128xi32, #tpu.memory_space<vmem>> -> memref<128xi32, #tpu.memory_space<vmem>>
      %dma_start3A_77 = arith.constant 0 : i32
      %dma_start3A_78 = arith.constant 0 : i32
      %dma_start3A_79 = tpu.memref_slice %arg6[%dma_start3A_77, %dma_start3A_78] : memref<10000x128xf32, #tpu.memory_space<vmem_shared>> -> memref<10000x128xf32, #tpu.memory_space<vmem_shared>>
      tpu.enqueue_indirect_dma source(%dma_start3A_73 : memref<128x128xf32, #tpu.memory_space<vmem>>) target(%dma_start3A_79 : memref<10000x128xf32, #tpu.memory_space<vmem_shared>>) offsets(%dma_start3A_76 : memref<128xi32, #tpu.memory_space<vmem>>) semaphore(%run_scoped3A_69 : memref<!tpu.dma_semaphore, #tpu.memory_space<semaphore_mem>>) {add = true}
      %dma_wait3A_80 = arith.constant 0 : i32
      %dma_wait3A_81 = arith.constant 0 : i32
      %dma_wait3A_82 = tpu.memref_slice %arg9[%run_scoped3A_40, %dma_wait3A_80, %dma_wait3A_81] : memref<2x128x128xf32, #tpu.memory_space<vmem>> -> memref<1x128x128xf32, #tpu.memory_space<vmem>>
      %dma_wait3A_83 = tpu.memref_squeeze %dma_wait3A_82 : memref<1x128x128xf32, #tpu.memory_space<vmem>> -> memref<128x128xf32, #tpu.memory_space<vmem>>
      %dma_wait3A_84 = arith.constant 0 : i32
      %dma_wait3A_85 = tpu.memref_slice %arg8[%run_scoped3A_41, %dma_wait3A_84] : memref<2x128xi32, #tpu.memory_space<vmem>> -> memref<1x128xi32, #tpu.memory_space<vmem>>
      %dma_wait3A_86 = tpu.memref_squeeze %dma_wait3A_85 : memref<1x128xi32, #tpu.memory_space<vmem>> -> memref<128xi32, #tpu.memory_space<vmem>>
      %dma_wait3A_87 = arith.constant 0 : i32
      %dma_wait3A_88 = arith.constant 0 : i32
      %dma_wait3A_89 = tpu.memref_slice %arg6[%dma_wait3A_87, %dma_wait3A_88] : memref<10000x128xf32, #tpu.memory_space<vmem_shared>> -> memref<10000x128xf32, #tpu.memory_space<vmem_shared>>
      tpu.wait_indirect_dma semaphore(%run_scoped3A_69 : memref<!tpu.dma_semaphore, #tpu.memory_space<semaphore_mem>>) src(%dma_wait3A_83 : memref<128x128xf32, #tpu.memory_space<vmem>>) dst(%dma_wait3A_89 : memref<10000x128xf32, #tpu.memory_space<vmem_shared>>)
      tpu.yield
    }) : () -> ()
    %add3A_42 = arith.constant 9984 : i32
    %add3A_43 = arith.addi %mul3A_33, %add3A_42 : i32
    "tpu.region"() ({
      %run_scoped3A_69 = tpu.sem_alloc : memref<!tpu.dma_semaphore, #tpu.memory_space<semaphore_mem>>
      %dma_start3A_70 = tpu.memref_slice %arg3[%add3A_43] : memref<320000xi32, #tpu.memory_space<hbm>> -> memref<16xi32, #tpu.memory_space<hbm>>
      %dma_start3A_71 = tpu.memref_slice %arg3[%add3A_43] : memref<320000xi32, #tpu.memory_space<hbm>> -> memref<16xi32, #tpu.memory_space<hbm>>
      tpu.enqueue_dma source(%dma_start3A_71 : memref<16xi32, #tpu.memory_space<hbm>>) target(%arg10 : memref<16xi32, #tpu.memory_space<vmem>>) target_semaphore(%run_scoped3A_69 : memref<!tpu.dma_semaphore, #tpu.memory_space<semaphore_mem>>)
      %dma_wait3A_72 = tpu.memref_slice %arg3[%add3A_43] : memref<320000xi32, #tpu.memory_space<hbm>> -> memref<16xi32, #tpu.memory_space<hbm>>
      %dma_wait3A_73 = tpu.memref_slice %arg3[%add3A_43] : memref<320000xi32, #tpu.memory_space<hbm>> -> memref<16xi32, #tpu.memory_space<hbm>>
      tpu.wait_dma2 semaphore(%run_scoped3A_69 : memref<!tpu.dma_semaphore, #tpu.memory_space<semaphore_mem>>) src(%dma_wait3A_73 : memref<16xi32, #tpu.memory_space<hbm>>) dst(%arg10 : memref<16xi32, #tpu.memory_space<vmem>>)
      tpu.yield
    }) : () -> ()
    "tpu.region"() ({
      %run_scoped3A_69 = tpu.sem_alloc : memref<!tpu.dma_semaphore, #tpu.memory_space<semaphore_mem>>
      %dma_start3A_70 = tpu.memref_slice %arg4[%add3A_43] : memref<320000xi32, #tpu.memory_space<hbm>> -> memref<16xi32, #tpu.memory_space<hbm>>
      %dma_start3A_71 = tpu.memref_slice %arg4[%add3A_43] : memref<320000xi32, #tpu.memory_space<hbm>> -> memref<16xi32, #tpu.memory_space<hbm>>
      tpu.enqueue_dma source(%dma_start3A_71 : memref<16xi32, #tpu.memory_space<hbm>>) target(%arg11 : memref<16xi32, #tpu.memory_space<vmem>>) target_semaphore(%run_scoped3A_69 : memref<!tpu.dma_semaphore, #tpu.memory_space<semaphore_mem>>)
      %dma_wait3A_72 = tpu.memref_slice %arg4[%add3A_43] : memref<320000xi32, #tpu.memory_space<hbm>> -> memref<16xi32, #tpu.memory_space<hbm>>
      %dma_wait3A_73 = tpu.memref_slice %arg4[%add3A_43] : memref<320000xi32, #tpu.memory_space<hbm>> -> memref<16xi32, #tpu.memory_space<hbm>>
      tpu.wait_dma2 semaphore(%run_scoped3A_69 : memref<!tpu.dma_semaphore, #tpu.memory_space<semaphore_mem>>) src(%dma_wait3A_73 : memref<16xi32, #tpu.memory_space<hbm>>) dst(%arg11 : memref<16xi32, #tpu.memory_space<vmem>>)
      tpu.yield
    }) : () -> ()
    %dma_start3A = arith.constant 0 : i32
    %dma_start3A_44 = arith.constant 0 : i32
    %dma_start3A_45 = arith.constant 0 : i32
    %dma_start3A_46 = tpu.memref_slice %arg9[%dma_start3A, %dma_start3A_44, %dma_start3A_45] : memref<2x128x128xf32, #tpu.memory_space<vmem>> -> memref<1x16x128xf32, #tpu.memory_space<vmem>>
    %dma_start3A_47 = tpu.memref_squeeze %dma_start3A_46 : memref<1x16x128xf32, #tpu.memory_space<vmem>> -> memref<16x128xf32, #tpu.memory_space<vmem>>
    %dma_start3A_48 = arith.constant 0 : i32
    %dma_start3A_49 = arith.constant 0 : i32
    %dma_start3A_50 = tpu.memref_slice %arg2[%dma_start3A_48, %dma_start3A_49] : memref<10000x128xf32, #tpu.memory_space<hbm>> -> memref<10000x128xf32, #tpu.memory_space<hbm>>
    tpu.enqueue_indirect_dma source(%dma_start3A_50 : memref<10000x128xf32, #tpu.memory_space<hbm>>) target(%dma_start3A_47 : memref<16x128xf32, #tpu.memory_space<vmem>>) offsets(%arg10 : memref<16xi32, #tpu.memory_space<vmem>>) semaphore(%arg13 : memref<!tpu.dma_semaphore, #tpu.memory_space<semaphore_mem>>)
    %dma_wait3A = arith.constant 0 : i32
    %dma_wait3A_51 = arith.constant 0 : i32
    %dma_wait3A_52 = arith.constant 0 : i32
    %dma_wait3A_53 = tpu.memref_slice %arg9[%dma_wait3A, %dma_wait3A_51, %dma_wait3A_52] : memref<2x128x128xf32, #tpu.memory_space<vmem>> -> memref<1x16x128xf32, #tpu.memory_space<vmem>>
    %dma_wait3A_54 = tpu.memref_squeeze %dma_wait3A_53 : memref<1x16x128xf32, #tpu.memory_space<vmem>> -> memref<16x128xf32, #tpu.memory_space<vmem>>
    %dma_wait3A_55 = arith.constant 0 : i32
    %dma_wait3A_56 = arith.constant 0 : i32
    %dma_wait3A_57 = tpu.memref_slice %arg2[%dma_wait3A_55, %dma_wait3A_56] : memref<10000x128xf32, #tpu.memory_space<hbm>> -> memref<10000x128xf32, #tpu.memory_space<hbm>>
    tpu.wait_indirect_dma semaphore(%arg13 : memref<!tpu.dma_semaphore, #tpu.memory_space<semaphore_mem>>) src(%dma_wait3A_57 : memref<10000x128xf32, #tpu.memory_space<hbm>>) dst(%dma_wait3A_54 : memref<16x128xf32, #tpu.memory_space<vmem>>)
    %run_scoped3A_58 = arith.constant 0 : i32
    "tpu.region"() ({
      %run_scoped3A_69 = tpu.sem_alloc : memref<!tpu.dma_semaphore, #tpu.memory_space<semaphore_mem>>
      %dma_start3A_70 = arith.constant 0 : i32
      %dma_start3A_71 = arith.constant 0 : i32
      %dma_start3A_72 = tpu.memref_slice %arg9[%run_scoped3A_58, %dma_start3A_70, %dma_start3A_71] : memref<2x128x128xf32, #tpu.memory_space<vmem>> -> memref<1x16x128xf32, #tpu.memory_space<vmem>>
      %dma_start3A_73 = tpu.memref_squeeze %dma_start3A_72 : memref<1x16x128xf32, #tpu.memory_space<vmem>> -> memref<16x128xf32, #tpu.memory_space<vmem>>
      %dma_start3A_74 = arith.constant 0 : i32
      %dma_start3A_75 = arith.constant 0 : i32
      %dma_start3A_76 = tpu.memref_slice %arg6[%dma_start3A_74, %dma_start3A_75] : memref<10000x128xf32, #tpu.memory_space<vmem_shared>> -> memref<10000x128xf32, #tpu.memory_space<vmem_shared>>
      tpu.enqueue_indirect_dma source(%dma_start3A_73 : memref<16x128xf32, #tpu.memory_space<vmem>>) target(%dma_start3A_76 : memref<10000x128xf32, #tpu.memory_space<vmem_shared>>) offsets(%arg11 : memref<16xi32, #tpu.memory_space<vmem>>) semaphore(%run_scoped3A_69 : memref<!tpu.dma_semaphore, #tpu.memory_space<semaphore_mem>>) {add = true}
      %dma_wait3A_77 = arith.constant 0 : i32
      %dma_wait3A_78 = arith.constant 0 : i32
      %dma_wait3A_79 = tpu.memref_slice %arg9[%run_scoped3A_58, %dma_wait3A_77, %dma_wait3A_78] : memref<2x128x128xf32, #tpu.memory_space<vmem>> -> memref<1x16x128xf32, #tpu.memory_space<vmem>>
      %dma_wait3A_80 = tpu.memref_squeeze %dma_wait3A_79 : memref<1x16x128xf32, #tpu.memory_space<vmem>> -> memref<16x128xf32, #tpu.memory_space<vmem>>
      %dma_wait3A_81 = arith.constant 0 : i32
      %dma_wait3A_82 = arith.constant 0 : i32
      %dma_wait3A_83 = tpu.memref_slice %arg6[%dma_wait3A_81, %dma_wait3A_82] : memref<10000x128xf32, #tpu.memory_space<vmem_shared>> -> memref<10000x128xf32, #tpu.memory_space<vmem_shared>>
      tpu.wait_indirect_dma semaphore(%run_scoped3A_69 : memref<!tpu.dma_semaphore, #tpu.memory_space<semaphore_mem>>) src(%dma_wait3A_80 : memref<16x128xf32, #tpu.memory_space<vmem>>) dst(%dma_wait3A_83 : memref<10000x128xf32, #tpu.memory_space<vmem_shared>>)
      tpu.yield
    }) : () -> ()
    %barrier3A_59 = arith.constant 0 : index
    tpu.barrier barrier_id(%barrier3A_59)
    %mul3A_60 = arith.constant 624 : i32
    %mul3A_61 = arith.muli %arg1, %mul3A_60 : i32
    %mul3A_62 = arith.constant 624 : i32
    %mul3A_63 = arith.muli %arg1, %mul3A_62 : i32
    "tpu.region"() ({
      %run_scoped3A_69 = tpu.sem_alloc : memref<!tpu.dma_semaphore, #tpu.memory_space<semaphore_mem>>
      %dma_start3A_70 = arith.constant 0 : i32
      %dma_start3A_71 = tpu.memref_slice %arg5[%arg0, %mul3A_63, %dma_start3A_70] : memref<2x10000x128xf32, #tpu.memory_space<hbm>> -> memref<1x624x128xf32, #tpu.memory_space<hbm>>
      %dma_start3A_72 = tpu.memref_squeeze %dma_start3A_71 : memref<1x624x128xf32, #tpu.memory_space<hbm>> -> memref<624x128xf32, #tpu.memory_space<hbm>>
      %dma_start3A_73 = arith.constant 0 : i32
      %dma_start3A_74 = tpu.memref_slice %arg6[%mul3A_61, %dma_start3A_73] : memref<10000x128xf32, #tpu.memory_space<vmem_shared>> -> memref<624x128xf32, #tpu.memory_space<vmem_shared>>
      tpu.enqueue_dma source(%dma_start3A_74 : memref<624x128xf32, #tpu.memory_space<vmem_shared>>) target(%dma_start3A_72 : memref<624x128xf32, #tpu.memory_space<hbm>>) target_semaphore(%run_scoped3A_69 : memref<!tpu.dma_semaphore, #tpu.memory_space<semaphore_mem>>)
      %dma_wait3A_75 = arith.constant 0 : i32
      %dma_wait3A_76 = tpu.memref_slice %arg5[%arg0, %mul3A_63, %dma_wait3A_75] : memref<2x10000x128xf32, #tpu.memory_space<hbm>> -> memref<1x624x128xf32, #tpu.memory_space<hbm>>
      %dma_wait3A_77 = tpu.memref_squeeze %dma_wait3A_76 : memref<1x624x128xf32, #tpu.memory_space<hbm>> -> memref<624x128xf32, #tpu.memory_space<hbm>>
      %dma_wait3A_78 = arith.constant 0 : i32
      %dma_wait3A_79 = tpu.memref_slice %arg6[%mul3A_61, %dma_wait3A_78] : memref<10000x128xf32, #tpu.memory_space<vmem_shared>> -> memref<624x128xf32, #tpu.memory_space<vmem_shared>>
      tpu.wait_dma2 semaphore(%run_scoped3A_69 : memref<!tpu.dma_semaphore, #tpu.memory_space<semaphore_mem>>) src(%dma_wait3A_79 : memref<624x128xf32, #tpu.memory_space<vmem_shared>>) dst(%dma_wait3A_77 : memref<624x128xf32, #tpu.memory_space<hbm>>)
      tpu.yield
    }) : () -> ()
    %eq3A_64 = arith.constant 15 : i32
    %eq3A_65 = arith.cmpi eq, %arg1, %eq3A_64 : i32
    %convert_element_type3A_66 = arith.extui %eq3A_65 : i1 to i32
    %cond3A_67 = arith.constant 0 : i32
    %cond3A_68 = arith.cmpi ne, %convert_element_type3A_66, %cond3A_67 : i32
    scf.if %cond3A_68 {
      "tpu.region"() ({
        %run_scoped3A_69 = tpu.sem_alloc : memref<!tpu.dma_semaphore, #tpu.memory_space<semaphore_mem>>
        %dma_start3A_70 = arith.constant 9984 : i32
        %dma_start3A_71 = arith.constant 0 : i32
        %dma_start3A_72 = tpu.memref_slice %arg5[%arg0, %dma_start3A_70, %dma_start3A_71] : memref<2x10000x128xf32, #tpu.memory_space<hbm>> -> memref<1x16x128xf32, #tpu.memory_space<hbm>>
        %dma_start3A_73 = tpu.memref_squeeze %dma_start3A_72 : memref<1x16x128xf32, #tpu.memory_space<hbm>> -> memref<16x128xf32, #tpu.memory_space<hbm>>
        %dma_start3A_74 = arith.constant 9984 : i32
        %dma_start3A_75 = arith.constant 0 : i32
        %dma_start3A_76 = tpu.memref_slice %arg6[%dma_start3A_74, %dma_start3A_75] : memref<10000x128xf32, #tpu.memory_space<vmem_shared>> -> memref<16x128xf32, #tpu.memory_space<vmem_shared>>
        tpu.enqueue_dma source(%dma_start3A_76 : memref<16x128xf32, #tpu.memory_space<vmem_shared>>) target(%dma_start3A_73 : memref<16x128xf32, #tpu.memory_space<hbm>>) target_semaphore(%run_scoped3A_69 : memref<!tpu.dma_semaphore, #tpu.memory_space<semaphore_mem>>)
        %dma_wait3A_77 = arith.constant 9984 : i32
        %dma_wait3A_78 = arith.constant 0 : i32
        %dma_wait3A_79 = tpu.memref_slice %arg5[%arg0, %dma_wait3A_77, %dma_wait3A_78] : memref<2x10000x128xf32, #tpu.memory_space<hbm>> -> memref<1x16x128xf32, #tpu.memory_space<hbm>>
        %dma_wait3A_80 = tpu.memref_squeeze %dma_wait3A_79 : memref<1x16x128xf32, #tpu.memory_space<hbm>> -> memref<16x128xf32, #tpu.memory_space<hbm>>
        %dma_wait3A_81 = arith.constant 9984 : i32
        %dma_wait3A_82 = arith.constant 0 : i32
        %dma_wait3A_83 = tpu.memref_slice %arg6[%dma_wait3A_81, %dma_wait3A_82] : memref<10000x128xf32, #tpu.memory_space<vmem_shared>> -> memref<16x128xf32, #tpu.memory_space<vmem_shared>>
        tpu.wait_dma2 semaphore(%run_scoped3A_69 : memref<!tpu.dma_semaphore, #tpu.memory_space<semaphore_mem>>) src(%dma_wait3A_83 : memref<16x128xf32, #tpu.memory_space<vmem_shared>>) dst(%dma_wait3A_80 : memref<16x128xf32, #tpu.memory_space<hbm>>)
        tpu.yield
      }) : () -> ()
    } else {
    }
    return
  }
}

#map = affine_map<(d0, d1) -> (0)>
#map1 = affine_map<(d0, d1) -> (0, 0, 0)>
module attributes {stable_mosaic.version = 14 : i64} {
  func.func @_deg_body(%arg0: i32, %arg1: i32, %arg2: memref<320000xi32, #tpu.memory_space<hbm>>, %arg3: memref<2x10000x16xf32, #tpu.memory_space<hbm>>, %arg4: memref<10000x16xf32, #tpu.memory_space<vmem_shared>>, %arg5: memref<128x16xf32, #tpu.memory_space<vmem>>, %arg6: memref<1x128xi32, #tpu.memory_space<vmem>>, %arg7: memref<16xi32, #tpu.memory_space<vmem>>, %arg8: memref<128x16xf32, #tpu.memory_space<vmem>>) attributes {dimension_semantics = [#tpu.dimension_semantics<core_parallel>, #tpu.dimension_semantics<subcore_parallel>], iteration_bounds = array<i64: 2, 16>, scalar_prefetch = 0 : i64, scratch_operands = 5 : i64, tpu.core_type = #tpu.core_type<sc_vector_subcore>, window_params = [{transform_indices = #map}, {transform_indices = #map1}]} {
    %mul3A = arith.constant 16 : i32
    %mul3A_0 = arith.muli %arg0, %mul3A : i32
    %add3A = arith.addi %mul3A_0, %arg1 : i32
    %scan3A = arith.constant 0 : i32
    %scan3A_1 = arith.constant 0 : i32
    %scan3A_2 = arith.constant 128 : i32
    %scan3A_3 = arith.addi %scan3A_1, %scan3A_2 : i32
    %scan3A_4 = arith.constant 1 : i32
    scf.for %scan3A_48 = %scan3A_1 to %scan3A_3 step %scan3A_4  : i32 {
      %broadcast_in_dim3A = arith.constant 1.000000e+00 : f32
      %broadcast_in_dim3A_49 = vector.broadcast %broadcast_in_dim3A : f32 to vector<16xf32>
      %swap3A = arith.index_cast %scan3A_48 : i32 to index
      %swap3A_50 = arith.constant 0 : index
      %swap3A_51 = tpu.vector_load %arg5[%swap3A, %swap3A_50] {strides = array<i32>} : memref<128x16xf32, #tpu.memory_space<vmem>>, vector<1x16xf32>,
      %swap3A_52 = vector.shape_cast %swap3A_51 : vector<1x16xf32> to vector<16xf32>
      %swap3A_53 = vector.shape_cast %broadcast_in_dim3A_49 : vector<16xf32> to vector<1x16xf32>
      tpu.vector_store %arg5[%swap3A, %swap3A_50], %swap3A_53 {strides = array<i32>} : memref<128x16xf32, #tpu.memory_space<vmem>>, vector<1x16xf32>,
      %broadcast_in_dim3A_54 = arith.constant 0.000000e+00 : f32
      %broadcast_in_dim3A_55 = vector.broadcast %broadcast_in_dim3A_54 : f32 to vector<16xf32>
      %swap3A_56 = arith.index_cast %scan3A_48 : i32 to index
      %swap3A_57 = arith.constant 0 : index
      %swap3A_58 = tpu.vector_load %arg8[%swap3A_56, %swap3A_57] {strides = array<i32>} : memref<128x16xf32, #tpu.memory_space<vmem>>, vector<1x16xf32>,
      %swap3A_59 = vector.shape_cast %swap3A_58 : vector<1x16xf32> to vector<16xf32>
      %swap3A_60 = vector.shape_cast %broadcast_in_dim3A_55 : vector<16xf32> to vector<1x16xf32>
      tpu.vector_store %arg8[%swap3A_56, %swap3A_57], %swap3A_60 {strides = array<i32>} : memref<128x16xf32, #tpu.memory_space<vmem>>, vector<1x16xf32>,
    }
    %scan3A_5 = arith.constant 128 : i32
    %mul3A_6 = arith.constant 624 : i32
    %mul3A_7 = arith.muli %arg1, %mul3A_6 : i32
    %add3A_8 = arith.constant 0 : i32
    %add3A_9 = arith.addi %mul3A_7, %add3A_8 : i32
    "tpu.region"() ({
      %run_scoped3A = tpu.sem_alloc : memref<!tpu.dma_semaphore, #tpu.memory_space<semaphore_mem>>
      %dma_start3A = arith.constant 0 : i32
      %dma_start3A_48 = arith.constant 0 : i32
      %dma_start3A_49 = tpu.memref_slice %arg8[%dma_start3A, %dma_start3A_48] : memref<128x16xf32, #tpu.memory_space<vmem>> -> memref<128x16xf32, #tpu.memory_space<vmem>>
      %dma_start3A_50 = arith.constant 0 : i32
      %dma_start3A_51 = tpu.memref_slice %arg4[%add3A_9, %dma_start3A_50] : memref<10000x16xf32, #tpu.memory_space<vmem_shared>> -> memref<128x16xf32, #tpu.memory_space<vmem_shared>>
      %dma_start3A_52 = arith.constant 0 : i32
      %dma_start3A_53 = tpu.memref_slice %arg4[%add3A_9, %dma_start3A_52] : memref<10000x16xf32, #tpu.memory_space<vmem_shared>> -> memref<128x16xf32, #tpu.memory_space<vmem_shared>>
      %dma_start3A_54 = arith.constant 0 : i32
      %dma_start3A_55 = arith.constant 0 : i32
      %dma_start3A_56 = tpu.memref_slice %arg8[%dma_start3A_54, %dma_start3A_55] : memref<128x16xf32, #tpu.memory_space<vmem>> -> memref<128x16xf32, #tpu.memory_space<vmem>>
      tpu.enqueue_dma source(%dma_start3A_56 : memref<128x16xf32, #tpu.memory_space<vmem>>) target(%dma_start3A_53 : memref<128x16xf32, #tpu.memory_space<vmem_shared>>) target_semaphore(%run_scoped3A : memref<!tpu.dma_semaphore, #tpu.memory_space<semaphore_mem>>)
      %dma_wait3A = arith.constant 0 : i32
      %dma_wait3A_57 = arith.constant 0 : i32
      %dma_wait3A_58 = tpu.memref_slice %arg8[%dma_wait3A, %dma_wait3A_57] : memref<128x16xf32, #tpu.memory_space<vmem>> -> memref<128x16xf32, #tpu.memory_space<vmem>>
      %dma_wait3A_59 = arith.constant 0 : i32
      %dma_wait3A_60 = tpu.memref_slice %arg4[%add3A_9, %dma_wait3A_59] : memref<10000x16xf32, #tpu.memory_space<vmem_shared>> -> memref<128x16xf32, #tpu.memory_space<vmem_shared>>
      %dma_wait3A_61 = arith.constant 0 : i32
      %dma_wait3A_62 = tpu.memref_slice %arg4[%add3A_9, %dma_wait3A_61] : memref<10000x16xf32, #tpu.memory_space<vmem_shared>> -> memref<128x16xf32, #tpu.memory_space<vmem_shared>>
      %dma_wait3A_63 = arith.constant 0 : i32
      %dma_wait3A_64 = arith.constant 0 : i32
      %dma_wait3A_65 = tpu.memref_slice %arg8[%dma_wait3A_63, %dma_wait3A_64] : memref<128x16xf32, #tpu.memory_space<vmem>> -> memref<128x16xf32, #tpu.memory_space<vmem>>
      tpu.wait_dma2 semaphore(%run_scoped3A : memref<!tpu.dma_semaphore, #tpu.memory_space<semaphore_mem>>) src(%dma_wait3A_65 : memref<128x16xf32, #tpu.memory_space<vmem>>) dst(%dma_wait3A_62 : memref<128x16xf32, #tpu.memory_space<vmem_shared>>)
      tpu.yield
    }) : () -> ()
    %mul3A_10 = arith.constant 624 : i32
    %mul3A_11 = arith.muli %arg1, %mul3A_10 : i32
    %add3A_12 = arith.constant 128 : i32
    %add3A_13 = arith.addi %mul3A_11, %add3A_12 : i32
    "tpu.region"() ({
      %run_scoped3A = tpu.sem_alloc : memref<!tpu.dma_semaphore, #tpu.memory_space<semaphore_mem>>
      %dma_start3A = arith.constant 0 : i32
      %dma_start3A_48 = arith.constant 0 : i32
      %dma_start3A_49 = tpu.memref_slice %arg8[%dma_start3A, %dma_start3A_48] : memref<128x16xf32, #tpu.memory_space<vmem>> -> memref<128x16xf32, #tpu.memory_space<vmem>>
      %dma_start3A_50 = arith.constant 0 : i32
      %dma_start3A_51 = tpu.memref_slice %arg4[%add3A_13, %dma_start3A_50] : memref<10000x16xf32, #tpu.memory_space<vmem_shared>> -> memref<128x16xf32, #tpu.memory_space<vmem_shared>>
      %dma_start3A_52 = arith.constant 0 : i32
      %dma_start3A_53 = tpu.memref_slice %arg4[%add3A_13, %dma_start3A_52] : memref<10000x16xf32, #tpu.memory_space<vmem_shared>> -> memref<128x16xf32, #tpu.memory_space<vmem_shared>>
      %dma_start3A_54 = arith.constant 0 : i32
      %dma_start3A_55 = arith.constant 0 : i32
      %dma_start3A_56 = tpu.memref_slice %arg8[%dma_start3A_54, %dma_start3A_55] : memref<128x16xf32, #tpu.memory_space<vmem>> -> memref<128x16xf32, #tpu.memory_space<vmem>>
      tpu.enqueue_dma source(%dma_start3A_56 : memref<128x16xf32, #tpu.memory_space<vmem>>) target(%dma_start3A_53 : memref<128x16xf32, #tpu.memory_space<vmem_shared>>) target_semaphore(%run_scoped3A : memref<!tpu.dma_semaphore, #tpu.memory_space<semaphore_mem>>)
      %dma_wait3A = arith.constant 0 : i32
      %dma_wait3A_57 = arith.constant 0 : i32
      %dma_wait3A_58 = tpu.memref_slice %arg8[%dma_wait3A, %dma_wait3A_57] : memref<128x16xf32, #tpu.memory_space<vmem>> -> memref<128x16xf32, #tpu.memory_space<vmem>>
      %dma_wait3A_59 = arith.constant 0 : i32
      %dma_wait3A_60 = tpu.memref_slice %arg4[%add3A_13, %dma_wait3A_59] : memref<10000x16xf32, #tpu.memory_space<vmem_shared>> -> memref<128x16xf32, #tpu.memory_space<vmem_shared>>
      %dma_wait3A_61 = arith.constant 0 : i32
      %dma_wait3A_62 = tpu.memref_slice %arg4[%add3A_13, %dma_wait3A_61] : memref<10000x16xf32, #tpu.memory_space<vmem_shared>> -> memref<128x16xf32, #tpu.memory_space<vmem_shared>>
      %dma_wait3A_63 = arith.constant 0 : i32
      %dma_wait3A_64 = arith.constant 0 : i32
      %dma_wait3A_65 = tpu.memref_slice %arg8[%dma_wait3A_63, %dma_wait3A_64] : memref<128x16xf32, #tpu.memory_space<vmem>> -> memref<128x16xf32, #tpu.memory_space<vmem>>
      tpu.wait_dma2 semaphore(%run_scoped3A : memref<!tpu.dma_semaphore, #tpu.memory_space<semaphore_mem>>) src(%dma_wait3A_65 : memref<128x16xf32, #tpu.memory_space<vmem>>) dst(%dma_wait3A_62 : memref<128x16xf32, #tpu.memory_space<vmem_shared>>)
      tpu.yield
    }) : () -> ()
    %mul3A_14 = arith.constant 624 : i32
    %mul3A_15 = arith.muli %arg1, %mul3A_14 : i32
    %add3A_16 = arith.constant 256 : i32
    %add3A_17 = arith.addi %mul3A_15, %add3A_16 : i32
    "tpu.region"() ({
      %run_scoped3A = tpu.sem_alloc : memref<!tpu.dma_semaphore, #tpu.memory_space<semaphore_mem>>
      %dma_start3A = arith.constant 0 : i32
      %dma_start3A_48 = arith.constant 0 : i32
      %dma_start3A_49 = tpu.memref_slice %arg8[%dma_start3A, %dma_start3A_48] : memref<128x16xf32, #tpu.memory_space<vmem>> -> memref<128x16xf32, #tpu.memory_space<vmem>>
      %dma_start3A_50 = arith.constant 0 : i32
      %dma_start3A_51 = tpu.memref_slice %arg4[%add3A_17, %dma_start3A_50] : memref<10000x16xf32, #tpu.memory_space<vmem_shared>> -> memref<128x16xf32, #tpu.memory_space<vmem_shared>>
      %dma_start3A_52 = arith.constant 0 : i32
      %dma_start3A_53 = tpu.memref_slice %arg4[%add3A_17, %dma_start3A_52] : memref<10000x16xf32, #tpu.memory_space<vmem_shared>> -> memref<128x16xf32, #tpu.memory_space<vmem_shared>>
      %dma_start3A_54 = arith.constant 0 : i32
      %dma_start3A_55 = arith.constant 0 : i32
      %dma_start3A_56 = tpu.memref_slice %arg8[%dma_start3A_54, %dma_start3A_55] : memref<128x16xf32, #tpu.memory_space<vmem>> -> memref<128x16xf32, #tpu.memory_space<vmem>>
      tpu.enqueue_dma source(%dma_start3A_56 : memref<128x16xf32, #tpu.memory_space<vmem>>) target(%dma_start3A_53 : memref<128x16xf32, #tpu.memory_space<vmem_shared>>) target_semaphore(%run_scoped3A : memref<!tpu.dma_semaphore, #tpu.memory_space<semaphore_mem>>)
      %dma_wait3A = arith.constant 0 : i32
      %dma_wait3A_57 = arith.constant 0 : i32
      %dma_wait3A_58 = tpu.memref_slice %arg8[%dma_wait3A, %dma_wait3A_57] : memref<128x16xf32, #tpu.memory_space<vmem>> -> memref<128x16xf32, #tpu.memory_space<vmem>>
      %dma_wait3A_59 = arith.constant 0 : i32
      %dma_wait3A_60 = tpu.memref_slice %arg4[%add3A_17, %dma_wait3A_59] : memref<10000x16xf32, #tpu.memory_space<vmem_shared>> -> memref<128x16xf32, #tpu.memory_space<vmem_shared>>
      %dma_wait3A_61 = arith.constant 0 : i32
      %dma_wait3A_62 = tpu.memref_slice %arg4[%add3A_17, %dma_wait3A_61] : memref<10000x16xf32, #tpu.memory_space<vmem_shared>> -> memref<128x16xf32, #tpu.memory_space<vmem_shared>>
      %dma_wait3A_63 = arith.constant 0 : i32
      %dma_wait3A_64 = arith.constant 0 : i32
      %dma_wait3A_65 = tpu.memref_slice %arg8[%dma_wait3A_63, %dma_wait3A_64] : memref<128x16xf32, #tpu.memory_space<vmem>> -> memref<128x16xf32, #tpu.memory_space<vmem>>
      tpu.wait_dma2 semaphore(%run_scoped3A : memref<!tpu.dma_semaphore, #tpu.memory_space<semaphore_mem>>) src(%dma_wait3A_65 : memref<128x16xf32, #tpu.memory_space<vmem>>) dst(%dma_wait3A_62 : memref<128x16xf32, #tpu.memory_space<vmem_shared>>)
      tpu.yield
    }) : () -> ()
    %mul3A_18 = arith.constant 624 : i32
    %mul3A_19 = arith.muli %arg1, %mul3A_18 : i32
    %add3A_20 = arith.constant 384 : i32
    %add3A_21 = arith.addi %mul3A_19, %add3A_20 : i32
    "tpu.region"() ({
      %run_scoped3A = tpu.sem_alloc : memref<!tpu.dma_semaphore, #tpu.memory_space<semaphore_mem>>
      %dma_start3A = arith.constant 0 : i32
      %dma_start3A_48 = arith.constant 0 : i32
      %dma_start3A_49 = tpu.memref_slice %arg8[%dma_start3A, %dma_start3A_48] : memref<128x16xf32, #tpu.memory_space<vmem>> -> memref<128x16xf32, #tpu.memory_space<vmem>>
      %dma_start3A_50 = arith.constant 0 : i32
      %dma_start3A_51 = tpu.memref_slice %arg4[%add3A_21, %dma_start3A_50] : memref<10000x16xf32, #tpu.memory_space<vmem_shared>> -> memref<128x16xf32, #tpu.memory_space<vmem_shared>>
      %dma_start3A_52 = arith.constant 0 : i32
      %dma_start3A_53 = tpu.memref_slice %arg4[%add3A_21, %dma_start3A_52] : memref<10000x16xf32, #tpu.memory_space<vmem_shared>> -> memref<128x16xf32, #tpu.memory_space<vmem_shared>>
      %dma_start3A_54 = arith.constant 0 : i32
      %dma_start3A_55 = arith.constant 0 : i32
      %dma_start3A_56 = tpu.memref_slice %arg8[%dma_start3A_54, %dma_start3A_55] : memref<128x16xf32, #tpu.memory_space<vmem>> -> memref<128x16xf32, #tpu.memory_space<vmem>>
      tpu.enqueue_dma source(%dma_start3A_56 : memref<128x16xf32, #tpu.memory_space<vmem>>) target(%dma_start3A_53 : memref<128x16xf32, #tpu.memory_space<vmem_shared>>) target_semaphore(%run_scoped3A : memref<!tpu.dma_semaphore, #tpu.memory_space<semaphore_mem>>)
      %dma_wait3A = arith.constant 0 : i32
      %dma_wait3A_57 = arith.constant 0 : i32
      %dma_wait3A_58 = tpu.memref_slice %arg8[%dma_wait3A, %dma_wait3A_57] : memref<128x16xf32, #tpu.memory_space<vmem>> -> memref<128x16xf32, #tpu.memory_space<vmem>>
      %dma_wait3A_59 = arith.constant 0 : i32
      %dma_wait3A_60 = tpu.memref_slice %arg4[%add3A_21, %dma_wait3A_59] : memref<10000x16xf32, #tpu.memory_space<vmem_shared>> -> memref<128x16xf32, #tpu.memory_space<vmem_shared>>
      %dma_wait3A_61 = arith.constant 0 : i32
      %dma_wait3A_62 = tpu.memref_slice %arg4[%add3A_21, %dma_wait3A_61] : memref<10000x16xf32, #tpu.memory_space<vmem_shared>> -> memref<128x16xf32, #tpu.memory_space<vmem_shared>>
      %dma_wait3A_63 = arith.constant 0 : i32
      %dma_wait3A_64 = arith.constant 0 : i32
      %dma_wait3A_65 = tpu.memref_slice %arg8[%dma_wait3A_63, %dma_wait3A_64] : memref<128x16xf32, #tpu.memory_space<vmem>> -> memref<128x16xf32, #tpu.memory_space<vmem>>
      tpu.wait_dma2 semaphore(%run_scoped3A : memref<!tpu.dma_semaphore, #tpu.memory_space<semaphore_mem>>) src(%dma_wait3A_65 : memref<128x16xf32, #tpu.memory_space<vmem>>) dst(%dma_wait3A_62 : memref<128x16xf32, #tpu.memory_space<vmem_shared>>)
      tpu.yield
    }) : () -> ()
    %mul3A_22 = arith.constant 624 : i32
    %mul3A_23 = arith.muli %arg1, %mul3A_22 : i32
    %add3A_24 = arith.constant 512 : i32
    %add3A_25 = arith.addi %mul3A_23, %add3A_24 : i32
    "tpu.region"() ({
      %run_scoped3A = tpu.sem_alloc : memref<!tpu.dma_semaphore, #tpu.memory_space<semaphore_mem>>
      %dma_start3A = arith.constant 0 : i32
      %dma_start3A_48 = arith.constant 0 : i32
      %dma_start3A_49 = tpu.memref_slice %arg8[%dma_start3A, %dma_start3A_48] : memref<128x16xf32, #tpu.memory_space<vmem>> -> memref<112x16xf32, #tpu.memory_space<vmem>>
      %dma_start3A_50 = arith.constant 0 : i32
      %dma_start3A_51 = tpu.memref_slice %arg4[%add3A_25, %dma_start3A_50] : memref<10000x16xf32, #tpu.memory_space<vmem_shared>> -> memref<112x16xf32, #tpu.memory_space<vmem_shared>>
      %dma_start3A_52 = arith.constant 0 : i32
      %dma_start3A_53 = tpu.memref_slice %arg4[%add3A_25, %dma_start3A_52] : memref<10000x16xf32, #tpu.memory_space<vmem_shared>> -> memref<112x16xf32, #tpu.memory_space<vmem_shared>>
      %dma_start3A_54 = arith.constant 0 : i32
      %dma_start3A_55 = arith.constant 0 : i32
      %dma_start3A_56 = tpu.memref_slice %arg8[%dma_start3A_54, %dma_start3A_55] : memref<128x16xf32, #tpu.memory_space<vmem>> -> memref<112x16xf32, #tpu.memory_space<vmem>>
      tpu.enqueue_dma source(%dma_start3A_56 : memref<112x16xf32, #tpu.memory_space<vmem>>) target(%dma_start3A_53 : memref<112x16xf32, #tpu.memory_space<vmem_shared>>) target_semaphore(%run_scoped3A : memref<!tpu.dma_semaphore, #tpu.memory_space<semaphore_mem>>)
      %dma_wait3A = arith.constant 0 : i32
      %dma_wait3A_57 = arith.constant 0 : i32
      %dma_wait3A_58 = tpu.memref_slice %arg8[%dma_wait3A, %dma_wait3A_57] : memref<128x16xf32, #tpu.memory_space<vmem>> -> memref<112x16xf32, #tpu.memory_space<vmem>>
      %dma_wait3A_59 = arith.constant 0 : i32
      %dma_wait3A_60 = tpu.memref_slice %arg4[%add3A_25, %dma_wait3A_59] : memref<10000x16xf32, #tpu.memory_space<vmem_shared>> -> memref<112x16xf32, #tpu.memory_space<vmem_shared>>
      %dma_wait3A_61 = arith.constant 0 : i32
      %dma_wait3A_62 = tpu.memref_slice %arg4[%add3A_25, %dma_wait3A_61] : memref<10000x16xf32, #tpu.memory_space<vmem_shared>> -> memref<112x16xf32, #tpu.memory_space<vmem_shared>>
      %dma_wait3A_63 = arith.constant 0 : i32
      %dma_wait3A_64 = arith.constant 0 : i32
      %dma_wait3A_65 = tpu.memref_slice %arg8[%dma_wait3A_63, %dma_wait3A_64] : memref<128x16xf32, #tpu.memory_space<vmem>> -> memref<112x16xf32, #tpu.memory_space<vmem>>
      tpu.wait_dma2 semaphore(%run_scoped3A : memref<!tpu.dma_semaphore, #tpu.memory_space<semaphore_mem>>) src(%dma_wait3A_65 : memref<112x16xf32, #tpu.memory_space<vmem>>) dst(%dma_wait3A_62 : memref<112x16xf32, #tpu.memory_space<vmem_shared>>)
      tpu.yield
    }) : () -> ()
    %eq3A = arith.constant 15 : i32
    %eq3A_26 = arith.cmpi eq, %arg1, %eq3A : i32
    %convert_element_type3A = arith.extui %eq3A_26 : i1 to i32
    %cond3A = arith.constant 0 : i32
    %cond3A_27 = arith.cmpi ne, %convert_element_type3A, %cond3A : i32
    scf.if %cond3A_27 {
      "tpu.region"() ({
        %run_scoped3A = tpu.sem_alloc : memref<!tpu.dma_semaphore, #tpu.memory_space<semaphore_mem>>
        %dma_start3A = arith.constant 0 : i32
        %dma_start3A_48 = arith.constant 0 : i32
        %dma_start3A_49 = tpu.memref_slice %arg8[%dma_start3A, %dma_start3A_48] : memref<128x16xf32, #tpu.memory_space<vmem>> -> memref<16x16xf32, #tpu.memory_space<vmem>>
        %dma_start3A_50 = arith.constant 9984 : i32
        %dma_start3A_51 = arith.constant 0 : i32
        %dma_start3A_52 = tpu.memref_slice %arg4[%dma_start3A_50, %dma_start3A_51] : memref<10000x16xf32, #tpu.memory_space<vmem_shared>> -> memref<16x16xf32, #tpu.memory_space<vmem_shared>>
        %dma_start3A_53 = arith.constant 9984 : i32
        %dma_start3A_54 = arith.constant 0 : i32
        %dma_start3A_55 = tpu.memref_slice %arg4[%dma_start3A_53, %dma_start3A_54] : memref<10000x16xf32, #tpu.memory_space<vmem_shared>> -> memref<16x16xf32, #tpu.memory_space<vmem_shared>>
        %dma_start3A_56 = arith.constant 0 : i32
        %dma_start3A_57 = arith.constant 0 : i32
        %dma_start3A_58 = tpu.memref_slice %arg8[%dma_start3A_56, %dma_start3A_57] : memref<128x16xf32, #tpu.memory_space<vmem>> -> memref<16x16xf32, #tpu.memory_space<vmem>>
        tpu.enqueue_dma source(%dma_start3A_58 : memref<16x16xf32, #tpu.memory_space<vmem>>) target(%dma_start3A_55 : memref<16x16xf32, #tpu.memory_space<vmem_shared>>) target_semaphore(%run_scoped3A : memref<!tpu.dma_semaphore, #tpu.memory_space<semaphore_mem>>)
        %dma_wait3A = arith.constant 0 : i32
        %dma_wait3A_59 = arith.constant 0 : i32
        %dma_wait3A_60 = tpu.memref_slice %arg8[%dma_wait3A, %dma_wait3A_59] : memref<128x16xf32, #tpu.memory_space<vmem>> -> memref<16x16xf32, #tpu.memory_space<vmem>>
        %dma_wait3A_61 = arith.constant 9984 : i32
        %dma_wait3A_62 = arith.constant 0 : i32
        %dma_wait3A_63 = tpu.memref_slice %arg4[%dma_wait3A_61, %dma_wait3A_62] : memref<10000x16xf32, #tpu.memory_space<vmem_shared>> -> memref<16x16xf32, #tpu.memory_space<vmem_shared>>
        %dma_wait3A_64 = arith.constant 9984 : i32
        %dma_wait3A_65 = arith.constant 0 : i32
        %dma_wait3A_66 = tpu.memref_slice %arg4[%dma_wait3A_64, %dma_wait3A_65] : memref<10000x16xf32, #tpu.memory_space<vmem_shared>> -> memref<16x16xf32, #tpu.memory_space<vmem_shared>>
        %dma_wait3A_67 = arith.constant 0 : i32
        %dma_wait3A_68 = arith.constant 0 : i32
        %dma_wait3A_69 = tpu.memref_slice %arg8[%dma_wait3A_67, %dma_wait3A_68] : memref<128x16xf32, #tpu.memory_space<vmem>> -> memref<16x16xf32, #tpu.memory_space<vmem>>
        tpu.wait_dma2 semaphore(%run_scoped3A : memref<!tpu.dma_semaphore, #tpu.memory_space<semaphore_mem>>) src(%dma_wait3A_69 : memref<16x16xf32, #tpu.memory_space<vmem>>) dst(%dma_wait3A_66 : memref<16x16xf32, #tpu.memory_space<vmem_shared>>)
        tpu.yield
      }) : () -> ()
    } else {
    }
    %barrier3A = arith.constant 0 : index
    tpu.barrier barrier_id(%barrier3A)
    %mul3A_28 = arith.constant 10000 : i32
    %mul3A_29 = arith.muli %add3A, %mul3A_28 : i32
    %scan3A_30 = arith.constant 0 : i32
    %scan3A_31 = arith.constant 0 : i32
    %scan3A_32 = arith.constant 78 : i32
    %scan3A_33 = arith.addi %scan3A_31, %scan3A_32 : i32
    %scan3A_34 = arith.constant 1 : i32
    scf.for %scan3A_48 = %scan3A_31 to %scan3A_33 step %scan3A_34  : i32 {
      %mul3A_49 = arith.constant 128 : i32
      %mul3A_50 = arith.muli %scan3A_48, %mul3A_49 : i32
      %add3A_51 = arith.addi %mul3A_29, %mul3A_50 : i32
      %run_scoped3A = arith.constant 0 : i32
      "tpu.region"() ({
        %run_scoped3A_53 = tpu.sem_alloc : memref<!tpu.dma_semaphore, #tpu.memory_space<semaphore_mem>>
        %dma_start3A = arith.constant 0 : i32
        %dma_start3A_54 = tpu.memref_slice %arg6[%run_scoped3A, %dma_start3A] : memref<1x128xi32, #tpu.memory_space<vmem>> -> memref<1x128xi32, #tpu.memory_space<vmem>>
        %dma_start3A_55 = tpu.memref_squeeze %dma_start3A_54 : memref<1x128xi32, #tpu.memory_space<vmem>> -> memref<128xi32, #tpu.memory_space<vmem>>
        %dma_start3A_56 = tpu.memref_slice %arg2[%add3A_51] : memref<320000xi32, #tpu.memory_space<hbm>> -> memref<128xi32, #tpu.memory_space<hbm>>
        %dma_start3A_57 = arith.constant 0 : i32
        %dma_start3A_58 = tpu.memref_slice %arg6[%run_scoped3A, %dma_start3A_57] : memref<1x128xi32, #tpu.memory_space<vmem>> -> memref<1x128xi32, #tpu.memory_space<vmem>>
        %dma_start3A_59 = tpu.memref_squeeze %dma_start3A_58 : memref<1x128xi32, #tpu.memory_space<vmem>> -> memref<128xi32, #tpu.memory_space<vmem>>
        %dma_start3A_60 = tpu.memref_slice %arg2[%add3A_51] : memref<320000xi32, #tpu.memory_space<hbm>> -> memref<128xi32, #tpu.memory_space<hbm>>
        tpu.enqueue_dma source(%dma_start3A_60 : memref<128xi32, #tpu.memory_space<hbm>>) target(%dma_start3A_59 : memref<128xi32, #tpu.memory_space<vmem>>) target_semaphore(%run_scoped3A_53 : memref<!tpu.dma_semaphore, #tpu.memory_space<semaphore_mem>>)
        %dma_wait3A = arith.constant 0 : i32
        %dma_wait3A_61 = tpu.memref_slice %arg6[%run_scoped3A, %dma_wait3A] : memref<1x128xi32, #tpu.memory_space<vmem>> -> memref<1x128xi32, #tpu.memory_space<vmem>>
        %dma_wait3A_62 = tpu.memref_squeeze %dma_wait3A_61 : memref<1x128xi32, #tpu.memory_space<vmem>> -> memref<128xi32, #tpu.memory_space<vmem>>
        %dma_wait3A_63 = tpu.memref_slice %arg2[%add3A_51] : memref<320000xi32, #tpu.memory_space<hbm>> -> memref<128xi32, #tpu.memory_space<hbm>>
        %dma_wait3A_64 = arith.constant 0 : i32
        %dma_wait3A_65 = tpu.memref_slice %arg6[%run_scoped3A, %dma_wait3A_64] : memref<1x128xi32, #tpu.memory_space<vmem>> -> memref<1x128xi32, #tpu.memory_space<vmem>>
        %dma_wait3A_66 = tpu.memref_squeeze %dma_wait3A_65 : memref<1x128xi32, #tpu.memory_space<vmem>> -> memref<128xi32, #tpu.memory_space<vmem>>
        %dma_wait3A_67 = tpu.memref_slice %arg2[%add3A_51] : memref<320000xi32, #tpu.memory_space<hbm>> -> memref<128xi32, #tpu.memory_space<hbm>>
        tpu.wait_dma2 semaphore(%run_scoped3A_53 : memref<!tpu.dma_semaphore, #tpu.memory_space<semaphore_mem>>) src(%dma_wait3A_67 : memref<128xi32, #tpu.memory_space<hbm>>) dst(%dma_wait3A_66 : memref<128xi32, #tpu.memory_space<vmem>>)
        tpu.yield
      }) : () -> ()
      %run_scoped3A_52 = arith.constant 0 : i32
      "tpu.region"() ({
        %run_scoped3A_53 = tpu.sem_alloc : memref<!tpu.dma_semaphore, #tpu.memory_space<semaphore_mem>>
        %dma_start3A = arith.constant 0 : i32
        %dma_start3A_54 = tpu.memref_slice %arg6[%run_scoped3A_52, %dma_start3A] : memref<1x128xi32, #tpu.memory_space<vmem>> -> memref<1x128xi32, #tpu.memory_space<vmem>>
        %dma_start3A_55 = tpu.memref_squeeze %dma_start3A_54 : memref<1x128xi32, #tpu.memory_space<vmem>> -> memref<128xi32, #tpu.memory_space<vmem>>
        %dma_start3A_56 = arith.constant 0 : i32
        %dma_start3A_57 = arith.constant 0 : i32
        %dma_start3A_58 = tpu.memref_slice %arg4[%dma_start3A_56, %dma_start3A_57] : memref<10000x16xf32, #tpu.memory_space<vmem_shared>> -> memref<10000x16xf32, #tpu.memory_space<vmem_shared>>
        tpu.enqueue_indirect_dma source(%arg5 : memref<128x16xf32, #tpu.memory_space<vmem>>) target(%dma_start3A_58 : memref<10000x16xf32, #tpu.memory_space<vmem_shared>>) offsets(%dma_start3A_55 : memref<128xi32, #tpu.memory_space<vmem>>) semaphore(%run_scoped3A_53 : memref<!tpu.dma_semaphore, #tpu.memory_space<semaphore_mem>>) {add = true}
        %dma_wait3A = arith.constant 0 : i32
        %dma_wait3A_59 = tpu.memref_slice %arg6[%run_scoped3A_52, %dma_wait3A] : memref<1x128xi32, #tpu.memory_space<vmem>> -> memref<1x128xi32, #tpu.memory_space<vmem>>
        %dma_wait3A_60 = tpu.memref_squeeze %dma_wait3A_59 : memref<1x128xi32, #tpu.memory_space<vmem>> -> memref<128xi32, #tpu.memory_space<vmem>>
        %dma_wait3A_61 = arith.constant 0 : i32
        %dma_wait3A_62 = arith.constant 0 : i32
        %dma_wait3A_63 = tpu.memref_slice %arg4[%dma_wait3A_61, %dma_wait3A_62] : memref<10000x16xf32, #tpu.memory_space<vmem_shared>> -> memref<10000x16xf32, #tpu.memory_space<vmem_shared>>
        tpu.wait_indirect_dma semaphore(%run_scoped3A_53 : memref<!tpu.dma_semaphore, #tpu.memory_space<semaphore_mem>>) src(%arg5 : memref<128x16xf32, #tpu.memory_space<vmem>>) dst(%dma_wait3A_63 : memref<10000x16xf32, #tpu.memory_space<vmem_shared>>)
        tpu.yield
      }) : () -> ()
    }
    %scan3A_35 = arith.constant 78 : i32
    %add3A_36 = arith.constant 9984 : i32
    %add3A_37 = arith.addi %mul3A_29, %add3A_36 : i32
    "tpu.region"() ({
      %run_scoped3A = tpu.sem_alloc : memref<!tpu.dma_semaphore, #tpu.memory_space<semaphore_mem>>
      %dma_start3A = tpu.memref_slice %arg2[%add3A_37] : memref<320000xi32, #tpu.memory_space<hbm>> -> memref<16xi32, #tpu.memory_space<hbm>>
      %dma_start3A_48 = tpu.memref_slice %arg2[%add3A_37] : memref<320000xi32, #tpu.memory_space<hbm>> -> memref<16xi32, #tpu.memory_space<hbm>>
      tpu.enqueue_dma source(%dma_start3A_48 : memref<16xi32, #tpu.memory_space<hbm>>) target(%arg7 : memref<16xi32, #tpu.memory_space<vmem>>) target_semaphore(%run_scoped3A : memref<!tpu.dma_semaphore, #tpu.memory_space<semaphore_mem>>)
      %dma_wait3A = tpu.memref_slice %arg2[%add3A_37] : memref<320000xi32, #tpu.memory_space<hbm>> -> memref<16xi32, #tpu.memory_space<hbm>>
      %dma_wait3A_49 = tpu.memref_slice %arg2[%add3A_37] : memref<320000xi32, #tpu.memory_space<hbm>> -> memref<16xi32, #tpu.memory_space<hbm>>
      tpu.wait_dma2 semaphore(%run_scoped3A : memref<!tpu.dma_semaphore, #tpu.memory_space<semaphore_mem>>) src(%dma_wait3A_49 : memref<16xi32, #tpu.memory_space<hbm>>) dst(%arg7 : memref<16xi32, #tpu.memory_space<vmem>>)
      tpu.yield
    }) : () -> ()
    "tpu.region"() ({
      %run_scoped3A = tpu.sem_alloc : memref<!tpu.dma_semaphore, #tpu.memory_space<semaphore_mem>>
      %dma_start3A = arith.constant 0 : i32
      %dma_start3A_48 = arith.constant 0 : i32
      %dma_start3A_49 = tpu.memref_slice %arg5[%dma_start3A, %dma_start3A_48] : memref<128x16xf32, #tpu.memory_space<vmem>> -> memref<16x16xf32, #tpu.memory_space<vmem>>
      %dma_start3A_50 = arith.constant 0 : i32
      %dma_start3A_51 = arith.constant 0 : i32
      %dma_start3A_52 = tpu.memref_slice %arg4[%dma_start3A_50, %dma_start3A_51] : memref<10000x16xf32, #tpu.memory_space<vmem_shared>> -> memref<10000x16xf32, #tpu.memory_space<vmem_shared>>
      tpu.enqueue_indirect_dma source(%dma_start3A_49 : memref<16x16xf32, #tpu.memory_space<vmem>>) target(%dma_start3A_52 : memref<10000x16xf32, #tpu.memory_space<vmem_shared>>) offsets(%arg7 : memref<16xi32, #tpu.memory_space<vmem>>) semaphore(%run_scoped3A : memref<!tpu.dma_semaphore, #tpu.memory_space<semaphore_mem>>) {add = true}
      %dma_wait3A = arith.constant 0 : i32
      %dma_wait3A_53 = arith.constant 0 : i32
      %dma_wait3A_54 = tpu.memref_slice %arg5[%dma_wait3A, %dma_wait3A_53] : memref<128x16xf32, #tpu.memory_space<vmem>> -> memref<16x16xf32, #tpu.memory_space<vmem>>
      %dma_wait3A_55 = arith.constant 0 : i32
      %dma_wait3A_56 = arith.constant 0 : i32
      %dma_wait3A_57 = tpu.memref_slice %arg4[%dma_wait3A_55, %dma_wait3A_56] : memref<10000x16xf32, #tpu.memory_space<vmem_shared>> -> memref<10000x16xf32, #tpu.memory_space<vmem_shared>>
      tpu.wait_indirect_dma semaphore(%run_scoped3A : memref<!tpu.dma_semaphore, #tpu.memory_space<semaphore_mem>>) src(%dma_wait3A_54 : memref<16x16xf32, #tpu.memory_space<vmem>>) dst(%dma_wait3A_57 : memref<10000x16xf32, #tpu.memory_space<vmem_shared>>)
      tpu.yield
    }) : () -> ()
    %barrier3A_38 = arith.constant 0 : index
    tpu.barrier barrier_id(%barrier3A_38)
    %mul3A_39 = arith.constant 624 : i32
    %mul3A_40 = arith.muli %arg1, %mul3A_39 : i32
    %mul3A_41 = arith.constant 624 : i32
    %mul3A_42 = arith.muli %arg1, %mul3A_41 : i32
    "tpu.region"() ({
      %run_scoped3A = tpu.sem_alloc : memref<!tpu.dma_semaphore, #tpu.memory_space<semaphore_mem>>
      %dma_start3A = arith.constant 0 : i32
      %dma_start3A_48 = tpu.memref_slice %arg3[%arg0, %mul3A_42, %dma_start3A] : memref<2x10000x16xf32, #tpu.memory_space<hbm>> -> memref<1x624x16xf32, #tpu.memory_space<hbm>>
      %dma_start3A_49 = tpu.memref_squeeze %dma_start3A_48 : memref<1x624x16xf32, #tpu.memory_space<hbm>> -> memref<624x16xf32, #tpu.memory_space<hbm>>
      %dma_start3A_50 = arith.constant 0 : i32
      %dma_start3A_51 = tpu.memref_slice %arg4[%mul3A_40, %dma_start3A_50] : memref<10000x16xf32, #tpu.memory_space<vmem_shared>> -> memref<624x16xf32, #tpu.memory_space<vmem_shared>>
      tpu.enqueue_dma source(%dma_start3A_51 : memref<624x16xf32, #tpu.memory_space<vmem_shared>>) target(%dma_start3A_49 : memref<624x16xf32, #tpu.memory_space<hbm>>) target_semaphore(%run_scoped3A : memref<!tpu.dma_semaphore, #tpu.memory_space<semaphore_mem>>)
      %dma_wait3A = arith.constant 0 : i32
      %dma_wait3A_52 = tpu.memref_slice %arg3[%arg0, %mul3A_42, %dma_wait3A] : memref<2x10000x16xf32, #tpu.memory_space<hbm>> -> memref<1x624x16xf32, #tpu.memory_space<hbm>>
      %dma_wait3A_53 = tpu.memref_squeeze %dma_wait3A_52 : memref<1x624x16xf32, #tpu.memory_space<hbm>> -> memref<624x16xf32, #tpu.memory_space<hbm>>
      %dma_wait3A_54 = arith.constant 0 : i32
      %dma_wait3A_55 = tpu.memref_slice %arg4[%mul3A_40, %dma_wait3A_54] : memref<10000x16xf32, #tpu.memory_space<vmem_shared>> -> memref<624x16xf32, #tpu.memory_space<vmem_shared>>
      tpu.wait_dma2 semaphore(%run_scoped3A : memref<!tpu.dma_semaphore, #tpu.memory_space<semaphore_mem>>) src(%dma_wait3A_55 : memref<624x16xf32, #tpu.memory_space<vmem_shared>>) dst(%dma_wait3A_53 : memref<624x16xf32, #tpu.memory_space<hbm>>)
      tpu.yield
    }) : () -> ()
    %eq3A_43 = arith.constant 15 : i32
    %eq3A_44 = arith.cmpi eq, %arg1, %eq3A_43 : i32
    %convert_element_type3A_45 = arith.extui %eq3A_44 : i1 to i32
    %cond3A_46 = arith.constant 0 : i32
    %cond3A_47 = arith.cmpi ne, %convert_element_type3A_45, %cond3A_46 : i32
    scf.if %cond3A_47 {
      "tpu.region"() ({
        %run_scoped3A = tpu.sem_alloc : memref<!tpu.dma_semaphore, #tpu.memory_space<semaphore_mem>>
        %dma_start3A = arith.constant 9984 : i32
        %dma_start3A_48 = arith.constant 0 : i32
        %dma_start3A_49 = tpu.memref_slice %arg3[%arg0, %dma_start3A, %dma_start3A_48] : memref<2x10000x16xf32, #tpu.memory_space<hbm>> -> memref<1x16x16xf32, #tpu.memory_space<hbm>>
        %dma_start3A_50 = tpu.memref_squeeze %dma_start3A_49 : memref<1x16x16xf32, #tpu.memory_space<hbm>> -> memref<16x16xf32, #tpu.memory_space<hbm>>
        %dma_start3A_51 = arith.constant 9984 : i32
        %dma_start3A_52 = arith.constant 0 : i32
        %dma_start3A_53 = tpu.memref_slice %arg4[%dma_start3A_51, %dma_start3A_52] : memref<10000x16xf32, #tpu.memory_space<vmem_shared>> -> memref<16x16xf32, #tpu.memory_space<vmem_shared>>
        tpu.enqueue_dma source(%dma_start3A_53 : memref<16x16xf32, #tpu.memory_space<vmem_shared>>) target(%dma_start3A_50 : memref<16x16xf32, #tpu.memory_space<hbm>>) target_semaphore(%run_scoped3A : memref<!tpu.dma_semaphore, #tpu.memory_space<semaphore_mem>>)
        %dma_wait3A = arith.constant 9984 : i32
        %dma_wait3A_54 = arith.constant 0 : i32
        %dma_wait3A_55 = tpu.memref_slice %arg3[%arg0, %dma_wait3A, %dma_wait3A_54] : memref<2x10000x16xf32, #tpu.memory_space<hbm>> -> memref<1x16x16xf32, #tpu.memory_space<hbm>>
        %dma_wait3A_56 = tpu.memref_squeeze %dma_wait3A_55 : memref<1x16x16xf32, #tpu.memory_space<hbm>> -> memref<16x16xf32, #tpu.memory_space<hbm>>
        %dma_wait3A_57 = arith.constant 9984 : i32
        %dma_wait3A_58 = arith.constant 0 : i32
        %dma_wait3A_59 = tpu.memref_slice %arg4[%dma_wait3A_57, %dma_wait3A_58] : memref<10000x16xf32, #tpu.memory_space<vmem_shared>> -> memref<16x16xf32, #tpu.memory_space<vmem_shared>>
        tpu.wait_dma2 semaphore(%run_scoped3A : memref<!tpu.dma_semaphore, #tpu.memory_space<semaphore_mem>>) src(%dma_wait3A_59 : memref<16x16xf32, #tpu.memory_space<vmem_shared>>) dst(%dma_wait3A_56 : memref<16x16xf32, #tpu.memory_space<hbm>>)
        tpu.yield
      }) : () -> ()
    } else {
    }
    return
  }
}

#map = affine_map<(d0, d1) -> (0, 0)>
#map1 = affine_map<(d0, d1) -> (0)>
#map2 = affine_map<(d0, d1) -> (0, 0, 0)>
module attributes {stable_mosaic.version = 14 : i64} {
  func.func @_agg_body(%arg0: i32, %arg1: i32, %arg2: memref<10000x128xf32, #tpu.memory_space<hbm>>, %arg3: memref<320000xi32, #tpu.memory_space<hbm>>, %arg4: memref<320000xi32, #tpu.memory_space<hbm>>, %arg5: memref<2x10000x128xf32, #tpu.memory_space<hbm>>, %arg6: memref<10000x128xf32, #tpu.memory_space<vmem_shared>>, %arg7: memref<2x128xi32, #tpu.memory_space<vmem>>, %arg8: memref<2x128xi32, #tpu.memory_space<vmem>>, %arg9: memref<2x128x128xf32, #tpu.memory_space<vmem>>, %arg10: memref<16xi32, #tpu.memory_space<vmem>>, %arg11: memref<16xi32, #tpu.memory_space<vmem>>, %arg12: memref<!tpu.dma_semaphore, #tpu.memory_space<semaphore_mem>>, %arg13: memref<!tpu.dma_semaphore, #tpu.memory_space<semaphore_mem>>) attributes {dimension_semantics = [#tpu.dimension_semantics<core_parallel>, #tpu.dimension_semantics<subcore_parallel>], iteration_bounds = array<i64: 2, 16>, scalar_prefetch = 0 : i64, scratch_operands = 8 : i64, tpu.core_type = #tpu.core_type<sc_vector_subcore>, window_params = [{transform_indices = #map}, {transform_indices = #map1}, {transform_indices = #map1}, {transform_indices = #map2}]} {
    %mul3A = arith.constant 16 : i32
    %mul3A_0 = arith.muli %arg0, %mul3A : i32
    %add3A = arith.addi %mul3A_0, %arg1 : i32
    %scan3A = arith.constant 0 : i32
    %scan3A_1 = arith.constant 0 : i32
    %scan3A_2 = arith.constant 128 : i32
    %scan3A_3 = arith.addi %scan3A_1, %scan3A_2 : i32
    %scan3A_4 = arith.constant 1 : i32
    scf.for %scan3A_69 = %scan3A_1 to %scan3A_3 step %scan3A_4  : i32 {
      %broadcast_in_dim3A = arith.constant 0.000000e+00 : f32
      %broadcast_in_dim3A_70 = vector.broadcast %broadcast_in_dim3A : f32 to vector<16xf32>
      %swap3A = arith.constant 0 : i32
      %swap3A_71 = arith.index_cast %swap3A : i32 to index
      %swap3A_72 = arith.index_cast %scan3A_69 : i32 to index
      %swap3A_73 = arith.constant 0 : index
      %swap3A_74 = tpu.vector_load %arg9[%swap3A_71, %swap3A_72, %swap3A_73] {strides = array<i32>} : memref<2x128x128xf32, #tpu.memory_space<vmem>>, vector<1x1x16xf32>,
      %swap3A_75 = vector.shape_cast %swap3A_74 : vector<1x1x16xf32> to vector<16xf32>
      %swap3A_76 = vector.shape_cast %broadcast_in_dim3A_70 : vector<16xf32> to vector<1x1x16xf32>
      tpu.vector_store %arg9[%swap3A_71, %swap3A_72, %swap3A_73], %swap3A_76 {strides = array<i32>} : memref<2x128x128xf32, #tpu.memory_space<vmem>>, vector<1x1x16xf32>,
      %broadcast_in_dim3A_77 = arith.constant 0.000000e+00 : f32
      %broadcast_in_dim3A_78 = vector.broadcast %broadcast_in_dim3A_77 : f32 to vector<16xf32>
      %swap3A_79 = arith.constant 0 : i32
      %swap3A_80 = arith.index_cast %swap3A_79 : i32 to index
      %swap3A_81 = arith.index_cast %scan3A_69 : i32 to index
      %swap3A_82 = arith.constant 16 : index
      %swap3A_83 = tpu.vector_load %arg9[%swap3A_80, %swap3A_81, %swap3A_82] {strides = array<i32>} : memref<2x128x128xf32, #tpu.memory_space<vmem>>, vector<1x1x16xf32>,
      %swap3A_84 = vector.shape_cast %swap3A_83 : vector<1x1x16xf32> to vector<16xf32>
      %swap3A_85 = vector.shape_cast %broadcast_in_dim3A_78 : vector<16xf32> to vector<1x1x16xf32>
      tpu.vector_store %arg9[%swap3A_80, %swap3A_81, %swap3A_82], %swap3A_85 {strides = array<i32>} : memref<2x128x128xf32, #tpu.memory_space<vmem>>, vector<1x1x16xf32>,
      %broadcast_in_dim3A_86 = arith.constant 0.000000e+00 : f32
      %broadcast_in_dim3A_87 = vector.broadcast %broadcast_in_dim3A_86 : f32 to vector<16xf32>
      %swap3A_88 = arith.constant 0 : i32
      %swap3A_89 = arith.index_cast %swap3A_88 : i32 to index
      %swap3A_90 = arith.index_cast %scan3A_69 : i32 to index
      %swap3A_91 = arith.constant 32 : index
      %swap3A_92 = tpu.vector_load %arg9[%swap3A_89, %swap3A_90, %swap3A_91] {strides = array<i32>} : memref<2x128x128xf32, #tpu.memory_space<vmem>>, vector<1x1x16xf32>,
      %swap3A_93 = vector.shape_cast %swap3A_92 : vector<1x1x16xf32> to vector<16xf32>
      %swap3A_94 = vector.shape_cast %broadcast_in_dim3A_87 : vector<16xf32> to vector<1x1x16xf32>
      tpu.vector_store %arg9[%swap3A_89, %swap3A_90, %swap3A_91], %swap3A_94 {strides = array<i32>} : memref<2x128x128xf32, #tpu.memory_space<vmem>>, vector<1x1x16xf32>,
      %broadcast_in_dim3A_95 = arith.constant 0.000000e+00 : f32
      %broadcast_in_dim3A_96 = vector.broadcast %broadcast_in_dim3A_95 : f32 to vector<16xf32>
      %swap3A_97 = arith.constant 0 : i32
      %swap3A_98 = arith.index_cast %swap3A_97 : i32 to index
      %swap3A_99 = arith.index_cast %scan3A_69 : i32 to index
      %swap3A_100 = arith.constant 48 : index
      %swap3A_101 = tpu.vector_load %arg9[%swap3A_98, %swap3A_99, %swap3A_100] {strides = array<i32>} : memref<2x128x128xf32, #tpu.memory_space<vmem>>, vector<1x1x16xf32>,
      %swap3A_102 = vector.shape_cast %swap3A_101 : vector<1x1x16xf32> to vector<16xf32>
      %swap3A_103 = vector.shape_cast %broadcast_in_dim3A_96 : vector<16xf32> to vector<1x1x16xf32>
      tpu.vector_store %arg9[%swap3A_98, %swap3A_99, %swap3A_100], %swap3A_103 {strides = array<i32>} : memref<2x128x128xf32, #tpu.memory_space<vmem>>, vector<1x1x16xf32>,
      %broadcast_in_dim3A_104 = arith.constant 0.000000e+00 : f32
      %broadcast_in_dim3A_105 = vector.broadcast %broadcast_in_dim3A_104 : f32 to vector<16xf32>
      %swap3A_106 = arith.constant 0 : i32
      %swap3A_107 = arith.index_cast %swap3A_106 : i32 to index
      %swap3A_108 = arith.index_cast %scan3A_69 : i32 to index
      %swap3A_109 = arith.constant 64 : index
      %swap3A_110 = tpu.vector_load %arg9[%swap3A_107, %swap3A_108, %swap3A_109] {strides = array<i32>} : memref<2x128x128xf32, #tpu.memory_space<vmem>>, vector<1x1x16xf32>,
      %swap3A_111 = vector.shape_cast %swap3A_110 : vector<1x1x16xf32> to vector<16xf32>
      %swap3A_112 = vector.shape_cast %broadcast_in_dim3A_105 : vector<16xf32> to vector<1x1x16xf32>
      tpu.vector_store %arg9[%swap3A_107, %swap3A_108, %swap3A_109], %swap3A_112 {strides = array<i32>} : memref<2x128x128xf32, #tpu.memory_space<vmem>>, vector<1x1x16xf32>,
      %broadcast_in_dim3A_113 = arith.constant 0.000000e+00 : f32
      %broadcast_in_dim3A_114 = vector.broadcast %broadcast_in_dim3A_113 : f32 to vector<16xf32>
      %swap3A_115 = arith.constant 0 : i32
      %swap3A_116 = arith.index_cast %swap3A_115 : i32 to index
      %swap3A_117 = arith.index_cast %scan3A_69 : i32 to index
      %swap3A_118 = arith.constant 80 : index
      %swap3A_119 = tpu.vector_load %arg9[%swap3A_116, %swap3A_117, %swap3A_118] {strides = array<i32>} : memref<2x128x128xf32, #tpu.memory_space<vmem>>, vector<1x1x16xf32>,
      %swap3A_120 = vector.shape_cast %swap3A_119 : vector<1x1x16xf32> to vector<16xf32>
      %swap3A_121 = vector.shape_cast %broadcast_in_dim3A_114 : vector<16xf32> to vector<1x1x16xf32>
      tpu.vector_store %arg9[%swap3A_116, %swap3A_117, %swap3A_118], %swap3A_121 {strides = array<i32>} : memref<2x128x128xf32, #tpu.memory_space<vmem>>, vector<1x1x16xf32>,
      %broadcast_in_dim3A_122 = arith.constant 0.000000e+00 : f32
      %broadcast_in_dim3A_123 = vector.broadcast %broadcast_in_dim3A_122 : f32 to vector<16xf32>
      %swap3A_124 = arith.constant 0 : i32
      %swap3A_125 = arith.index_cast %swap3A_124 : i32 to index
      %swap3A_126 = arith.index_cast %scan3A_69 : i32 to index
      %swap3A_127 = arith.constant 96 : index
      %swap3A_128 = tpu.vector_load %arg9[%swap3A_125, %swap3A_126, %swap3A_127] {strides = array<i32>} : memref<2x128x128xf32, #tpu.memory_space<vmem>>, vector<1x1x16xf32>,
      %swap3A_129 = vector.shape_cast %swap3A_128 : vector<1x1x16xf32> to vector<16xf32>
      %swap3A_130 = vector.shape_cast %broadcast_in_dim3A_123 : vector<16xf32> to vector<1x1x16xf32>
      tpu.vector_store %arg9[%swap3A_125, %swap3A_126, %swap3A_127], %swap3A_130 {strides = array<i32>} : memref<2x128x128xf32, #tpu.memory_space<vmem>>, vector<1x1x16xf32>,
      %broadcast_in_dim3A_131 = arith.constant 0.000000e+00 : f32
      %broadcast_in_dim3A_132 = vector.broadcast %broadcast_in_dim3A_131 : f32 to vector<16xf32>
      %swap3A_133 = arith.constant 0 : i32
      %swap3A_134 = arith.index_cast %swap3A_133 : i32 to index
      %swap3A_135 = arith.index_cast %scan3A_69 : i32 to index
      %swap3A_136 = arith.constant 112 : index
      %swap3A_137 = tpu.vector_load %arg9[%swap3A_134, %swap3A_135, %swap3A_136] {strides = array<i32>} : memref<2x128x128xf32, #tpu.memory_space<vmem>>, vector<1x1x16xf32>,
      %swap3A_138 = vector.shape_cast %swap3A_137 : vector<1x1x16xf32> to vector<16xf32>
      %swap3A_139 = vector.shape_cast %broadcast_in_dim3A_132 : vector<16xf32> to vector<1x1x16xf32>
      tpu.vector_store %arg9[%swap3A_134, %swap3A_135, %swap3A_136], %swap3A_139 {strides = array<i32>} : memref<2x128x128xf32, #tpu.memory_space<vmem>>, vector<1x1x16xf32>,
    }
    %scan3A_5 = arith.constant 128 : i32
    %mul3A_6 = arith.constant 624 : i32
    %mul3A_7 = arith.muli %arg1, %mul3A_6 : i32
    %add3A_8 = arith.constant 0 : i32
    %add3A_9 = arith.addi %mul3A_7, %add3A_8 : i32
    %run_scoped3A = arith.constant 0 : i32
    "tpu.region"() ({
      %run_scoped3A_69 = tpu.sem_alloc : memref<!tpu.dma_semaphore, #tpu.memory_space<semaphore_mem>>
      %dma_start3A_70 = arith.constant 0 : i32
      %dma_start3A_71 = arith.constant 0 : i32
      %dma_start3A_72 = tpu.memref_slice %arg9[%run_scoped3A, %dma_start3A_70, %dma_start3A_71] : memref<2x128x128xf32, #tpu.memory_space<vmem>> -> memref<1x128x128xf32, #tpu.memory_space<vmem>>
      %dma_start3A_73 = tpu.memref_squeeze %dma_start3A_72 : memref<1x128x128xf32, #tpu.memory_space<vmem>> -> memref<128x128xf32, #tpu.memory_space<vmem>>
      %dma_start3A_74 = arith.constant 0 : i32
      %dma_start3A_75 = tpu.memref_slice %arg6[%add3A_9, %dma_start3A_74] : memref<10000x128xf32, #tpu.memory_space<vmem_shared>> -> memref<128x128xf32, #tpu.memory_space<vmem_shared>>
      %dma_start3A_76 = arith.constant 0 : i32
      %dma_start3A_77 = tpu.memref_slice %arg6[%add3A_9, %dma_start3A_76] : memref<10000x128xf32, #tpu.memory_space<vmem_shared>> -> memref<128x128xf32, #tpu.memory_space<vmem_shared>>
      %dma_start3A_78 = arith.constant 0 : i32
      %dma_start3A_79 = arith.constant 0 : i32
      %dma_start3A_80 = tpu.memref_slice %arg9[%run_scoped3A, %dma_start3A_78, %dma_start3A_79] : memref<2x128x128xf32, #tpu.memory_space<vmem>> -> memref<1x128x128xf32, #tpu.memory_space<vmem>>
      %dma_start3A_81 = tpu.memref_squeeze %dma_start3A_80 : memref<1x128x128xf32, #tpu.memory_space<vmem>> -> memref<128x128xf32, #tpu.memory_space<vmem>>
      tpu.enqueue_dma source(%dma_start3A_81 : memref<128x128xf32, #tpu.memory_space<vmem>>) target(%dma_start3A_77 : memref<128x128xf32, #tpu.memory_space<vmem_shared>>) target_semaphore(%run_scoped3A_69 : memref<!tpu.dma_semaphore, #tpu.memory_space<semaphore_mem>>)
      %dma_wait3A_82 = arith.constant 0 : i32
      %dma_wait3A_83 = arith.constant 0 : i32
      %dma_wait3A_84 = tpu.memref_slice %arg9[%run_scoped3A, %dma_wait3A_82, %dma_wait3A_83] : memref<2x128x128xf32, #tpu.memory_space<vmem>> -> memref<1x128x128xf32, #tpu.memory_space<vmem>>
      %dma_wait3A_85 = tpu.memref_squeeze %dma_wait3A_84 : memref<1x128x128xf32, #tpu.memory_space<vmem>> -> memref<128x128xf32, #tpu.memory_space<vmem>>
      %dma_wait3A_86 = arith.constant 0 : i32
      %dma_wait3A_87 = tpu.memref_slice %arg6[%add3A_9, %dma_wait3A_86] : memref<10000x128xf32, #tpu.memory_space<vmem_shared>> -> memref<128x128xf32, #tpu.memory_space<vmem_shared>>
      %dma_wait3A_88 = arith.constant 0 : i32
      %dma_wait3A_89 = tpu.memref_slice %arg6[%add3A_9, %dma_wait3A_88] : memref<10000x128xf32, #tpu.memory_space<vmem_shared>> -> memref<128x128xf32, #tpu.memory_space<vmem_shared>>
      %dma_wait3A_90 = arith.constant 0 : i32
      %dma_wait3A_91 = arith.constant 0 : i32
      %dma_wait3A_92 = tpu.memref_slice %arg9[%run_scoped3A, %dma_wait3A_90, %dma_wait3A_91] : memref<2x128x128xf32, #tpu.memory_space<vmem>> -> memref<1x128x128xf32, #tpu.memory_space<vmem>>
      %dma_wait3A_93 = tpu.memref_squeeze %dma_wait3A_92 : memref<1x128x128xf32, #tpu.memory_space<vmem>> -> memref<128x128xf32, #tpu.memory_space<vmem>>
      tpu.wait_dma2 semaphore(%run_scoped3A_69 : memref<!tpu.dma_semaphore, #tpu.memory_space<semaphore_mem>>) src(%dma_wait3A_93 : memref<128x128xf32, #tpu.memory_space<vmem>>) dst(%dma_wait3A_89 : memref<128x128xf32, #tpu.memory_space<vmem_shared>>)
      tpu.yield
    }) : () -> ()
    %mul3A_10 = arith.constant 624 : i32
    %mul3A_11 = arith.muli %arg1, %mul3A_10 : i32
    %add3A_12 = arith.constant 128 : i32
    %add3A_13 = arith.addi %mul3A_11, %add3A_12 : i32
    %run_scoped3A_14 = arith.constant 0 : i32
    "tpu.region"() ({
      %run_scoped3A_69 = tpu.sem_alloc : memref<!tpu.dma_semaphore, #tpu.memory_space<semaphore_mem>>
      %dma_start3A_70 = arith.constant 0 : i32
      %dma_start3A_71 = arith.constant 0 : i32
      %dma_start3A_72 = tpu.memref_slice %arg9[%run_scoped3A_14, %dma_start3A_70, %dma_start3A_71] : memref<2x128x128xf32, #tpu.memory_space<vmem>> -> memref<1x128x128xf32, #tpu.memory_space<vmem>>
      %dma_start3A_73 = tpu.memref_squeeze %dma_start3A_72 : memref<1x128x128xf32, #tpu.memory_space<vmem>> -> memref<128x128xf32, #tpu.memory_space<vmem>>
      %dma_start3A_74 = arith.constant 0 : i32
      %dma_start3A_75 = tpu.memref_slice %arg6[%add3A_13, %dma_start3A_74] : memref<10000x128xf32, #tpu.memory_space<vmem_shared>> -> memref<128x128xf32, #tpu.memory_space<vmem_shared>>
      %dma_start3A_76 = arith.constant 0 : i32
      %dma_start3A_77 = tpu.memref_slice %arg6[%add3A_13, %dma_start3A_76] : memref<10000x128xf32, #tpu.memory_space<vmem_shared>> -> memref<128x128xf32, #tpu.memory_space<vmem_shared>>
      %dma_start3A_78 = arith.constant 0 : i32
      %dma_start3A_79 = arith.constant 0 : i32
      %dma_start3A_80 = tpu.memref_slice %arg9[%run_scoped3A_14, %dma_start3A_78, %dma_start3A_79] : memref<2x128x128xf32, #tpu.memory_space<vmem>> -> memref<1x128x128xf32, #tpu.memory_space<vmem>>
      %dma_start3A_81 = tpu.memref_squeeze %dma_start3A_80 : memref<1x128x128xf32, #tpu.memory_space<vmem>> -> memref<128x128xf32, #tpu.memory_space<vmem>>
      tpu.enqueue_dma source(%dma_start3A_81 : memref<128x128xf32, #tpu.memory_space<vmem>>) target(%dma_start3A_77 : memref<128x128xf32, #tpu.memory_space<vmem_shared>>) target_semaphore(%run_scoped3A_69 : memref<!tpu.dma_semaphore, #tpu.memory_space<semaphore_mem>>)
      %dma_wait3A_82 = arith.constant 0 : i32
      %dma_wait3A_83 = arith.constant 0 : i32
      %dma_wait3A_84 = tpu.memref_slice %arg9[%run_scoped3A_14, %dma_wait3A_82, %dma_wait3A_83] : memref<2x128x128xf32, #tpu.memory_space<vmem>> -> memref<1x128x128xf32, #tpu.memory_space<vmem>>
      %dma_wait3A_85 = tpu.memref_squeeze %dma_wait3A_84 : memref<1x128x128xf32, #tpu.memory_space<vmem>> -> memref<128x128xf32, #tpu.memory_space<vmem>>
      %dma_wait3A_86 = arith.constant 0 : i32
      %dma_wait3A_87 = tpu.memref_slice %arg6[%add3A_13, %dma_wait3A_86] : memref<10000x128xf32, #tpu.memory_space<vmem_shared>> -> memref<128x128xf32, #tpu.memory_space<vmem_shared>>
      %dma_wait3A_88 = arith.constant 0 : i32
      %dma_wait3A_89 = tpu.memref_slice %arg6[%add3A_13, %dma_wait3A_88] : memref<10000x128xf32, #tpu.memory_space<vmem_shared>> -> memref<128x128xf32, #tpu.memory_space<vmem_shared>>
      %dma_wait3A_90 = arith.constant 0 : i32
      %dma_wait3A_91 = arith.constant 0 : i32
      %dma_wait3A_92 = tpu.memref_slice %arg9[%run_scoped3A_14, %dma_wait3A_90, %dma_wait3A_91] : memref<2x128x128xf32, #tpu.memory_space<vmem>> -> memref<1x128x128xf32, #tpu.memory_space<vmem>>
      %dma_wait3A_93 = tpu.memref_squeeze %dma_wait3A_92 : memref<1x128x128xf32, #tpu.memory_space<vmem>> -> memref<128x128xf32, #tpu.memory_space<vmem>>
      tpu.wait_dma2 semaphore(%run_scoped3A_69 : memref<!tpu.dma_semaphore, #tpu.memory_space<semaphore_mem>>) src(%dma_wait3A_93 : memref<128x128xf32, #tpu.memory_space<vmem>>) dst(%dma_wait3A_89 : memref<128x128xf32, #tpu.memory_space<vmem_shared>>)
      tpu.yield
    }) : () -> ()
    %mul3A_15 = arith.constant 624 : i32
    %mul3A_16 = arith.muli %arg1, %mul3A_15 : i32
    %add3A_17 = arith.constant 256 : i32
    %add3A_18 = arith.addi %mul3A_16, %add3A_17 : i32
    %run_scoped3A_19 = arith.constant 0 : i32
    "tpu.region"() ({
      %run_scoped3A_69 = tpu.sem_alloc : memref<!tpu.dma_semaphore, #tpu.memory_space<semaphore_mem>>
      %dma_start3A_70 = arith.constant 0 : i32
      %dma_start3A_71 = arith.constant 0 : i32
      %dma_start3A_72 = tpu.memref_slice %arg9[%run_scoped3A_19, %dma_start3A_70, %dma_start3A_71] : memref<2x128x128xf32, #tpu.memory_space<vmem>> -> memref<1x128x128xf32, #tpu.memory_space<vmem>>
      %dma_start3A_73 = tpu.memref_squeeze %dma_start3A_72 : memref<1x128x128xf32, #tpu.memory_space<vmem>> -> memref<128x128xf32, #tpu.memory_space<vmem>>
      %dma_start3A_74 = arith.constant 0 : i32
      %dma_start3A_75 = tpu.memref_slice %arg6[%add3A_18, %dma_start3A_74] : memref<10000x128xf32, #tpu.memory_space<vmem_shared>> -> memref<128x128xf32, #tpu.memory_space<vmem_shared>>
      %dma_start3A_76 = arith.constant 0 : i32
      %dma_start3A_77 = tpu.memref_slice %arg6[%add3A_18, %dma_start3A_76] : memref<10000x128xf32, #tpu.memory_space<vmem_shared>> -> memref<128x128xf32, #tpu.memory_space<vmem_shared>>
      %dma_start3A_78 = arith.constant 0 : i32
      %dma_start3A_79 = arith.constant 0 : i32
      %dma_start3A_80 = tpu.memref_slice %arg9[%run_scoped3A_19, %dma_start3A_78, %dma_start3A_79] : memref<2x128x128xf32, #tpu.memory_space<vmem>> -> memref<1x128x128xf32, #tpu.memory_space<vmem>>
      %dma_start3A_81 = tpu.memref_squeeze %dma_start3A_80 : memref<1x128x128xf32, #tpu.memory_space<vmem>> -> memref<128x128xf32, #tpu.memory_space<vmem>>
      tpu.enqueue_dma source(%dma_start3A_81 : memref<128x128xf32, #tpu.memory_space<vmem>>) target(%dma_start3A_77 : memref<128x128xf32, #tpu.memory_space<vmem_shared>>) target_semaphore(%run_scoped3A_69 : memref<!tpu.dma_semaphore, #tpu.memory_space<semaphore_mem>>)
      %dma_wait3A_82 = arith.constant 0 : i32
      %dma_wait3A_83 = arith.constant 0 : i32
      %dma_wait3A_84 = tpu.memref_slice %arg9[%run_scoped3A_19, %dma_wait3A_82, %dma_wait3A_83] : memref<2x128x128xf32, #tpu.memory_space<vmem>> -> memref<1x128x128xf32, #tpu.memory_space<vmem>>
      %dma_wait3A_85 = tpu.memref_squeeze %dma_wait3A_84 : memref<1x128x128xf32, #tpu.memory_space<vmem>> -> memref<128x128xf32, #tpu.memory_space<vmem>>
      %dma_wait3A_86 = arith.constant 0 : i32
      %dma_wait3A_87 = tpu.memref_slice %arg6[%add3A_18, %dma_wait3A_86] : memref<10000x128xf32, #tpu.memory_space<vmem_shared>> -> memref<128x128xf32, #tpu.memory_space<vmem_shared>>
      %dma_wait3A_88 = arith.constant 0 : i32
      %dma_wait3A_89 = tpu.memref_slice %arg6[%add3A_18, %dma_wait3A_88] : memref<10000x128xf32, #tpu.memory_space<vmem_shared>> -> memref<128x128xf32, #tpu.memory_space<vmem_shared>>
      %dma_wait3A_90 = arith.constant 0 : i32
      %dma_wait3A_91 = arith.constant 0 : i32
      %dma_wait3A_92 = tpu.memref_slice %arg9[%run_scoped3A_19, %dma_wait3A_90, %dma_wait3A_91] : memref<2x128x128xf32, #tpu.memory_space<vmem>> -> memref<1x128x128xf32, #tpu.memory_space<vmem>>
      %dma_wait3A_93 = tpu.memref_squeeze %dma_wait3A_92 : memref<1x128x128xf32, #tpu.memory_space<vmem>> -> memref<128x128xf32, #tpu.memory_space<vmem>>
      tpu.wait_dma2 semaphore(%run_scoped3A_69 : memref<!tpu.dma_semaphore, #tpu.memory_space<semaphore_mem>>) src(%dma_wait3A_93 : memref<128x128xf32, #tpu.memory_space<vmem>>) dst(%dma_wait3A_89 : memref<128x128xf32, #tpu.memory_space<vmem_shared>>)
      tpu.yield
    }) : () -> ()
    %mul3A_20 = arith.constant 624 : i32
    %mul3A_21 = arith.muli %arg1, %mul3A_20 : i32
    %add3A_22 = arith.constant 384 : i32
    %add3A_23 = arith.addi %mul3A_21, %add3A_22 : i32
    %run_scoped3A_24 = arith.constant 0 : i32
    "tpu.region"() ({
      %run_scoped3A_69 = tpu.sem_alloc : memref<!tpu.dma_semaphore, #tpu.memory_space<semaphore_mem>>
      %dma_start3A_70 = arith.constant 0 : i32
      %dma_start3A_71 = arith.constant 0 : i32
      %dma_start3A_72 = tpu.memref_slice %arg9[%run_scoped3A_24, %dma_start3A_70, %dma_start3A_71] : memref<2x128x128xf32, #tpu.memory_space<vmem>> -> memref<1x128x128xf32, #tpu.memory_space<vmem>>
      %dma_start3A_73 = tpu.memref_squeeze %dma_start3A_72 : memref<1x128x128xf32, #tpu.memory_space<vmem>> -> memref<128x128xf32, #tpu.memory_space<vmem>>
      %dma_start3A_74 = arith.constant 0 : i32
      %dma_start3A_75 = tpu.memref_slice %arg6[%add3A_23, %dma_start3A_74] : memref<10000x128xf32, #tpu.memory_space<vmem_shared>> -> memref<128x128xf32, #tpu.memory_space<vmem_shared>>
      %dma_start3A_76 = arith.constant 0 : i32
      %dma_start3A_77 = tpu.memref_slice %arg6[%add3A_23, %dma_start3A_76] : memref<10000x128xf32, #tpu.memory_space<vmem_shared>> -> memref<128x128xf32, #tpu.memory_space<vmem_shared>>
      %dma_start3A_78 = arith.constant 0 : i32
      %dma_start3A_79 = arith.constant 0 : i32
      %dma_start3A_80 = tpu.memref_slice %arg9[%run_scoped3A_24, %dma_start3A_78, %dma_start3A_79] : memref<2x128x128xf32, #tpu.memory_space<vmem>> -> memref<1x128x128xf32, #tpu.memory_space<vmem>>
      %dma_start3A_81 = tpu.memref_squeeze %dma_start3A_80 : memref<1x128x128xf32, #tpu.memory_space<vmem>> -> memref<128x128xf32, #tpu.memory_space<vmem>>
      tpu.enqueue_dma source(%dma_start3A_81 : memref<128x128xf32, #tpu.memory_space<vmem>>) target(%dma_start3A_77 : memref<128x128xf32, #tpu.memory_space<vmem_shared>>) target_semaphore(%run_scoped3A_69 : memref<!tpu.dma_semaphore, #tpu.memory_space<semaphore_mem>>)
      %dma_wait3A_82 = arith.constant 0 : i32
      %dma_wait3A_83 = arith.constant 0 : i32
      %dma_wait3A_84 = tpu.memref_slice %arg9[%run_scoped3A_24, %dma_wait3A_82, %dma_wait3A_83] : memref<2x128x128xf32, #tpu.memory_space<vmem>> -> memref<1x128x128xf32, #tpu.memory_space<vmem>>
      %dma_wait3A_85 = tpu.memref_squeeze %dma_wait3A_84 : memref<1x128x128xf32, #tpu.memory_space<vmem>> -> memref<128x128xf32, #tpu.memory_space<vmem>>
      %dma_wait3A_86 = arith.constant 0 : i32
      %dma_wait3A_87 = tpu.memref_slice %arg6[%add3A_23, %dma_wait3A_86] : memref<10000x128xf32, #tpu.memory_space<vmem_shared>> -> memref<128x128xf32, #tpu.memory_space<vmem_shared>>
      %dma_wait3A_88 = arith.constant 0 : i32
      %dma_wait3A_89 = tpu.memref_slice %arg6[%add3A_23, %dma_wait3A_88] : memref<10000x128xf32, #tpu.memory_space<vmem_shared>> -> memref<128x128xf32, #tpu.memory_space<vmem_shared>>
      %dma_wait3A_90 = arith.constant 0 : i32
      %dma_wait3A_91 = arith.constant 0 : i32
      %dma_wait3A_92 = tpu.memref_slice %arg9[%run_scoped3A_24, %dma_wait3A_90, %dma_wait3A_91] : memref<2x128x128xf32, #tpu.memory_space<vmem>> -> memref<1x128x128xf32, #tpu.memory_space<vmem>>
      %dma_wait3A_93 = tpu.memref_squeeze %dma_wait3A_92 : memref<1x128x128xf32, #tpu.memory_space<vmem>> -> memref<128x128xf32, #tpu.memory_space<vmem>>
      tpu.wait_dma2 semaphore(%run_scoped3A_69 : memref<!tpu.dma_semaphore, #tpu.memory_space<semaphore_mem>>) src(%dma_wait3A_93 : memref<128x128xf32, #tpu.memory_space<vmem>>) dst(%dma_wait3A_89 : memref<128x128xf32, #tpu.memory_space<vmem_shared>>)
      tpu.yield
    }) : () -> ()
    %mul3A_25 = arith.constant 624 : i32
    %mul3A_26 = arith.muli %arg1, %mul3A_25 : i32
    %add3A_27 = arith.constant 512 : i32
    %add3A_28 = arith.addi %mul3A_26, %add3A_27 : i32
    %run_scoped3A_29 = arith.constant 0 : i32
    "tpu.region"() ({
      %run_scoped3A_69 = tpu.sem_alloc : memref<!tpu.dma_semaphore, #tpu.memory_space<semaphore_mem>>
      %dma_start3A_70 = arith.constant 0 : i32
      %dma_start3A_71 = arith.constant 0 : i32
      %dma_start3A_72 = tpu.memref_slice %arg9[%run_scoped3A_29, %dma_start3A_70, %dma_start3A_71] : memref<2x128x128xf32, #tpu.memory_space<vmem>> -> memref<1x112x128xf32, #tpu.memory_space<vmem>>
      %dma_start3A_73 = tpu.memref_squeeze %dma_start3A_72 : memref<1x112x128xf32, #tpu.memory_space<vmem>> -> memref<112x128xf32, #tpu.memory_space<vmem>>
      %dma_start3A_74 = arith.constant 0 : i32
      %dma_start3A_75 = tpu.memref_slice %arg6[%add3A_28, %dma_start3A_74] : memref<10000x128xf32, #tpu.memory_space<vmem_shared>> -> memref<112x128xf32, #tpu.memory_space<vmem_shared>>
      %dma_start3A_76 = arith.constant 0 : i32
      %dma_start3A_77 = tpu.memref_slice %arg6[%add3A_28, %dma_start3A_76] : memref<10000x128xf32, #tpu.memory_space<vmem_shared>> -> memref<112x128xf32, #tpu.memory_space<vmem_shared>>
      %dma_start3A_78 = arith.constant 0 : i32
      %dma_start3A_79 = arith.constant 0 : i32
      %dma_start3A_80 = tpu.memref_slice %arg9[%run_scoped3A_29, %dma_start3A_78, %dma_start3A_79] : memref<2x128x128xf32, #tpu.memory_space<vmem>> -> memref<1x112x128xf32, #tpu.memory_space<vmem>>
      %dma_start3A_81 = tpu.memref_squeeze %dma_start3A_80 : memref<1x112x128xf32, #tpu.memory_space<vmem>> -> memref<112x128xf32, #tpu.memory_space<vmem>>
      tpu.enqueue_dma source(%dma_start3A_81 : memref<112x128xf32, #tpu.memory_space<vmem>>) target(%dma_start3A_77 : memref<112x128xf32, #tpu.memory_space<vmem_shared>>) target_semaphore(%run_scoped3A_69 : memref<!tpu.dma_semaphore, #tpu.memory_space<semaphore_mem>>)
      %dma_wait3A_82 = arith.constant 0 : i32
      %dma_wait3A_83 = arith.constant 0 : i32
      %dma_wait3A_84 = tpu.memref_slice %arg9[%run_scoped3A_29, %dma_wait3A_82, %dma_wait3A_83] : memref<2x128x128xf32, #tpu.memory_space<vmem>> -> memref<1x112x128xf32, #tpu.memory_space<vmem>>
      %dma_wait3A_85 = tpu.memref_squeeze %dma_wait3A_84 : memref<1x112x128xf32, #tpu.memory_space<vmem>> -> memref<112x128xf32, #tpu.memory_space<vmem>>
      %dma_wait3A_86 = arith.constant 0 : i32
      %dma_wait3A_87 = tpu.memref_slice %arg6[%add3A_28, %dma_wait3A_86] : memref<10000x128xf32, #tpu.memory_space<vmem_shared>> -> memref<112x128xf32, #tpu.memory_space<vmem_shared>>
      %dma_wait3A_88 = arith.constant 0 : i32
      %dma_wait3A_89 = tpu.memref_slice %arg6[%add3A_28, %dma_wait3A_88] : memref<10000x128xf32, #tpu.memory_space<vmem_shared>> -> memref<112x128xf32, #tpu.memory_space<vmem_shared>>
      %dma_wait3A_90 = arith.constant 0 : i32
      %dma_wait3A_91 = arith.constant 0 : i32
      %dma_wait3A_92 = tpu.memref_slice %arg9[%run_scoped3A_29, %dma_wait3A_90, %dma_wait3A_91] : memref<2x128x128xf32, #tpu.memory_space<vmem>> -> memref<1x112x128xf32, #tpu.memory_space<vmem>>
      %dma_wait3A_93 = tpu.memref_squeeze %dma_wait3A_92 : memref<1x112x128xf32, #tpu.memory_space<vmem>> -> memref<112x128xf32, #tpu.memory_space<vmem>>
      tpu.wait_dma2 semaphore(%run_scoped3A_69 : memref<!tpu.dma_semaphore, #tpu.memory_space<semaphore_mem>>) src(%dma_wait3A_93 : memref<112x128xf32, #tpu.memory_space<vmem>>) dst(%dma_wait3A_89 : memref<112x128xf32, #tpu.memory_space<vmem_shared>>)
      tpu.yield
    }) : () -> ()
    %eq3A = arith.constant 15 : i32
    %eq3A_30 = arith.cmpi eq, %arg1, %eq3A : i32
    %convert_element_type3A = arith.extui %eq3A_30 : i1 to i32
    %cond3A = arith.constant 0 : i32
    %cond3A_31 = arith.cmpi ne, %convert_element_type3A, %cond3A : i32
    scf.if %cond3A_31 {
      %run_scoped3A_69 = arith.constant 0 : i32
      "tpu.region"() ({
        %run_scoped3A_70 = tpu.sem_alloc : memref<!tpu.dma_semaphore, #tpu.memory_space<semaphore_mem>>
        %dma_start3A_71 = arith.constant 0 : i32
        %dma_start3A_72 = arith.constant 0 : i32
        %dma_start3A_73 = tpu.memref_slice %arg9[%run_scoped3A_69, %dma_start3A_71, %dma_start3A_72] : memref<2x128x128xf32, #tpu.memory_space<vmem>> -> memref<1x16x128xf32, #tpu.memory_space<vmem>>
        %dma_start3A_74 = tpu.memref_squeeze %dma_start3A_73 : memref<1x16x128xf32, #tpu.memory_space<vmem>> -> memref<16x128xf32, #tpu.memory_space<vmem>>
        %dma_start3A_75 = arith.constant 9984 : i32
        %dma_start3A_76 = arith.constant 0 : i32
        %dma_start3A_77 = tpu.memref_slice %arg6[%dma_start3A_75, %dma_start3A_76] : memref<10000x128xf32, #tpu.memory_space<vmem_shared>> -> memref<16x128xf32, #tpu.memory_space<vmem_shared>>
        %dma_start3A_78 = arith.constant 9984 : i32
        %dma_start3A_79 = arith.constant 0 : i32
        %dma_start3A_80 = tpu.memref_slice %arg6[%dma_start3A_78, %dma_start3A_79] : memref<10000x128xf32, #tpu.memory_space<vmem_shared>> -> memref<16x128xf32, #tpu.memory_space<vmem_shared>>
        %dma_start3A_81 = arith.constant 0 : i32
        %dma_start3A_82 = arith.constant 0 : i32
        %dma_start3A_83 = tpu.memref_slice %arg9[%run_scoped3A_69, %dma_start3A_81, %dma_start3A_82] : memref<2x128x128xf32, #tpu.memory_space<vmem>> -> memref<1x16x128xf32, #tpu.memory_space<vmem>>
        %dma_start3A_84 = tpu.memref_squeeze %dma_start3A_83 : memref<1x16x128xf32, #tpu.memory_space<vmem>> -> memref<16x128xf32, #tpu.memory_space<vmem>>
        tpu.enqueue_dma source(%dma_start3A_84 : memref<16x128xf32, #tpu.memory_space<vmem>>) target(%dma_start3A_80 : memref<16x128xf32, #tpu.memory_space<vmem_shared>>) target_semaphore(%run_scoped3A_70 : memref<!tpu.dma_semaphore, #tpu.memory_space<semaphore_mem>>)
        %dma_wait3A_85 = arith.constant 0 : i32
        %dma_wait3A_86 = arith.constant 0 : i32
        %dma_wait3A_87 = tpu.memref_slice %arg9[%run_scoped3A_69, %dma_wait3A_85, %dma_wait3A_86] : memref<2x128x128xf32, #tpu.memory_space<vmem>> -> memref<1x16x128xf32, #tpu.memory_space<vmem>>
        %dma_wait3A_88 = tpu.memref_squeeze %dma_wait3A_87 : memref<1x16x128xf32, #tpu.memory_space<vmem>> -> memref<16x128xf32, #tpu.memory_space<vmem>>
        %dma_wait3A_89 = arith.constant 9984 : i32
        %dma_wait3A_90 = arith.constant 0 : i32
        %dma_wait3A_91 = tpu.memref_slice %arg6[%dma_wait3A_89, %dma_wait3A_90] : memref<10000x128xf32, #tpu.memory_space<vmem_shared>> -> memref<16x128xf32, #tpu.memory_space<vmem_shared>>
        %dma_wait3A_92 = arith.constant 9984 : i32
        %dma_wait3A_93 = arith.constant 0 : i32
        %dma_wait3A_94 = tpu.memref_slice %arg6[%dma_wait3A_92, %dma_wait3A_93] : memref<10000x128xf32, #tpu.memory_space<vmem_shared>> -> memref<16x128xf32, #tpu.memory_space<vmem_shared>>
        %dma_wait3A_95 = arith.constant 0 : i32
        %dma_wait3A_96 = arith.constant 0 : i32
        %dma_wait3A_97 = tpu.memref_slice %arg9[%run_scoped3A_69, %dma_wait3A_95, %dma_wait3A_96] : memref<2x128x128xf32, #tpu.memory_space<vmem>> -> memref<1x16x128xf32, #tpu.memory_space<vmem>>
        %dma_wait3A_98 = tpu.memref_squeeze %dma_wait3A_97 : memref<1x16x128xf32, #tpu.memory_space<vmem>> -> memref<16x128xf32, #tpu.memory_space<vmem>>
        tpu.wait_dma2 semaphore(%run_scoped3A_70 : memref<!tpu.dma_semaphore, #tpu.memory_space<semaphore_mem>>) src(%dma_wait3A_98 : memref<16x128xf32, #tpu.memory_space<vmem>>) dst(%dma_wait3A_94 : memref<16x128xf32, #tpu.memory_space<vmem_shared>>)
        tpu.yield
      }) : () -> ()
    } else {
    }
    %barrier3A = arith.constant 0 : index
    tpu.barrier barrier_id(%barrier3A)
    %mul3A_32 = arith.constant 10000 : i32
    %mul3A_33 = arith.muli %add3A, %mul3A_32 : i32
    %scan3A_34 = arith.constant 0 : i32
    %scan3A_35 = arith.constant 0 : i32
    %scan3A_36 = arith.constant 39 : i32
    %scan3A_37 = arith.addi %scan3A_35, %scan3A_36 : i32
    %scan3A_38 = arith.constant 1 : i32
    scf.for %scan3A_69 = %scan3A_35 to %scan3A_37 step %scan3A_38  : i32 {
      %mul3A_70 = arith.constant 2 : i32
      %mul3A_71 = arith.muli %scan3A_69, %mul3A_70 : i32
      %add3A_72 = arith.constant 0 : i32
      %add3A_73 = arith.addi %mul3A_71, %add3A_72 : i32
      %mul3A_74 = arith.constant 128 : i32
      %mul3A_75 = arith.muli %add3A_73, %mul3A_74 : i32
      %add3A_76 = arith.addi %mul3A_33, %mul3A_75 : i32
      %run_scoped3A_77 = arith.constant 0 : i32
      "tpu.region"() ({
        %run_scoped3A_145 = tpu.sem_alloc : memref<!tpu.dma_semaphore, #tpu.memory_space<semaphore_mem>>
        %dma_start3A_146 = arith.constant 0 : i32
        %dma_start3A_147 = tpu.memref_slice %arg7[%run_scoped3A_77, %dma_start3A_146] : memref<2x128xi32, #tpu.memory_space<vmem>> -> memref<1x128xi32, #tpu.memory_space<vmem>>
        %dma_start3A_148 = tpu.memref_squeeze %dma_start3A_147 : memref<1x128xi32, #tpu.memory_space<vmem>> -> memref<128xi32, #tpu.memory_space<vmem>>
        %dma_start3A_149 = tpu.memref_slice %arg3[%add3A_76] : memref<320000xi32, #tpu.memory_space<hbm>> -> memref<128xi32, #tpu.memory_space<hbm>>
        %dma_start3A_150 = arith.constant 0 : i32
        %dma_start3A_151 = tpu.memref_slice %arg7[%run_scoped3A_77, %dma_start3A_150] : memref<2x128xi32, #tpu.memory_space<vmem>> -> memref<1x128xi32, #tpu.memory_space<vmem>>
        %dma_start3A_152 = tpu.memref_squeeze %dma_start3A_151 : memref<1x128xi32, #tpu.memory_space<vmem>> -> memref<128xi32, #tpu.memory_space<vmem>>
        %dma_start3A_153 = tpu.memref_slice %arg3[%add3A_76] : memref<320000xi32, #tpu.memory_space<hbm>> -> memref<128xi32, #tpu.memory_space<hbm>>
        tpu.enqueue_dma source(%dma_start3A_153 : memref<128xi32, #tpu.memory_space<hbm>>) target(%dma_start3A_152 : memref<128xi32, #tpu.memory_space<vmem>>) target_semaphore(%run_scoped3A_145 : memref<!tpu.dma_semaphore, #tpu.memory_space<semaphore_mem>>)
        %dma_wait3A_154 = arith.constant 0 : i32
        %dma_wait3A_155 = tpu.memref_slice %arg7[%run_scoped3A_77, %dma_wait3A_154] : memref<2x128xi32, #tpu.memory_space<vmem>> -> memref<1x128xi32, #tpu.memory_space<vmem>>
        %dma_wait3A_156 = tpu.memref_squeeze %dma_wait3A_155 : memref<1x128xi32, #tpu.memory_space<vmem>> -> memref<128xi32, #tpu.memory_space<vmem>>
        %dma_wait3A_157 = tpu.memref_slice %arg3[%add3A_76] : memref<320000xi32, #tpu.memory_space<hbm>> -> memref<128xi32, #tpu.memory_space<hbm>>
        %dma_wait3A_158 = arith.constant 0 : i32
        %dma_wait3A_159 = tpu.memref_slice %arg7[%run_scoped3A_77, %dma_wait3A_158] : memref<2x128xi32, #tpu.memory_space<vmem>> -> memref<1x128xi32, #tpu.memory_space<vmem>>
        %dma_wait3A_160 = tpu.memref_squeeze %dma_wait3A_159 : memref<1x128xi32, #tpu.memory_space<vmem>> -> memref<128xi32, #tpu.memory_space<vmem>>
        %dma_wait3A_161 = tpu.memref_slice %arg3[%add3A_76] : memref<320000xi32, #tpu.memory_space<hbm>> -> memref<128xi32, #tpu.memory_space<hbm>>
        tpu.wait_dma2 semaphore(%run_scoped3A_145 : memref<!tpu.dma_semaphore, #tpu.memory_space<semaphore_mem>>) src(%dma_wait3A_161 : memref<128xi32, #tpu.memory_space<hbm>>) dst(%dma_wait3A_160 : memref<128xi32, #tpu.memory_space<vmem>>)
        tpu.yield
      }) : () -> ()
      %run_scoped3A_78 = arith.constant 0 : i32
      "tpu.region"() ({
        %run_scoped3A_145 = tpu.sem_alloc : memref<!tpu.dma_semaphore, #tpu.memory_space<semaphore_mem>>
        %dma_start3A_146 = arith.constant 0 : i32
        %dma_start3A_147 = tpu.memref_slice %arg8[%run_scoped3A_78, %dma_start3A_146] : memref<2x128xi32, #tpu.memory_space<vmem>> -> memref<1x128xi32, #tpu.memory_space<vmem>>
        %dma_start3A_148 = tpu.memref_squeeze %dma_start3A_147 : memref<1x128xi32, #tpu.memory_space<vmem>> -> memref<128xi32, #tpu.memory_space<vmem>>
        %dma_start3A_149 = tpu.memref_slice %arg4[%add3A_76] : memref<320000xi32, #tpu.memory_space<hbm>> -> memref<128xi32, #tpu.memory_space<hbm>>
        %dma_start3A_150 = arith.constant 0 : i32
        %dma_start3A_151 = tpu.memref_slice %arg8[%run_scoped3A_78, %dma_start3A_150] : memref<2x128xi32, #tpu.memory_space<vmem>> -> memref<1x128xi32, #tpu.memory_space<vmem>>
        %dma_start3A_152 = tpu.memref_squeeze %dma_start3A_151 : memref<1x128xi32, #tpu.memory_space<vmem>> -> memref<128xi32, #tpu.memory_space<vmem>>
        %dma_start3A_153 = tpu.memref_slice %arg4[%add3A_76] : memref<320000xi32, #tpu.memory_space<hbm>> -> memref<128xi32, #tpu.memory_space<hbm>>
        tpu.enqueue_dma source(%dma_start3A_153 : memref<128xi32, #tpu.memory_space<hbm>>) target(%dma_start3A_152 : memref<128xi32, #tpu.memory_space<vmem>>) target_semaphore(%run_scoped3A_145 : memref<!tpu.dma_semaphore, #tpu.memory_space<semaphore_mem>>)
        %dma_wait3A_154 = arith.constant 0 : i32
        %dma_wait3A_155 = tpu.memref_slice %arg8[%run_scoped3A_78, %dma_wait3A_154] : memref<2x128xi32, #tpu.memory_space<vmem>> -> memref<1x128xi32, #tpu.memory_space<vmem>>
        %dma_wait3A_156 = tpu.memref_squeeze %dma_wait3A_155 : memref<1x128xi32, #tpu.memory_space<vmem>> -> memref<128xi32, #tpu.memory_space<vmem>>
        %dma_wait3A_157 = tpu.memref_slice %arg4[%add3A_76] : memref<320000xi32, #tpu.memory_space<hbm>> -> memref<128xi32, #tpu.memory_space<hbm>>
        %dma_wait3A_158 = arith.constant 0 : i32
        %dma_wait3A_159 = tpu.memref_slice %arg8[%run_scoped3A_78, %dma_wait3A_158] : memref<2x128xi32, #tpu.memory_space<vmem>> -> memref<1x128xi32, #tpu.memory_space<vmem>>
        %dma_wait3A_160 = tpu.memref_squeeze %dma_wait3A_159 : memref<1x128xi32, #tpu.memory_space<vmem>> -> memref<128xi32, #tpu.memory_space<vmem>>
        %dma_wait3A_161 = tpu.memref_slice %arg4[%add3A_76] : memref<320000xi32, #tpu.memory_space<hbm>> -> memref<128xi32, #tpu.memory_space<hbm>>
        tpu.wait_dma2 semaphore(%run_scoped3A_145 : memref<!tpu.dma_semaphore, #tpu.memory_space<semaphore_mem>>) src(%dma_wait3A_161 : memref<128xi32, #tpu.memory_space<hbm>>) dst(%dma_wait3A_160 : memref<128xi32, #tpu.memory_space<vmem>>)
        tpu.yield
      }) : () -> ()
      %dma_start3A_79 = arith.constant 0 : i32
      %dma_start3A_80 = arith.constant 0 : i32
      %dma_start3A_81 = arith.constant 0 : i32
      %dma_start3A_82 = arith.constant 0 : i32
      %dma_start3A_83 = tpu.memref_slice %arg9[%dma_start3A_80, %dma_start3A_81, %dma_start3A_82] : memref<2x128x128xf32, #tpu.memory_space<vmem>> -> memref<1x128x128xf32, #tpu.memory_space<vmem>>
      %dma_start3A_84 = tpu.memref_squeeze %dma_start3A_83 : memref<1x128x128xf32, #tpu.memory_space<vmem>> -> memref<128x128xf32, #tpu.memory_space<vmem>>
      %dma_start3A_85 = arith.constant 0 : i32
      %dma_start3A_86 = tpu.memref_slice %arg7[%dma_start3A_79, %dma_start3A_85] : memref<2x128xi32, #tpu.memory_space<vmem>> -> memref<1x128xi32, #tpu.memory_space<vmem>>
      %dma_start3A_87 = tpu.memref_squeeze %dma_start3A_86 : memref<1x128xi32, #tpu.memory_space<vmem>> -> memref<128xi32, #tpu.memory_space<vmem>>
      %dma_start3A_88 = arith.constant 0 : i32
      %dma_start3A_89 = arith.constant 0 : i32
      %dma_start3A_90 = tpu.memref_slice %arg2[%dma_start3A_88, %dma_start3A_89] : memref<10000x128xf32, #tpu.memory_space<hbm>> -> memref<10000x128xf32, #tpu.memory_space<hbm>>
      tpu.enqueue_indirect_dma source(%dma_start3A_90 : memref<10000x128xf32, #tpu.memory_space<hbm>>) target(%dma_start3A_84 : memref<128x128xf32, #tpu.memory_space<vmem>>) offsets(%dma_start3A_87 : memref<128xi32, #tpu.memory_space<vmem>>) semaphore(%arg12 : memref<!tpu.dma_semaphore, #tpu.memory_space<semaphore_mem>>)
      %ge3A = arith.constant 1 : i32
      %ge3A_91 = arith.cmpi sge, %add3A_73, %ge3A : i32
      %convert_element_type3A_92 = arith.extui %ge3A_91 : i1 to i32
      %cond3A_93 = arith.constant 0 : i32
      %cond3A_94 = arith.cmpi ne, %convert_element_type3A_92, %cond3A_93 : i32
      scf.if %cond3A_94 {
        %run_scoped3A_145 = arith.constant 1 : i32
        %run_scoped3A_146 = arith.constant 1 : i32
        "tpu.region"() ({
          %run_scoped3A_147 = tpu.sem_alloc : memref<!tpu.dma_semaphore, #tpu.memory_space<semaphore_mem>>
          %dma_start3A_148 = arith.constant 0 : i32
          %dma_start3A_149 = arith.constant 0 : i32
          %dma_start3A_150 = tpu.memref_slice %arg9[%run_scoped3A_145, %dma_start3A_148, %dma_start3A_149] : memref<2x128x128xf32, #tpu.memory_space<vmem>> -> memref<1x128x128xf32, #tpu.memory_space<vmem>>
          %dma_start3A_151 = tpu.memref_squeeze %dma_start3A_150 : memref<1x128x128xf32, #tpu.memory_space<vmem>> -> memref<128x128xf32, #tpu.memory_space<vmem>>
          %dma_start3A_152 = arith.constant 0 : i32
          %dma_start3A_153 = tpu.memref_slice %arg8[%run_scoped3A_146, %dma_start3A_152] : memref<2x128xi32, #tpu.memory_space<vmem>> -> memref<1x128xi32, #tpu.memory_space<vmem>>
          %dma_start3A_154 = tpu.memref_squeeze %dma_start3A_153 : memref<1x128xi32, #tpu.memory_space<vmem>> -> memref<128xi32, #tpu.memory_space<vmem>>
          %dma_start3A_155 = arith.constant 0 : i32
          %dma_start3A_156 = arith.constant 0 : i32
          %dma_start3A_157 = tpu.memref_slice %arg6[%dma_start3A_155, %dma_start3A_156] : memref<10000x128xf32, #tpu.memory_space<vmem_shared>> -> memref<10000x128xf32, #tpu.memory_space<vmem_shared>>
          tpu.enqueue_indirect_dma source(%dma_start3A_151 : memref<128x128xf32, #tpu.memory_space<vmem>>) target(%dma_start3A_157 : memref<10000x128xf32, #tpu.memory_space<vmem_shared>>) offsets(%dma_start3A_154 : memref<128xi32, #tpu.memory_space<vmem>>) semaphore(%run_scoped3A_147 : memref<!tpu.dma_semaphore, #tpu.memory_space<semaphore_mem>>) {add = true}
          %dma_wait3A_158 = arith.constant 0 : i32
          %dma_wait3A_159 = arith.constant 0 : i32
          %dma_wait3A_160 = tpu.memref_slice %arg9[%run_scoped3A_145, %dma_wait3A_158, %dma_wait3A_159] : memref<2x128x128xf32, #tpu.memory_space<vmem>> -> memref<1x128x128xf32, #tpu.memory_space<vmem>>
          %dma_wait3A_161 = tpu.memref_squeeze %dma_wait3A_160 : memref<1x128x128xf32, #tpu.memory_space<vmem>> -> memref<128x128xf32, #tpu.memory_space<vmem>>
          %dma_wait3A_162 = arith.constant 0 : i32
          %dma_wait3A_163 = tpu.memref_slice %arg8[%run_scoped3A_146, %dma_wait3A_162] : memref<2x128xi32, #tpu.memory_space<vmem>> -> memref<1x128xi32, #tpu.memory_space<vmem>>
          %dma_wait3A_164 = tpu.memref_squeeze %dma_wait3A_163 : memref<1x128xi32, #tpu.memory_space<vmem>> -> memref<128xi32, #tpu.memory_space<vmem>>
          %dma_wait3A_165 = arith.constant 0 : i32
          %dma_wait3A_166 = arith.constant 0 : i32
          %dma_wait3A_167 = tpu.memref_slice %arg6[%dma_wait3A_165, %dma_wait3A_166] : memref<10000x128xf32, #tpu.memory_space<vmem_shared>> -> memref<10000x128xf32, #tpu.memory_space<vmem_shared>>
          tpu.wait_indirect_dma semaphore(%run_scoped3A_147 : memref<!tpu.dma_semaphore, #tpu.memory_space<semaphore_mem>>) src(%dma_wait3A_161 : memref<128x128xf32, #tpu.memory_space<vmem>>) dst(%dma_wait3A_167 : memref<10000x128xf32, #tpu.memory_space<vmem_shared>>)
          tpu.yield
        }) : () -> ()
      } else {
      }
      %dma_wait3A_95 = arith.constant 0 : i32
      %dma_wait3A_96 = arith.constant 0 : i32
      %dma_wait3A_97 = arith.constant 0 : i32
      %dma_wait3A_98 = arith.constant 0 : i32
      %dma_wait3A_99 = tpu.memref_slice %arg9[%dma_wait3A_96, %dma_wait3A_97, %dma_wait3A_98] : memref<2x128x128xf32, #tpu.memory_space<vmem>> -> memref<1x128x128xf32, #tpu.memory_space<vmem>>
      %dma_wait3A_100 = tpu.memref_squeeze %dma_wait3A_99 : memref<1x128x128xf32, #tpu.memory_space<vmem>> -> memref<128x128xf32, #tpu.memory_space<vmem>>
      %dma_wait3A_101 = arith.constant 0 : i32
      %dma_wait3A_102 = tpu.memref_slice %arg7[%dma_wait3A_95, %dma_wait3A_101] : memref<2x128xi32, #tpu.memory_space<vmem>> -> memref<1x128xi32, #tpu.memory_space<vmem>>
      %dma_wait3A_103 = tpu.memref_squeeze %dma_wait3A_102 : memref<1x128xi32, #tpu.memory_space<vmem>> -> memref<128xi32, #tpu.memory_space<vmem>>
      %dma_wait3A_104 = arith.constant 0 : i32
      %dma_wait3A_105 = arith.constant 0 : i32
      %dma_wait3A_106 = tpu.memref_slice %arg2[%dma_wait3A_104, %dma_wait3A_105] : memref<10000x128xf32, #tpu.memory_space<hbm>> -> memref<10000x128xf32, #tpu.memory_space<hbm>>
      tpu.wait_indirect_dma semaphore(%arg12 : memref<!tpu.dma_semaphore, #tpu.memory_space<semaphore_mem>>) src(%dma_wait3A_106 : memref<10000x128xf32, #tpu.memory_space<hbm>>) dst(%dma_wait3A_100 : memref<128x128xf32, #tpu.memory_space<vmem>>)
      %mul3A_107 = arith.constant 2 : i32
      %mul3A_108 = arith.muli %scan3A_69, %mul3A_107 : i32
      %add3A_109 = arith.constant 1 : i32
      %add3A_110 = arith.addi %mul3A_108, %add3A_109 : i32
      %mul3A_111 = arith.constant 128 : i32
      %mul3A_112 = arith.muli %add3A_110, %mul3A_111 : i32
      %add3A_113 = arith.addi %mul3A_33, %mul3A_112 : i32
      %run_scoped3A_114 = arith.constant 1 : i32
      "tpu.region"() ({
        %run_scoped3A_145 = tpu.sem_alloc : memref<!tpu.dma_semaphore, #tpu.memory_space<semaphore_mem>>
        %dma_start3A_146 = arith.constant 0 : i32
        %dma_start3A_147 = tpu.memref_slice %arg7[%run_scoped3A_114, %dma_start3A_146] : memref<2x128xi32, #tpu.memory_space<vmem>> -> memref<1x128xi32, #tpu.memory_space<vmem>>
        %dma_start3A_148 = tpu.memref_squeeze %dma_start3A_147 : memref<1x128xi32, #tpu.memory_space<vmem>> -> memref<128xi32, #tpu.memory_space<vmem>>
        %dma_start3A_149 = tpu.memref_slice %arg3[%add3A_113] : memref<320000xi32, #tpu.memory_space<hbm>> -> memref<128xi32, #tpu.memory_space<hbm>>
        %dma_start3A_150 = arith.constant 0 : i32
        %dma_start3A_151 = tpu.memref_slice %arg7[%run_scoped3A_114, %dma_start3A_150] : memref<2x128xi32, #tpu.memory_space<vmem>> -> memref<1x128xi32, #tpu.memory_space<vmem>>
        %dma_start3A_152 = tpu.memref_squeeze %dma_start3A_151 : memref<1x128xi32, #tpu.memory_space<vmem>> -> memref<128xi32, #tpu.memory_space<vmem>>
        %dma_start3A_153 = tpu.memref_slice %arg3[%add3A_113] : memref<320000xi32, #tpu.memory_space<hbm>> -> memref<128xi32, #tpu.memory_space<hbm>>
        tpu.enqueue_dma source(%dma_start3A_153 : memref<128xi32, #tpu.memory_space<hbm>>) target(%dma_start3A_152 : memref<128xi32, #tpu.memory_space<vmem>>) target_semaphore(%run_scoped3A_145 : memref<!tpu.dma_semaphore, #tpu.memory_space<semaphore_mem>>)
        %dma_wait3A_154 = arith.constant 0 : i32
        %dma_wait3A_155 = tpu.memref_slice %arg7[%run_scoped3A_114, %dma_wait3A_154] : memref<2x128xi32, #tpu.memory_space<vmem>> -> memref<1x128xi32, #tpu.memory_space<vmem>>
        %dma_wait3A_156 = tpu.memref_squeeze %dma_wait3A_155 : memref<1x128xi32, #tpu.memory_space<vmem>> -> memref<128xi32, #tpu.memory_space<vmem>>
        %dma_wait3A_157 = tpu.memref_slice %arg3[%add3A_113] : memref<320000xi32, #tpu.memory_space<hbm>> -> memref<128xi32, #tpu.memory_space<hbm>>
        %dma_wait3A_158 = arith.constant 0 : i32
        %dma_wait3A_159 = tpu.memref_slice %arg7[%run_scoped3A_114, %dma_wait3A_158] : memref<2x128xi32, #tpu.memory_space<vmem>> -> memref<1x128xi32, #tpu.memory_space<vmem>>
        %dma_wait3A_160 = tpu.memref_squeeze %dma_wait3A_159 : memref<1x128xi32, #tpu.memory_space<vmem>> -> memref<128xi32, #tpu.memory_space<vmem>>
        %dma_wait3A_161 = tpu.memref_slice %arg3[%add3A_113] : memref<320000xi32, #tpu.memory_space<hbm>> -> memref<128xi32, #tpu.memory_space<hbm>>
        tpu.wait_dma2 semaphore(%run_scoped3A_145 : memref<!tpu.dma_semaphore, #tpu.memory_space<semaphore_mem>>) src(%dma_wait3A_161 : memref<128xi32, #tpu.memory_space<hbm>>) dst(%dma_wait3A_160 : memref<128xi32, #tpu.memory_space<vmem>>)
        tpu.yield
      }) : () -> ()
      %run_scoped3A_115 = arith.constant 1 : i32
      "tpu.region"() ({
        %run_scoped3A_145 = tpu.sem_alloc : memref<!tpu.dma_semaphore, #tpu.memory_space<semaphore_mem>>
        %dma_start3A_146 = arith.constant 0 : i32
        %dma_start3A_147 = tpu.memref_slice %arg8[%run_scoped3A_115, %dma_start3A_146] : memref<2x128xi32, #tpu.memory_space<vmem>> -> memref<1x128xi32, #tpu.memory_space<vmem>>
        %dma_start3A_148 = tpu.memref_squeeze %dma_start3A_147 : memref<1x128xi32, #tpu.memory_space<vmem>> -> memref<128xi32, #tpu.memory_space<vmem>>
        %dma_start3A_149 = tpu.memref_slice %arg4[%add3A_113] : memref<320000xi32, #tpu.memory_space<hbm>> -> memref<128xi32, #tpu.memory_space<hbm>>
        %dma_start3A_150 = arith.constant 0 : i32
        %dma_start3A_151 = tpu.memref_slice %arg8[%run_scoped3A_115, %dma_start3A_150] : memref<2x128xi32, #tpu.memory_space<vmem>> -> memref<1x128xi32, #tpu.memory_space<vmem>>
        %dma_start3A_152 = tpu.memref_squeeze %dma_start3A_151 : memref<1x128xi32, #tpu.memory_space<vmem>> -> memref<128xi32, #tpu.memory_space<vmem>>
        %dma_start3A_153 = tpu.memref_slice %arg4[%add3A_113] : memref<320000xi32, #tpu.memory_space<hbm>> -> memref<128xi32, #tpu.memory_space<hbm>>
        tpu.enqueue_dma source(%dma_start3A_153 : memref<128xi32, #tpu.memory_space<hbm>>) target(%dma_start3A_152 : memref<128xi32, #tpu.memory_space<vmem>>) target_semaphore(%run_scoped3A_145 : memref<!tpu.dma_semaphore, #tpu.memory_space<semaphore_mem>>)
        %dma_wait3A_154 = arith.constant 0 : i32
        %dma_wait3A_155 = tpu.memref_slice %arg8[%run_scoped3A_115, %dma_wait3A_154] : memref<2x128xi32, #tpu.memory_space<vmem>> -> memref<1x128xi32, #tpu.memory_space<vmem>>
        %dma_wait3A_156 = tpu.memref_squeeze %dma_wait3A_155 : memref<1x128xi32, #tpu.memory_space<vmem>> -> memref<128xi32, #tpu.memory_space<vmem>>
        %dma_wait3A_157 = tpu.memref_slice %arg4[%add3A_113] : memref<320000xi32, #tpu.memory_space<hbm>> -> memref<128xi32, #tpu.memory_space<hbm>>
        %dma_wait3A_158 = arith.constant 0 : i32
        %dma_wait3A_159 = tpu.memref_slice %arg8[%run_scoped3A_115, %dma_wait3A_158] : memref<2x128xi32, #tpu.memory_space<vmem>> -> memref<1x128xi32, #tpu.memory_space<vmem>>
        %dma_wait3A_160 = tpu.memref_squeeze %dma_wait3A_159 : memref<1x128xi32, #tpu.memory_space<vmem>> -> memref<128xi32, #tpu.memory_space<vmem>>
        %dma_wait3A_161 = tpu.memref_slice %arg4[%add3A_113] : memref<320000xi32, #tpu.memory_space<hbm>> -> memref<128xi32, #tpu.memory_space<hbm>>
        tpu.wait_dma2 semaphore(%run_scoped3A_145 : memref<!tpu.dma_semaphore, #tpu.memory_space<semaphore_mem>>) src(%dma_wait3A_161 : memref<128xi32, #tpu.memory_space<hbm>>) dst(%dma_wait3A_160 : memref<128xi32, #tpu.memory_space<vmem>>)
        tpu.yield
      }) : () -> ()
      %dma_start3A_116 = arith.constant 1 : i32
      %dma_start3A_117 = arith.constant 1 : i32
      %dma_start3A_118 = arith.constant 0 : i32
      %dma_start3A_119 = arith.constant 0 : i32
      %dma_start3A_120 = tpu.memref_slice %arg9[%dma_start3A_117, %dma_start3A_118, %dma_start3A_119] : memref<2x128x128xf32, #tpu.memory_space<vmem>> -> memref<1x128x128xf32, #tpu.memory_space<vmem>>
      %dma_start3A_121 = tpu.memref_squeeze %dma_start3A_120 : memref<1x128x128xf32, #tpu.memory_space<vmem>> -> memref<128x128xf32, #tpu.memory_space<vmem>>
      %dma_start3A_122 = arith.constant 0 : i32
      %dma_start3A_123 = tpu.memref_slice %arg7[%dma_start3A_116, %dma_start3A_122] : memref<2x128xi32, #tpu.memory_space<vmem>> -> memref<1x128xi32, #tpu.memory_space<vmem>>
      %dma_start3A_124 = tpu.memref_squeeze %dma_start3A_123 : memref<1x128xi32, #tpu.memory_space<vmem>> -> memref<128xi32, #tpu.memory_space<vmem>>
      %dma_start3A_125 = arith.constant 0 : i32
      %dma_start3A_126 = arith.constant 0 : i32
      %dma_start3A_127 = tpu.memref_slice %arg2[%dma_start3A_125, %dma_start3A_126] : memref<10000x128xf32, #tpu.memory_space<hbm>> -> memref<10000x128xf32, #tpu.memory_space<hbm>>
      tpu.enqueue_indirect_dma source(%dma_start3A_127 : memref<10000x128xf32, #tpu.memory_space<hbm>>) target(%dma_start3A_121 : memref<128x128xf32, #tpu.memory_space<vmem>>) offsets(%dma_start3A_124 : memref<128xi32, #tpu.memory_space<vmem>>) semaphore(%arg12 : memref<!tpu.dma_semaphore, #tpu.memory_space<semaphore_mem>>)
      %ge3A_128 = arith.constant 1 : i32
      %ge3A_129 = arith.cmpi sge, %add3A_110, %ge3A_128 : i32
      %convert_element_type3A_130 = arith.extui %ge3A_129 : i1 to i32
      %cond3A_131 = arith.constant 0 : i32
      %cond3A_132 = arith.cmpi ne, %convert_element_type3A_130, %cond3A_131 : i32
      scf.if %cond3A_132 {
        %run_scoped3A_145 = arith.constant 0 : i32
        %run_scoped3A_146 = arith.constant 0 : i32
        "tpu.region"() ({
          %run_scoped3A_147 = tpu.sem_alloc : memref<!tpu.dma_semaphore, #tpu.memory_space<semaphore_mem>>
          %dma_start3A_148 = arith.constant 0 : i32
          %dma_start3A_149 = arith.constant 0 : i32
          %dma_start3A_150 = tpu.memref_slice %arg9[%run_scoped3A_145, %dma_start3A_148, %dma_start3A_149] : memref<2x128x128xf32, #tpu.memory_space<vmem>> -> memref<1x128x128xf32, #tpu.memory_space<vmem>>
          %dma_start3A_151 = tpu.memref_squeeze %dma_start3A_150 : memref<1x128x128xf32, #tpu.memory_space<vmem>> -> memref<128x128xf32, #tpu.memory_space<vmem>>
          %dma_start3A_152 = arith.constant 0 : i32
          %dma_start3A_153 = tpu.memref_slice %arg8[%run_scoped3A_146, %dma_start3A_152] : memref<2x128xi32, #tpu.memory_space<vmem>> -> memref<1x128xi32, #tpu.memory_space<vmem>>
          %dma_start3A_154 = tpu.memref_squeeze %dma_start3A_153 : memref<1x128xi32, #tpu.memory_space<vmem>> -> memref<128xi32, #tpu.memory_space<vmem>>
          %dma_start3A_155 = arith.constant 0 : i32
          %dma_start3A_156 = arith.constant 0 : i32
          %dma_start3A_157 = tpu.memref_slice %arg6[%dma_start3A_155, %dma_start3A_156] : memref<10000x128xf32, #tpu.memory_space<vmem_shared>> -> memref<10000x128xf32, #tpu.memory_space<vmem_shared>>
          tpu.enqueue_indirect_dma source(%dma_start3A_151 : memref<128x128xf32, #tpu.memory_space<vmem>>) target(%dma_start3A_157 : memref<10000x128xf32, #tpu.memory_space<vmem_shared>>) offsets(%dma_start3A_154 : memref<128xi32, #tpu.memory_space<vmem>>) semaphore(%run_scoped3A_147 : memref<!tpu.dma_semaphore, #tpu.memory_space<semaphore_mem>>) {add = true}
          %dma_wait3A_158 = arith.constant 0 : i32
          %dma_wait3A_159 = arith.constant 0 : i32
          %dma_wait3A_160 = tpu.memref_slice %arg9[%run_scoped3A_145, %dma_wait3A_158, %dma_wait3A_159] : memref<2x128x128xf32, #tpu.memory_space<vmem>> -> memref<1x128x128xf32, #tpu.memory_space<vmem>>
          %dma_wait3A_161 = tpu.memref_squeeze %dma_wait3A_160 : memref<1x128x128xf32, #tpu.memory_space<vmem>> -> memref<128x128xf32, #tpu.memory_space<vmem>>
          %dma_wait3A_162 = arith.constant 0 : i32
          %dma_wait3A_163 = tpu.memref_slice %arg8[%run_scoped3A_146, %dma_wait3A_162] : memref<2x128xi32, #tpu.memory_space<vmem>> -> memref<1x128xi32, #tpu.memory_space<vmem>>
          %dma_wait3A_164 = tpu.memref_squeeze %dma_wait3A_163 : memref<1x128xi32, #tpu.memory_space<vmem>> -> memref<128xi32, #tpu.memory_space<vmem>>
          %dma_wait3A_165 = arith.constant 0 : i32
          %dma_wait3A_166 = arith.constant 0 : i32
          %dma_wait3A_167 = tpu.memref_slice %arg6[%dma_wait3A_165, %dma_wait3A_166] : memref<10000x128xf32, #tpu.memory_space<vmem_shared>> -> memref<10000x128xf32, #tpu.memory_space<vmem_shared>>
          tpu.wait_indirect_dma semaphore(%run_scoped3A_147 : memref<!tpu.dma_semaphore, #tpu.memory_space<semaphore_mem>>) src(%dma_wait3A_161 : memref<128x128xf32, #tpu.memory_space<vmem>>) dst(%dma_wait3A_167 : memref<10000x128xf32, #tpu.memory_space<vmem_shared>>)
          tpu.yield
        }) : () -> ()
      } else {
      }
      %dma_wait3A_133 = arith.constant 1 : i32
      %dma_wait3A_134 = arith.constant 1 : i32
      %dma_wait3A_135 = arith.constant 0 : i32
      %dma_wait3A_136 = arith.constant 0 : i32
      %dma_wait3A_137 = tpu.memref_slice %arg9[%dma_wait3A_134, %dma_wait3A_135, %dma_wait3A_136] : memref<2x128x128xf32, #tpu.memory_space<vmem>> -> memref<1x128x128xf32, #tpu.memory_space<vmem>>
      %dma_wait3A_138 = tpu.memref_squeeze %dma_wait3A_137 : memref<1x128x128xf32, #tpu.memory_space<vmem>> -> memref<128x128xf32, #tpu.memory_space<vmem>>
      %dma_wait3A_139 = arith.constant 0 : i32
      %dma_wait3A_140 = tpu.memref_slice %arg7[%dma_wait3A_133, %dma_wait3A_139] : memref<2x128xi32, #tpu.memory_space<vmem>> -> memref<1x128xi32, #tpu.memory_space<vmem>>
      %dma_wait3A_141 = tpu.memref_squeeze %dma_wait3A_140 : memref<1x128xi32, #tpu.memory_space<vmem>> -> memref<128xi32, #tpu.memory_space<vmem>>
      %dma_wait3A_142 = arith.constant 0 : i32
      %dma_wait3A_143 = arith.constant 0 : i32
      %dma_wait3A_144 = tpu.memref_slice %arg2[%dma_wait3A_142, %dma_wait3A_143] : memref<10000x128xf32, #tpu.memory_space<hbm>> -> memref<10000x128xf32, #tpu.memory_space<hbm>>
      tpu.wait_indirect_dma semaphore(%arg12 : memref<!tpu.dma_semaphore, #tpu.memory_space<semaphore_mem>>) src(%dma_wait3A_144 : memref<10000x128xf32, #tpu.memory_space<hbm>>) dst(%dma_wait3A_138 : memref<128x128xf32, #tpu.memory_space<vmem>>)
    }
    %scan3A_39 = arith.constant 39 : i32
    %run_scoped3A_40 = arith.constant 1 : i32
    %run_scoped3A_41 = arith.constant 1 : i32
    "tpu.region"() ({
      %run_scoped3A_69 = tpu.sem_alloc : memref<!tpu.dma_semaphore, #tpu.memory_space<semaphore_mem>>
      %dma_start3A_70 = arith.constant 0 : i32
      %dma_start3A_71 = arith.constant 0 : i32
      %dma_start3A_72 = tpu.memref_slice %arg9[%run_scoped3A_40, %dma_start3A_70, %dma_start3A_71] : memref<2x128x128xf32, #tpu.memory_space<vmem>> -> memref<1x128x128xf32, #tpu.memory_space<vmem>>
      %dma_start3A_73 = tpu.memref_squeeze %dma_start3A_72 : memref<1x128x128xf32, #tpu.memory_space<vmem>> -> memref<128x128xf32, #tpu.memory_space<vmem>>
      %dma_start3A_74 = arith.constant 0 : i32
      %dma_start3A_75 = tpu.memref_slice %arg8[%run_scoped3A_41, %dma_start3A_74] : memref<2x128xi32, #tpu.memory_space<vmem>> -> memref<1x128xi32, #tpu.memory_space<vmem>>
      %dma_start3A_76 = tpu.memref_squeeze %dma_start3A_75 : memref<1x128xi32, #tpu.memory_space<vmem>> -> memref<128xi32, #tpu.memory_space<vmem>>
      %dma_start3A_77 = arith.constant 0 : i32
      %dma_start3A_78 = arith.constant 0 : i32
      %dma_start3A_79 = tpu.memref_slice %arg6[%dma_start3A_77, %dma_start3A_78] : memref<10000x128xf32, #tpu.memory_space<vmem_shared>> -> memref<10000x128xf32, #tpu.memory_space<vmem_shared>>
      tpu.enqueue_indirect_dma source(%dma_start3A_73 : memref<128x128xf32, #tpu.memory_space<vmem>>) target(%dma_start3A_79 : memref<10000x128xf32, #tpu.memory_space<vmem_shared>>) offsets(%dma_start3A_76 : memref<128xi32, #tpu.memory_space<vmem>>) semaphore(%run_scoped3A_69 : memref<!tpu.dma_semaphore, #tpu.memory_space<semaphore_mem>>) {add = true}
      %dma_wait3A_80 = arith.constant 0 : i32
      %dma_wait3A_81 = arith.constant 0 : i32
      %dma_wait3A_82 = tpu.memref_slice %arg9[%run_scoped3A_40, %dma_wait3A_80, %dma_wait3A_81] : memref<2x128x128xf32, #tpu.memory_space<vmem>> -> memref<1x128x128xf32, #tpu.memory_space<vmem>>
      %dma_wait3A_83 = tpu.memref_squeeze %dma_wait3A_82 : memref<1x128x128xf32, #tpu.memory_space<vmem>> -> memref<128x128xf32, #tpu.memory_space<vmem>>
      %dma_wait3A_84 = arith.constant 0 : i32
      %dma_wait3A_85 = tpu.memref_slice %arg8[%run_scoped3A_41, %dma_wait3A_84] : memref<2x128xi32, #tpu.memory_space<vmem>> -> memref<1x128xi32, #tpu.memory_space<vmem>>
      %dma_wait3A_86 = tpu.memref_squeeze %dma_wait3A_85 : memref<1x128xi32, #tpu.memory_space<vmem>> -> memref<128xi32, #tpu.memory_space<vmem>>
      %dma_wait3A_87 = arith.constant 0 : i32
      %dma_wait3A_88 = arith.constant 0 : i32
      %dma_wait3A_89 = tpu.memref_slice %arg6[%dma_wait3A_87, %dma_wait3A_88] : memref<10000x128xf32, #tpu.memory_space<vmem_shared>> -> memref<10000x128xf32, #tpu.memory_space<vmem_shared>>
      tpu.wait_indirect_dma semaphore(%run_scoped3A_69 : memref<!tpu.dma_semaphore, #tpu.memory_space<semaphore_mem>>) src(%dma_wait3A_83 : memref<128x128xf32, #tpu.memory_space<vmem>>) dst(%dma_wait3A_89 : memref<10000x128xf32, #tpu.memory_space<vmem_shared>>)
      tpu.yield
    }) : () -> ()
    %add3A_42 = arith.constant 9984 : i32
    %add3A_43 = arith.addi %mul3A_33, %add3A_42 : i32
    "tpu.region"() ({
      %run_scoped3A_69 = tpu.sem_alloc : memref<!tpu.dma_semaphore, #tpu.memory_space<semaphore_mem>>
      %dma_start3A_70 = tpu.memref_slice %arg3[%add3A_43] : memref<320000xi32, #tpu.memory_space<hbm>> -> memref<16xi32, #tpu.memory_space<hbm>>
      %dma_start3A_71 = tpu.memref_slice %arg3[%add3A_43] : memref<320000xi32, #tpu.memory_space<hbm>> -> memref<16xi32, #tpu.memory_space<hbm>>
      tpu.enqueue_dma source(%dma_start3A_71 : memref<16xi32, #tpu.memory_space<hbm>>) target(%arg10 : memref<16xi32, #tpu.memory_space<vmem>>) target_semaphore(%run_scoped3A_69 : memref<!tpu.dma_semaphore, #tpu.memory_space<semaphore_mem>>)
      %dma_wait3A_72 = tpu.memref_slice %arg3[%add3A_43] : memref<320000xi32, #tpu.memory_space<hbm>> -> memref<16xi32, #tpu.memory_space<hbm>>
      %dma_wait3A_73 = tpu.memref_slice %arg3[%add3A_43] : memref<320000xi32, #tpu.memory_space<hbm>> -> memref<16xi32, #tpu.memory_space<hbm>>
      tpu.wait_dma2 semaphore(%run_scoped3A_69 : memref<!tpu.dma_semaphore, #tpu.memory_space<semaphore_mem>>) src(%dma_wait3A_73 : memref<16xi32, #tpu.memory_space<hbm>>) dst(%arg10 : memref<16xi32, #tpu.memory_space<vmem>>)
      tpu.yield
    }) : () -> ()
    "tpu.region"() ({
      %run_scoped3A_69 = tpu.sem_alloc : memref<!tpu.dma_semaphore, #tpu.memory_space<semaphore_mem>>
      %dma_start3A_70 = tpu.memref_slice %arg4[%add3A_43] : memref<320000xi32, #tpu.memory_space<hbm>> -> memref<16xi32, #tpu.memory_space<hbm>>
      %dma_start3A_71 = tpu.memref_slice %arg4[%add3A_43] : memref<320000xi32, #tpu.memory_space<hbm>> -> memref<16xi32, #tpu.memory_space<hbm>>
      tpu.enqueue_dma source(%dma_start3A_71 : memref<16xi32, #tpu.memory_space<hbm>>) target(%arg11 : memref<16xi32, #tpu.memory_space<vmem>>) target_semaphore(%run_scoped3A_69 : memref<!tpu.dma_semaphore, #tpu.memory_space<semaphore_mem>>)
      %dma_wait3A_72 = tpu.memref_slice %arg4[%add3A_43] : memref<320000xi32, #tpu.memory_space<hbm>> -> memref<16xi32, #tpu.memory_space<hbm>>
      %dma_wait3A_73 = tpu.memref_slice %arg4[%add3A_43] : memref<320000xi32, #tpu.memory_space<hbm>> -> memref<16xi32, #tpu.memory_space<hbm>>
      tpu.wait_dma2 semaphore(%run_scoped3A_69 : memref<!tpu.dma_semaphore, #tpu.memory_space<semaphore_mem>>) src(%dma_wait3A_73 : memref<16xi32, #tpu.memory_space<hbm>>) dst(%arg11 : memref<16xi32, #tpu.memory_space<vmem>>)
      tpu.yield
    }) : () -> ()
    %dma_start3A = arith.constant 0 : i32
    %dma_start3A_44 = arith.constant 0 : i32
    %dma_start3A_45 = arith.constant 0 : i32
    %dma_start3A_46 = tpu.memref_slice %arg9[%dma_start3A, %dma_start3A_44, %dma_start3A_45] : memref<2x128x128xf32, #tpu.memory_space<vmem>> -> memref<1x16x128xf32, #tpu.memory_space<vmem>>
    %dma_start3A_47 = tpu.memref_squeeze %dma_start3A_46 : memref<1x16x128xf32, #tpu.memory_space<vmem>> -> memref<16x128xf32, #tpu.memory_space<vmem>>
    %dma_start3A_48 = arith.constant 0 : i32
    %dma_start3A_49 = arith.constant 0 : i32
    %dma_start3A_50 = tpu.memref_slice %arg2[%dma_start3A_48, %dma_start3A_49] : memref<10000x128xf32, #tpu.memory_space<hbm>> -> memref<10000x128xf32, #tpu.memory_space<hbm>>
    tpu.enqueue_indirect_dma source(%dma_start3A_50 : memref<10000x128xf32, #tpu.memory_space<hbm>>) target(%dma_start3A_47 : memref<16x128xf32, #tpu.memory_space<vmem>>) offsets(%arg10 : memref<16xi32, #tpu.memory_space<vmem>>) semaphore(%arg13 : memref<!tpu.dma_semaphore, #tpu.memory_space<semaphore_mem>>)
    %dma_wait3A = arith.constant 0 : i32
    %dma_wait3A_51 = arith.constant 0 : i32
    %dma_wait3A_52 = arith.constant 0 : i32
    %dma_wait3A_53 = tpu.memref_slice %arg9[%dma_wait3A, %dma_wait3A_51, %dma_wait3A_52] : memref<2x128x128xf32, #tpu.memory_space<vmem>> -> memref<1x16x128xf32, #tpu.memory_space<vmem>>
    %dma_wait3A_54 = tpu.memref_squeeze %dma_wait3A_53 : memref<1x16x128xf32, #tpu.memory_space<vmem>> -> memref<16x128xf32, #tpu.memory_space<vmem>>
    %dma_wait3A_55 = arith.constant 0 : i32
    %dma_wait3A_56 = arith.constant 0 : i32
    %dma_wait3A_57 = tpu.memref_slice %arg2[%dma_wait3A_55, %dma_wait3A_56] : memref<10000x128xf32, #tpu.memory_space<hbm>> -> memref<10000x128xf32, #tpu.memory_space<hbm>>
    tpu.wait_indirect_dma semaphore(%arg13 : memref<!tpu.dma_semaphore, #tpu.memory_space<semaphore_mem>>) src(%dma_wait3A_57 : memref<10000x128xf32, #tpu.memory_space<hbm>>) dst(%dma_wait3A_54 : memref<16x128xf32, #tpu.memory_space<vmem>>)
    %run_scoped3A_58 = arith.constant 0 : i32
    "tpu.region"() ({
      %run_scoped3A_69 = tpu.sem_alloc : memref<!tpu.dma_semaphore, #tpu.memory_space<semaphore_mem>>
      %dma_start3A_70 = arith.constant 0 : i32
      %dma_start3A_71 = arith.constant 0 : i32
      %dma_start3A_72 = tpu.memref_slice %arg9[%run_scoped3A_58, %dma_start3A_70, %dma_start3A_71] : memref<2x128x128xf32, #tpu.memory_space<vmem>> -> memref<1x16x128xf32, #tpu.memory_space<vmem>>
      %dma_start3A_73 = tpu.memref_squeeze %dma_start3A_72 : memref<1x16x128xf32, #tpu.memory_space<vmem>> -> memref<16x128xf32, #tpu.memory_space<vmem>>
      %dma_start3A_74 = arith.constant 0 : i32
      %dma_start3A_75 = arith.constant 0 : i32
      %dma_start3A_76 = tpu.memref_slice %arg6[%dma_start3A_74, %dma_start3A_75] : memref<10000x128xf32, #tpu.memory_space<vmem_shared>> -> memref<10000x128xf32, #tpu.memory_space<vmem_shared>>
      tpu.enqueue_indirect_dma source(%dma_start3A_73 : memref<16x128xf32, #tpu.memory_space<vmem>>) target(%dma_start3A_76 : memref<10000x128xf32, #tpu.memory_space<vmem_shared>>) offsets(%arg11 : memref<16xi32, #tpu.memory_space<vmem>>) semaphore(%run_scoped3A_69 : memref<!tpu.dma_semaphore, #tpu.memory_space<semaphore_mem>>) {add = true}
      %dma_wait3A_77 = arith.constant 0 : i32
      %dma_wait3A_78 = arith.constant 0 : i32
      %dma_wait3A_79 = tpu.memref_slice %arg9[%run_scoped3A_58, %dma_wait3A_77, %dma_wait3A_78] : memref<2x128x128xf32, #tpu.memory_space<vmem>> -> memref<1x16x128xf32, #tpu.memory_space<vmem>>
      %dma_wait3A_80 = tpu.memref_squeeze %dma_wait3A_79 : memref<1x16x128xf32, #tpu.memory_space<vmem>> -> memref<16x128xf32, #tpu.memory_space<vmem>>
      %dma_wait3A_81 = arith.constant 0 : i32
      %dma_wait3A_82 = arith.constant 0 : i32
      %dma_wait3A_83 = tpu.memref_slice %arg6[%dma_wait3A_81, %dma_wait3A_82] : memref<10000x128xf32, #tpu.memory_space<vmem_shared>> -> memref<10000x128xf32, #tpu.memory_space<vmem_shared>>
      tpu.wait_indirect_dma semaphore(%run_scoped3A_69 : memref<!tpu.dma_semaphore, #tpu.memory_space<semaphore_mem>>) src(%dma_wait3A_80 : memref<16x128xf32, #tpu.memory_space<vmem>>) dst(%dma_wait3A_83 : memref<10000x128xf32, #tpu.memory_space<vmem_shared>>)
      tpu.yield
    }) : () -> ()
    %barrier3A_59 = arith.constant 0 : index
    tpu.barrier barrier_id(%barrier3A_59)
    %mul3A_60 = arith.constant 624 : i32
    %mul3A_61 = arith.muli %arg1, %mul3A_60 : i32
    %mul3A_62 = arith.constant 624 : i32
    %mul3A_63 = arith.muli %arg1, %mul3A_62 : i32
    "tpu.region"() ({
      %run_scoped3A_69 = tpu.sem_alloc : memref<!tpu.dma_semaphore, #tpu.memory_space<semaphore_mem>>
      %dma_start3A_70 = arith.constant 0 : i32
      %dma_start3A_71 = tpu.memref_slice %arg5[%arg0, %mul3A_63, %dma_start3A_70] : memref<2x10000x128xf32, #tpu.memory_space<hbm>> -> memref<1x624x128xf32, #tpu.memory_space<hbm>>
      %dma_start3A_72 = tpu.memref_squeeze %dma_start3A_71 : memref<1x624x128xf32, #tpu.memory_space<hbm>> -> memref<624x128xf32, #tpu.memory_space<hbm>>
      %dma_start3A_73 = arith.constant 0 : i32
      %dma_start3A_74 = tpu.memref_slice %arg6[%mul3A_61, %dma_start3A_73] : memref<10000x128xf32, #tpu.memory_space<vmem_shared>> -> memref<624x128xf32, #tpu.memory_space<vmem_shared>>
      tpu.enqueue_dma source(%dma_start3A_74 : memref<624x128xf32, #tpu.memory_space<vmem_shared>>) target(%dma_start3A_72 : memref<624x128xf32, #tpu.memory_space<hbm>>) target_semaphore(%run_scoped3A_69 : memref<!tpu.dma_semaphore, #tpu.memory_space<semaphore_mem>>)
      %dma_wait3A_75 = arith.constant 0 : i32
      %dma_wait3A_76 = tpu.memref_slice %arg5[%arg0, %mul3A_63, %dma_wait3A_75] : memref<2x10000x128xf32, #tpu.memory_space<hbm>> -> memref<1x624x128xf32, #tpu.memory_space<hbm>>
      %dma_wait3A_77 = tpu.memref_squeeze %dma_wait3A_76 : memref<1x624x128xf32, #tpu.memory_space<hbm>> -> memref<624x128xf32, #tpu.memory_space<hbm>>
      %dma_wait3A_78 = arith.constant 0 : i32
      %dma_wait3A_79 = tpu.memref_slice %arg6[%mul3A_61, %dma_wait3A_78] : memref<10000x128xf32, #tpu.memory_space<vmem_shared>> -> memref<624x128xf32, #tpu.memory_space<vmem_shared>>
      tpu.wait_dma2 semaphore(%run_scoped3A_69 : memref<!tpu.dma_semaphore, #tpu.memory_space<semaphore_mem>>) src(%dma_wait3A_79 : memref<624x128xf32, #tpu.memory_space<vmem_shared>>) dst(%dma_wait3A_77 : memref<624x128xf32, #tpu.memory_space<hbm>>)
      tpu.yield
    }) : () -> ()
    %eq3A_64 = arith.constant 15 : i32
    %eq3A_65 = arith.cmpi eq, %arg1, %eq3A_64 : i32
    %convert_element_type3A_66 = arith.extui %eq3A_65 : i1 to i32
    %cond3A_67 = arith.constant 0 : i32
    %cond3A_68 = arith.cmpi ne, %convert_element_type3A_66, %cond3A_67 : i32
    scf.if %cond3A_68 {
      "tpu.region"() ({
        %run_scoped3A_69 = tpu.sem_alloc : memref<!tpu.dma_semaphore, #tpu.memory_space<semaphore_mem>>
        %dma_start3A_70 = arith.constant 9984 : i32
        %dma_start3A_71 = arith.constant 0 : i32
        %dma_start3A_72 = tpu.memref_slice %arg5[%arg0, %dma_start3A_70, %dma_start3A_71] : memref<2x10000x128xf32, #tpu.memory_space<hbm>> -> memref<1x16x128xf32, #tpu.memory_space<hbm>>
        %dma_start3A_73 = tpu.memref_squeeze %dma_start3A_72 : memref<1x16x128xf32, #tpu.memory_space<hbm>> -> memref<16x128xf32, #tpu.memory_space<hbm>>
        %dma_start3A_74 = arith.constant 9984 : i32
        %dma_start3A_75 = arith.constant 0 : i32
        %dma_start3A_76 = tpu.memref_slice %arg6[%dma_start3A_74, %dma_start3A_75] : memref<10000x128xf32, #tpu.memory_space<vmem_shared>> -> memref<16x128xf32, #tpu.memory_space<vmem_shared>>
        tpu.enqueue_dma source(%dma_start3A_76 : memref<16x128xf32, #tpu.memory_space<vmem_shared>>) target(%dma_start3A_73 : memref<16x128xf32, #tpu.memory_space<hbm>>) target_semaphore(%run_scoped3A_69 : memref<!tpu.dma_semaphore, #tpu.memory_space<semaphore_mem>>)
        %dma_wait3A_77 = arith.constant 9984 : i32
        %dma_wait3A_78 = arith.constant 0 : i32
        %dma_wait3A_79 = tpu.memref_slice %arg5[%arg0, %dma_wait3A_77, %dma_wait3A_78] : memref<2x10000x128xf32, #tpu.memory_space<hbm>> -> memref<1x16x128xf32, #tpu.memory_space<hbm>>
        %dma_wait3A_80 = tpu.memref_squeeze %dma_wait3A_79 : memref<1x16x128xf32, #tpu.memory_space<hbm>> -> memref<16x128xf32, #tpu.memory_space<hbm>>
        %dma_wait3A_81 = arith.constant 9984 : i32
        %dma_wait3A_82 = arith.constant 0 : i32
        %dma_wait3A_83 = tpu.memref_slice %arg6[%dma_wait3A_81, %dma_wait3A_82] : memref<10000x128xf32, #tpu.memory_space<vmem_shared>> -> memref<16x128xf32, #tpu.memory_space<vmem_shared>>
        tpu.wait_dma2 semaphore(%run_scoped3A_69 : memref<!tpu.dma_semaphore, #tpu.memory_space<semaphore_mem>>) src(%dma_wait3A_83 : memref<16x128xf32, #tpu.memory_space<vmem_shared>>) dst(%dma_wait3A_80 : memref<16x128xf32, #tpu.memory_space<hbm>>)
        tpu.yield
      }) : () -> ()
    } else {
    }
    return
  }
}

module attributes {stable_mosaic.version = 14 : i64} {
  func.func @_combine_body(%arg0: i32, %arg1: memref<2x1000x128xf32, #tpu.memory_space<vmem>>, %arg2: memref<1000x128xf32, #tpu.memory_space<vmem>>, %arg3: memref<2x1000x16xf32, #tpu.memory_space<vmem>>, %arg4: memref<1x128xf32, #tpu.memory_space<vmem>>, %arg5: memref<1000x128xf32, #tpu.memory_space<vmem>>) attributes {dimension_semantics = [#tpu.dimension_semantics<arbitrary>], iteration_bounds = array<i64: 10>, scalar_prefetch = 0 : i64, scratch_operands = 0 : i64, tpu.core_type = #tpu.core_type<tc>, window_params = [{transform_indices = @transform_0, window_bounds = array<i64: 2, 1000, 128>}, {transform_indices = @transform_1, window_bounds = array<i64: 1000, 128>}, {transform_indices = @transform_2, window_bounds = array<i64: 2, 1000, 16>}, {pipeline_mode = #tpu.pipeline_mode<synchronous>, transform_indices = @transform_3, window_bounds = array<i64: 1, 128>}, {transform_indices = @transform_4, window_bounds = array<i64: 1000, 128>}]} {
    %get3A = arith.constant 0 : index
    %get3A_0 = arith.constant 0 : index
    %get3A_1 = arith.constant 0 : index
    %get3A_2 = vector.load %arg3[%get3A, %get3A_0, %get3A_1] : memref<2x1000x16xf32, #tpu.memory_space<vmem>>, vector<2x1000x16xf32>
    %slice3A = vector.extract_strided_slice %get3A_2 {offsets = [0, 0, 0], sizes = [1, 1000, 1], strides = [1, 1, 1]} : vector<2x1000x16xf32> to vector<1x1000x1xf32>
    %squeeze3A = vector.shape_cast %slice3A : vector<1x1000x1xf32> to vector<1000xf32>
    %add3A = arith.constant 1.000000e+00 : f32
    %add3A_3 = vector.broadcast %add3A : f32 to vector<1000xf32>
    %add3A_4 = arith.addf %add3A_3, %squeeze3A : vector<1000xf32>
    %slice3A_5 = vector.extract_strided_slice %get3A_2 {offsets = [1, 0, 0], sizes = [1, 1000, 1], strides = [1, 1, 1]} : vector<2x1000x16xf32> to vector<1x1000x1xf32>
    %squeeze3A_6 = vector.shape_cast %slice3A_5 : vector<1x1000x1xf32> to vector<1000xf32>
    %add3A_7 = arith.addf %add3A_4, %squeeze3A_6 : vector<1000xf32>
    %sqrt3A = math.sqrt %add3A_7 : vector<1000xf32>
    %div3A = arith.constant 1.000000e+00 : f32
    %div3A_8 = vector.broadcast %div3A : f32 to vector<1000xf32>
    %div3A_9 = arith.divf %div3A_8, %sqrt3A : vector<1000xf32>
    %get3A_10 = arith.constant 0 : index
    %get3A_11 = arith.constant 0 : index
    %get3A_12 = arith.constant 0 : index
    %get3A_13 = vector.load %arg1[%get3A_10, %get3A_11, %get3A_12] : memref<2x1000x128xf32, #tpu.memory_space<vmem>>, vector<1x1000x128xf32>
    %get3A_14 = vector.shape_cast %get3A_13 : vector<1x1000x128xf32> to vector<1000x128xf32>
    %get3A_15 = arith.constant 1 : index
    %get3A_16 = arith.constant 0 : index
    %get3A_17 = arith.constant 0 : index
    %get3A_18 = vector.load %arg1[%get3A_15, %get3A_16, %get3A_17] : memref<2x1000x128xf32, #tpu.memory_space<vmem>>, vector<1x1000x128xf32>
    %get3A_19 = vector.shape_cast %get3A_18 : vector<1x1000x128xf32> to vector<1000x128xf32>
    %add3A_20 = arith.addf %get3A_14, %get3A_19 : vector<1000x128xf32>
    %get3A_21 = arith.constant 0 : index
    %get3A_22 = arith.constant 0 : index
    %get3A_23 = vector.load %arg2[%get3A_21, %get3A_22] : memref<1000x128xf32, #tpu.memory_space<vmem>>, vector<1000x128xf32>
    %add3A_24 = arith.addf %add3A_20, %get3A_23 : vector<1000x128xf32>
    %broadcast_in_dim3A = vector.shape_cast %div3A_9 : vector<1000xf32> to vector<1000x1xf32>
    %mul3A = vector.broadcast %broadcast_in_dim3A : vector<1000x1xf32> to vector<1000x128xf32>
    %mul3A_25 = arith.mulf %mul3A, %add3A_24 : vector<1000x128xf32>
    %get3A_26 = arith.constant 0 : index
    %get3A_27 = arith.constant 0 : index
    %get3A_28 = vector.load %arg4[%get3A_26, %get3A_27] : memref<1x128xf32, #tpu.memory_space<vmem>>, vector<1x128xf32>
    %add3A_29 = vector.broadcast %get3A_28 : vector<1x128xf32> to vector<1000x128xf32>
    %add3A_30 = arith.addf %mul3A_25, %add3A_29 : vector<1000x128xf32>
    %max3A = arith.constant 0.000000e+00 : f32
    %max3A_31 = vector.broadcast %max3A : f32 to vector<1000x128xf32>
    %max3A_32 = arith.maximumf %add3A_30, %max3A_31 : vector<1000x128xf32>
    %swap3A = arith.constant 0 : index
    %swap3A_33 = arith.constant 0 : index
    %swap3A_34 = vector.load %arg5[%swap3A, %swap3A_33] : memref<1000x128xf32, #tpu.memory_space<vmem>>, vector<1000x128xf32>
    tpu.vector_store %arg5[%swap3A, %swap3A_33], %max3A_32 {strides = array<i32>} : memref<1000x128xf32, #tpu.memory_space<vmem>>, vector<1000x128xf32>,
    return
  }
  func.func @transform_0(%arg0: i32) -> (i32, i32, i32) {
    %c0_i32 = arith.constant 0 : i32
    %c0_i32_0 = arith.constant 0 : i32
    %c0_i32_1 = arith.constant 0 : i32
    return %c0_i32, %arg0, %c0_i32_0 : i32, i32, i32
  }
  func.func @transform_1(%arg0: i32) -> (i32, i32) {
    %c0_i32 = arith.constant 0 : i32
    %c0_i32_0 = arith.constant 0 : i32
    return %arg0, %c0_i32 : i32, i32
  }
  func.func @transform_2(%arg0: i32) -> (i32, i32, i32) {
    %c0_i32 = arith.constant 0 : i32
    %c0_i32_0 = arith.constant 0 : i32
    %c0_i32_1 = arith.constant 0 : i32
    return %c0_i32, %arg0, %c0_i32_0 : i32, i32, i32
  }
  func.func @transform_3(%arg0: i32) -> (i32, i32) {
    %c0_i32 = arith.constant 0 : i32
    %c0_i32_0 = arith.constant 0 : i32
    %c0_i32_1 = arith.constant 0 : i32
    return %c0_i32, %c0_i32_0 : i32, i32
  }
  func.func @transform_4(%arg0: i32) -> (i32, i32) {
    %c0_i32 = arith.constant 0 : i32
    %c0_i32_0 = arith.constant 0 : i32
    return %arg0, %c0_i32 : i32, i32
  }
}

module attributes {stable_mosaic.version = 14 : i64} {
  func.func @_combine_mm_body(%arg0: i32, %arg1: memref<2x1000x128xf32, #tpu.memory_space<vmem>>, %arg2: memref<1000x128xf32, #tpu.memory_space<vmem>>, %arg3: memref<2x1000x16xf32, #tpu.memory_space<vmem>>, %arg4: memref<1x128xf32, #tpu.memory_space<vmem>>, %arg5: memref<128x128xf32, #tpu.memory_space<vmem>>, %arg6: memref<1000x128xf32, #tpu.memory_space<vmem>>) attributes {dimension_semantics = [#tpu.dimension_semantics<arbitrary>], iteration_bounds = array<i64: 10>, scalar_prefetch = 0 : i64, scratch_operands = 0 : i64, tpu.core_type = #tpu.core_type<tc>, window_params = [{transform_indices = @transform_0, window_bounds = array<i64: 2, 1000, 128>}, {transform_indices = @transform_1, window_bounds = array<i64: 1000, 128>}, {transform_indices = @transform_2, window_bounds = array<i64: 2, 1000, 16>}, {pipeline_mode = #tpu.pipeline_mode<synchronous>, transform_indices = @transform_3, window_bounds = array<i64: 1, 128>}, {pipeline_mode = #tpu.pipeline_mode<synchronous>, transform_indices = @transform_4, window_bounds = array<i64: 128, 128>}, {transform_indices = @transform_5, window_bounds = array<i64: 1000, 128>}]} {
    %get3A = arith.constant 0 : index
    %get3A_0 = arith.constant 0 : index
    %get3A_1 = arith.constant 0 : index
    %get3A_2 = vector.load %arg3[%get3A, %get3A_0, %get3A_1] : memref<2x1000x16xf32, #tpu.memory_space<vmem>>, vector<2x1000x16xf32>
    %slice3A = vector.extract_strided_slice %get3A_2 {offsets = [0, 0, 0], sizes = [1, 1000, 1], strides = [1, 1, 1]} : vector<2x1000x16xf32> to vector<1x1000x1xf32>
    %squeeze3A = vector.shape_cast %slice3A : vector<1x1000x1xf32> to vector<1000xf32>
    %add3A = arith.constant 1.000000e+00 : f32
    %add3A_3 = vector.broadcast %add3A : f32 to vector<1000xf32>
    %add3A_4 = arith.addf %add3A_3, %squeeze3A : vector<1000xf32>
    %slice3A_5 = vector.extract_strided_slice %get3A_2 {offsets = [1, 0, 0], sizes = [1, 1000, 1], strides = [1, 1, 1]} : vector<2x1000x16xf32> to vector<1x1000x1xf32>
    %squeeze3A_6 = vector.shape_cast %slice3A_5 : vector<1x1000x1xf32> to vector<1000xf32>
    %add3A_7 = arith.addf %add3A_4, %squeeze3A_6 : vector<1000xf32>
    %sqrt3A = math.sqrt %add3A_7 : vector<1000xf32>
    %div3A = arith.constant 1.000000e+00 : f32
    %div3A_8 = vector.broadcast %div3A : f32 to vector<1000xf32>
    %div3A_9 = arith.divf %div3A_8, %sqrt3A : vector<1000xf32>
    %get3A_10 = arith.constant 0 : index
    %get3A_11 = arith.constant 0 : index
    %get3A_12 = arith.constant 0 : index
    %get3A_13 = vector.load %arg1[%get3A_10, %get3A_11, %get3A_12] : memref<2x1000x128xf32, #tpu.memory_space<vmem>>, vector<1x1000x128xf32>
    %get3A_14 = vector.shape_cast %get3A_13 : vector<1x1000x128xf32> to vector<1000x128xf32>
    %get3A_15 = arith.constant 1 : index
    %get3A_16 = arith.constant 0 : index
    %get3A_17 = arith.constant 0 : index
    %get3A_18 = vector.load %arg1[%get3A_15, %get3A_16, %get3A_17] : memref<2x1000x128xf32, #tpu.memory_space<vmem>>, vector<1x1000x128xf32>
    %get3A_19 = vector.shape_cast %get3A_18 : vector<1x1000x128xf32> to vector<1000x128xf32>
    %add3A_20 = arith.addf %get3A_14, %get3A_19 : vector<1000x128xf32>
    %get3A_21 = arith.constant 0 : index
    %get3A_22 = arith.constant 0 : index
    %get3A_23 = vector.load %arg2[%get3A_21, %get3A_22] : memref<1000x128xf32, #tpu.memory_space<vmem>>, vector<1000x128xf32>
    %add3A_24 = arith.addf %add3A_20, %get3A_23 : vector<1000x128xf32>
    %broadcast_in_dim3A = vector.shape_cast %div3A_9 : vector<1000xf32> to vector<1000x1xf32>
    %mul3A = vector.broadcast %broadcast_in_dim3A : vector<1000x1xf32> to vector<1000x128xf32>
    %mul3A_25 = arith.mulf %mul3A, %add3A_24 : vector<1000x128xf32>
    %get3A_26 = arith.constant 0 : index
    %get3A_27 = arith.constant 0 : index
    %get3A_28 = vector.load %arg4[%get3A_26, %get3A_27] : memref<1x128xf32, #tpu.memory_space<vmem>>, vector<1x128xf32>
    %add3A_29 = vector.broadcast %get3A_28 : vector<1x128xf32> to vector<1000x128xf32>
    %add3A_30 = arith.addf %mul3A_25, %add3A_29 : vector<1000x128xf32>
    %max3A = arith.constant 0.000000e+00 : f32
    %max3A_31 = vector.broadcast %max3A : f32 to vector<1000x128xf32>
    %max3A_32 = arith.maximumf %add3A_30, %max3A_31 : vector<1000x128xf32>
    %get3A_33 = arith.constant 0 : index
    %get3A_34 = arith.constant 0 : index
    %get3A_35 = vector.load %arg5[%get3A_33, %get3A_34] : memref<128x128xf32, #tpu.memory_space<vmem>>, vector<128x128xf32>
    %dot_general3A = arith.constant dense<0.000000e+00> : vector<1000x128xf32>
    %dot_general3A_36 = tpu.matmul %max3A_32, %get3A_35, %dot_general3A {dimension_numbers = #tpu.dot_dimension_numbers<[1], [0], [0], [1], [0, 0, 1, 1], [], []>, transpose_lhs_hint = false} : vector<1000x128xf32>, vector<128x128xf32>, vector<1000x128xf32> -> vector<1000x128xf32>
    %broadcast_in_dim3A_37 = vector.shape_cast %div3A_9 : vector<1000xf32> to vector<1000x1xf32>
    %mul3A_38 = vector.broadcast %broadcast_in_dim3A_37 : vector<1000x1xf32> to vector<1000x128xf32>
    %mul3A_39 = arith.mulf %mul3A_38, %dot_general3A_36 : vector<1000x128xf32>
    %swap3A = arith.constant 0 : index
    %swap3A_40 = arith.constant 0 : index
    %swap3A_41 = vector.load %arg6[%swap3A, %swap3A_40] : memref<1000x128xf32, #tpu.memory_space<vmem>>, vector<1000x128xf32>
    tpu.vector_store %arg6[%swap3A, %swap3A_40], %mul3A_39 {strides = array<i32>} : memref<1000x128xf32, #tpu.memory_space<vmem>>, vector<1000x128xf32>,
    return
  }
  func.func @transform_0(%arg0: i32) -> (i32, i32, i32) {
    %c0_i32 = arith.constant 0 : i32
    %c0_i32_0 = arith.constant 0 : i32
    %c0_i32_1 = arith.constant 0 : i32
    return %c0_i32, %arg0, %c0_i32_0 : i32, i32, i32
  }
  func.func @transform_1(%arg0: i32) -> (i32, i32) {
    %c0_i32 = arith.constant 0 : i32
    %c0_i32_0 = arith.constant 0 : i32
    return %arg0, %c0_i32 : i32, i32
  }
  func.func @transform_2(%arg0: i32) -> (i32, i32, i32) {
    %c0_i32 = arith.constant 0 : i32
    %c0_i32_0 = arith.constant 0 : i32
    %c0_i32_1 = arith.constant 0 : i32
    return %c0_i32, %arg0, %c0_i32_0 : i32, i32, i32
  }
  func.func @transform_3(%arg0: i32) -> (i32, i32) {
    %c0_i32 = arith.constant 0 : i32
    %c0_i32_0 = arith.constant 0 : i32
    %c0_i32_1 = arith.constant 0 : i32
    return %c0_i32, %c0_i32_0 : i32, i32
  }
  func.func @transform_4(%arg0: i32) -> (i32, i32) {
    %c0_i32 = arith.constant 0 : i32
    %c0_i32_0 = arith.constant 0 : i32
    %c0_i32_1 = arith.constant 0 : i32
    return %c0_i32, %c0_i32_0 : i32, i32
  }
  func.func @transform_5(%arg0: i32) -> (i32, i32) {
    %c0_i32 = arith.constant 0 : i32
    %c0_i32_0 = arith.constant 0 : i32
    return %arg0, %c0_i32 : i32, i32
  }
}

module attributes {stable_mosaic.version = 14 : i64} {
  func.func @_xw_body(%arg0: i32, %arg1: memref<1000x128xf32, #tpu.memory_space<vmem>>, %arg2: memref<128x128xf32, #tpu.memory_space<vmem>>, %arg3: memref<2x1000x16xf32, #tpu.memory_space<vmem>>, %arg4: memref<1000x128xf32, #tpu.memory_space<vmem>>) attributes {dimension_semantics = [#tpu.dimension_semantics<arbitrary>], iteration_bounds = array<i64: 10>, scalar_prefetch = 0 : i64, scratch_operands = 0 : i64, tpu.core_type = #tpu.core_type<tc>, window_params = [{transform_indices = @transform_0, window_bounds = array<i64: 1000, 128>}, {pipeline_mode = #tpu.pipeline_mode<synchronous>, transform_indices = @transform_1, window_bounds = array<i64: 128, 128>}, {transform_indices = @transform_2, window_bounds = array<i64: 2, 1000, 16>}, {transform_indices = @transform_3, window_bounds = array<i64: 1000, 128>}]} {
    %get3A = arith.constant 0 : index
    %get3A_0 = arith.constant 0 : index
    %get3A_1 = arith.constant 0 : index
    %get3A_2 = vector.load %arg3[%get3A, %get3A_0, %get3A_1] : memref<2x1000x16xf32, #tpu.memory_space<vmem>>, vector<2x1000x16xf32>
    %slice3A = vector.extract_strided_slice %get3A_2 {offsets = [0, 0, 0], sizes = [1, 1000, 1], strides = [1, 1, 1]} : vector<2x1000x16xf32> to vector<1x1000x1xf32>
    %squeeze3A = vector.shape_cast %slice3A : vector<1x1000x1xf32> to vector<1000xf32>
    %add3A = arith.constant 1.000000e+00 : f32
    %add3A_3 = vector.broadcast %add3A : f32 to vector<1000xf32>
    %add3A_4 = arith.addf %add3A_3, %squeeze3A : vector<1000xf32>
    %slice3A_5 = vector.extract_strided_slice %get3A_2 {offsets = [1, 0, 0], sizes = [1, 1000, 1], strides = [1, 1, 1]} : vector<2x1000x16xf32> to vector<1x1000x1xf32>
    %squeeze3A_6 = vector.shape_cast %slice3A_5 : vector<1x1000x1xf32> to vector<1000xf32>
    %add3A_7 = arith.addf %add3A_4, %squeeze3A_6 : vector<1000xf32>
    %sqrt3A = math.sqrt %add3A_7 : vector<1000xf32>
    %div3A = arith.constant 1.000000e+00 : f32
    %div3A_8 = vector.broadcast %div3A : f32 to vector<1000xf32>
    %div3A_9 = arith.divf %div3A_8, %sqrt3A : vector<1000xf32>
    %get3A_10 = arith.constant 0 : index
    %get3A_11 = arith.constant 0 : index
    %get3A_12 = vector.load %arg1[%get3A_10, %get3A_11] : memref<1000x128xf32, #tpu.memory_space<vmem>>, vector<1000x128xf32>
    %get3A_13 = arith.constant 0 : index
    %get3A_14 = arith.constant 0 : index
    %get3A_15 = vector.load %arg2[%get3A_13, %get3A_14] : memref<128x128xf32, #tpu.memory_space<vmem>>, vector<128x128xf32>
    %dot_general3A = arith.constant dense<0.000000e+00> : vector<1000x128xf32>
    %dot_general3A_16 = tpu.matmul %get3A_12, %get3A_15, %dot_general3A {dimension_numbers = #tpu.dot_dimension_numbers<[1], [0], [0], [1], [0, 0, 1, 1], [], []>, transpose_lhs_hint = false} : vector<1000x128xf32>, vector<128x128xf32>, vector<1000x128xf32> -> vector<1000x128xf32>
    %broadcast_in_dim3A = vector.shape_cast %div3A_9 : vector<1000xf32> to vector<1000x1xf32>
    %mul3A = vector.broadcast %broadcast_in_dim3A : vector<1000x1xf32> to vector<1000x128xf32>
    %mul3A_17 = arith.mulf %mul3A, %dot_general3A_16 : vector<1000x128xf32>
    %swap3A = arith.constant 0 : index
    %swap3A_18 = arith.constant 0 : index
    %swap3A_19 = vector.load %arg4[%swap3A, %swap3A_18] : memref<1000x128xf32, #tpu.memory_space<vmem>>, vector<1000x128xf32>
    tpu.vector_store %arg4[%swap3A, %swap3A_18], %mul3A_17 {strides = array<i32>} : memref<1000x128xf32, #tpu.memory_space<vmem>>, vector<1000x128xf32>,
    return
  }
  func.func @transform_0(%arg0: i32) -> (i32, i32) {
    %c0_i32 = arith.constant 0 : i32
    %c0_i32_0 = arith.constant 0 : i32
    return %arg0, %c0_i32 : i32, i32
  }
  func.func @transform_1(%arg0: i32) -> (i32, i32) {
    %c0_i32 = arith.constant 0 : i32
    %c0_i32_0 = arith.constant 0 : i32
    %c0_i32_1 = arith.constant 0 : i32
    return %c0_i32, %c0_i32_0 : i32, i32
  }
  func.func @transform_2(%arg0: i32) -> (i32, i32, i32) {
    %c0_i32 = arith.constant 0 : i32
    %c0_i32_0 = arith.constant 0 : i32
    %c0_i32_1 = arith.constant 0 : i32
    return %c0_i32, %arg0, %c0_i32_0 : i32, i32, i32
  }
  func.func @transform_3(%arg0: i32) -> (i32, i32) {
    %c0_i32 = arith.constant 0 : i32
    %c0_i32_0 = arith.constant 0 : i32
    return %arg0, %c0_i32 : i32, i32
  }
}

module attributes {stable_mosaic.version = 14 : i64} {
  func.func @_final_body(%arg0: memref<32x64x128xf32, #tpu.memory_space<vmem>>, %arg1: memref<32x64x128xf32, #tpu.memory_space<vmem>>, %arg2: memref<32x64x16xf32, #tpu.memory_space<vmem>>, %arg3: memref<256x10xf32, #tpu.memory_space<vmem>>, %arg4: memref<1x10xf32, #tpu.memory_space<vmem>>, %arg5: memref<64x10xf32, #tpu.memory_space<vmem>>) attributes {dimension_semantics = [], scalar_prefetch = 0 : i64, scratch_operands = 0 : i64, tpu.core_type = #tpu.core_type<tc>} {
    %get3A = arith.constant 0 : index
    %get3A_0 = arith.constant 0 : index
    %get3A_1 = arith.constant 0 : index
    %get3A_2 = vector.load %arg0[%get3A, %get3A_0, %get3A_1] : memref<32x64x128xf32, #tpu.memory_space<vmem>>, vector<32x64x128xf32>
    %reduce_max3A = arith.constant dense<0xFF800000> : vector<64x128xf32>
    %reduce_max3A_3 = vector.multi_reduction <maximumf>, %get3A_2, %reduce_max3A [0] : vector<32x64x128xf32> to vector<64x128xf32>
    %get3A_4 = arith.constant 0 : index
    %get3A_5 = arith.constant 0 : index
    %get3A_6 = arith.constant 0 : index
    %get3A_7 = vector.load %arg1[%get3A_4, %get3A_5, %get3A_6] : memref<32x64x128xf32, #tpu.memory_space<vmem>>, vector<32x64x128xf32>
    %reduce_sum3A = arith.constant dense<0.000000e+00> : vector<64x128xf32>
    %reduce_sum3A_8 = vector.multi_reduction <add>, %get3A_7, %reduce_sum3A [0] : vector<32x64x128xf32> to vector<64x128xf32>
    %get3A_9 = arith.constant 0 : index
    %get3A_10 = arith.constant 0 : index
    %get3A_11 = arith.constant 0 : index
    %get3A_12 = vector.load %arg2[%get3A_9, %get3A_10, %get3A_11] : memref<32x64x16xf32, #tpu.memory_space<vmem>>, vector<32x64x1xf32>
    %get3A_13 = vector.shape_cast %get3A_12 : vector<32x64x1xf32> to vector<32x64xf32>
    %reduce_sum3A_14 = arith.constant dense<0.000000e+00> : vector<64xf32>
    %reduce_sum3A_15 = vector.multi_reduction <add>, %get3A_13, %reduce_sum3A_14 [0] : vector<32x64xf32> to vector<64xf32>
    %max3A = arith.constant 1.000000e+00 : f32
    %max3A_16 = vector.broadcast %max3A : f32 to vector<64xf32>
    %max3A_17 = arith.maximumf %reduce_sum3A_15, %max3A_16 : vector<64xf32>
    %broadcast_in_dim3A = vector.shape_cast %max3A_17 : vector<64xf32> to vector<64x1xf32>
    %div3A = vector.broadcast %broadcast_in_dim3A : vector<64x1xf32> to vector<64x128xf32>
    %div3A_18 = arith.divf %reduce_sum3A_8, %div3A : vector<64x128xf32>
    %concatenate3A = tpu.concatenate %reduce_max3A_3, %div3A_18 in 1 : vector<64x128xf32>, vector<64x128xf32> -> vector<64x256xf32>
    %get3A_19 = arith.constant 0 : index
    %get3A_20 = arith.constant 0 : index
    %get3A_21 = vector.load %arg3[%get3A_19, %get3A_20] : memref<256x10xf32, #tpu.memory_space<vmem>>, vector<256x10xf32>
    %dot_general3A = arith.constant dense<0.000000e+00> : vector<64x10xf32>
    %dot_general3A_22 = tpu.matmul %concatenate3A, %get3A_21, %dot_general3A {dimension_numbers = #tpu.dot_dimension_numbers<[1], [0], [0], [1], [0, 0, 1, 1], [], []>, transpose_lhs_hint = false} : vector<64x256xf32>, vector<256x10xf32>, vector<64x10xf32> -> vector<64x10xf32>
    %get3A_23 = arith.constant 0 : index
    %get3A_24 = arith.constant 0 : index
    %get3A_25 = vector.load %arg4[%get3A_23, %get3A_24] : memref<1x10xf32, #tpu.memory_space<vmem>>, vector<1x10xf32>
    %add3A = vector.broadcast %get3A_25 : vector<1x10xf32> to vector<64x10xf32>
    %add3A_26 = arith.addf %dot_general3A_22, %add3A : vector<64x10xf32>
    %reduce_max3A_27 = arith.constant dense<0xFF800000> : vector<64xf32>
    %reduce_max3A_28 = vector.multi_reduction <maximumf>, %add3A_26, %reduce_max3A_27 [1] : vector<64x10xf32> to vector<64xf32>
    %broadcast_in_dim3A_29 = vector.shape_cast %reduce_max3A_28 : vector<64xf32> to vector<64x1xf32>
    %sub3A = vector.broadcast %broadcast_in_dim3A_29 : vector<64x1xf32> to vector<64x10xf32>
    %sub3A_30 = arith.subf %add3A_26, %sub3A : vector<64x10xf32>
    %exp3A = math.exp %sub3A_30 : vector<64x10xf32>
    %reduce_sum3A_31 = arith.constant dense<0.000000e+00> : vector<64xf32>
    %reduce_sum3A_32 = vector.multi_reduction <add>, %exp3A, %reduce_sum3A_31 [1] : vector<64x10xf32> to vector<64xf32>
    %broadcast_in_dim3A_33 = vector.shape_cast %reduce_sum3A_32 : vector<64xf32> to vector<64x1xf32>
    %log3A = math.log %broadcast_in_dim3A_33 : vector<64x1xf32>
    %add3A_34 = arith.addf %log3A, %broadcast_in_dim3A_29 : vector<64x1xf32>
    %sub3A_35 = vector.broadcast %add3A_34 : vector<64x1xf32> to vector<64x10xf32>
    %sub3A_36 = arith.subf %add3A_26, %sub3A_35 : vector<64x10xf32>
    %swap3A = arith.constant 0 : index
    %swap3A_37 = arith.constant 0 : index
    %swap3A_38 = vector.load %arg5[%swap3A, %swap3A_37] : memref<64x10xf32, #tpu.memory_space<vmem>>, vector<64x10xf32>
    tpu.vector_store %arg5[%swap3A, %swap3A_37], %sub3A_36 {strides = array<i32>} : memref<64x10xf32, #tpu.memory_space<vmem>>, vector<64x10xf32>,
    return
  }
}

</mosaic_0001>

<sc_bundles>
// kernel: kernel.10.cloned.1.call-start
scs
__scs_entry_jumppad:
0x0: {  	(pc) =	sbr.rel $0x88, $3  }
0x1: {  	(tag) =	ssettag $0x0;
	lr =	simm.s32 $0x1  }
0x2: {  	[smem:$0x3F98] =	sst lr;
	_ =	strace $0xD0000000  }
0x3: {  	_ = 	snop  }
0x4: {  	_ = 	snop  }
0x5: {  	_ = 	snop  }
0x6: {  	_ = 	snop  }
0x7: {  	_ = 	snop  }
__scs_overlays_trampoline_lowered:
0x8: {  	[smem:$0x3FA7] =	sst s0  }
0x9: {  	[smem:$0x3FA8] =	sst s1  }
0xa: {  	[smem:$0x3FA9] =	sst s2  }
0xb: {  	[smem:$0x3FAA] =	sst s3  }
0xc: {  	[smem:$0x3FAB] =	sst s4  }
0xd: {  	[smem:$0x3FAC] =	sst s5  }
0xe: {  	[smem:$0x3FAD] =	sst s6  }
0xf: {  	[smem:$0x3FAE] =	sst s7  }
0x10: {  	[smem:$0x3FAF] =	sst s8  }
0x11: {  	[smem:$0x3FB0] =	sst s9;
	s0 =	simm.s32 @!p0 $0x0  }
0x12: {  	s1 =	sld [smem:$0x3F96];
	s0 =	simm.s32 @p0 $0x1  }
0x13: {  	[smem:$0x3FB1] =	sst s0;
	s0 =	simm.s32 @!p1 $0x0  }
0x14: {  	s2 =	sld [smem:$0x3F95];
	s0 =	simm.s32 @p1 $0x1  }
0x15: {  	[smem:$0x3FB2] =	sst s0;
	s0 =	simm.s32 @!p2 $0x0  }
0x16: {  	s3 =	sld [smem:$0x3FDB];
	s0 =	simm.s32 @p2 $0x1  }
0x17: {  	s4 =	simm.s32 $0x1BF5;
	[smem:$0x3FB4] =	sst s0  }
0x18: {  	s0 =	sld [smem:$0x3F97];
	_ =	swait.ge [sflag:s4], $0x0  }
0x19: {  	s7 =	sld [smem:$0x3F98]  }
0x1a: {  	s8 =	sadd.s32 $0xFFFFE003, lr  }
0x1b: {  	s9 =	sadd.s32 $0xFFFFFEF7, lr;
	s5 =	simm.s32 $0xFFFFFFFF;
	p2 =	slt.u32 s8, $0xFFFFF086  }
0x1c: {  	p1 =	slt.u32 s9, $0xF7A;
	s5 =	simm.s32 @!p2 $0x0  }
0x1d: {  	s5 =	simm.s32 @p1 $0x1;
	p0 =	seq.s32 s7, s2  }
0x1e: {  	s7 =	smul.u32 @!p0 $0xF7A, s2;
	p2 =	seq.s32 @!p0 s5, $0x0  }
0x1f: {  	s9 =	smul.u32 $0xF7A, s1;
	s8 =	simm.s32 @!p0 $0x1BF5;
	p2 =	por !p2, p0  }
0x20: {  	[sflag:s8] =	ssyncset.s32 @!p0 $0xFFFFF086;
	s6 =	sadd.s32 @!p0 s3, s7;
	s7 =	simm.s32 @!p0 $0x108  }
0x21: {  	s3 =	sadd.s32 s3, s9;
	s6 =	sadd.s32 @!p0 $0x88, s6;
	s7 =	simm.s32 @p2 $0x1082  }
0x22: {  	[simem:s7], [sflag:s8] =	dma.local @!p0 [hbm:s6], $0xF7A  }
0x23: {  	s9 =	sor.u32 $0xD0000000, s2;
	s6 =	simm.s32 $0x108;
	_ =	swait.ge @!p0 [sflag:s8], $0x0  }
0x24: {  	s3 =	sadd.s32 $0x88, s3;
	s6 =	simm.s32 @!p1 $0x1082;
	[sflag:s4] =	ssyncset.s32 $0xFFFFF086  }
0x25: {  	[simem:s6], [sflag:s4] =	dma.local [hbm:s3], $0xF7A  }
0x26: {  	[smem:$0x3F98] =	sst s1;
	(tag) =	ssettag s2;
	_ =	strace s9  }
0x27: {  	s1 =	sld [smem:$0x3FA8]  }
0x28: {  	s2 =	sld [smem:$0x3FA9]  }
0x29: {  	s4 =	sld [smem:$0x3FAB]  }
0x2a: {  	p0 =	seq.s32 s5, $0x0;
	s5 =	sld [smem:$0x3FAC]  }
0x2b: {  	s6 =	sld [smem:$0x3FAD]  }
0x2c: {  	s7 =	sld [smem:$0x3FAE]  }
0x2d: {  	s3 =	simm.s32 $0x108;
	s8 =	sld [smem:$0x3FAF]  }
0x2e: {  	s3 =	simm.s32 @!p0 $0x1082;
	s9 =	sld [smem:$0x3FB0]  }
0x2f: {  	lr =	sadd.s32 s0, s3;
	s0 =	sld [smem:$0x3FA7]  }
0x30: {  	s3 =	sld [smem:$0x3FAA]  }
0x31: {  	[smem:$0x3FB3] =	sst s10  }
0x32: {  	s10 =	sld [smem:$0x3FB1];
	_ =	sdelay $0x3  }
0x33: {  	p0 =	seq.s32 s10, $0x1;
	s10 =	sld [smem:$0x3FB3];
	_ =	sdelay $0x3  }
0x34: {  	[smem:$0x3FB3] =	sst s10  }
0x35: {  	s10 =	sld [smem:$0x3FB2];
	_ =	sdelay $0x3  }
0x36: {  	p1 =	seq.s32 s10, $0x1;
	s10 =	sld [smem:$0x3FB3];
	_ =	sdelay $0x3  }
0x37: {  	[smem:$0x3FB3] =	sst s10  }
0x38: {  	s10 =	sld [smem:$0x3FB4]  }
0x39: {  	_ = 	snop;
	(pc) =	sbr.ind lr, $3  }
0x3a: {  	_ = 	snop  }
0x3b: {  	_ = 	snop  }
0x3c: {  	p2 =	seq.s32 s10, $0x1;
	s10 =	sld [smem:$0x3FB3]  }
0x3d: {  	_ =	shalt  }
0x3e: {  	_ =	shalt  }
0x3f: {  	_ =	shalt  }
0x40: {  	_ =	shalt  }
0x41: {  	_ =	shalt  }
0x42: {  	_ =	shalt  }
0x43: {  	_ =	shalt  }
0x44: {  	_ =	shalt  }
0x45: {  	_ =	shalt  }
0x46: {  	_ =	shalt  }
0x47: {  	_ =	shalt  }
0x48: {  	_ =	shalt  }
0x49: {  	_ =	shalt  }
0x4a: {  	_ =	shalt  }
0x4b: {  	_ =	shalt  }
0x4c: {  	_ =	shalt  }
0x4d: {  	_ =	shalt  }
0x4e: {  	_ =	shalt  }
0x4f: {  	_ =	shalt  }
0x50: {  	_ =	shalt  }
0x51: {  	_ =	shalt  }
0x52: {  	_ =	shalt  }
0x53: {  	_ =	shalt  }
0x54: {  	_ =	shalt  }
0x55: {  	_ =	shalt  }
0x56: {  	_ =	shalt  }
0x57: {  	_ =	shalt  }
0x58: {  	_ =	shalt  }
0x59: {  	_ =	shalt  }
0x5a: {  	_ =	shalt  }
0x5b: {  	_ =	shalt  }
0x5c: {  	_ =	shalt  }
0x5d: {  	_ =	shalt  }
0x5e: {  	_ =	shalt  }
0x5f: {  	_ =	shalt  }
0x60: {  	_ =	shalt  }
0x61: {  	_ =	shalt  }
0x62: {  	_ =	shalt  }
0x63: {  	_ =	shalt  }
0x64: {  	_ =	shalt  }
0x65: {  	_ =	shalt  }
0x66: {  	_ =	shalt  }
0x67: {  	_ =	shalt  }
0x68: {  	_ =	shalt  }
0x69: {  	_ =	shalt  }
0x6a: {  	_ =	shalt  }
0x6b: {  	_ =	shalt  }
0x6c: {  	_ =	shalt  }
0x6d: {  	_ =	shalt  }
0x6e: {  	_ =	shalt  }
0x6f: {  	_ =	shalt  }
0x70: {  	_ =	shalt  }
0x71: {  	_ =	shalt  }
0x72: {  	_ =	shalt  }
0x73: {  	_ =	shalt  }
0x74: {  	_ =	shalt  }
0x75: {  	_ =	shalt  }
0x76: {  	_ =	shalt  }
0x77: {  	_ =	shalt  }
0x78: {  	_ =	shalt  }
0x79: {  	_ =	shalt  }
0x7a: {  	_ =	shalt  }
0x7b: {  	_ =	shalt  }
0x7c: {  	_ =	shalt  }
0x7d: {  	_ =	shalt  }
0x7e: {  	_ =	shalt  }
0x7f: {  	_ =	shalt  }
0x80: {  	_ =	shalt  }
0x81: {  	_ =	shalt  }
0x82: {  	_ =	shalt  }
0x83: {  	_ =	shalt  }
0x84: {  	_ =	shalt  }
0x85: {  	_ =	shalt  }
0x86: {  	_ =	shalt  }
0x87: {  	_ =	shalt  }
.Lfunc_end0:
.L_simem_size_0:
called_computation_lowered:
.L_overlay_start_0:
0x88: {  	s2 =	sld [smem:$0x3FD9]  }
0x89: {  	s3 =	sld [smem:$0x3FFE];
	_ =	sdelay $0x1  }
0x8a: {  	s1 =	srdreg.scid  }
0x8b: {  	s0 =	sand.u32 $0x1, s1  }
0x8c: {  	s16 =	sshll.u32 s0, $0xA;
	s2 =	sadd.s32 s3, s2  }
0x8d: {  	s2 =	sadd.s32 s2, s16  }
0x8e: {  	[smem:$0x3FBF] =	sst s2  }
0x8f: {  	_ = 	snop  }
0x90: {  	(tm) =	ssettm $0x1  }
0x91: {  	s17 =	sld [smem:$0x3FFB];
	_ =	sdelay $0x3  }
0x92: {  	_ =	strace s17  }
0x93: {  	s2 =	sld [smem:$0x3FFC];
	_ =	sdelay $0x3  }
0x94: {  	_ =	strace s2  }
0x95: {  	s2 =	sld [smem:$0x3FFD];
	_ =	sdelay $0x3  }
0x96: {  	_ =	strace s2  }
0x97: {  	_ =	strace $0x8FFFFFFF  }
0x98: {  	s18 =	sld [smem:$0x3FDB];
	_ =	sdelay $0x1  }
0x99: {  	s19 =	simm.s32 $_scs_section_size  }
0x9a: {  	s4 =	simm.s32 $_size__tile_overlayer_lowered;
	s5 =	simm.s32 $_tile_overlayer_lowered  }
0x9b: {  	s22 =	simm.s32 $0x1BFF;
	s21 =	sshll.u32 s5, $0x1;
	s2 =	sadd.s32 s19, s18  }
0x9c: {  	s6 =	simm.s32 $0x0;
	s20 =	sshll.u32 s4, $0x1;
	s4 =	sadd.s32 s21, s2  }
0x9d: {  	[timem:s6], [sflag:s22] =	dma.local [hbm:s4], s20  }
0x9e: {  	_ =	swait.ge [sflag:s22], s20  }
0x9f: {  	s3 =	ssub.s32 $0x0, s20;
	[sflag:s22] =	ssyncset.done $0x0  }
0xa0: {  	[sflag:s22] =	ssyncadd.s32 s3;
	_ =	sdelay $0x1  }
0xa1: {  	s23 =	simm.s32 $0x1B8B  }
0xa2: {  	_ =	swait.ge [sflag:s23], $0x1  }
0xa3: {  	[sflag:s23] =	ssyncset.done $0x0  }
0xa4: {  	s25 =	simm.s32 $0x1B8E;
	s24 =	sld [smem:$0x3FFE];
	[sflag:s23] =	ssyncadd.s32 $0xFFFFFFFF  }
0xa5: {  	s26 =	simm.s32 $execute0_lowered;
	[smem:$0x3FD2] =	sst s25  }
0xa6: {  	s4 =	sshll.u32 s26, $0x1;
	_ =	strace $0x80000046;
	[dreg:$0x1] =	wrdreg $0xFFFFFFFF  }
0xa7: {  	s28 =	simm.s32 $_size_execute0_lowered;
	s2 =	sadd.s32 s2, s4;
	[dreg:$0x0] =	wrdreg $0x0  }
0xa8: {  	s4 =	sshll.u32 s28, $0x1;
	[dreg:$0x2] =	wrdreg s2  }
0xa9: {  	[dreg:$0x3] =	wrdreg s4  }
0xaa: {  	[dreg:$0x4] =	wrdreg $0xC0  }
0xab: {  	_ =	task [dreg:s6], $0x5FFFF  }
0xac: {  	[dreg:$0x1] =	wrdreg $0xFFFFFFFF  }
0xad: {  	[dreg:$0x0] =	wrdreg $0x60  }
0xae: {  	[dreg:$0x2] =	wrdreg s24  }
0xaf: {  	[dreg:$0x3] =	wrdreg $0x0  }
0xb0: {  	[dreg:$0x4] =	wrdreg $0x9  }
0xb1: {  	_ =	task.clear_ibuf [dreg:s6], $0x5FFFF;
	_ =	strace $0x90000046  }
0xb2: {  	s29 =	simm.s32 $0x9;
	_ =	strace $0x80000048  }
0xb3: {  	_ =	swait.ge [sflag:s29], $0x1  }
0xb4: {  	[sflag:s29] =	ssyncadd.s32 $0xFFFFFFFF  }
0xb5: {  	_ =	strace $0x90000048  }
0xb6: {  	_ =	sfence  }
0xb7: {  	s30 =	sld [smem:$0x0];
	_ =	sdelay $0x2  }
0xb8: {  	s31 =	sshll.u32 s1, $0xD;
	s1 =	sshrl.u32 s1, $0x2  }
0xb9: {  	s3 =	sand.u32 $0x4000, s31;
	s1 =	sadd.s32 s1, s30  }
0xba: {  	s0 =	sor.u32 s3, s0;
	s1 =	sshll.u32 s1, $0x11  }
0xbb: {  	s0 =	sor.u32 s1, s0  }
0xbc: {  	s0 =	sadd.s32 $0x8F2B, s0  }
0xbd: {  	[sflag:s0] =	ssyncadd.remote.s32 $0x1  }
0xbe: {  	_ =	sfence.sel $0xFFFF  }
0xbf: {  	[dreg:$0x0] =	wrdreg $0xFFFFFFFF;
	(pc) =	sbr.abs _section_cstart, $3  }
0xc0: {  	[dreg:$0x1] =	wrdreg $0xFFFFFFFF  }
0xc1: {  	_ =	task.clear_ibuf [dreg:s6], $0x2FFFF;
	_ =	strace $0x9FFFFFFF  }
0xc2: {  	(tm) =	ssettm $0x7FFFFFFF  }
0xc3: {  	_ =	shalt  }
tec
execute0_lowered:
.L_overlay_start_1:
0x0: {  	(tag) =	ssettag $0x1  }
0x1: {  	s4 =	rddreg [dreg:$0x0]  }
0x2: {  	s1 =	rddreg [dreg:$0x1]  }
0x3: {  	s0 =	rddreg [dreg:$0x2]  }
0x4: {  	s3 =	simm.s32 $0x0;
	s5 =	srdreg.scid;
	s2 =	stileid.u32  }
0x5: {  	s19 =	simm.s32 $0x2710;
	s20 =	simm.s32 $0x6790;
	s21 =	simm.s32 $0x10  }
0x6: {  	s22 =	simm.s32 $0x0;
	[smem:$0x7FF] =	sst s3;
	s6 =	smul.u32 $0x4E000, s2  }
0x7: {  	s8 =	sand.u32 $0x1, s5;
	s14 =	sadd.s32 $0xDA00, s4;
	s15 =	smul.u32 $0x13800, s2  }
0x8: {  	s12 =	sadd.s32 $0x17800, s4;
	s17 =	smul.u32 $0x2710, s2;
	p0 =	sne.s32 s2, $0xF  }
0x9: {  	_ =	strace $0x80000047;
	s5 =	sshll.u32 s8, $0x4;
	s11 =	smul.u32 $0x138800, s8  }
0xa: {  	s30 =	ssub.s32 $0x2, s8;
	s16 =	smul.u32 $0x27100, s8;
	s5 =	sor.u32 s2, s5  }
0xb: {  	s7 =	sshrl.u32 s30, $0x1;
	s6 =	sshrl.u32 s6, $0x2;
	s9 =	smul.u32 $0x2710, s5  }
0xc: {  	s13 =	ssub.s32 s30, s7;
	s4 =	sadd.s32 s6, s1;
	s15 =	sadd.s32 s15, s11  }
0xd: {  	s18 =	sshrl.u32 s11, $0x3;
	s16 =	sadd.s32 s17, s16;
	s17 =	simm.s32 $0x6710  }
0xe: {  	s5 =	sadd.s32 $0x4000, s4;
	s6 =	sadd.s32 $0x8000, s4;
	s7 =	sadd.s32 $0xC000, s4  }
0xf: {  	s8 =	sadd.s32 $0x10000, s4;
	s15 =	sshrl.u32 s15, $0x3;
	s31 =	sshrl.u32 s16, $0x3  }
0x10: {  	s13 =	smax.u32 s13, $0x1;
	s16 =	simm.s32 $0x1;
	s9 =	sshrl.u32 s9, $0x3  }
0x11: {  	s11 =	sadd.s32 s12, s15;
	s12 =	sadd.s32 s12, s18;
	s15 =	simm.s32 $0x6810  }
0x12: {  	s18 =	simm.s32 $0x80;
	s10 =	sadd.s32 s14, s9;
	s9 =	sadd.s32 $0x138000, s1  }
0x13: {  	v0 =	vimm.f32 $1.000000000e+00;
	v1 =	vimm.f32 $0.0e+00;
	s12 =	sadd.s32 $0x27000, s12;
	s14 =	sadd.s32 s31, s14;
	s10 =	sadd.s32 $0x4E0, s10  }
.LBB2_1:
0x14: {  	s23 =	simm.s32 $0x200;
	s24 =	simm.s32 $0x0  }
.LBB2_2:
0x15: {  	p1 =	sne.s32 s23, $0xFE00;
	[tilespmem:s24+$0x2710] =	vst v0;
	s25 =	smov.u32 s23;
	s23 =	sadd.s32 $0x200, s23  }
.Ltmp0:
0x16: {  	[tilespmem:s24+$0x6810] =	vst v1;
	(pc) =	sbr.rel @p1 .LBB2_2-.Ltmp0, $2  }
0x17: {  	_ =	sdelay $0x2  }
0x18: {  	s24 =	sshra.s32 s25, $0x2  }
0x19: {  	[tilespmem:s24+$0x2710] =	vst v0  }
0x1a: {  	[tilespmem:s24+$0x6810] =	vst v1  }
0x1b: {  	[spmem:s4] =	stream.linear.scatter [tilespmem:s15], [sflag:$0x1], $0x4000, $0x38;
	[tilespmem:$0xA810] =	vst v63  }
0x1c: {  	_ =	swait.ge [sflag:s16], $0x4000  }
0x1d: {  	[sflag:s16] =	ssyncset.done $0x0  }
0x1e: {  	[sflag:s16] =	ssyncadd.s32 $0xFFFFC000  }
0x1f: {  	[spmem:s5] =	stream.linear.scatter [tilespmem:s15], [sflag:$0x1], $0x4000, $0x38;
	[tilespmem:$0xA810] =	vst v63  }
0x20: {  	_ =	swait.ge [sflag:s16], $0x4000  }
0x21: {  	[sflag:s16] =	ssyncset.done $0x0  }
0x22: {  	[sflag:s16] =	ssyncadd.s32 $0xFFFFC000  }
0x23: {  	[spmem:s6] =	stream.linear.scatter [tilespmem:s15], [sflag:$0x1], $0x4000, $0x38;
	[tilespmem:$0xA810] =	vst v63  }
0x24: {  	_ =	swait.ge [sflag:s16], $0x4000  }
0x25: {  	[sflag:s16] =	ssyncset.done $0x0  }
0x26: {  	[sflag:s16] =	ssyncadd.s32 $0xFFFFC000  }
0x27: {  	[spmem:s7] =	stream.linear.scatter [tilespmem:s15], [sflag:$0x1], $0x4000, $0x38;
	[tilespmem:$0xA810] =	vst v63  }
0x28: {  	_ =	swait.ge [sflag:s16], $0x4000  }
0x29: {  	[sflag:s16] =	ssyncset.done $0x0  }
0x2a: {  	[sflag:s16] =	ssyncadd.s32 $0xFFFFC000  }
0x2b: {  	[spmem:s8] =	stream.linear.scatter [tilespmem:s15], [sflag:$0x1], $0x3800, $0x38;
	[tilespmem:$0xA810] =	vst v63  }
0x2c: {  	_ =	swait.ge [sflag:s16], $0x3800  }
0x2d: {  	[sflag:s16] =	ssyncset.done $0x0  }
0x2e: {  	s23 =	simm.s32 @!p0 $0x6810;
	[sflag:s16] =	ssyncadd.s32 $0xFFFFC800  }
0x2f: {  	[spmem:s9] =	stream.linear.scatter @!p0 [tilespmem:s23], [sflag:$0x1], $0x800, $0x38;
	[tilespmem:$0xA810] =	vst v63  }
0x30: {  	s23 =	simm.s32 @!p0 $0x1  }
0x31: {  	_ =	swait.ge @!p0 [sflag:s23], $0x800  }
0x32: {  	[sflag:s23] =	ssyncset.done @!p0 $0x0  }
0x33: {  	[sflag:s23] =	ssyncadd.s32 @!p0 $0xFFFFF800  }
0x34: {  	s31 =	sadd.s32 $0x0, s14;
	[bflag:$0x0] =	sbarrier.arrive $0xFFFF  }
0x35: {  	[tilespmem:s17], [sflag:$0x1] =	stream.linear.gather [hbm4b:s31+s3], $0x80, $0x38;
	[tilespmem:$0xA810] =	vst v63  }
0x36: {  	_ =	swait.ge [sflag:s16], $0x80  }
0x37: {  	[sflag:s16] =	ssyncset.done $0x0  }
0x38: {  	[sflag:s16] =	ssyncadd.s32 $0xFFFFFF80  }
0x39: {  	[spmem:s1] =	stream.indirect.scatter.add.f32 [tilespmem:s19], [sflag:$0x1], $0x10, s17, s18, $0xb8;
	[tilespmem:$0xA810] =	vst v63  }
0x3a: {  	_ =	swait.ge [sflag:s16], $0x800  }
0x3b: {  	s24 =	simm.s32 $0x20;
	s23 =	simm.s32 $0x10;
	[sflag:s16] =	ssyncset.done $0x0  }
.LBB2_4:
0x3c: {  	s25 =	sadd.s32 s23, s14  }
0x3d: {  	[sflag:s16] =	ssyncadd.s32 $0xFFFFF800;
	s23 =	smov.u32 s24;
	s26 =	sadd.s32 $0x10, s24  }
0x3e: {  	[tilespmem:s17], [sflag:$0x1] =	stream.linear.gather [hbm4b:s25+s3], $0x80, $0x38;
	[tilespmem:$0xA810] =	vst v63  }
0x3f: {  	p1 =	sne.s32 s24, $0x4D0;
	_ =	swait.ge [sflag:s16], $0x80  }
.Ltmp1:
0x40: {  	[sflag:s16] =	ssyncset.done $0x0;
	(pc) =	sbr.rel @p1 .LBB2_4-.Ltmp1, $4  }
0x41: {  	[sflag:s16] =	ssyncadd.s32 $0xFFFFFF80  }
0x42: {  	[spmem:s1] =	stream.indirect.scatter.add.f32 [tilespmem:s19], [sflag:$0x1], $0x10, s17, s18, $0xb8;
	[tilespmem:$0xA810] =	vst v63  }
0x43: {  	_ =	swait.ge [sflag:s16], $0x800  }
0x44: {  	s24 =	smov.u32 s26;
	[sflag:s16] =	ssyncset.done $0x0  }
0x45: {  	s23 =	sadd.s32 s23, s14;
	[sflag:s16] =	ssyncadd.s32 $0xFFFFF800  }
0x46: {  	[tilespmem:s17], [sflag:$0x1] =	stream.linear.gather [hbm4b:s23+s3], $0x80, $0x38;
	[tilespmem:$0xA810] =	vst v63  }
0x47: {  	_ =	swait.ge [sflag:s16], $0x80  }
0x48: {  	[sflag:s16] =	ssyncset.done $0x0  }
0x49: {  	[sflag:s16] =	ssyncadd.s32 $0xFFFFFF80  }
0x4a: {  	[spmem:s1] =	stream.indirect.scatter.add.f32 [tilespmem:s19], [sflag:$0x1], $0x10, s17, s18, $0xb8;
	[tilespmem:$0xA810] =	vst v63  }
0x4b: {  	_ =	swait.ge [sflag:s16], $0x800  }
0x4c: {  	[sflag:s16] =	ssyncset.done $0x0  }
0x4d: {  	[sflag:s16] =	ssyncadd.s32 $0xFFFFF800  }
0x4e: {  	[tilespmem:s20], [sflag:$0x1] =	stream.linear.gather [hbm4b:s10+s3], $0x10, $0x38;
	[tilespmem:$0xA810] =	vst v63  }
0x4f: {  	_ =	swait.ge [sflag:s16], $0x10  }
0x50: {  	[sflag:s16] =	ssyncset.done $0x0  }
0x51: {  	[sflag:s16] =	ssyncadd.s32 $0xFFFFFFF0  }
0x52: {  	[spmem:s1] =	stream.indirect.scatter.add.f32 [tilespmem:s19], [sflag:$0x1], $0x10, s20, s21, $0xb8;
	[tilespmem:$0xA810] =	vst v63  }
0x53: {  	_ =	swait.ge [sflag:s16], $0x100  }
0x54: {  	[sflag:s16] =	ssyncset.done $0x0  }
0x55: {  	s31 =	sshll.u32 s2, $0x6;
	[sflag:s16] =	ssyncadd.s32 $0xFFFFFF00  }
0x56: {  	s24 =	sshrl.u32 s4, $0x3;
	s23 =	sor.u32 $0x1C01, s31;
	[bflag:$0x0] =	sbarrier.arrive $0xFFFF  }
0x57: {  	[hbm:s11], [sflag:s23] =	dma.local [spmem:s24], $0x2700  }
0x58: {  	_ =	swait.ge [sflag:s16], $0x2700  }
0x59: {  	s22 =	sadd.s32 $0x1, s22;
	[sflag:s16] =	ssyncset.done $0x0  }
0x5a: {  	p1 =	sne.s32 s22, s13;
	s24 =	sshrl.u32 @!p0 s9, $0x3;
	[sflag:s16] =	ssyncadd.s32 $0xFFFFD900  }
0x5b: {  	[hbm:s12], [sflag:s23] =	dma.local @!p0 [spmem:s24], $0x100  }
.Ltmp2:
0x5c: {  	_ = 	snop;
	(pc) =	sbr.rel @p1 .LBB2_1-.Ltmp2, $4  }
0x5d: {  	s23 =	simm.s32 @!p0 $0x1  }
0x5e: {  	_ =	swait.ge @!p0 [sflag:s23], $0x100  }
0x5f: {  	[sflag:s23] =	ssyncset.done @!p0 $0x0  }
0x60: {  	[sflag:s23] =	ssyncadd.s32 @!p0 $0xFFFFFF00  }
0x61: {  	_ =	sfence.sel $0x180000  }
0x62: {  	[bflag:$0x0] =	sbarrier.arrive $0xFFFF  }
0x63: {  	p0 =	sne.s32 s2, $0x0;
	_ =	strace $0x90000047  }
0x64: {  	s0 =	sadd.s32 @!p0 $0x100000, s0;
	[bflag:$0x2] =	sbarrier.arrive $0xFFFF  }
0x65: {  	[sflag:s0] =	ssyncadd.tile.s32 @!p0 $0x1;
	_ =	shalt  }
.Lfunc_end2:
_tile_overlayer_lowered:
.L_overlay_start_2:
0x66: {  	(tag) =	ssettag $0x2  }
0x67: {  	s0 =	rddreg [dreg:$0x0];
	s2 =	stileid.u32  }
0x68: {  	s1 =	rddreg [dreg:$0x1];
	p0 =	sne.s32 s2, $0x0  }
0x69: {  	s3 =	rddreg [dreg:$0x2];
	[bflag:$0x3] =	sbarrier.arrive $0xFFFF;
	s2 =	simm.s32 @!p0 $0x1C01  }
0x6a: {  	[timem:s3], [sflag:s2] =	dma.local @!p0 [hbm:s0], s1  }
0x6b: {  	s0 =	simm.s32 @!p0 $0x1  }
0x6c: {  	_ =	swait.ge @!p0 [sflag:s0], s1  }
0x6d: {  	s1 =	ssub.s32 @!p0 $0x0, s1;
	[sflag:s0] =	ssyncset.done @!p0 $0x0  }
0x6e: {  	[sflag:s0] =	ssyncadd.s32 @!p0 s1  }
0x6f: {  	[bflag:$0x3] =	sbarrier.arrive $0xFFFF  }
0x70: {  	_ =	shalt  }

// kernel: kernel.13.cloned.1.call-start
scs
__scs_entry_jumppad:
0x0: {  	(pc) =	sbr.rel $0x88, $3  }
0x1: {  	(tag) =	ssettag $0x0;
	lr =	simm.s32 $0x1  }
0x2: {  	[smem:$0x3F98] =	sst lr;
	_ =	strace $0xD0000000  }
0x3: {  	_ = 	snop  }
0x4: {  	_ = 	snop  }
0x5: {  	_ = 	snop  }
0x6: {  	_ = 	snop  }
0x7: {  	_ = 	snop  }
__scs_overlays_trampoline_lowered:
0x8: {  	[smem:$0x3FA7] =	sst s0  }
0x9: {  	[smem:$0x3FA8] =	sst s1  }
0xa: {  	[smem:$0x3FA9] =	sst s2  }
0xb: {  	[smem:$0x3FAA] =	sst s3  }
0xc: {  	[smem:$0x3FAB] =	sst s4  }
0xd: {  	[smem:$0x3FAC] =	sst s5  }
0xe: {  	[smem:$0x3FAD] =	sst s6  }
0xf: {  	[smem:$0x3FAE] =	sst s7  }
0x10: {  	[smem:$0x3FAF] =	sst s8  }
0x11: {  	[smem:$0x3FB0] =	sst s9;
	s0 =	simm.s32 @!p0 $0x0  }
0x12: {  	s1 =	sld [smem:$0x3F96];
	s0 =	simm.s32 @p0 $0x1  }
0x13: {  	[smem:$0x3FB1] =	sst s0;
	s0 =	simm.s32 @!p1 $0x0  }
0x14: {  	s2 =	sld [smem:$0x3F95];
	s0 =	simm.s32 @p1 $0x1  }
0x15: {  	[smem:$0x3FB2] =	sst s0;
	s0 =	simm.s32 @!p2 $0x0  }
0x16: {  	s3 =	sld [smem:$0x3FDB];
	s0 =	simm.s32 @p2 $0x1  }
0x17: {  	s4 =	simm.s32 $0x1BF5;
	[smem:$0x3FB4] =	sst s0  }
0x18: {  	s0 =	sld [smem:$0x3F97];
	_ =	swait.ge [sflag:s4], $0x0  }
0x19: {  	s7 =	sld [smem:$0x3F98]  }
0x1a: {  	s8 =	sadd.s32 $0xFFFFE003, lr  }
0x1b: {  	s9 =	sadd.s32 $0xFFFFFEF7, lr;
	s5 =	simm.s32 $0xFFFFFFFF;
	p2 =	slt.u32 s8, $0xFFFFF086  }
0x1c: {  	p1 =	slt.u32 s9, $0xF7A;
	s5 =	simm.s32 @!p2 $0x0  }
0x1d: {  	s5 =	simm.s32 @p1 $0x1;
	p0 =	seq.s32 s7, s2  }
0x1e: {  	s7 =	smul.u32 @!p0 $0xF7A, s2;
	p2 =	seq.s32 @!p0 s5, $0x0  }
0x1f: {  	s9 =	smul.u32 $0xF7A, s1;
	s8 =	simm.s32 @!p0 $0x1BF5;
	p2 =	por !p2, p0  }
0x20: {  	[sflag:s8] =	ssyncset.s32 @!p0 $0xFFFFF086;
	s6 =	sadd.s32 @!p0 s3, s7;
	s7 =	simm.s32 @!p0 $0x108  }
0x21: {  	s3 =	sadd.s32 s3, s9;
	s6 =	sadd.s32 @!p0 $0x88, s6;
	s7 =	simm.s32 @p2 $0x1082  }
0x22: {  	[simem:s7], [sflag:s8] =	dma.local @!p0 [hbm:s6], $0xF7A  }
0x23: {  	s9 =	sor.u32 $0xD0000000, s2;
	s6 =	simm.s32 $0x108;
	_ =	swait.ge @!p0 [sflag:s8], $0x0  }
0x24: {  	s3 =	sadd.s32 $0x88, s3;
	s6 =	simm.s32 @!p1 $0x1082;
	[sflag:s4] =	ssyncset.s32 $0xFFFFF086  }
0x25: {  	[simem:s6], [sflag:s4] =	dma.local [hbm:s3], $0xF7A  }
0x26: {  	[smem:$0x3F98] =	sst s1;
	(tag) =	ssettag s2;
	_ =	strace s9  }
0x27: {  	s1 =	sld [smem:$0x3FA8]  }
0x28: {  	s2 =	sld [smem:$0x3FA9]  }
0x29: {  	s4 =	sld [smem:$0x3FAB]  }
0x2a: {  	p0 =	seq.s32 s5, $0x0;
	s5 =	sld [smem:$0x3FAC]  }
0x2b: {  	s6 =	sld [smem:$0x3FAD]  }
0x2c: {  	s7 =	sld [smem:$0x3FAE]  }
0x2d: {  	s3 =	simm.s32 $0x108;
	s8 =	sld [smem:$0x3FAF]  }
0x2e: {  	s3 =	simm.s32 @!p0 $0x1082;
	s9 =	sld [smem:$0x3FB0]  }
0x2f: {  	lr =	sadd.s32 s0, s3;
	s0 =	sld [smem:$0x3FA7]  }
0x30: {  	s3 =	sld [smem:$0x3FAA]  }
0x31: {  	[smem:$0x3FB3] =	sst s10  }
0x32: {  	s10 =	sld [smem:$0x3FB1];
	_ =	sdelay $0x3  }
0x33: {  	p0 =	seq.s32 s10, $0x1;
	s10 =	sld [smem:$0x3FB3];
	_ =	sdelay $0x3  }
0x34: {  	[smem:$0x3FB3] =	sst s10  }
0x35: {  	s10 =	sld [smem:$0x3FB2];
	_ =	sdelay $0x3  }
0x36: {  	p1 =	seq.s32 s10, $0x1;
	s10 =	sld [smem:$0x3FB3];
	_ =	sdelay $0x3  }
0x37: {  	[smem:$0x3FB3] =	sst s10  }
0x38: {  	s10 =	sld [smem:$0x3FB4]  }
0x39: {  	_ = 	snop;
	(pc) =	sbr.ind lr, $3  }
0x3a: {  	_ = 	snop  }
0x3b: {  	_ = 	snop  }
0x3c: {  	p2 =	seq.s32 s10, $0x1;
	s10 =	sld [smem:$0x3FB3]  }
0x3d: {  	_ =	shalt  }
0x3e: {  	_ =	shalt  }
0x3f: {  	_ =	shalt  }
0x40: {  	_ =	shalt  }
0x41: {  	_ =	shalt  }
0x42: {  	_ =	shalt  }
0x43: {  	_ =	shalt  }
0x44: {  	_ =	shalt  }
0x45: {  	_ =	shalt  }
0x46: {  	_ =	shalt  }
0x47: {  	_ =	shalt  }
0x48: {  	_ =	shalt  }
0x49: {  	_ =	shalt  }
0x4a: {  	_ =	shalt  }
0x4b: {  	_ =	shalt  }
0x4c: {  	_ =	shalt  }
0x4d: {  	_ =	shalt  }
0x4e: {  	_ =	shalt  }
0x4f: {  	_ =	shalt  }
0x50: {  	_ =	shalt  }
0x51: {  	_ =	shalt  }
0x52: {  	_ =	shalt  }
0x53: {  	_ =	shalt  }
0x54: {  	_ =	shalt  }
0x55: {  	_ =	shalt  }
0x56: {  	_ =	shalt  }
0x57: {  	_ =	shalt  }
0x58: {  	_ =	shalt  }
0x59: {  	_ =	shalt  }
0x5a: {  	_ =	shalt  }
0x5b: {  	_ =	shalt  }
0x5c: {  	_ =	shalt  }
0x5d: {  	_ =	shalt  }
0x5e: {  	_ =	shalt  }
0x5f: {  	_ =	shalt  }
0x60: {  	_ =	shalt  }
0x61: {  	_ =	shalt  }
0x62: {  	_ =	shalt  }
0x63: {  	_ =	shalt  }
0x64: {  	_ =	shalt  }
0x65: {  	_ =	shalt  }
0x66: {  	_ =	shalt  }
0x67: {  	_ =	shalt  }
0x68: {  	_ =	shalt  }
0x69: {  	_ =	shalt  }
0x6a: {  	_ =	shalt  }
0x6b: {  	_ =	shalt  }
0x6c: {  	_ =	shalt  }
0x6d: {  	_ =	shalt  }
0x6e: {  	_ =	shalt  }
0x6f: {  	_ =	shalt  }
0x70: {  	_ =	shalt  }
0x71: {  	_ =	shalt  }
0x72: {  	_ =	shalt  }
0x73: {  	_ =	shalt  }
0x74: {  	_ =	shalt  }
0x75: {  	_ =	shalt  }
0x76: {  	_ =	shalt  }
0x77: {  	_ =	shalt  }
0x78: {  	_ =	shalt  }
0x79: {  	_ =	shalt  }
0x7a: {  	_ =	shalt  }
0x7b: {  	_ =	shalt  }
0x7c: {  	_ =	shalt  }
0x7d: {  	_ =	shalt  }
0x7e: {  	_ =	shalt  }
0x7f: {  	_ =	shalt  }
0x80: {  	_ =	shalt  }
0x81: {  	_ =	shalt  }
0x82: {  	_ =	shalt  }
0x83: {  	_ =	shalt  }
0x84: {  	_ =	shalt  }
0x85: {  	_ =	shalt  }
0x86: {  	_ =	shalt  }
0x87: {  	_ =	shalt  }
.Lfunc_end0:
.L_simem_size_0:
called_computation.1_lowered:
.L_overlay_start_0:
0x88: {  	s2 =	sld [smem:$0x3FD9]  }
0x89: {  	s3 =	sld [smem:$0x3FFE];
	_ =	sdelay $0x1  }
0x8a: {  	s1 =	srdreg.scid  }
0x8b: {  	s0 =	sand.u32 $0x1, s1  }
0x8c: {  	s16 =	sshll.u32 s0, $0xA;
	s2 =	sadd.s32 s3, s2  }
0x8d: {  	s2 =	sadd.s32 s2, s16  }
0x8e: {  	[smem:$0x3FBF] =	sst s2  }
0x8f: {  	_ = 	snop  }
0x90: {  	(tm) =	ssettm $0x1  }
0x91: {  	s17 =	sld [smem:$0x3FFB];
	_ =	sdelay $0x3  }
0x92: {  	_ =	strace s17  }
0x93: {  	s2 =	sld [smem:$0x3FFC];
	_ =	sdelay $0x3  }
0x94: {  	_ =	strace s2  }
0x95: {  	s2 =	sld [smem:$0x3FFD];
	_ =	sdelay $0x3  }
0x96: {  	_ =	strace s2  }
0x97: {  	_ =	strace $0x8FFFFFFF  }
0x98: {  	s18 =	sld [smem:$0x3FDB];
	_ =	sdelay $0x1  }
0x99: {  	s19 =	simm.s32 $_scs_section_size  }
0x9a: {  	s4 =	simm.s32 $_size__tile_overlayer_lowered;
	s5 =	simm.s32 $_tile_overlayer_lowered  }
0x9b: {  	s22 =	simm.s32 $0x1BFF;
	s21 =	sshll.u32 s5, $0x1;
	s2 =	sadd.s32 s19, s18  }
0x9c: {  	s6 =	simm.s32 $0x0;
	s20 =	sshll.u32 s4, $0x1;
	s4 =	sadd.s32 s21, s2  }
0x9d: {  	[timem:s6], [sflag:s22] =	dma.local [hbm:s4], s20  }
0x9e: {  	_ =	swait.ge [sflag:s22], s20  }
0x9f: {  	s3 =	ssub.s32 $0x0, s20;
	[sflag:s22] =	ssyncset.done $0x0  }
0xa0: {  	[sflag:s22] =	ssyncadd.s32 s3;
	_ =	sdelay $0x1  }
0xa1: {  	s23 =	simm.s32 $0x1B8B  }
0xa2: {  	_ =	swait.ge [sflag:s23], $0x1  }
0xa3: {  	[sflag:s23] =	ssyncset.done $0x0  }
0xa4: {  	s25 =	simm.s32 $0x1B8E;
	s24 =	sld [smem:$0x3FFE];
	[sflag:s23] =	ssyncadd.s32 $0xFFFFFFFF  }
0xa5: {  	s26 =	simm.s32 $execute0_lowered;
	[smem:$0x3FD2] =	sst s25  }
0xa6: {  	s4 =	sshll.u32 s26, $0x1;
	_ =	strace $0x80000049;
	[dreg:$0x1] =	wrdreg $0xFFFFFFFF  }
0xa7: {  	s28 =	simm.s32 $_size_execute0_lowered;
	s2 =	sadd.s32 s2, s4;
	[dreg:$0x0] =	wrdreg $0x0  }
0xa8: {  	s4 =	sshll.u32 s28, $0x1;
	[dreg:$0x2] =	wrdreg s2  }
0xa9: {  	[dreg:$0x3] =	wrdreg s4  }
0xaa: {  	[dreg:$0x4] =	wrdreg $0xC0  }
0xab: {  	_ =	task [dreg:s6], $0x5FFFF  }
0xac: {  	[dreg:$0x1] =	wrdreg $0xFFFFFFFF  }
0xad: {  	[dreg:$0x0] =	wrdreg $0x60  }
0xae: {  	[dreg:$0x2] =	wrdreg s24  }
0xaf: {  	[dreg:$0x3] =	wrdreg $0x0  }
0xb0: {  	[dreg:$0x4] =	wrdreg $0x9  }
0xb1: {  	_ =	task.clear_ibuf [dreg:s6], $0x5FFFF;
	_ =	strace $0x90000049  }
0xb2: {  	s29 =	simm.s32 $0x9;
	_ =	strace $0x8000004B  }
0xb3: {  	_ =	swait.ge [sflag:s29], $0x1  }
0xb4: {  	[sflag:s29] =	ssyncadd.s32 $0xFFFFFFFF  }
0xb5: {  	_ =	strace $0x9000004B  }
0xb6: {  	_ =	sfence  }
0xb7: {  	s30 =	sld [smem:$0x0];
	_ =	sdelay $0x2  }
0xb8: {  	s31 =	sshll.u32 s1, $0xD;
	s1 =	sshrl.u32 s1, $0x2  }
0xb9: {  	s3 =	sand.u32 $0x4000, s31;
	s1 =	sadd.s32 s1, s30  }
0xba: {  	s0 =	sor.u32 s3, s0;
	s1 =	sshll.u32 s1, $0x11  }
0xbb: {  	s0 =	sor.u32 s1, s0  }
0xbc: {  	s0 =	sadd.s32 $0x8F2B, s0  }
0xbd: {  	[sflag:s0] =	ssyncadd.remote.s32 $0x1  }
0xbe: {  	_ =	sfence.sel $0xFFFF  }
0xbf: {  	[dreg:$0x0] =	wrdreg $0xFFFFFFFF;
	(pc) =	sbr.abs _section_cstart, $3  }
0xc0: {  	[dreg:$0x1] =	wrdreg $0xFFFFFFFF  }
0xc1: {  	_ =	task.clear_ibuf [dreg:s6], $0x2FFFF;
	_ =	strace $0x9FFFFFFF  }
0xc2: {  	(tm) =	ssettm $0x7FFFFFFF  }
0xc3: {  	_ =	shalt  }
tec
execute0_lowered:
.L_overlay_start_1:
0x0: {  	(tag) =	ssettag $0x1  }
0x1: {  	s0 =	rddreg [dreg:$0x0]  }
0x2: {  	s1 =	rddreg [dreg:$0x1];
	s3 =	simm.s32 $0x0  }
0x3: {  	s2 =	srdreg.scid;
	s15 =	stileid.u32;
	s28 =	simm.s32 $0x13880  }
0x4: {  	s29 =	simm.s32 $0x13980;
	s30 =	simm.s32 $0x80;
	[smem:$0x7FF] =	sst s3  }
0x5: {  	s4 =	sadd.s32 $0x65A00, s0;
	s2 =	sand.u32 $0x1, s2;
	s7 =	smul.u32 $0x4E000, s15  }
0x6: {  	s5 =	sadd.s32 $0x3C00, s0;
	s6 =	sadd.s32 $0xDA00, s0;
	s13 =	smul.u32 $0x13800, s15  }
0x7: {  	s0 =	sadd.s32 $0x8CC00, s0;
	s26 =	smul.u32 $0x2710, s15;
	p0 =	sne.s32 s15, $0xF  }
0x8: {  	s31 =	simm.s32 $0x1;
	_ =	strace $0x8000004A;
	s24 =	smul.u32 $0x138800, s2  }
0x9: {  	s8 =	sshll.u32 s2, $0x4;
	s9 =	ssub.s32 $0x2, s2;
	s2 =	smul.u32 $0x27100, s2  }
0xa: {  	s8 =	sor.u32 s15, s8;
	s7 =	sshrl.u32 s7, $0x2;
	s10 =	sshrl.u32 s9, $0x1  }
0xb: {  	s7 =	sadd.s32 s7, s1;
	s8 =	smul.u32 $0x2710, s8;
	s9 =	ssub.s32 s9, s10  }
0xc: {  	s13 =	sadd.s32 s13, s24;
	s10 =	sshrl.u32 s24, $0x3;
	s19 =	sadd.s32 s26, s2  }
0xd: {  	s2 =	simm.s32 $0x13A00;
	s22 =	sadd.s32 $0x4000, s7;
	s23 =	sadd.s32 $0x8000, s7  }
0xe: {  	s11 =	sadd.s32 $0xC000, s7;
	s12 =	sadd.s32 $0x10000, s7;
	[dreg:$0x3] =	wrdreg s22  }
0xf: {  	s13 =	sshrl.u32 s13, $0x3;
	s10 =	sadd.s32 s0, s10;
	[dreg:$0x4] =	wrdreg s23  }
0x10: {  	s17 =	smax.u32 s9, $0x1;
	s9 =	simm.s32 $0x1BA80;
	[dreg:$0x5] =	wrdreg s11  }
0x11: {  	s8 =	sshrl.u32 s8, $0x3;
	[dreg:$0x6] =	wrdreg s12;
	s12 =	sadd.s32 $0x138000, s1  }
0x12: {  	s0 =	sadd.s32 s0, s13;
	s16 =	sadd.s32 $0x27000, s10;
	[dreg:$0xb] =	wrdreg s17  }
0x13: {  	s10 =	simm.s32 $0x1BB00;
	s13 =	simm.s32 $0x2;
	[dreg:$0x9] =	wrdreg s0  }
0x14: {  	s25 =	sadd.s32 $0x4E0, s8;
	[dreg:$0xa] =	wrdreg s16;
	s18 =	sadd.s32 s5, s8  }
0x15: {  	s23 =	sadd.s32 s6, s8;
	s24 =	sadd.s32 $0x10, s8;
	s0 =	simm.s32 $0x13900  }
0x16: {  	s8 =	simm.s32 $0x17A80;
	s14 =	sadd.s32 s5, s25;
	[dreg:$0xc] =	wrdreg s18  }
0x17: {  	s11 =	sadd.s32 s6, s25;
	[dreg:$0xd] =	wrdreg s23;
	s25 =	sadd.s32 $0x180, s19  }
0x18: {  	s20 =	sadd.s32 s5, s24;
	s21 =	sadd.s32 s6, s24;
	[dreg:$0x7] =	wrdreg s14  }
0x19: {  	s24 =	sadd.s32 $0x100, s19;
	[dreg:$0x8] =	wrdreg s11;
	s26 =	sshrl.u32 s25, $0x3  }
0x1a: {  	s25 =	simm.s32 $0x13A80;
	s11 =	simm.s32 $0x10;
	s14 =	simm.s32 $0x0  }
0x1b: {  	v0 =	vimm.f32 $0.0e+00;
	s22 =	sadd.s32 s26, s6;
	s23 =	sadd.s32 s26, s5;
	s26 =	simm.s32 $0x3  }
.LBB2_1:
0x1c: {  	s15 =	simm.s32 $0x0;
	s16 =	simm.s32 $0x200  }
.LBB2_2:
0x1d: {  	p1 =	sne.s32 s16, $0xFE00;
	[tilespmem:s15+$0x13AF0] =	vst v0  }
0x1e: {  	[tilespmem:s15+$0x13A80] =	vst v0  }
0x1f: {  	[tilespmem:s15+$0x13A90] =	vst v0  }
.Ltmp0:
0x20: {  	[tilespmem:s15+$0x13AA0] =	vst v0;
	(pc) =	sbr.rel @p1 .LBB2_2-.Ltmp0, $4  }
0x21: {  	[tilespmem:s15+$0x13AB0] =	vst v0  }
0x22: {  	[tilespmem:s15+$0x13AC0] =	vst v0  }
0x23: {  	[tilespmem:s15+$0x13AD0] =	vst v0  }
0x24: {  	[tilespmem:s15+$0x13AE0] =	vst v0;
	s15 =	sshra.s32 s16, $0x2;
	s16 =	sadd.s32 $0x200, s16  }
0x25: {  	[tilespmem:s15+$0x13AF0] =	vst v0  }
0x26: {  	[tilespmem:s15+$0x13A80] =	vst v0  }
0x27: {  	[tilespmem:s15+$0x13A90] =	vst v0  }
0x28: {  	[tilespmem:s15+$0x13AA0] =	vst v0  }
0x29: {  	[tilespmem:s15+$0x13AB0] =	vst v0  }
0x2a: {  	[tilespmem:s15+$0x13AC0] =	vst v0  }
0x2b: {  	[tilespmem:s15+$0x13AD0] =	vst v0  }
0x2c: {  	[tilespmem:s15+$0x13AE0] =	vst v0  }
0x2d: {  	[spmem:s7] =	stream.linear.scatter [tilespmem:s25], [sflag:$0x3], $0x4000, $0x38;
	[tilespmem:$0x1BB80] =	vst v63  }
0x2e: {  	_ =	swait.ge [sflag:s26], $0x4000  }
0x2f: {  	[sflag:s26] =	ssyncset.done $0x0  }
0x30: {  	s17 =	rddreg [dreg:$0x3];
	[sflag:s26] =	ssyncadd.s32 $0xFFFFC000  }
0x31: {  	[spmem:s17] =	stream.linear.scatter [tilespmem:s25], [sflag:$0x3], $0x4000, $0x38;
	[tilespmem:$0x1BB80] =	vst v63  }
0x32: {  	_ =	swait.ge [sflag:s26], $0x4000  }
0x33: {  	[sflag:s26] =	ssyncset.done $0x0  }
0x34: {  	s18 =	rddreg [dreg:$0x4];
	[sflag:s26] =	ssyncadd.s32 $0xFFFFC000  }
0x35: {  	[spmem:s18] =	stream.linear.scatter [tilespmem:s25], [sflag:$0x3], $0x4000, $0x38;
	[tilespmem:$0x1BB80] =	vst v63  }
0x36: {  	_ =	swait.ge [sflag:s26], $0x4000  }
0x37: {  	[sflag:s26] =	ssyncset.done $0x0  }
0x38: {  	s19 =	rddreg [dreg:$0x5];
	[sflag:s26] =	ssyncadd.s32 $0xFFFFC000  }
0x39: {  	[spmem:s19] =	stream.linear.scatter [tilespmem:s25], [sflag:$0x3], $0x4000, $0x38;
	[tilespmem:$0x1BB80] =	vst v63  }
0x3a: {  	_ =	swait.ge [sflag:s26], $0x4000  }
0x3b: {  	[sflag:s26] =	ssyncset.done $0x0  }
0x3c: {  	s16 =	rddreg [dreg:$0x6];
	[sflag:s26] =	ssyncadd.s32 $0xFFFFC000  }
0x3d: {  	[spmem:s16] =	stream.linear.scatter [tilespmem:s25], [sflag:$0x3], $0x3800, $0x38;
	[tilespmem:$0x1BB80] =	vst v63  }
0x3e: {  	_ =	swait.ge [sflag:s26], $0x3800  }
0x3f: {  	[sflag:s26] =	ssyncset.done $0x0  }
0x40: {  	s15 =	simm.s32 @!p0 $0x13A80;
	[sflag:s26] =	ssyncadd.s32 $0xFFFFC800  }
0x41: {  	[spmem:s12] =	stream.linear.scatter @!p0 [tilespmem:s15], [sflag:$0x3], $0x800, $0x38;
	[tilespmem:$0x1BB80] =	vst v63  }
0x42: {  	s15 =	simm.s32 @!p0 $0x3  }
0x43: {  	_ =	swait.ge @!p0 [sflag:s15], $0x800  }
0x44: {  	[sflag:s15] =	ssyncset.done @!p0 $0x0  }
0x45: {  	[sflag:s15] =	ssyncadd.s32 @!p0 $0xFFFFF800  }
0x46: {  	[bflag:$0x0] =	sbarrier.arrive $0xFFFF  }
0x47: {  	s17 =	simm.s32 $0x0;
	s16 =	rddreg [dreg:$0xc]  }
0x48: {  	[tilespmem:s28], [sflag:$0x3] =	stream.linear.gather [hbm4b:s16+s17], $0x80, $0x38;
	[tilespmem:$0x1BB80] =	vst v63  }
0x49: {  	_ =	swait.ge [sflag:s26], $0x80  }
0x4a: {  	[sflag:s26] =	ssyncset.done $0x0  }
0x4b: {  	s18 =	rddreg [dreg:$0xd];
	[sflag:s26] =	ssyncadd.s32 $0xFFFFFF80  }
0x4c: {  	[tilespmem:s29], [sflag:$0x3] =	stream.linear.gather [hbm4b:s18+s17], $0x80, $0x38;
	[tilespmem:$0x1BB80] =	vst v63  }
0x4d: {  	_ =	swait.ge [sflag:s26], $0x80  }
0x4e: {  	[sflag:s26] =	ssyncset.done $0x0  }
0x4f: {  	[sflag:s26] =	ssyncadd.s32 $0xFFFFFF80  }
0x50: {  	[tilespmem:s25], [sflag:$0x1] =	stream.indirect.gather [hbm4b:s4+s30], $0x80, s28, s30, $0xb8;
	[tilespmem:$0x1BB80] =	vst v63  }
0x51: {  	_ =	swait.ge [sflag:s31], $0x4000  }
0x52: {  	[sflag:s31] =	ssyncset.done $0x0  }
0x53: {  	[sflag:s31] =	ssyncadd.s32 $0xFFFFC000  }
0x54: {  	[tilespmem:s0], [sflag:$0x3] =	stream.linear.gather [hbm4b:s20+s17], $0x80, $0x38;
	[tilespmem:$0x1BB80] =	vst v63  }
0x55: {  	_ =	swait.ge [sflag:s26], $0x80  }
0x56: {  	[sflag:s26] =	ssyncset.done $0x0  }
0x57: {  	[sflag:s26] =	ssyncadd.s32 $0xFFFFFF80  }
0x58: {  	[tilespmem:s2], [sflag:$0x3] =	stream.linear.gather [hbm4b:s21+s17], $0x80, $0x38;
	[tilespmem:$0x1BB80] =	vst v63  }
0x59: {  	_ =	swait.ge [sflag:s26], $0x80  }
0x5a: {  	[sflag:s26] =	ssyncset.done $0x0  }
0x5b: {  	[sflag:s26] =	ssyncadd.s32 $0xFFFFFF80  }
0x5c: {  	[tilespmem:s8], [sflag:$0x1] =	stream.indirect.gather [hbm4b:s4+s30], $0x80, s0, s30, $0xb8;
	[tilespmem:$0x1BB80] =	vst v63  }
0x5d: {  	_ = 	snop  }
0x5e: {  	[spmem:s1] =	stream.indirect.scatter.add.f32 [tilespmem:s25], [sflag:$0x3], $0x80, s29, s30, $0xb8;
	[tilespmem:$0x1BB80] =	vst v63  }
0x5f: {  	_ =	swait.ge [sflag:s26], $0x4000  }
0x60: {  	[sflag:s26] =	ssyncset.done $0x0  }
0x61: {  	[sflag:s26] =	ssyncadd.s32 $0xFFFFC000  }
0x62: {  	_ =	swait.ge [sflag:s31], $0x4000  }
0x63: {  	s19 =	sshrl.u32 s24, $0x3;
	[sflag:s31] =	ssyncset.done $0x0  }
0x64: {  	s17 =	sadd.s32 s5, s19;
	[sflag:s31] =	ssyncadd.s32 $0xFFFFC000  }
0x65: {  	[tilespmem:s28], [sflag:$0x3] =	stream.linear.gather [hbm4b:s17+s3], $0x80, $0x38;
	[tilespmem:$0x1BB80] =	vst v63  }
0x66: {  	_ =	swait.ge [sflag:s26], $0x80  }
0x67: {  	[sflag:s26] =	ssyncset.done $0x0  }
0x68: {  	s15 =	sadd.s32 s6, s19;
	[sflag:s26] =	ssyncadd.s32 $0xFFFFFF80  }
0x69: {  	[tilespmem:s29], [sflag:$0x3] =	stream.linear.gather [hbm4b:s15+s3], $0x80, $0x38;
	[tilespmem:$0x1BB80] =	vst v63  }
0x6a: {  	_ =	swait.ge [sflag:s26], $0x80  }
0x6b: {  	[sflag:s26] =	ssyncset.done $0x0  }
0x6c: {  	[sflag:s26] =	ssyncadd.s32 $0xFFFFFF80  }
0x6d: {  	[tilespmem:s25], [sflag:$0x1] =	stream.indirect.gather [hbm4b:s4+s30], $0x80, s28, s30, $0xb8;
	[tilespmem:$0x1BB80] =	vst v63  }
0x6e: {  	_ = 	snop  }
0x6f: {  	[spmem:s1] =	stream.indirect.scatter.add.f32 [tilespmem:s8], [sflag:$0x3], $0x80, s2, s30, $0xb8;
	[tilespmem:$0x1BB80] =	vst v63  }
0x70: {  	_ =	swait.ge [sflag:s26], $0x4000  }
0x71: {  	[sflag:s26] =	ssyncset.done $0x0  }
0x72: {  	[sflag:s26] =	ssyncadd.s32 $0xFFFFC000  }
0x73: {  	_ =	swait.ge [sflag:s31], $0x4000  }
0x74: {  	[sflag:s31] =	ssyncset.done $0x0  }
0x75: {  	s18 =	sadd.s32 $0x0, s23;
	[sflag:s31] =	ssyncadd.s32 $0xFFFFC000  }
0x76: {  	[tilespmem:s0], [sflag:$0x3] =	stream.linear.gather [hbm4b:s18+s3], $0x80, $0x38;
	[tilespmem:$0x1BB80] =	vst v63  }
0x77: {  	_ =	swait.ge [sflag:s26], $0x80  }
0x78: {  	[sflag:s26] =	ssyncset.done $0x0  }
0x79: {  	s19 =	sadd.s32 $0x0, s22;
	[sflag:s26] =	ssyncadd.s32 $0xFFFFFF80  }
0x7a: {  	[tilespmem:s2], [sflag:$0x3] =	stream.linear.gather [hbm4b:s19+s3], $0x80, $0x38;
	[tilespmem:$0x1BB80] =	vst v63  }
0x7b: {  	_ =	swait.ge [sflag:s26], $0x80  }
0x7c: {  	[sflag:s26] =	ssyncset.done $0x0  }
0x7d: {  	[sflag:s26] =	ssyncadd.s32 $0xFFFFFF80  }
0x7e: {  	[tilespmem:s8], [sflag:$0x1] =	stream.indirect.gather [hbm4b:s4+s30], $0x80, s0, s30, $0xb8;
	[tilespmem:$0x1BB80] =	vst v63  }
0x7f: {  	_ = 	snop  }
0x80: {  	[spmem:s1] =	stream.indirect.scatter.add.f32 [tilespmem:s25], [sflag:$0x3], $0x80, s29, s30, $0xb8;
	[tilespmem:$0x1BB80] =	vst v63  }
0x81: {  	_ =	swait.ge [sflag:s26], $0x4000  }
0x82: {  	[sflag:s26] =	ssyncset.done $0x0  }
0x83: {  	[sflag:s26] =	ssyncadd.s32 $0xFFFFC000  }
0x84: {  	s16 =	sadd.s32 $0x100, s24;
	s17 =	simm.s32 $0x40;
	_ =	swait.ge [sflag:s31], $0x4000  }
0x85: {  	s15 =	simm.s32 $0x20;
	s18 =	sshrl.u32 s16, $0x3;
	[sflag:s31] =	ssyncset.done $0x0  }
.LBB2_4:
0x86: {  	p1 =	sne.s32 s17, $0x4A0;
	s19 =	sadd.s32 s5, s18;
	[sflag:s31] =	ssyncadd.s32 $0xFFFFC000  }
0x87: {  	[tilespmem:s28], [sflag:$0x3] =	stream.linear.gather [hbm4b:s19+s3], $0x80, $0x38;
	[tilespmem:$0x1BB80] =	vst v63  }
0x88: {  	s19 =	smov.u32 s17;
	s17 =	sadd.s32 $0x20, s17;
	_ =	swait.ge [sflag:s26], $0x80  }
0x89: {  	[sflag:s26] =	ssyncset.done $0x0  }
0x8a: {  	s18 =	sadd.s32 s6, s18;
	[sflag:s26] =	ssyncadd.s32 $0xFFFFFF80  }
0x8b: {  	[tilespmem:s29], [sflag:$0x3] =	stream.linear.gather [hbm4b:s18+s3], $0x80, $0x38;
	[tilespmem:$0x1BB80] =	vst v63  }
0x8c: {  	_ =	swait.ge [sflag:s26], $0x80  }
0x8d: {  	[sflag:s26] =	ssyncset.done $0x0  }
0x8e: {  	[sflag:s26] =	ssyncadd.s32 $0xFFFFFF80  }
0x8f: {  	[tilespmem:s25], [sflag:$0x1] =	stream.indirect.gather [hbm4b:s4+s30], $0x80, s28, s30, $0xb8;
	[tilespmem:$0x1BB80] =	vst v63  }
0x90: {  	_ = 	snop  }
0x91: {  	[spmem:s1] =	stream.indirect.scatter.add.f32 [tilespmem:s8], [sflag:$0x3], $0x80, s2, s30, $0xb8;
	[tilespmem:$0x1BB80] =	vst v63  }
0x92: {  	_ =	swait.ge [sflag:s26], $0x4000  }
0x93: {  	[sflag:s26] =	ssyncset.done $0x0  }
0x94: {  	[sflag:s26] =	ssyncadd.s32 $0xFFFFC000  }
0x95: {  	_ =	swait.ge [sflag:s31], $0x4000  }
0x96: {  	[sflag:s31] =	ssyncset.done $0x0  }
0x97: {  	s18 =	sadd.s32 s15, s23;
	[sflag:s31] =	ssyncadd.s32 $0xFFFFC000  }
0x98: {  	[tilespmem:s0], [sflag:$0x3] =	stream.linear.gather [hbm4b:s18+s3], $0x80, $0x38;
	[tilespmem:$0x1BB80] =	vst v63  }
0x99: {  	_ =	swait.ge [sflag:s26], $0x80  }
0x9a: {  	[sflag:s26] =	ssyncset.done $0x0  }
0x9b: {  	s18 =	sadd.s32 s15, s22;
	s15 =	smov.u32 s19;
	[sflag:s26] =	ssyncadd.s32 $0xFFFFFF80  }
0x9c: {  	[tilespmem:s2], [sflag:$0x3] =	stream.linear.gather [hbm4b:s18+s3], $0x80, $0x38;
	[tilespmem:$0x1BB80] =	vst v63  }
0x9d: {  	_ =	swait.ge [sflag:s26], $0x80  }
0x9e: {  	[sflag:s26] =	ssyncset.done $0x0  }
0x9f: {  	[sflag:s26] =	ssyncadd.s32 $0xFFFFFF80  }
0xa0: {  	[tilespmem:s8], [sflag:$0x1] =	stream.indirect.gather [hbm4b:s4+s30], $0x80, s0, s30, $0xb8;
	[tilespmem:$0x1BB80] =	vst v63  }
0xa1: {  	_ = 	snop  }
0xa2: {  	[spmem:s1] =	stream.indirect.scatter.add.f32 [tilespmem:s25], [sflag:$0x3], $0x80, s29, s30, $0xb8;
	[tilespmem:$0x1BB80] =	vst v63  }
.Ltmp1:
0xa3: {  	_ =	swait.ge [sflag:s26], $0x4000;
	(pc) =	sbr.rel @p1 .LBB2_4-.Ltmp1, $4  }
0xa4: {  	[sflag:s26] =	ssyncset.done $0x0  }
0xa5: {  	[sflag:s26] =	ssyncadd.s32 $0xFFFFC000  }
0xa6: {  	s16 =	sadd.s32 $0x100, s16;
	_ =	swait.ge [sflag:s31], $0x4000  }
0xa7: {  	s18 =	sshrl.u32 s16, $0x3;
	[sflag:s31] =	ssyncset.done $0x0  }
0xa8: {  	s16 =	sadd.s32 s5, s18;
	[sflag:s31] =	ssyncadd.s32 $0xFFFFC000  }
0xa9: {  	[tilespmem:s28], [sflag:$0x3] =	stream.linear.gather [hbm4b:s16+s3], $0x80, $0x38;
	[tilespmem:$0x1BB80] =	vst v63  }
0xaa: {  	_ =	swait.ge [sflag:s26], $0x80  }
0xab: {  	[sflag:s26] =	ssyncset.done $0x0  }
0xac: {  	s19 =	sadd.s32 s6, s18;
	[sflag:s26] =	ssyncadd.s32 $0xFFFFFF80  }
0xad: {  	[tilespmem:s29], [sflag:$0x3] =	stream.linear.gather [hbm4b:s19+s3], $0x80, $0x38;
	[tilespmem:$0x1BB80] =	vst v63  }
0xae: {  	_ =	swait.ge [sflag:s26], $0x80  }
0xaf: {  	[sflag:s26] =	ssyncset.done $0x0  }
0xb0: {  	[sflag:s26] =	ssyncadd.s32 $0xFFFFFF80  }
0xb1: {  	[tilespmem:s25], [sflag:$0x1] =	stream.indirect.gather [hbm4b:s4+s30], $0x80, s28, s30, $0xb8;
	[tilespmem:$0x1BB80] =	vst v63  }
0xb2: {  	_ = 	snop  }
0xb3: {  	[spmem:s1] =	stream.indirect.scatter.add.f32 [tilespmem:s8], [sflag:$0x3], $0x80, s2, s30, $0xb8;
	[tilespmem:$0x1BB80] =	vst v63  }
0xb4: {  	_ =	swait.ge [sflag:s26], $0x4000  }
0xb5: {  	[sflag:s26] =	ssyncset.done $0x0  }
0xb6: {  	[sflag:s26] =	ssyncadd.s32 $0xFFFFC000  }
0xb7: {  	_ =	swait.ge [sflag:s31], $0x4000  }
0xb8: {  	[sflag:s31] =	ssyncset.done $0x0  }
0xb9: {  	s17 =	sadd.s32 s15, s23;
	[sflag:s31] =	ssyncadd.s32 $0xFFFFC000  }
0xba: {  	[tilespmem:s0], [sflag:$0x3] =	stream.linear.gather [hbm4b:s17+s3], $0x80, $0x38;
	[tilespmem:$0x1BB80] =	vst v63  }
0xbb: {  	_ =	swait.ge [sflag:s26], $0x80  }
0xbc: {  	[sflag:s26] =	ssyncset.done $0x0  }
0xbd: {  	s18 =	sadd.s32 s15, s22;
	[sflag:s26] =	ssyncadd.s32 $0xFFFFFF80  }
0xbe: {  	[tilespmem:s2], [sflag:$0x3] =	stream.linear.gather [hbm4b:s18+s3], $0x80, $0x38;
	[tilespmem:$0x1BB80] =	vst v63  }
0xbf: {  	_ =	swait.ge [sflag:s26], $0x80  }
0xc0: {  	[sflag:s26] =	ssyncset.done $0x0  }
0xc1: {  	[sflag:s26] =	ssyncadd.s32 $0xFFFFFF80  }
0xc2: {  	[tilespmem:s8], [sflag:$0x1] =	stream.indirect.gather [hbm4b:s4+s30], $0x80, s0, s30, $0xb8;
	[tilespmem:$0x1BB80] =	vst v63  }
0xc3: {  	_ = 	snop  }
0xc4: {  	[spmem:s1] =	stream.indirect.scatter.add.f32 [tilespmem:s25], [sflag:$0x3], $0x80, s29, s30, $0xb8;
	[tilespmem:$0x1BB80] =	vst v63  }
0xc5: {  	_ =	swait.ge [sflag:s26], $0x4000  }
0xc6: {  	[sflag:s26] =	ssyncset.done $0x0  }
0xc7: {  	[sflag:s26] =	ssyncadd.s32 $0xFFFFC000  }
0xc8: {  	_ =	swait.ge [sflag:s31], $0x4000  }
0xc9: {  	[sflag:s31] =	ssyncset.done $0x0  }
0xca: {  	[sflag:s31] =	ssyncadd.s32 $0xFFFFC000  }
0xcb: {  	[spmem:s1] =	stream.indirect.scatter.add.f32 [tilespmem:s8], [sflag:$0x3], $0x80, s2, s30, $0xb8;
	[tilespmem:$0x1BB80] =	vst v63  }
0xcc: {  	_ =	swait.ge [sflag:s26], $0x4000  }
0xcd: {  	[sflag:s26] =	ssyncset.done $0x0  }
0xce: {  	s19 =	rddreg [dreg:$0x7];
	[sflag:s26] =	ssyncadd.s32 $0xFFFFC000  }
0xcf: {  	[tilespmem:s9], [sflag:$0x3] =	stream.linear.gather [hbm4b:s19+s3], $0x10, $0x38;
	[tilespmem:$0x1BB80] =	vst v63  }
0xd0: {  	_ =	swait.ge [sflag:s26], $0x10  }
0xd1: {  	[sflag:s26] =	ssyncset.done $0x0  }
0xd2: {  	s16 =	rddreg [dreg:$0x8];
	[sflag:s26] =	ssyncadd.s32 $0xFFFFFFF0  }
0xd3: {  	[tilespmem:s10], [sflag:$0x3] =	stream.linear.gather [hbm4b:s16+s3], $0x10, $0x38;
	[tilespmem:$0x1BB80] =	vst v63  }
0xd4: {  	_ =	swait.ge [sflag:s26], $0x10  }
0xd5: {  	[sflag:s26] =	ssyncset.done $0x0  }
0xd6: {  	[sflag:s26] =	ssyncadd.s32 $0xFFFFFFF0  }
0xd7: {  	[tilespmem:s25], [sflag:$0x2] =	stream.indirect.gather [hbm4b:s4+s11], $0x80, s9, s11, $0xb8;
	[tilespmem:$0x1BB80] =	vst v63  }
0xd8: {  	_ =	swait.ge [sflag:s13], $0x800  }
0xd9: {  	[sflag:s13] =	ssyncset.done $0x0  }
0xda: {  	[sflag:s13] =	ssyncadd.s32 $0xFFFFF800  }
0xdb: {  	[spmem:s1] =	stream.indirect.scatter.add.f32 [tilespmem:s25], [sflag:$0x3], $0x80, s10, s11, $0xb8;
	[tilespmem:$0x1BB80] =	vst v63  }
0xdc: {  	_ =	swait.ge [sflag:s26], $0x800  }
0xdd: {  	[sflag:s26] =	ssyncset.done $0x0  }
0xde: {  	s17 =	stileid.u32;
	[sflag:s26] =	ssyncadd.s32 $0xFFFFF800  }
0xdf: {  	s15 =	sshll.u32 s17, $0x6;
	[bflag:$0x0] =	sbarrier.arrive $0xFFFF  }
0xe0: {  	s15 =	sor.u32 $0x1C03, s15;
	s18 =	sshrl.u32 s7, $0x3;
	s17 =	rddreg [dreg:$0x9]  }
0xe1: {  	[hbm:s17], [sflag:s15] =	dma.local [spmem:s18], $0x2700  }
0xe2: {  	_ =	swait.ge [sflag:s26], $0x2700  }
0xe3: {  	[sflag:s26] =	ssyncset.done $0x0  }
0xe4: {  	s16 =	sshrl.u32 @!p0 s12, $0x3;
	s17 =	rddreg [dreg:$0xa];
	[sflag:s26] =	ssyncadd.s32 $0xFFFFD900  }
0xe5: {  	[hbm:s17], [sflag:s15] =	dma.local @!p0 [spmem:s16], $0x100  }
0xe6: {  	s15 =	simm.s32 @!p0 $0x3  }
0xe7: {  	_ =	swait.ge @!p0 [sflag:s15], $0x100  }
0xe8: {  	s14 =	sadd.s32 $0x1, s14;
	s19 =	rddreg [dreg:$0xb]  }
0xe9: {  	p1 =	sne.s32 s14, s19  }
.Ltmp2:
0xea: {  	_ = 	snop;
	(pc) =	sbr.rel @p1 .LBB2_1-.Ltmp2, $3  }
0xeb: {  	_ =	sdelay $0x1  }
0xec: {  	[sflag:s15] =	ssyncset.done @!p0 $0x0  }
0xed: {  	[sflag:s15] =	ssyncadd.s32 @!p0 $0xFFFFFF00  }
0xee: {  	_ =	sfence.sel $0x180000  }
0xef: {  	[bflag:$0x0] =	sbarrier.arrive $0xFFFF  }
0xf0: {  	_ =	strace $0x9000004A  }
0xf1: {  	s0 =	stileid.u32;
	[bflag:$0x2] =	sbarrier.arrive $0xFFFF  }
0xf2: {  	p0 =	sne.s32 s0, $0x0;
	s0 =	rddreg [dreg:$0x2]  }
0xf3: {  	s0 =	sadd.s32 @!p0 $0x100000, s0  }
0xf4: {  	[sflag:s0] =	ssyncadd.tile.s32 @!p0 $0x1;
	_ =	shalt  }
.Lfunc_end2:
_tile_overlayer_lowered:
.L_overlay_start_2:
0xf5: {  	(tag) =	ssettag $0x2  }
0xf6: {  	s0 =	rddreg [dreg:$0x0];
	s2 =	stileid.u32  }
0xf7: {  	s1 =	rddreg [dreg:$0x1];
	p0 =	sne.s32 s2, $0x0  }
0xf8: {  	s3 =	rddreg [dreg:$0x2];
	[bflag:$0x3] =	sbarrier.arrive $0xFFFF;
	s2 =	simm.s32 @!p0 $0x1C03  }
0xf9: {  	[timem:s3], [sflag:s2] =	dma.local @!p0 [hbm:s0], s1  }
0xfa: {  	s0 =	simm.s32 @!p0 $0x3  }
0xfb: {  	_ =	swait.ge @!p0 [sflag:s0], s1  }
0xfc: {  	s1 =	ssub.s32 @!p0 $0x0, s1;
	[sflag:s0] =	ssyncset.done @!p0 $0x0  }
0xfd: {  	[sflag:s0] =	ssyncadd.s32 @!p0 s1  }
0xfe: {  	[bflag:$0x3] =	sbarrier.arrive $0xFFFF  }
0xff: {  	_ =	shalt  }

// kernel: kernel.16.cloned.1.call-start
scs
__scs_entry_jumppad:
0x0: {  	(pc) =	sbr.rel $0x88, $3  }
0x1: {  	(tag) =	ssettag $0x0;
	lr =	simm.s32 $0x1  }
0x2: {  	[smem:$0x3F98] =	sst lr;
	_ =	strace $0xD0000000  }
0x3: {  	_ = 	snop  }
0x4: {  	_ = 	snop  }
0x5: {  	_ = 	snop  }
0x6: {  	_ = 	snop  }
0x7: {  	_ = 	snop  }
__scs_overlays_trampoline_lowered:
0x8: {  	[smem:$0x3FA7] =	sst s0  }
0x9: {  	[smem:$0x3FA8] =	sst s1  }
0xa: {  	[smem:$0x3FA9] =	sst s2  }
0xb: {  	[smem:$0x3FAA] =	sst s3  }
0xc: {  	[smem:$0x3FAB] =	sst s4  }
0xd: {  	[smem:$0x3FAC] =	sst s5  }
0xe: {  	[smem:$0x3FAD] =	sst s6  }
0xf: {  	[smem:$0x3FAE] =	sst s7  }
0x10: {  	[smem:$0x3FAF] =	sst s8  }
0x11: {  	[smem:$0x3FB0] =	sst s9;
	s0 =	simm.s32 @!p0 $0x0  }
0x12: {  	s1 =	sld [smem:$0x3F96];
	s0 =	simm.s32 @p0 $0x1  }
0x13: {  	[smem:$0x3FB1] =	sst s0;
	s0 =	simm.s32 @!p1 $0x0  }
0x14: {  	s2 =	sld [smem:$0x3F95];
	s0 =	simm.s32 @p1 $0x1  }
0x15: {  	[smem:$0x3FB2] =	sst s0;
	s0 =	simm.s32 @!p2 $0x0  }
0x16: {  	s3 =	sld [smem:$0x3FDB];
	s0 =	simm.s32 @p2 $0x1  }
0x17: {  	s4 =	simm.s32 $0x1BF5;
	[smem:$0x3FB4] =	sst s0  }
0x18: {  	s0 =	sld [smem:$0x3F97];
	_ =	swait.ge [sflag:s4], $0x0  }
0x19: {  	s7 =	sld [smem:$0x3F98]  }
0x1a: {  	s8 =	sadd.s32 $0xFFFFE003, lr  }
0x1b: {  	s9 =	sadd.s32 $0xFFFFFEF7, lr;
	s5 =	simm.s32 $0xFFFFFFFF;
	p2 =	slt.u32 s8, $0xFFFFF086  }
0x1c: {  	p1 =	slt.u32 s9, $0xF7A;
	s5 =	simm.s32 @!p2 $0x0  }
0x1d: {  	s5 =	simm.s32 @p1 $0x1;
	p0 =	seq.s32 s7, s2  }
0x1e: {  	s7 =	smul.u32 @!p0 $0xF7A, s2;
	p2 =	seq.s32 @!p0 s5, $0x0  }
0x1f: {  	s9 =	smul.u32 $0xF7A, s1;
	s8 =	simm.s32 @!p0 $0x1BF5;
	p2 =	por !p2, p0  }
0x20: {  	[sflag:s8] =	ssyncset.s32 @!p0 $0xFFFFF086;
	s6 =	sadd.s32 @!p0 s3, s7;
	s7 =	simm.s32 @!p0 $0x108  }
0x21: {  	s3 =	sadd.s32 s3, s9;
	s6 =	sadd.s32 @!p0 $0x88, s6;
	s7 =	simm.s32 @p2 $0x1082  }
0x22: {  	[simem:s7], [sflag:s8] =	dma.local @!p0 [hbm:s6], $0xF7A  }
0x23: {  	s9 =	sor.u32 $0xD0000000, s2;
	s6 =	simm.s32 $0x108;
	_ =	swait.ge @!p0 [sflag:s8], $0x0  }
0x24: {  	s3 =	sadd.s32 $0x88, s3;
	s6 =	simm.s32 @!p1 $0x1082;
	[sflag:s4] =	ssyncset.s32 $0xFFFFF086  }
0x25: {  	[simem:s6], [sflag:s4] =	dma.local [hbm:s3], $0xF7A  }
0x26: {  	[smem:$0x3F98] =	sst s1;
	(tag) =	ssettag s2;
	_ =	strace s9  }
0x27: {  	s1 =	sld [smem:$0x3FA8]  }
0x28: {  	s2 =	sld [smem:$0x3FA9]  }
0x29: {  	s4 =	sld [smem:$0x3FAB]  }
0x2a: {  	p0 =	seq.s32 s5, $0x0;
	s5 =	sld [smem:$0x3FAC]  }
0x2b: {  	s6 =	sld [smem:$0x3FAD]  }
0x2c: {  	s7 =	sld [smem:$0x3FAE]  }
0x2d: {  	s3 =	simm.s32 $0x108;
	s8 =	sld [smem:$0x3FAF]  }
0x2e: {  	s3 =	simm.s32 @!p0 $0x1082;
	s9 =	sld [smem:$0x3FB0]  }
0x2f: {  	lr =	sadd.s32 s0, s3;
	s0 =	sld [smem:$0x3FA7]  }
0x30: {  	s3 =	sld [smem:$0x3FAA]  }
0x31: {  	[smem:$0x3FB3] =	sst s10  }
0x32: {  	s10 =	sld [smem:$0x3FB1];
	_ =	sdelay $0x3  }
0x33: {  	p0 =	seq.s32 s10, $0x1;
	s10 =	sld [smem:$0x3FB3];
	_ =	sdelay $0x3  }
0x34: {  	[smem:$0x3FB3] =	sst s10  }
0x35: {  	s10 =	sld [smem:$0x3FB2];
	_ =	sdelay $0x3  }
0x36: {  	p1 =	seq.s32 s10, $0x1;
	s10 =	sld [smem:$0x3FB3];
	_ =	sdelay $0x3  }
0x37: {  	[smem:$0x3FB3] =	sst s10  }
0x38: {  	s10 =	sld [smem:$0x3FB4]  }
0x39: {  	_ = 	snop;
	(pc) =	sbr.ind lr, $3  }
0x3a: {  	_ = 	snop  }
0x3b: {  	_ = 	snop  }
0x3c: {  	p2 =	seq.s32 s10, $0x1;
	s10 =	sld [smem:$0x3FB3]  }
0x3d: {  	_ =	shalt  }
0x3e: {  	_ =	shalt  }
0x3f: {  	_ =	shalt  }
0x40: {  	_ =	shalt  }
0x41: {  	_ =	shalt  }
0x42: {  	_ =	shalt  }
0x43: {  	_ =	shalt  }
0x44: {  	_ =	shalt  }
0x45: {  	_ =	shalt  }
0x46: {  	_ =	shalt  }
0x47: {  	_ =	shalt  }
0x48: {  	_ =	shalt  }
0x49: {  	_ =	shalt  }
0x4a: {  	_ =	shalt  }
0x4b: {  	_ =	shalt  }
0x4c: {  	_ =	shalt  }
0x4d: {  	_ =	shalt  }
0x4e: {  	_ =	shalt  }
0x4f: {  	_ =	shalt  }
0x50: {  	_ =	shalt  }
0x51: {  	_ =	shalt  }
0x52: {  	_ =	shalt  }
0x53: {  	_ =	shalt  }
0x54: {  	_ =	shalt  }
0x55: {  	_ =	shalt  }
0x56: {  	_ =	shalt  }
0x57: {  	_ =	shalt  }
0x58: {  	_ =	shalt  }
0x59: {  	_ =	shalt  }
0x5a: {  	_ =	shalt  }
0x5b: {  	_ =	shalt  }
0x5c: {  	_ =	shalt  }
0x5d: {  	_ =	shalt  }
0x5e: {  	_ =	shalt  }
0x5f: {  	_ =	shalt  }
0x60: {  	_ =	shalt  }
0x61: {  	_ =	shalt  }
0x62: {  	_ =	shalt  }
0x63: {  	_ =	shalt  }
0x64: {  	_ =	shalt  }
0x65: {  	_ =	shalt  }
0x66: {  	_ =	shalt  }
0x67: {  	_ =	shalt  }
0x68: {  	_ =	shalt  }
0x69: {  	_ =	shalt  }
0x6a: {  	_ =	shalt  }
0x6b: {  	_ =	shalt  }
0x6c: {  	_ =	shalt  }
0x6d: {  	_ =	shalt  }
0x6e: {  	_ =	shalt  }
0x6f: {  	_ =	shalt  }
0x70: {  	_ =	shalt  }
0x71: {  	_ =	shalt  }
0x72: {  	_ =	shalt  }
0x73: {  	_ =	shalt  }
0x74: {  	_ =	shalt  }
0x75: {  	_ =	shalt  }
0x76: {  	_ =	shalt  }
0x77: {  	_ =	shalt  }
0x78: {  	_ =	shalt  }
0x79: {  	_ =	shalt  }
0x7a: {  	_ =	shalt  }
0x7b: {  	_ =	shalt  }
0x7c: {  	_ =	shalt  }
0x7d: {  	_ =	shalt  }
0x7e: {  	_ =	shalt  }
0x7f: {  	_ =	shalt  }
0x80: {  	_ =	shalt  }
0x81: {  	_ =	shalt  }
0x82: {  	_ =	shalt  }
0x83: {  	_ =	shalt  }
0x84: {  	_ =	shalt  }
0x85: {  	_ =	shalt  }
0x86: {  	_ =	shalt  }
0x87: {  	_ =	shalt  }
.Lfunc_end0:
.L_simem_size_0:
called_computation.2_lowered:
.L_overlay_start_0:
0x88: {  	s2 =	sld [smem:$0x3FD9]  }
0x89: {  	s3 =	sld [smem:$0x3FFE];
	_ =	sdelay $0x1  }
0x8a: {  	s1 =	srdreg.scid  }
0x8b: {  	s0 =	sand.u32 $0x1, s1  }
0x8c: {  	s16 =	sshll.u32 s0, $0xA;
	s2 =	sadd.s32 s3, s2  }
0x8d: {  	s2 =	sadd.s32 s2, s16  }
0x8e: {  	[smem:$0x3FBF] =	sst s2  }
0x8f: {  	_ = 	snop  }
0x90: {  	(tm) =	ssettm $0x1  }
0x91: {  	s17 =	sld [smem:$0x3FFB];
	_ =	sdelay $0x3  }
0x92: {  	_ =	strace s17  }
0x93: {  	s2 =	sld [smem:$0x3FFC];
	_ =	sdelay $0x3  }
0x94: {  	_ =	strace s2  }
0x95: {  	s2 =	sld [smem:$0x3FFD];
	_ =	sdelay $0x3  }
0x96: {  	_ =	strace s2  }
0x97: {  	_ =	strace $0x8FFFFFFF  }
0x98: {  	s18 =	sld [smem:$0x3FDB];
	_ =	sdelay $0x1  }
0x99: {  	s19 =	simm.s32 $_scs_section_size  }
0x9a: {  	s4 =	simm.s32 $_size__tile_overlayer_lowered;
	s5 =	simm.s32 $_tile_overlayer_lowered  }
0x9b: {  	s22 =	simm.s32 $0x1BFF;
	s21 =	sshll.u32 s5, $0x1;
	s2 =	sadd.s32 s19, s18  }
0x9c: {  	s6 =	simm.s32 $0x0;
	s20 =	sshll.u32 s4, $0x1;
	s4 =	sadd.s32 s21, s2  }
0x9d: {  	[timem:s6], [sflag:s22] =	dma.local [hbm:s4], s20  }
0x9e: {  	_ =	swait.ge [sflag:s22], s20  }
0x9f: {  	s3 =	ssub.s32 $0x0, s20;
	[sflag:s22] =	ssyncset.done $0x0  }
0xa0: {  	[sflag:s22] =	ssyncadd.s32 s3;
	_ =	sdelay $0x1  }
0xa1: {  	s23 =	simm.s32 $0x1B8B  }
0xa2: {  	_ =	swait.ge [sflag:s23], $0x1  }
0xa3: {  	[sflag:s23] =	ssyncset.done $0x0  }
0xa4: {  	s25 =	simm.s32 $0x1B8E;
	s24 =	sld [smem:$0x3FFE];
	[sflag:s23] =	ssyncadd.s32 $0xFFFFFFFF  }
0xa5: {  	s26 =	simm.s32 $execute0_lowered;
	[smem:$0x3FD2] =	sst s25  }
0xa6: {  	s4 =	sshll.u32 s26, $0x1;
	_ =	strace $0x8000004C;
	[dreg:$0x1] =	wrdreg $0xFFFFFFFF  }
0xa7: {  	s28 =	simm.s32 $_size_execute0_lowered;
	s2 =	sadd.s32 s2, s4;
	[dreg:$0x0] =	wrdreg $0x0  }
0xa8: {  	s4 =	sshll.u32 s28, $0x1;
	[dreg:$0x2] =	wrdreg s2  }
0xa9: {  	[dreg:$0x3] =	wrdreg s4  }
0xaa: {  	[dreg:$0x4] =	wrdreg $0xC0  }
0xab: {  	_ =	task [dreg:s6], $0x5FFFF  }
0xac: {  	[dreg:$0x1] =	wrdreg $0xFFFFFFFF  }
0xad: {  	[dreg:$0x0] =	wrdreg $0x60  }
0xae: {  	[dreg:$0x2] =	wrdreg s24  }
0xaf: {  	[dreg:$0x3] =	wrdreg $0x0  }
0xb0: {  	[dreg:$0x4] =	wrdreg $0x9  }
0xb1: {  	_ =	task.clear_ibuf [dreg:s6], $0x5FFFF;
	_ =	strace $0x9000004C  }
0xb2: {  	s29 =	simm.s32 $0x9;
	_ =	strace $0x8000004E  }
0xb3: {  	_ =	swait.ge [sflag:s29], $0x1  }
0xb4: {  	[sflag:s29] =	ssyncadd.s32 $0xFFFFFFFF  }
0xb5: {  	_ =	strace $0x9000004E  }
0xb6: {  	_ =	sfence  }
0xb7: {  	s30 =	sld [smem:$0x0];
	_ =	sdelay $0x2  }
0xb8: {  	s31 =	sshll.u32 s1, $0xD;
	s1 =	sshrl.u32 s1, $0x2  }
0xb9: {  	s3 =	sand.u32 $0x4000, s31;
	s1 =	sadd.s32 s1, s30  }
0xba: {  	s0 =	sor.u32 s3, s0;
	s1 =	sshll.u32 s1, $0x11  }
0xbb: {  	s0 =	sor.u32 s1, s0  }
0xbc: {  	s0 =	sadd.s32 $0x8F2B, s0  }
0xbd: {  	[sflag:s0] =	ssyncadd.remote.s32 $0x1  }
0xbe: {  	_ =	sfence.sel $0xFFFF  }
0xbf: {  	[dreg:$0x0] =	wrdreg $0xFFFFFFFF;
	(pc) =	sbr.abs _section_cstart, $3  }
0xc0: {  	[dreg:$0x1] =	wrdreg $0xFFFFFFFF  }
0xc1: {  	_ =	task.clear_ibuf [dreg:s6], $0x2FFFF;
	_ =	strace $0x9FFFFFFF  }
0xc2: {  	(tm) =	ssettm $0x7FFFFFFF  }
0xc3: {  	_ =	shalt  }
tec
execute0_lowered:
.L_overlay_start_1:
0x0: {  	(tag) =	ssettag $0x1  }
0x1: {  	s0 =	rddreg [dreg:$0x0]  }
0x2: {  	s1 =	rddreg [dreg:$0x1];
	s3 =	simm.s32 $0x0  }
0x3: {  	s2 =	srdreg.scid;
	s15 =	stileid.u32;
	s28 =	simm.s32 $0x13880  }
0x4: {  	s29 =	simm.s32 $0x13980;
	s30 =	simm.s32 $0x80;
	[smem:$0x7FF] =	sst s3  }
0x5: {  	s4 =	sadd.s32 $0x65A00, s0;
	s2 =	sand.u32 $0x1, s2;
	s7 =	smul.u32 $0x4E000, s15  }
0x6: {  	s5 =	sadd.s32 $0x3C00, s0;
	s6 =	sadd.s32 $0xDA00, s0;
	s13 =	smul.u32 $0x13800, s15  }
0x7: {  	s0 =	sadd.s32 $0x8CC00, s0;
	s26 =	smul.u32 $0x2710, s15;
	p0 =	sne.s32 s15, $0xF  }
0x8: {  	s31 =	simm.s32 $0x1;
	_ =	strace $0x8000004D;
	s24 =	smul.u32 $0x138800, s2  }
0x9: {  	s8 =	sshll.u32 s2, $0x4;
	s9 =	ssub.s32 $0x2, s2;
	s2 =	smul.u32 $0x27100, s2  }
0xa: {  	s8 =	sor.u32 s15, s8;
	s7 =	sshrl.u32 s7, $0x2;
	s10 =	sshrl.u32 s9, $0x1  }
0xb: {  	s7 =	sadd.s32 s7, s1;
	s8 =	smul.u32 $0x2710, s8;
	s9 =	ssub.s32 s9, s10  }
0xc: {  	s13 =	sadd.s32 s13, s24;
	s10 =	sshrl.u32 s24, $0x3;
	s19 =	sadd.s32 s26, s2  }
0xd: {  	s2 =	simm.s32 $0x13A00;
	s22 =	sadd.s32 $0x4000, s7;
	s23 =	sadd.s32 $0x8000, s7  }
0xe: {  	s11 =	sadd.s32 $0xC000, s7;
	s12 =	sadd.s32 $0x10000, s7;
	[dreg:$0x3] =	wrdreg s22  }
0xf: {  	s13 =	sshrl.u32 s13, $0x3;
	s10 =	sadd.s32 s0, s10;
	[dreg:$0x4] =	wrdreg s23  }
0x10: {  	s17 =	smax.u32 s9, $0x1;
	s9 =	simm.s32 $0x1BA80;
	[dreg:$0x5] =	wrdreg s11  }
0x11: {  	s8 =	sshrl.u32 s8, $0x3;
	[dreg:$0x6] =	wrdreg s12;
	s12 =	sadd.s32 $0x138000, s1  }
0x12: {  	s0 =	sadd.s32 s0, s13;
	s16 =	sadd.s32 $0x27000, s10;
	[dreg:$0xb] =	wrdreg s17  }
0x13: {  	s10 =	simm.s32 $0x1BB00;
	s13 =	simm.s32 $0x2;
	[dreg:$0x9] =	wrdreg s0  }
0x14: {  	s25 =	sadd.s32 $0x4E0, s8;
	[dreg:$0xa] =	wrdreg s16;
	s18 =	sadd.s32 s5, s8  }
0x15: {  	s23 =	sadd.s32 s6, s8;
	s24 =	sadd.s32 $0x10, s8;
	s0 =	simm.s32 $0x13900  }
0x16: {  	s8 =	simm.s32 $0x17A80;
	s14 =	sadd.s32 s5, s25;
	[dreg:$0xc] =	wrdreg s18  }
0x17: {  	s11 =	sadd.s32 s6, s25;
	[dreg:$0xd] =	wrdreg s23;
	s25 =	sadd.s32 $0x180, s19  }
0x18: {  	s20 =	sadd.s32 s5, s24;
	s21 =	sadd.s32 s6, s24;
	[dreg:$0x7] =	wrdreg s14  }
0x19: {  	s24 =	sadd.s32 $0x100, s19;
	[dreg:$0x8] =	wrdreg s11;
	s26 =	sshrl.u32 s25, $0x3  }
0x1a: {  	s25 =	simm.s32 $0x13A80;
	s11 =	simm.s32 $0x10;
	s14 =	simm.s32 $0x0  }
0x1b: {  	v0 =	vimm.f32 $0.0e+00;
	s22 =	sadd.s32 s26, s6;
	s23 =	sadd.s32 s26, s5;
	s26 =	simm.s32 $0x3  }
.LBB2_1:
0x1c: {  	s15 =	simm.s32 $0x0;
	s16 =	simm.s32 $0x200  }
.LBB2_2:
0x1d: {  	p1 =	sne.s32 s16, $0xFE00;
	[tilespmem:s15+$0x13AF0] =	vst v0  }
0x1e: {  	[tilespmem:s15+$0x13A80] =	vst v0  }
0x1f: {  	[tilespmem:s15+$0x13A90] =	vst v0  }
.Ltmp0:
0x20: {  	[tilespmem:s15+$0x13AA0] =	vst v0;
	(pc) =	sbr.rel @p1 .LBB2_2-.Ltmp0, $4  }
0x21: {  	[tilespmem:s15+$0x13AB0] =	vst v0  }
0x22: {  	[tilespmem:s15+$0x13AC0] =	vst v0  }
0x23: {  	[tilespmem:s15+$0x13AD0] =	vst v0  }
0x24: {  	[tilespmem:s15+$0x13AE0] =	vst v0;
	s15 =	sshra.s32 s16, $0x2;
	s16 =	sadd.s32 $0x200, s16  }
0x25: {  	[tilespmem:s15+$0x13AF0] =	vst v0  }
0x26: {  	[tilespmem:s15+$0x13A80] =	vst v0  }
0x27: {  	[tilespmem:s15+$0x13A90] =	vst v0  }
0x28: {  	[tilespmem:s15+$0x13AA0] =	vst v0  }
0x29: {  	[tilespmem:s15+$0x13AB0] =	vst v0  }
0x2a: {  	[tilespmem:s15+$0x13AC0] =	vst v0  }
0x2b: {  	[tilespmem:s15+$0x13AD0] =	vst v0  }
0x2c: {  	[tilespmem:s15+$0x13AE0] =	vst v0  }
0x2d: {  	[spmem:s7] =	stream.linear.scatter [tilespmem:s25], [sflag:$0x3], $0x4000, $0x38;
	[tilespmem:$0x1BB80] =	vst v63  }
0x2e: {  	_ =	swait.ge [sflag:s26], $0x4000  }
0x2f: {  	[sflag:s26] =	ssyncset.done $0x0  }
0x30: {  	s17 =	rddreg [dreg:$0x3];
	[sflag:s26] =	ssyncadd.s32 $0xFFFFC000  }
0x31: {  	[spmem:s17] =	stream.linear.scatter [tilespmem:s25], [sflag:$0x3], $0x4000, $0x38;
	[tilespmem:$0x1BB80] =	vst v63  }
0x32: {  	_ =	swait.ge [sflag:s26], $0x4000  }
0x33: {  	[sflag:s26] =	ssyncset.done $0x0  }
0x34: {  	s18 =	rddreg [dreg:$0x4];
	[sflag:s26] =	ssyncadd.s32 $0xFFFFC000  }
0x35: {  	[spmem:s18] =	stream.linear.scatter [tilespmem:s25], [sflag:$0x3], $0x4000, $0x38;
	[tilespmem:$0x1BB80] =	vst v63  }
0x36: {  	_ =	swait.ge [sflag:s26], $0x4000  }
0x37: {  	[sflag:s26] =	ssyncset.done $0x0  }
0x38: {  	s19 =	rddreg [dreg:$0x5];
	[sflag:s26] =	ssyncadd.s32 $0xFFFFC000  }
0x39: {  	[spmem:s19] =	stream.linear.scatter [tilespmem:s25], [sflag:$0x3], $0x4000, $0x38;
	[tilespmem:$0x1BB80] =	vst v63  }
0x3a: {  	_ =	swait.ge [sflag:s26], $0x4000  }
0x3b: {  	[sflag:s26] =	ssyncset.done $0x0  }
0x3c: {  	s16 =	rddreg [dreg:$0x6];
	[sflag:s26] =	ssyncadd.s32 $0xFFFFC000  }
0x3d: {  	[spmem:s16] =	stream.linear.scatter [tilespmem:s25], [sflag:$0x3], $0x3800, $0x38;
	[tilespmem:$0x1BB80] =	vst v63  }
0x3e: {  	_ =	swait.ge [sflag:s26], $0x3800  }
0x3f: {  	[sflag:s26] =	ssyncset.done $0x0  }
0x40: {  	s15 =	simm.s32 @!p0 $0x13A80;
	[sflag:s26] =	ssyncadd.s32 $0xFFFFC800  }
0x41: {  	[spmem:s12] =	stream.linear.scatter @!p0 [tilespmem:s15], [sflag:$0x3], $0x800, $0x38;
	[tilespmem:$0x1BB80] =	vst v63  }
0x42: {  	s15 =	simm.s32 @!p0 $0x3  }
0x43: {  	_ =	swait.ge @!p0 [sflag:s15], $0x800  }
0x44: {  	[sflag:s15] =	ssyncset.done @!p0 $0x0  }
0x45: {  	[sflag:s15] =	ssyncadd.s32 @!p0 $0xFFFFF800  }
0x46: {  	[bflag:$0x0] =	sbarrier.arrive $0xFFFF  }
0x47: {  	s17 =	simm.s32 $0x0;
	s16 =	rddreg [dreg:$0xc]  }
0x48: {  	[tilespmem:s28], [sflag:$0x3] =	stream.linear.gather [hbm4b:s16+s17], $0x80, $0x38;
	[tilespmem:$0x1BB80] =	vst v63  }
0x49: {  	_ =	swait.ge [sflag:s26], $0x80  }
0x4a: {  	[sflag:s26] =	ssyncset.done $0x0  }
0x4b: {  	s18 =	rddreg [dreg:$0xd];
	[sflag:s26] =	ssyncadd.s32 $0xFFFFFF80  }
0x4c: {  	[tilespmem:s29], [sflag:$0x3] =	stream.linear.gather [hbm4b:s18+s17], $0x80, $0x38;
	[tilespmem:$0x1BB80] =	vst v63  }
0x4d: {  	_ =	swait.ge [sflag:s26], $0x80  }
0x4e: {  	[sflag:s26] =	ssyncset.done $0x0  }
0x4f: {  	[sflag:s26] =	ssyncadd.s32 $0xFFFFFF80  }
0x50: {  	[tilespmem:s25], [sflag:$0x1] =	stream.indirect.gather [hbm4b:s4+s30], $0x80, s28, s30, $0xb8;
	[tilespmem:$0x1BB80] =	vst v63  }
0x51: {  	_ =	swait.ge [sflag:s31], $0x4000  }
0x52: {  	[sflag:s31] =	ssyncset.done $0x0  }
0x53: {  	[sflag:s31] =	ssyncadd.s32 $0xFFFFC000  }
0x54: {  	[tilespmem:s0], [sflag:$0x3] =	stream.linear.gather [hbm4b:s20+s17], $0x80, $0x38;
	[tilespmem:$0x1BB80] =	vst v63  }
0x55: {  	_ =	swait.ge [sflag:s26], $0x80  }
0x56: {  	[sflag:s26] =	ssyncset.done $0x0  }
0x57: {  	[sflag:s26] =	ssyncadd.s32 $0xFFFFFF80  }
0x58: {  	[tilespmem:s2], [sflag:$0x3] =	stream.linear.gather [hbm4b:s21+s17], $0x80, $0x38;
	[tilespmem:$0x1BB80] =	vst v63  }
0x59: {  	_ =	swait.ge [sflag:s26], $0x80  }
0x5a: {  	[sflag:s26] =	ssyncset.done $0x0  }
0x5b: {  	[sflag:s26] =	ssyncadd.s32 $0xFFFFFF80  }
0x5c: {  	[tilespmem:s8], [sflag:$0x1] =	stream.indirect.gather [hbm4b:s4+s30], $0x80, s0, s30, $0xb8;
	[tilespmem:$0x1BB80] =	vst v63  }
0x5d: {  	_ = 	snop  }
0x5e: {  	[spmem:s1] =	stream.indirect.scatter.add.f32 [tilespmem:s25], [sflag:$0x3], $0x80, s29, s30, $0xb8;
	[tilespmem:$0x1BB80] =	vst v63  }
0x5f: {  	_ =	swait.ge [sflag:s26], $0x4000  }
0x60: {  	[sflag:s26] =	ssyncset.done $0x0  }
0x61: {  	[sflag:s26] =	ssyncadd.s32 $0xFFFFC000  }
0x62: {  	_ =	swait.ge [sflag:s31], $0x4000  }
0x63: {  	s19 =	sshrl.u32 s24, $0x3;
	[sflag:s31] =	ssyncset.done $0x0  }
0x64: {  	s17 =	sadd.s32 s5, s19;
	[sflag:s31] =	ssyncadd.s32 $0xFFFFC000  }
0x65: {  	[tilespmem:s28], [sflag:$0x3] =	stream.linear.gather [hbm4b:s17+s3], $0x80, $0x38;
	[tilespmem:$0x1BB80] =	vst v63  }
0x66: {  	_ =	swait.ge [sflag:s26], $0x80  }
0x67: {  	[sflag:s26] =	ssyncset.done $0x0  }
0x68: {  	s15 =	sadd.s32 s6, s19;
	[sflag:s26] =	ssyncadd.s32 $0xFFFFFF80  }
0x69: {  	[tilespmem:s29], [sflag:$0x3] =	stream.linear.gather [hbm4b:s15+s3], $0x80, $0x38;
	[tilespmem:$0x1BB80] =	vst v63  }
0x6a: {  	_ =	swait.ge [sflag:s26], $0x80  }
0x6b: {  	[sflag:s26] =	ssyncset.done $0x0  }
0x6c: {  	[sflag:s26] =	ssyncadd.s32 $0xFFFFFF80  }
0x6d: {  	[tilespmem:s25], [sflag:$0x1] =	stream.indirect.gather [hbm4b:s4+s30], $0x80, s28, s30, $0xb8;
	[tilespmem:$0x1BB80] =	vst v63  }
0x6e: {  	_ = 	snop  }
0x6f: {  	[spmem:s1] =	stream.indirect.scatter.add.f32 [tilespmem:s8], [sflag:$0x3], $0x80, s2, s30, $0xb8;
	[tilespmem:$0x1BB80] =	vst v63  }
0x70: {  	_ =	swait.ge [sflag:s26], $0x4000  }
0x71: {  	[sflag:s26] =	ssyncset.done $0x0  }
0x72: {  	[sflag:s26] =	ssyncadd.s32 $0xFFFFC000  }
0x73: {  	_ =	swait.ge [sflag:s31], $0x4000  }
0x74: {  	[sflag:s31] =	ssyncset.done $0x0  }
0x75: {  	s18 =	sadd.s32 $0x0, s23;
	[sflag:s31] =	ssyncadd.s32 $0xFFFFC000  }
0x76: {  	[tilespmem:s0], [sflag:$0x3] =	stream.linear.gather [hbm4b:s18+s3], $0x80, $0x38;
	[tilespmem:$0x1BB80] =	vst v63  }
0x77: {  	_ =	swait.ge [sflag:s26], $0x80  }
0x78: {  	[sflag:s26] =	ssyncset.done $0x0  }
0x79: {  	s19 =	sadd.s32 $0x0, s22;
	[sflag:s26] =	ssyncadd.s32 $0xFFFFFF80  }
0x7a: {  	[tilespmem:s2], [sflag:$0x3] =	stream.linear.gather [hbm4b:s19+s3], $0x80, $0x38;
	[tilespmem:$0x1BB80] =	vst v63  }
0x7b: {  	_ =	swait.ge [sflag:s26], $0x80  }
0x7c: {  	[sflag:s26] =	ssyncset.done $0x0  }
0x7d: {  	[sflag:s26] =	ssyncadd.s32 $0xFFFFFF80  }
0x7e: {  	[tilespmem:s8], [sflag:$0x1] =	stream.indirect.gather [hbm4b:s4+s30], $0x80, s0, s30, $0xb8;
	[tilespmem:$0x1BB80] =	vst v63  }
0x7f: {  	_ = 	snop  }
0x80: {  	[spmem:s1] =	stream.indirect.scatter.add.f32 [tilespmem:s25], [sflag:$0x3], $0x80, s29, s30, $0xb8;
	[tilespmem:$0x1BB80] =	vst v63  }
0x81: {  	_ =	swait.ge [sflag:s26], $0x4000  }
0x82: {  	[sflag:s26] =	ssyncset.done $0x0  }
0x83: {  	[sflag:s26] =	ssyncadd.s32 $0xFFFFC000  }
0x84: {  	s16 =	sadd.s32 $0x100, s24;
	s17 =	simm.s32 $0x40;
	_ =	swait.ge [sflag:s31], $0x4000  }
0x85: {  	s15 =	simm.s32 $0x20;
	s18 =	sshrl.u32 s16, $0x3;
	[sflag:s31] =	ssyncset.done $0x0  }
.LBB2_4:
0x86: {  	p1 =	sne.s32 s17, $0x4A0;
	s19 =	sadd.s32 s5, s18;
	[sflag:s31] =	ssyncadd.s32 $0xFFFFC000  }
0x87: {  	[tilespmem:s28], [sflag:$0x3] =	stream.linear.gather [hbm4b:s19+s3], $0x80, $0x38;
	[tilespmem:$0x1BB80] =	vst v63  }
0x88: {  	s19 =	smov.u32 s17;
	s17 =	sadd.s32 $0x20, s17;
	_ =	swait.ge [sflag:s26], $0x80  }
0x89: {  	[sflag:s26] =	ssyncset.done $0x0  }
0x8a: {  	s18 =	sadd.s32 s6, s18;
	[sflag:s26] =	ssyncadd.s32 $0xFFFFFF80  }
0x8b: {  	[tilespmem:s29], [sflag:$0x3] =	stream.linear.gather [hbm4b:s18+s3], $0x80, $0x38;
	[tilespmem:$0x1BB80] =	vst v63  }
0x8c: {  	_ =	swait.ge [sflag:s26], $0x80  }
0x8d: {  	[sflag:s26] =	ssyncset.done $0x0  }
0x8e: {  	[sflag:s26] =	ssyncadd.s32 $0xFFFFFF80  }
0x8f: {  	[tilespmem:s25], [sflag:$0x1] =	stream.indirect.gather [hbm4b:s4+s30], $0x80, s28, s30, $0xb8;
	[tilespmem:$0x1BB80] =	vst v63  }
0x90: {  	_ = 	snop  }
0x91: {  	[spmem:s1] =	stream.indirect.scatter.add.f32 [tilespmem:s8], [sflag:$0x3], $0x80, s2, s30, $0xb8;
	[tilespmem:$0x1BB80] =	vst v63  }
0x92: {  	_ =	swait.ge [sflag:s26], $0x4000  }
0x93: {  	[sflag:s26] =	ssyncset.done $0x0  }
0x94: {  	[sflag:s26] =	ssyncadd.s32 $0xFFFFC000  }
0x95: {  	_ =	swait.ge [sflag:s31], $0x4000  }
0x96: {  	[sflag:s31] =	ssyncset.done $0x0  }
0x97: {  	s18 =	sadd.s32 s15, s23;
	[sflag:s31] =	ssyncadd.s32 $0xFFFFC000  }
0x98: {  	[tilespmem:s0], [sflag:$0x3] =	stream.linear.gather [hbm4b:s18+s3], $0x80, $0x38;
	[tilespmem:$0x1BB80] =	vst v63  }
0x99: {  	_ =	swait.ge [sflag:s26], $0x80  }
0x9a: {  	[sflag:s26] =	ssyncset.done $0x0  }
0x9b: {  	s18 =	sadd.s32 s15, s22;
	s15 =	smov.u32 s19;
	[sflag:s26] =	ssyncadd.s32 $0xFFFFFF80  }
0x9c: {  	[tilespmem:s2], [sflag:$0x3] =	stream.linear.gather [hbm4b:s18+s3], $0x80, $0x38;
	[tilespmem:$0x1BB80] =	vst v63  }
0x9d: {  	_ =	swait.ge [sflag:s26], $0x80  }
0x9e: {  	[sflag:s26] =	ssyncset.done $0x0  }
0x9f: {  	[sflag:s26] =	ssyncadd.s32 $0xFFFFFF80  }
0xa0: {  	[tilespmem:s8], [sflag:$0x1] =	stream.indirect.gather [hbm4b:s4+s30], $0x80, s0, s30, $0xb8;
	[tilespmem:$0x1BB80] =	vst v63  }
0xa1: {  	_ = 	snop  }
0xa2: {  	[spmem:s1] =	stream.indirect.scatter.add.f32 [tilespmem:s25], [sflag:$0x3], $0x80, s29, s30, $0xb8;
	[tilespmem:$0x1BB80] =	vst v63  }
.Ltmp1:
0xa3: {  	_ =	swait.ge [sflag:s26], $0x4000;
	(pc) =	sbr.rel @p1 .LBB2_4-.Ltmp1, $4  }
0xa4: {  	[sflag:s26] =	ssyncset.done $0x0  }
0xa5: {  	[sflag:s26] =	ssyncadd.s32 $0xFFFFC000  }
0xa6: {  	s16 =	sadd.s32 $0x100, s16;
	_ =	swait.ge [sflag:s31], $0x4000  }
0xa7: {  	s18 =	sshrl.u32 s16, $0x3;
	[sflag:s31] =	ssyncset.done $0x0  }
0xa8: {  	s16 =	sadd.s32 s5, s18;
	[sflag:s31] =	ssyncadd.s32 $0xFFFFC000  }
0xa9: {  	[tilespmem:s28], [sflag:$0x3] =	stream.linear.gather [hbm4b:s16+s3], $0x80, $0x38;
	[tilespmem:$0x1BB80] =	vst v63  }
0xaa: {  	_ =	swait.ge [sflag:s26], $0x80  }
0xab: {  	[sflag:s26] =	ssyncset.done $0x0  }
0xac: {  	s19 =	sadd.s32 s6, s18;
	[sflag:s26] =	ssyncadd.s32 $0xFFFFFF80  }
0xad: {  	[tilespmem:s29], [sflag:$0x3] =	stream.linear.gather [hbm4b:s19+s3], $0x80, $0x38;
	[tilespmem:$0x1BB80] =	vst v63  }
0xae: {  	_ =	swait.ge [sflag:s26], $0x80  }
0xaf: {  	[sflag:s26] =	ssyncset.done $0x0  }
0xb0: {  	[sflag:s26] =	ssyncadd.s32 $0xFFFFFF80  }
0xb1: {  	[tilespmem:s25], [sflag:$0x1] =	stream.indirect.gather [hbm4b:s4+s30], $0x80, s28, s30, $0xb8;
	[tilespmem:$0x1BB80] =	vst v63  }
0xb2: {  	_ = 	snop  }
0xb3: {  	[spmem:s1] =	stream.indirect.scatter.add.f32 [tilespmem:s8], [sflag:$0x3], $0x80, s2, s30, $0xb8;
	[tilespmem:$0x1BB80] =	vst v63  }
0xb4: {  	_ =	swait.ge [sflag:s26], $0x4000  }
0xb5: {  	[sflag:s26] =	ssyncset.done $0x0  }
0xb6: {  	[sflag:s26] =	ssyncadd.s32 $0xFFFFC000  }
0xb7: {  	_ =	swait.ge [sflag:s31], $0x4000  }
0xb8: {  	[sflag:s31] =	ssyncset.done $0x0  }
0xb9: {  	s17 =	sadd.s32 s15, s23;
	[sflag:s31] =	ssyncadd.s32 $0xFFFFC000  }
0xba: {  	[tilespmem:s0], [sflag:$0x3] =	stream.linear.gather [hbm4b:s17+s3], $0x80, $0x38;
	[tilespmem:$0x1BB80] =	vst v63  }
0xbb: {  	_ =	swait.ge [sflag:s26], $0x80  }
0xbc: {  	[sflag:s26] =	ssyncset.done $0x0  }
0xbd: {  	s18 =	sadd.s32 s15, s22;
	[sflag:s26] =	ssyncadd.s32 $0xFFFFFF80  }
0xbe: {  	[tilespmem:s2], [sflag:$0x3] =	stream.linear.gather [hbm4b:s18+s3], $0x80, $0x38;
	[tilespmem:$0x1BB80] =	vst v63  }
0xbf: {  	_ =	swait.ge [sflag:s26], $0x80  }
0xc0: {  	[sflag:s26] =	ssyncset.done $0x0  }
0xc1: {  	[sflag:s26] =	ssyncadd.s32 $0xFFFFFF80  }
0xc2: {  	[tilespmem:s8], [sflag:$0x1] =	stream.indirect.gather [hbm4b:s4+s30], $0x80, s0, s30, $0xb8;
	[tilespmem:$0x1BB80] =	vst v63  }
0xc3: {  	_ = 	snop  }
0xc4: {  	[spmem:s1] =	stream.indirect.scatter.add.f32 [tilespmem:s25], [sflag:$0x3], $0x80, s29, s30, $0xb8;
	[tilespmem:$0x1BB80] =	vst v63  }
0xc5: {  	_ =	swait.ge [sflag:s26], $0x4000  }
0xc6: {  	[sflag:s26] =	ssyncset.done $0x0  }
0xc7: {  	[sflag:s26] =	ssyncadd.s32 $0xFFFFC000  }
0xc8: {  	_ =	swait.ge [sflag:s31], $0x4000  }
0xc9: {  	[sflag:s31] =	ssyncset.done $0x0  }
0xca: {  	[sflag:s31] =	ssyncadd.s32 $0xFFFFC000  }
0xcb: {  	[spmem:s1] =	stream.indirect.scatter.add.f32 [tilespmem:s8], [sflag:$0x3], $0x80, s2, s30, $0xb8;
	[tilespmem:$0x1BB80] =	vst v63  }
0xcc: {  	_ =	swait.ge [sflag:s26], $0x4000  }
0xcd: {  	[sflag:s26] =	ssyncset.done $0x0  }
0xce: {  	s19 =	rddreg [dreg:$0x7];
	[sflag:s26] =	ssyncadd.s32 $0xFFFFC000  }
0xcf: {  	[tilespmem:s9], [sflag:$0x3] =	stream.linear.gather [hbm4b:s19+s3], $0x10, $0x38;
	[tilespmem:$0x1BB80] =	vst v63  }
0xd0: {  	_ =	swait.ge [sflag:s26], $0x10  }
0xd1: {  	[sflag:s26] =	ssyncset.done $0x0  }
0xd2: {  	s16 =	rddreg [dreg:$0x8];
	[sflag:s26] =	ssyncadd.s32 $0xFFFFFFF0  }
0xd3: {  	[tilespmem:s10], [sflag:$0x3] =	stream.linear.gather [hbm4b:s16+s3], $0x10, $0x38;
	[tilespmem:$0x1BB80] =	vst v63  }
0xd4: {  	_ =	swait.ge [sflag:s26], $0x10  }
0xd5: {  	[sflag:s26] =	ssyncset.done $0x0  }
0xd6: {  	[sflag:s26] =	ssyncadd.s32 $0xFFFFFFF0  }
0xd7: {  	[tilespmem:s25], [sflag:$0x2] =	stream.indirect.gather [hbm4b:s4+s11], $0x80, s9, s11, $0xb8;
	[tilespmem:$0x1BB80] =	vst v63  }
0xd8: {  	_ =	swait.ge [sflag:s13], $0x800  }
0xd9: {  	[sflag:s13] =	ssyncset.done $0x0  }
0xda: {  	[sflag:s13] =	ssyncadd.s32 $0xFFFFF800  }
0xdb: {  	[spmem:s1] =	stream.indirect.scatter.add.f32 [tilespmem:s25], [sflag:$0x3], $0x80, s10, s11, $0xb8;
	[tilespmem:$0x1BB80] =	vst v63  }
0xdc: {  	_ =	swait.ge [sflag:s26], $0x800  }
0xdd: {  	[sflag:s26] =	ssyncset.done $0x0  }
0xde: {  	s17 =	stileid.u32;
	[sflag:s26] =	ssyncadd.s32 $0xFFFFF800  }
0xdf: {  	s15 =	sshll.u32 s17, $0x6;
	[bflag:$0x0] =	sbarrier.arrive $0xFFFF  }
0xe0: {  	s15 =	sor.u32 $0x1C03, s15;
	s18 =	sshrl.u32 s7, $0x3;
	s17 =	rddreg [dreg:$0x9]  }
0xe1: {  	[hbm:s17], [sflag:s15] =	dma.local [spmem:s18], $0x2700  }
0xe2: {  	_ =	swait.ge [sflag:s26], $0x2700  }
0xe3: {  	[sflag:s26] =	ssyncset.done $0x0  }
0xe4: {  	s16 =	sshrl.u32 @!p0 s12, $0x3;
	s17 =	rddreg [dreg:$0xa];
	[sflag:s26] =	ssyncadd.s32 $0xFFFFD900  }
0xe5: {  	[hbm:s17], [sflag:s15] =	dma.local @!p0 [spmem:s16], $0x100  }
0xe6: {  	s15 =	simm.s32 @!p0 $0x3  }
0xe7: {  	_ =	swait.ge @!p0 [sflag:s15], $0x100  }
0xe8: {  	s14 =	sadd.s32 $0x1, s14;
	s19 =	rddreg [dreg:$0xb]  }
0xe9: {  	p1 =	sne.s32 s14, s19  }
.Ltmp2:
0xea: {  	_ = 	snop;
	(pc) =	sbr.rel @p1 .LBB2_1-.Ltmp2, $3  }
0xeb: {  	_ =	sdelay $0x1  }
0xec: {  	[sflag:s15] =	ssyncset.done @!p0 $0x0  }
0xed: {  	[sflag:s15] =	ssyncadd.s32 @!p0 $0xFFFFFF00  }
0xee: {  	_ =	sfence.sel $0x180000  }
0xef: {  	[bflag:$0x0] =	sbarrier.arrive $0xFFFF  }
0xf0: {  	_ =	strace $0x9000004D  }
0xf1: {  	s0 =	stileid.u32;
	[bflag:$0x2] =	sbarrier.arrive $0xFFFF  }
0xf2: {  	p0 =	sne.s32 s0, $0x0;
	s0 =	rddreg [dreg:$0x2]  }
0xf3: {  	s0 =	sadd.s32 @!p0 $0x100000, s0  }
0xf4: {  	[sflag:s0] =	ssyncadd.tile.s32 @!p0 $0x1;
	_ =	shalt  }
.Lfunc_end2:
_tile_overlayer_lowered:
.L_overlay_start_2:
0xf5: {  	(tag) =	ssettag $0x2  }
0xf6: {  	s0 =	rddreg [dreg:$0x0];
	s2 =	stileid.u32  }
0xf7: {  	s1 =	rddreg [dreg:$0x1];
	p0 =	sne.s32 s2, $0x0  }
0xf8: {  	s3 =	rddreg [dreg:$0x2];
	[bflag:$0x3] =	sbarrier.arrive $0xFFFF;
	s2 =	simm.s32 @!p0 $0x1C03  }
0xf9: {  	[timem:s3], [sflag:s2] =	dma.local @!p0 [hbm:s0], s1  }
0xfa: {  	s0 =	simm.s32 @!p0 $0x3  }
0xfb: {  	_ =	swait.ge @!p0 [sflag:s0], s1  }
0xfc: {  	s1 =	ssub.s32 @!p0 $0x0, s1;
	[sflag:s0] =	ssyncset.done @!p0 $0x0  }
0xfd: {  	[sflag:s0] =	ssyncadd.s32 @!p0 s1  }
0xfe: {  	[bflag:$0x3] =	sbarrier.arrive $0xFFFF  }
0xff: {  	_ =	shalt  }

// kernel: kernel.19.cloned.1.call-start
scs
__scs_entry_jumppad:
0x0: {  	(pc) =	sbr.rel $0x88, $3  }
0x1: {  	(tag) =	ssettag $0x0;
	lr =	simm.s32 $0x1  }
0x2: {  	[smem:$0x3F98] =	sst lr;
	_ =	strace $0xD0000000  }
0x3: {  	_ = 	snop  }
0x4: {  	_ = 	snop  }
0x5: {  	_ = 	snop  }
0x6: {  	_ = 	snop  }
0x7: {  	_ = 	snop  }
__scs_overlays_trampoline_lowered:
0x8: {  	[smem:$0x3FA7] =	sst s0  }
0x9: {  	[smem:$0x3FA8] =	sst s1  }
0xa: {  	[smem:$0x3FA9] =	sst s2  }
0xb: {  	[smem:$0x3FAA] =	sst s3  }
0xc: {  	[smem:$0x3FAB] =	sst s4  }
0xd: {  	[smem:$0x3FAC] =	sst s5  }
0xe: {  	[smem:$0x3FAD] =	sst s6  }
0xf: {  	[smem:$0x3FAE] =	sst s7  }
0x10: {  	[smem:$0x3FAF] =	sst s8  }
0x11: {  	[smem:$0x3FB0] =	sst s9;
	s0 =	simm.s32 @!p0 $0x0  }
0x12: {  	s1 =	sld [smem:$0x3F96];
	s0 =	simm.s32 @p0 $0x1  }
0x13: {  	[smem:$0x3FB1] =	sst s0;
	s0 =	simm.s32 @!p1 $0x0  }
0x14: {  	s2 =	sld [smem:$0x3F95];
	s0 =	simm.s32 @p1 $0x1  }
0x15: {  	[smem:$0x3FB2] =	sst s0;
	s0 =	simm.s32 @!p2 $0x0  }
0x16: {  	s3 =	sld [smem:$0x3FDB];
	s0 =	simm.s32 @p2 $0x1  }
0x17: {  	s4 =	simm.s32 $0x1BF5;
	[smem:$0x3FB4] =	sst s0  }
0x18: {  	s0 =	sld [smem:$0x3F97];
	_ =	swait.ge [sflag:s4], $0x0  }
0x19: {  	s7 =	sld [smem:$0x3F98]  }
0x1a: {  	s8 =	sadd.s32 $0xFFFFE003, lr  }
0x1b: {  	s9 =	sadd.s32 $0xFFFFFEF7, lr;
	s5 =	simm.s32 $0xFFFFFFFF;
	p2 =	slt.u32 s8, $0xFFFFF086  }
0x1c: {  	p1 =	slt.u32 s9, $0xF7A;
	s5 =	simm.s32 @!p2 $0x0  }
0x1d: {  	s5 =	simm.s32 @p1 $0x1;
	p0 =	seq.s32 s7, s2  }
0x1e: {  	s7 =	smul.u32 @!p0 $0xF7A, s2;
	p2 =	seq.s32 @!p0 s5, $0x0  }
0x1f: {  	s9 =	smul.u32 $0xF7A, s1;
	s8 =	simm.s32 @!p0 $0x1BF5;
	p2 =	por !p2, p0  }
0x20: {  	[sflag:s8] =	ssyncset.s32 @!p0 $0xFFFFF086;
	s6 =	sadd.s32 @!p0 s3, s7;
	s7 =	simm.s32 @!p0 $0x108  }
0x21: {  	s3 =	sadd.s32 s3, s9;
	s6 =	sadd.s32 @!p0 $0x88, s6;
	s7 =	simm.s32 @p2 $0x1082  }
0x22: {  	[simem:s7], [sflag:s8] =	dma.local @!p0 [hbm:s6], $0xF7A  }
0x23: {  	s9 =	sor.u32 $0xD0000000, s2;
	s6 =	simm.s32 $0x108;
	_ =	swait.ge @!p0 [sflag:s8], $0x0  }
0x24: {  	s3 =	sadd.s32 $0x88, s3;
	s6 =	simm.s32 @!p1 $0x1082;
	[sflag:s4] =	ssyncset.s32 $0xFFFFF086  }
0x25: {  	[simem:s6], [sflag:s4] =	dma.local [hbm:s3], $0xF7A  }
0x26: {  	[smem:$0x3F98] =	sst s1;
	(tag) =	ssettag s2;
	_ =	strace s9  }
0x27: {  	s1 =	sld [smem:$0x3FA8]  }
0x28: {  	s2 =	sld [smem:$0x3FA9]  }
0x29: {  	s4 =	sld [smem:$0x3FAB]  }
0x2a: {  	p0 =	seq.s32 s5, $0x0;
	s5 =	sld [smem:$0x3FAC]  }
0x2b: {  	s6 =	sld [smem:$0x3FAD]  }
0x2c: {  	s7 =	sld [smem:$0x3FAE]  }
0x2d: {  	s3 =	simm.s32 $0x108;
	s8 =	sld [smem:$0x3FAF]  }
0x2e: {  	s3 =	simm.s32 @!p0 $0x1082;
	s9 =	sld [smem:$0x3FB0]  }
0x2f: {  	lr =	sadd.s32 s0, s3;
	s0 =	sld [smem:$0x3FA7]  }
0x30: {  	s3 =	sld [smem:$0x3FAA]  }
0x31: {  	[smem:$0x3FB3] =	sst s10  }
0x32: {  	s10 =	sld [smem:$0x3FB1];
	_ =	sdelay $0x3  }
0x33: {  	p0 =	seq.s32 s10, $0x1;
	s10 =	sld [smem:$0x3FB3];
	_ =	sdelay $0x3  }
0x34: {  	[smem:$0x3FB3] =	sst s10  }
0x35: {  	s10 =	sld [smem:$0x3FB2];
	_ =	sdelay $0x3  }
0x36: {  	p1 =	seq.s32 s10, $0x1;
	s10 =	sld [smem:$0x3FB3];
	_ =	sdelay $0x3  }
0x37: {  	[smem:$0x3FB3] =	sst s10  }
0x38: {  	s10 =	sld [smem:$0x3FB4]  }
0x39: {  	_ = 	snop;
	(pc) =	sbr.ind lr, $3  }
0x3a: {  	_ = 	snop  }
0x3b: {  	_ = 	snop  }
0x3c: {  	p2 =	seq.s32 s10, $0x1;
	s10 =	sld [smem:$0x3FB3]  }
0x3d: {  	_ =	shalt  }
0x3e: {  	_ =	shalt  }
0x3f: {  	_ =	shalt  }
0x40: {  	_ =	shalt  }
0x41: {  	_ =	shalt  }
0x42: {  	_ =	shalt  }
0x43: {  	_ =	shalt  }
0x44: {  	_ =	shalt  }
0x45: {  	_ =	shalt  }
0x46: {  	_ =	shalt  }
0x47: {  	_ =	shalt  }
0x48: {  	_ =	shalt  }
0x49: {  	_ =	shalt  }
0x4a: {  	_ =	shalt  }
0x4b: {  	_ =	shalt  }
0x4c: {  	_ =	shalt  }
0x4d: {  	_ =	shalt  }
0x4e: {  	_ =	shalt  }
0x4f: {  	_ =	shalt  }
0x50: {  	_ =	shalt  }
0x51: {  	_ =	shalt  }
0x52: {  	_ =	shalt  }
0x53: {  	_ =	shalt  }
0x54: {  	_ =	shalt  }
0x55: {  	_ =	shalt  }
0x56: {  	_ =	shalt  }
0x57: {  	_ =	shalt  }
0x58: {  	_ =	shalt  }
0x59: {  	_ =	shalt  }
0x5a: {  	_ =	shalt  }
0x5b: {  	_ =	shalt  }
0x5c: {  	_ =	shalt  }
0x5d: {  	_ =	shalt  }
0x5e: {  	_ =	shalt  }
0x5f: {  	_ =	shalt  }
0x60: {  	_ =	shalt  }
0x61: {  	_ =	shalt  }
0x62: {  	_ =	shalt  }
0x63: {  	_ =	shalt  }
0x64: {  	_ =	shalt  }
0x65: {  	_ =	shalt  }
0x66: {  	_ =	shalt  }
0x67: {  	_ =	shalt  }
0x68: {  	_ =	shalt  }
0x69: {  	_ =	shalt  }
0x6a: {  	_ =	shalt  }
0x6b: {  	_ =	shalt  }
0x6c: {  	_ =	shalt  }
0x6d: {  	_ =	shalt  }
0x6e: {  	_ =	shalt  }
0x6f: {  	_ =	shalt  }
0x70: {  	_ =	shalt  }
0x71: {  	_ =	shalt  }
0x72: {  	_ =	shalt  }
0x73: {  	_ =	shalt  }
0x74: {  	_ =	shalt  }
0x75: {  	_ =	shalt  }
0x76: {  	_ =	shalt  }
0x77: {  	_ =	shalt  }
0x78: {  	_ =	shalt  }
0x79: {  	_ =	shalt  }
0x7a: {  	_ =	shalt  }
0x7b: {  	_ =	shalt  }
0x7c: {  	_ =	shalt  }
0x7d: {  	_ =	shalt  }
0x7e: {  	_ =	shalt  }
0x7f: {  	_ =	shalt  }
0x80: {  	_ =	shalt  }
0x81: {  	_ =	shalt  }
0x82: {  	_ =	shalt  }
0x83: {  	_ =	shalt  }
0x84: {  	_ =	shalt  }
0x85: {  	_ =	shalt  }
0x86: {  	_ =	shalt  }
0x87: {  	_ =	shalt  }
.Lfunc_end0:
.L_simem_size_0:
called_computation.3_lowered:
.L_overlay_start_0:
0x88: {  	s2 =	sld [smem:$0x3FD9]  }
0x89: {  	s3 =	sld [smem:$0x3FFE];
	_ =	sdelay $0x1  }
0x8a: {  	s1 =	srdreg.scid  }
0x8b: {  	s0 =	sand.u32 $0x1, s1  }
0x8c: {  	s17 =	sshll.u32 s0, $0xA;
	s2 =	sadd.s32 s3, s2  }
0x8d: {  	s2 =	sadd.s32 s2, s17  }
0x8e: {  	[smem:$0x3FBF] =	sst s2  }
0x8f: {  	_ = 	snop  }
0x90: {  	s2 =	sld [smem:$0x3FC7];
	(tm) =	ssettm $0x1  }
0x91: {  	s18 =	sld [smem:$0x3FFB];
	_ =	sdelay $0x3  }
0x92: {  	_ =	strace s18  }
0x93: {  	s3 =	sld [smem:$0x3FFC];
	_ =	sdelay $0x3  }
0x94: {  	_ =	strace s3  }
0x95: {  	s3 =	sld [smem:$0x3FFD];
	_ =	sdelay $0x3  }
0x96: {  	_ =	strace s3  }
0x97: {  	_ =	strace $0x8FFFFFFF  }
0x98: {  	s19 =	sld [smem:$0x3FDB];
	_ =	sdelay $0x1  }
0x99: {  	s4 =	simm.s32 $_scs_section_size  }
0x9a: {  	s5 =	simm.s32 $_size__tile_overlayer_lowered;
	s6 =	simm.s32 $_tile_overlayer_lowered  }
0x9b: {  	s22 =	simm.s32 $0x1BFF;
	s21 =	sshll.u32 s6, $0x1;
	s3 =	sadd.s32 s4, s19  }
0x9c: {  	s7 =	simm.s32 $0x0;
	s20 =	sshll.u32 s5, $0x1;
	s5 =	sadd.s32 s21, s3  }
0x9d: {  	[timem:s7], [sflag:s22] =	dma.local [hbm:s5], s20  }
0x9e: {  	_ =	swait.ge [sflag:s22], s20  }
0x9f: {  	s4 =	ssub.s32 $0x0, s20;
	[sflag:s22] =	ssyncset.done $0x0  }
0xa0: {  	[sflag:s22] =	ssyncadd.s32 s4;
	_ =	sdelay $0x1  }
0xa1: {  	s23 =	simm.s32 $0x1B8B  }
0xa2: {  	_ =	swait.ge [sflag:s23], $0x1  }
0xa3: {  	[sflag:s23] =	ssyncset.done $0x0  }
0xa4: {  	s25 =	simm.s32 $0x1B8E;
	s24 =	sld [smem:$0x3FFE];
	[sflag:s23] =	ssyncadd.s32 $0xFFFFFFFF  }
0xa5: {  	s26 =	simm.s32 $execute0_lowered;
	[smem:$0x3FD2] =	sst s25  }
0xa6: {  	s5 =	sshll.u32 s26, $0x1;
	_ =	strace $0x8000004F;
	[dreg:$0x1] =	wrdreg $0xFFFFFFFF  }
0xa7: {  	s28 =	simm.s32 $_size_execute0_lowered;
	s3 =	sadd.s32 s3, s5;
	[dreg:$0x0] =	wrdreg $0x0  }
0xa8: {  	s5 =	sshll.u32 s28, $0x1;
	[dreg:$0x2] =	wrdreg s3  }
0xa9: {  	[dreg:$0x3] =	wrdreg s5  }
0xaa: {  	[dreg:$0x4] =	wrdreg $0xC0  }
0xab: {  	_ =	task [dreg:s7], $0x5FFFF  }
0xac: {  	[dreg:$0x1] =	wrdreg $0xFFFFFFFF  }
0xad: {  	[dreg:$0x0] =	wrdreg $0x60  }
0xae: {  	[dreg:$0x2] =	wrdreg s24  }
0xaf: {  	[dreg:$0x3] =	wrdreg s2  }
0xb0: {  	[dreg:$0x4] =	wrdreg $0x9  }
0xb1: {  	_ =	task.clear_ibuf [dreg:s7], $0x5FFFF;
	_ =	strace $0x9000004F  }
0xb2: {  	s29 =	simm.s32 $0x9;
	_ =	strace $0x80000051  }
0xb3: {  	_ =	swait.ge [sflag:s29], $0x1  }
0xb4: {  	[sflag:s29] =	ssyncadd.s32 $0xFFFFFFFF  }
0xb5: {  	_ =	strace $0x90000051  }
0xb6: {  	_ =	sfence  }
0xb7: {  	s30 =	sld [smem:$0x0];
	_ =	sdelay $0x2  }
0xb8: {  	s31 =	sshll.u32 s1, $0xD;
	s1 =	sshrl.u32 s1, $0x2  }
0xb9: {  	s3 =	sand.u32 $0x4000, s31;
	s1 =	sadd.s32 s1, s30  }
0xba: {  	s0 =	sor.u32 s3, s0;
	s1 =	sshll.u32 s1, $0x11  }
0xbb: {  	s0 =	sor.u32 s1, s0  }
0xbc: {  	s0 =	sadd.s32 $0x8F2B, s0  }
0xbd: {  	[sflag:s0] =	ssyncadd.remote.s32 $0x1  }
0xbe: {  	_ =	sfence.sel $0xFFFF  }
0xbf: {  	[dreg:$0x0] =	wrdreg $0xFFFFFFFF;
	(pc) =	sbr.abs _section_cstart, $3  }
0xc0: {  	[dreg:$0x1] =	wrdreg $0xFFFFFFFF  }
0xc1: {  	_ =	task.clear_ibuf [dreg:s7], $0x2FFFF;
	_ =	strace $0x9FFFFFFF  }
0xc2: {  	(tm) =	ssettm $0x7FFFFFFF  }
0xc3: {  	_ =	shalt  }
tec
execute0_lowered:
.L_overlay_start_1:
0x0: {  	(tag) =	ssettag $0x1  }
0x1: {  	s6 =	rddreg [dreg:$0x0]  }
0x2: {  	s1 =	rddreg [dreg:$0x1]  }
0x3: {  	s2 =	srdreg.scid;
	s0 =	rddreg [dreg:$0x2];
	s3 =	simm.s32 $0x0  }
0x4: {  	s12 =	simm.s32 $0x1;
	s13 =	simm.s32 $0x2000;
	s14 =	simm.s32 $0x2900  }
0x5: {  	s15 =	simm.s32 $0x4900;
	s16 =	simm.s32 $0x6900;
	s17 =	simm.s32 $0x2080  }
0x6: {  	s18 =	simm.s32 $0x2880;
	s19 =	simm.s32 $0x0;
	s5 =	sand.u32 $0x1, s2  }
0x7: {  	s2 =	stileid.u32;
	[smem:$0x7FF] =	sst s3;
	s4 =	sshll.u32 s5, $0x4  }
.Ltmp0:
0x8: {  	s8 =	ssub.s32 $0x2, s5;
	s4 =	sor.u32 s2, s4;
	(pc) =	sbr.rel .LBB2_1-.Ltmp0, $4  }
0x9: {  	_ =	strace $0x80000050;
	s31 =	sshrl.u32 s8, $0x1;
	s7 =	sshll.u32 s4, $0xA  }
0xa: {  	s5 =	sadd.s32 $0x3C00, s6;
	s11 =	ssub.s32 s8, s31;
	s10 =	sadd.s32 s7, s6  }
0xb: {  	s6 =	sadd.s32 $0x2AC00, s6;
	s7 =	sadd.s32 $0x4E0, s1;
	s11 =	smax.u32 s11, $0x1  }
0xc: {  	v0 =	vimm.f32 $-Inf;
	v1 =	vimm.f32 $0.0e+00;
	v2 =	vimm.f32 $1.000000000e+00;
	s8 =	sadd.s32 $0x2AE00, s10;
	s9 =	sadd.s32 $0x32E00, s10;
	s10 =	sadd.s32 $0x3AE00, s10  }
.LBB2_13:
0xd: {  	[hbm4b:s8+s3] =	stream.linear.scatter [tilespmem:s14], [sflag:$0x1], $0x2000, $0x38;
	[tilespmem:$0x8900] =	vst v63  }
0xe: {  	_ =	swait.ge [sflag:s12], $0x2000  }
0xf: {  	[sflag:s12] =	ssyncset.done $0x0  }
0x10: {  	[sflag:s12] =	ssyncadd.s32 $0xFFFFE000  }
0x11: {  	[hbm4b:s9+s3] =	stream.linear.scatter [tilespmem:s15], [sflag:$0x1], $0x2000, $0x38;
	[tilespmem:$0x8900] =	vst v63  }
0x12: {  	s19 =	sadd.s32 $0x1, s19;
	_ =	swait.ge [sflag:s12], $0x2000  }
0x13: {  	p0 =	sne.s32 s19, s11;
	[sflag:s12] =	ssyncset.done $0x0  }
.Ltmp1:
0x14: {  	[sflag:s12] =	ssyncadd.s32 $0xFFFFE000;
	(pc) =	sbr.rel @!p0 .LBB2_14-.Ltmp1, $4  }
0x15: {  	[hbm4b:s10+s3] =	stream.linear.scatter [tilespmem:s16], [sflag:$0x1], $0x2000, $0x38;
	[tilespmem:$0x8900] =	vst v63  }
0x16: {  	_ =	swait.ge [sflag:s12], $0x2000  }
0x17: {  	[sflag:s12] =	ssyncset.done $0x0  }
0x18: {  	[sflag:s12] =	ssyncadd.s32 $0xFFFFE000  }
.LBB2_1:
0x19: {  	s20 =	simm.s32 $0x0;
	s21 =	simm.s32 $0x200  }
.LBB2_2:
0x1a: {  	p0 =	sne.s32 s21, $0x7E00;
	[tilespmem:s20+$0x6900] =	vst v1  }
0x1b: {  	[tilespmem:s20+$0x2900] =	vst v0  }
0x1c: {  	[tilespmem:s20+$0x4900] =	vst v1  }
0x1d: {  	[tilespmem:s20+$0x2910] =	vst v0  }
0x1e: {  	[tilespmem:s20+$0x4910] =	vst v1  }
0x1f: {  	[tilespmem:s20+$0x2920] =	vst v0  }
0x20: {  	[tilespmem:s20+$0x4920] =	vst v1  }
0x21: {  	[tilespmem:s20+$0x2930] =	vst v0  }
0x22: {  	[tilespmem:s20+$0x4930] =	vst v1  }
0x23: {  	[tilespmem:s20+$0x2940] =	vst v0  }
0x24: {  	[tilespmem:s20+$0x4940] =	vst v1  }
0x25: {  	[tilespmem:s20+$0x2950] =	vst v0  }
.Ltmp2:
0x26: {  	[tilespmem:s20+$0x4950] =	vst v1;
	(pc) =	sbr.rel @p0 .LBB2_2-.Ltmp2, $4  }
0x27: {  	[tilespmem:s20+$0x2960] =	vst v0  }
0x28: {  	[tilespmem:s20+$0x4960] =	vst v1  }
0x29: {  	[tilespmem:s20+$0x2970] =	vst v0  }
0x2a: {  	[tilespmem:s20+$0x4970] =	vst v1;
	s20 =	sshra.s32 s21, $0x2;
	s21 =	sadd.s32 $0x200, s21  }
0x2b: {  	[tilespmem:s20+$0x6900] =	vst v1  }
0x2c: {  	[tilespmem:s20+$0x2900] =	vst v0  }
0x2d: {  	[tilespmem:s20+$0x4900] =	vst v1  }
0x2e: {  	[tilespmem:s20+$0x2910] =	vst v0  }
0x2f: {  	[tilespmem:s20+$0x4910] =	vst v1  }
0x30: {  	[tilespmem:s20+$0x2920] =	vst v0  }
0x31: {  	[tilespmem:s20+$0x4920] =	vst v1  }
0x32: {  	[tilespmem:s20+$0x2930] =	vst v0  }
0x33: {  	[tilespmem:s20+$0x4930] =	vst v1  }
0x34: {  	[tilespmem:s20+$0x2940] =	vst v0  }
0x35: {  	[tilespmem:s20+$0x4940] =	vst v1  }
0x36: {  	[tilespmem:s20+$0x2950] =	vst v0  }
.Ltmp3:
0x37: {  	[tilespmem:s20+$0x4950] =	vst v1;
	(pc) =	sbr.rel .LBB2_4-.Ltmp3, $4  }
0x38: {  	[tilespmem:s20+$0x2960] =	vst v0  }
0x39: {  	[tilespmem:s20+$0x4960] =	vst v1  }
0x3a: {  	[tilespmem:s20+$0x2970] =	vst v0  }
0x3b: {  	[tilespmem:s20+$0x4970] =	vst v1;
	s20 =	simm.s32 $0x0  }
.LBB2_11:
0x3c: {  	[tilespmem:s22+$0x4970] =	vst.add.f32.msk $0xffff, v4;
	v3 =	vmax.f32 v3, v4  }
0x3d: {  	[tilespmem:s22+$0x2970] =	vst v3  }
.LBB2_12:
0x3e: {  	s20 =	sadd.s32 $0x1, s20  }
0x3f: {  	p0 =	sne.s32 s20, $0x5  }
.Ltmp4:
0x40: {  	_ = 	snop;
	(pc) =	sbr.rel @!p0 .LBB2_13-.Ltmp4, $1  }
0x41: {  	_ =	sdelay $0x3  }
.LBB2_4:
0x42: {  	s21 =	sshll.u32 s20, $0x5  }
0x43: {  	s21 =	sor.u32 s4, s21  }
0x44: {  	p0 =	sgt.u32 s21, $0x9B  }
.Ltmp5:
0x45: {  	_ = 	snop;
	(pc) =	sbr.rel @p0 .LBB2_8-.Ltmp5, $1  }
0x46: {  	_ =	sdelay $0x3  }
0x47: {  	s22 =	sshll.u32 s21, $0xA  }
0x48: {  	s23 =	simm.s32 $0x0;
	s22 =	sadd.s32 s5, s22  }
0x49: {  	[tilespmem:s23], [sflag:$0x1] =	stream.linear.gather [hbm4b:s22+s23], $0x2000, $0x38;
	[tilespmem:$0x8900] =	vst v63  }
0x4a: {  	_ =	swait.ge [sflag:s12], $0x2000  }
0x4b: {  	s29 =	sshll.u32 s21, $0x3;
	[sflag:s12] =	ssyncset.done $0x0  }
0x4c: {  	s21 =	sadd.s32 s1, s29;
	[sflag:s12] =	ssyncadd.s32 $0xFFFFE000  }
0x4d: {  	[tilespmem:s13], [sflag:$0x1] =	stream.linear.gather [hbm4b:s21+s23], $0x40, $0x38;
	[tilespmem:$0x8900] =	vst v63  }
0x4e: {  	_ =	swait.ge [sflag:s12], $0x40  }
0x4f: {  	[sflag:s12] =	ssyncset.done $0x0  }
0x50: {  	s30 =	simm.s32 $0x0;
	[sflag:s12] =	ssyncadd.s32 $0xFFFFFFC0  }
0x51: {  	v3 =	vld [tilespmem:s30+$0x2000];
	_ =	sdelay $0x4  }
0x52: {  	(v2sf) =	vpush v3, $0x0;
	_ =	sdelay $0xe  }
0x53: {  	s31 =	spop (v2sf)  }
0x54: {  	s22 =	sshll.u32 s31, $0x7  }
0x55: {  	[tilespmem:s22+$0x6900] =	vst.add.f32.msk $0xffff, v2  }
0x56: {  	s21 =	simm.s32 $0x40;
	v4 =	vld [tilespmem:s22+$0x2900]  }
0x57: {  	v3 =	vld [tilespmem:s21+$0xFFFFFFC0];
	_ =	sdelay $0x4  }
0x58: {  	[tilespmem:s22+$0x4900] =	vst.add.f32.msk $0xffff, v3;
	v3 =	vmax.f32 v4, v3  }
0x59: {  	[tilespmem:s22+$0x2900] =	vst v3;
	v3 =	vld [tilespmem:s22+$0x2910]  }
0x5a: {  	v4 =	vld [tilespmem:s21+$0xFFFFFFD0];
	_ =	sdelay $0x4  }
0x5b: {  	[tilespmem:s22+$0x4910] =	vst.add.f32.msk $0xffff, v4;
	v3 =	vmax.f32 v3, v4  }
0x5c: {  	[tilespmem:s22+$0x2910] =	vst v3;
	v3 =	vld [tilespmem:s22+$0x2920]  }
0x5d: {  	v4 =	vld [tilespmem:s21+$0xFFFFFFE0];
	_ =	sdelay $0x4  }
0x5e: {  	[tilespmem:s22+$0x4920] =	vst.add.f32.msk $0xffff, v4;
	v3 =	vmax.f32 v3, v4  }
0x5f: {  	[tilespmem:s22+$0x2920] =	vst v3;
	v3 =	vld [tilespmem:s22+$0x2930]  }
0x60: {  	v4 =	vld [tilespmem:s21+$0xFFFFFFF0];
	_ =	sdelay $0x4  }
0x61: {  	[tilespmem:s22+$0x4930] =	vst.add.f32.msk $0xffff, v4;
	v3 =	vmax.f32 v3, v4  }
0x62: {  	[tilespmem:s22+$0x2930] =	vst v3;
	v3 =	vld [tilespmem:s22+$0x2940]  }
0x63: {  	v4 =	vld [tilespmem:s21+$0x0];
	_ =	sdelay $0x4  }
0x64: {  	[tilespmem:s22+$0x4940] =	vst.add.f32.msk $0xffff, v4;
	v3 =	vmax.f32 v3, v4  }
0x65: {  	[tilespmem:s22+$0x2940] =	vst v3;
	v3 =	vld [tilespmem:s22+$0x2950]  }
0x66: {  	v4 =	vld [tilespmem:s21+$0x10];
	_ =	sdelay $0x4  }
0x67: {  	[tilespmem:s22+$0x4950] =	vst.add.f32.msk $0xffff, v4;
	v3 =	vmax.f32 v3, v4  }
0x68: {  	[tilespmem:s22+$0x2950] =	vst v3;
	v3 =	vld [tilespmem:s22+$0x2960]  }
0x69: {  	v4 =	vld [tilespmem:s21+$0x20];
	_ =	sdelay $0x4  }
0x6a: {  	[tilespmem:s22+$0x4960] =	vst.add.f32.msk $0xffff, v4;
	v3 =	vmax.f32 v3, v4  }
0x6b: {  	[tilespmem:s22+$0x2960] =	vst v3;
	v3 =	vld [tilespmem:s22+$0x2970]  }
0x6c: {  	s23 =	simm.s32 $0x4;
	v4 =	vld [tilespmem:s21+$0x30]  }
.LBB2_6:
0x6d: {  	_ =	sdelay $0x2  }
0x6e: {  	p0 =	seq.s32 s23, $0xFC  }
0x6f: {  	s21 =	sadd.s32 $0x80, s21;
	s24 =	smov.u32 s23;
	s23 =	sadd.s32 $0x4, s23;
	[tilespmem:s22+$0x4970] =	vst.add.f32.msk $0xffff, v4;
	v3 =	vmax.f32 v3, v4  }
0x70: {  	s24 =	sshra.s32 s24, $0x2;
	[tilespmem:s22+$0x2970] =	vst v3  }
0x71: {  	v3 =	vld [tilespmem:s24+$0x2000];
	_ =	sdelay $0x4  }
0x72: {  	(v2sf) =	vpush v3, $0x0;
	_ =	sdelay $0xe  }
0x73: {  	s22 =	spop (v2sf)  }
0x74: {  	s22 =	sshll.u32 s22, $0x7  }
0x75: {  	[tilespmem:s22+$0x6900] =	vst.add.f32.msk $0xffff, v2  }
0x76: {  	v3 =	vld [tilespmem:s21+$0xFFFFFFC0]  }
0x77: {  	v4 =	vld [tilespmem:s22+$0x2900];
	_ =	sdelay $0x4  }
0x78: {  	[tilespmem:s22+$0x4900] =	vst.add.f32.msk $0xffff, v3;
	v3 =	vmax.f32 v4, v3  }
0x79: {  	[tilespmem:s22+$0x2900] =	vst v3;
	v3 =	vld [tilespmem:s22+$0x2910]  }
0x7a: {  	v4 =	vld [tilespmem:s21+$0xFFFFFFD0];
	_ =	sdelay $0x4  }
0x7b: {  	[tilespmem:s22+$0x4910] =	vst.add.f32.msk $0xffff, v4;
	v3 =	vmax.f32 v3, v4  }
0x7c: {  	[tilespmem:s22+$0x2910] =	vst v3;
	v3 =	vld [tilespmem:s22+$0x2920]  }
0x7d: {  	v4 =	vld [tilespmem:s21+$0xFFFFFFE0];
	_ =	sdelay $0x4  }
0x7e: {  	[tilespmem:s22+$0x4920] =	vst.add.f32.msk $0xffff, v4;
	v3 =	vmax.f32 v3, v4  }
0x7f: {  	[tilespmem:s22+$0x2920] =	vst v3;
	v3 =	vld [tilespmem:s22+$0x2930]  }
0x80: {  	v4 =	vld [tilespmem:s21+$0xFFFFFFF0];
	_ =	sdelay $0x4  }
0x81: {  	[tilespmem:s22+$0x4930] =	vst.add.f32.msk $0xffff, v4;
	v3 =	vmax.f32 v3, v4  }
0x82: {  	[tilespmem:s22+$0x2930] =	vst v3;
	v3 =	vld [tilespmem:s22+$0x2940]  }
0x83: {  	v4 =	vld [tilespmem:s21+$0x0];
	_ =	sdelay $0x4  }
0x84: {  	[tilespmem:s22+$0x4940] =	vst.add.f32.msk $0xffff, v4;
	v3 =	vmax.f32 v3, v4  }
0x85: {  	[tilespmem:s22+$0x2940] =	vst v3;
	v3 =	vld [tilespmem:s22+$0x2950]  }
0x86: {  	v4 =	vld [tilespmem:s21+$0x10];
	_ =	sdelay $0x4  }
0x87: {  	[tilespmem:s22+$0x4950] =	vst.add.f32.msk $0xffff, v4;
	v3 =	vmax.f32 v3, v4  }
0x88: {  	[tilespmem:s22+$0x2950] =	vst v3;
	v3 =	vld [tilespmem:s22+$0x2960]  }
0x89: {  	v4 =	vld [tilespmem:s21+$0x20];
	_ =	sdelay $0x2  }
.Ltmp6:
0x8a: {  	(pc) =	sbr.rel @!p0 .LBB2_6-.Ltmp6, $4  }
0x8b: {  	_ = 	snop  }
0x8c: {  	[tilespmem:s22+$0x4960] =	vst.add.f32.msk $0xffff, v4;
	v3 =	vmax.f32 v3, v4  }
0x8d: {  	[tilespmem:s22+$0x2960] =	vst v3;
	v3 =	vld [tilespmem:s22+$0x2970]  }
0x8e: {  	v4 =	vld [tilespmem:s21+$0x30]  }
0x8f: {  	_ = 	snop  }
.Ltmp7:
0x90: {  	_ = 	snop;
	(pc) =	sbr.rel .LBB2_12-.Ltmp7, $3  }
0x91: {  	_ =	sdelay $0x1  }
0x92: {  	[tilespmem:s22+$0x4970] =	vst.add.f32.msk $0xffff, v4;
	v3 =	vmax.f32 v3, v4  }
0x93: {  	[tilespmem:s22+$0x2970] =	vst v3  }
.LBB2_8:
0x94: {  	p0 =	sne.s32 s21, $0x9C  }
.Ltmp8:
0x95: {  	_ = 	snop;
	(pc) =	sbr.rel @p0 .LBB2_12-.Ltmp8, $1  }
0x96: {  	_ =	sdelay $0x3  }
0x97: {  	s21 =	simm.s32 $0x0  }
0x98: {  	[tilespmem:s17], [sflag:$0x1] =	stream.linear.gather [hbm4b:s6+s21], $0x800, $0x38;
	[tilespmem:$0x8900] =	vst v63  }
0x99: {  	_ =	swait.ge [sflag:s12], $0x800  }
0x9a: {  	[sflag:s12] =	ssyncset.done $0x0  }
0x9b: {  	[sflag:s12] =	ssyncadd.s32 $0xFFFFF800  }
0x9c: {  	[tilespmem:s18], [sflag:$0x1] =	stream.linear.gather [hbm4b:s7+s21], $0x10, $0x38;
	[tilespmem:$0x8900] =	vst v63  }
0x9d: {  	_ =	swait.ge [sflag:s12], $0x10  }
0x9e: {  	[sflag:s12] =	ssyncset.done $0x0  }
0x9f: {  	s30 =	simm.s32 $0x0;
	[sflag:s12] =	ssyncadd.s32 $0xFFFFFFF0  }
0xa0: {  	v3 =	vld [tilespmem:s30+$0x2880];
	_ =	sdelay $0x4  }
0xa1: {  	(v2sf) =	vpush v3, $0x0;
	_ =	sdelay $0xe  }
0xa2: {  	s31 =	spop (v2sf)  }
0xa3: {  	s22 =	sshll.u32 s31, $0x7  }
0xa4: {  	[tilespmem:s22+$0x6900] =	vst.add.f32.msk $0xffff, v2  }
0xa5: {  	s21 =	simm.s32 $0x20C0;
	v4 =	vld [tilespmem:s22+$0x2900]  }
0xa6: {  	v3 =	vld [tilespmem:s21+$0xFFFFFFC0];
	_ =	sdelay $0x4  }
0xa7: {  	[tilespmem:s22+$0x4900] =	vst.add.f32.msk $0xffff, v3;
	v3 =	vmax.f32 v4, v3  }
0xa8: {  	[tilespmem:s22+$0x2900] =	vst v3;
	v3 =	vld [tilespmem:s22+$0x2910]  }
0xa9: {  	v4 =	vld [tilespmem:s21+$0xFFFFFFD0];
	_ =	sdelay $0x4  }
0xaa: {  	[tilespmem:s22+$0x4910] =	vst.add.f32.msk $0xffff, v4;
	v3 =	vmax.f32 v3, v4  }
0xab: {  	[tilespmem:s22+$0x2910] =	vst v3;
	v3 =	vld [tilespmem:s22+$0x2920]  }
0xac: {  	v4 =	vld [tilespmem:s21+$0xFFFFFFE0];
	_ =	sdelay $0x4  }
0xad: {  	[tilespmem:s22+$0x4920] =	vst.add.f32.msk $0xffff, v4;
	v3 =	vmax.f32 v3, v4  }
0xae: {  	[tilespmem:s22+$0x2920] =	vst v3;
	v3 =	vld [tilespmem:s22+$0x2930]  }
0xaf: {  	v4 =	vld [tilespmem:s21+$0xFFFFFFF0];
	_ =	sdelay $0x4  }
0xb0: {  	[tilespmem:s22+$0x4930] =	vst.add.f32.msk $0xffff, v4;
	v3 =	vmax.f32 v3, v4  }
0xb1: {  	[tilespmem:s22+$0x2930] =	vst v3;
	v3 =	vld [tilespmem:s22+$0x2940]  }
0xb2: {  	v4 =	vld [tilespmem:s21+$0x0];
	_ =	sdelay $0x4  }
0xb3: {  	[tilespmem:s22+$0x4940] =	vst.add.f32.msk $0xffff, v4;
	v3 =	vmax.f32 v3, v4  }
0xb4: {  	[tilespmem:s22+$0x2940] =	vst v3;
	v3 =	vld [tilespmem:s22+$0x2950]  }
0xb5: {  	v4 =	vld [tilespmem:s21+$0x10];
	_ =	sdelay $0x4  }
0xb6: {  	[tilespmem:s22+$0x4950] =	vst.add.f32.msk $0xffff, v4;
	v3 =	vmax.f32 v3, v4  }
0xb7: {  	[tilespmem:s22+$0x2950] =	vst v3;
	v3 =	vld [tilespmem:s22+$0x2960]  }
0xb8: {  	v4 =	vld [tilespmem:s21+$0x20];
	_ =	sdelay $0x4  }
0xb9: {  	[tilespmem:s22+$0x4960] =	vst.add.f32.msk $0xffff, v4;
	v3 =	vmax.f32 v3, v4  }
0xba: {  	[tilespmem:s22+$0x2960] =	vst v3;
	v3 =	vld [tilespmem:s22+$0x2970]  }
0xbb: {  	v4 =	vld [tilespmem:s21+$0x30];
	_ =	sdelay $0x2  }
0xbc: {  	s23 =	simm.s32 $0x4  }
.LBB2_10:
0xbd: {  	p0 =	sne.s32 s23, $0x3C  }
0xbe: {  	[tilespmem:s22+$0x4970] =	vst.add.f32.msk $0xffff, v4;
	v3 =	vmax.f32 v3, v4;
	s21 =	sadd.s32 $0x80, s21;
	s24 =	smov.u32 s23;
	s23 =	sadd.s32 $0x4, s23  }
0xbf: {  	s24 =	sshra.s32 s24, $0x2;
	[tilespmem:s22+$0x2970] =	vst v3  }
0xc0: {  	v3 =	vld [tilespmem:s24+$0x2880];
	_ =	sdelay $0x4  }
0xc1: {  	(v2sf) =	vpush v3, $0x0;
	_ =	sdelay $0xe  }
0xc2: {  	s22 =	spop (v2sf)  }
0xc3: {  	s22 =	sshll.u32 s22, $0x7  }
0xc4: {  	[tilespmem:s22+$0x6900] =	vst.add.f32.msk $0xffff, v2  }
0xc5: {  	v3 =	vld [tilespmem:s21+$0xFFFFFFC0]  }
0xc6: {  	v4 =	vld [tilespmem:s22+$0x2900];
	_ =	sdelay $0x4  }
0xc7: {  	[tilespmem:s22+$0x4900] =	vst.add.f32.msk $0xffff, v3;
	v3 =	vmax.f32 v4, v3  }
0xc8: {  	[tilespmem:s22+$0x2900] =	vst v3;
	v3 =	vld [tilespmem:s22+$0x2910]  }
0xc9: {  	v4 =	vld [tilespmem:s21+$0xFFFFFFD0];
	_ =	sdelay $0x4  }
0xca: {  	[tilespmem:s22+$0x4910] =	vst.add.f32.msk $0xffff, v4;
	v3 =	vmax.f32 v3, v4  }
0xcb: {  	[tilespmem:s22+$0x2910] =	vst v3;
	v3 =	vld [tilespmem:s22+$0x2920]  }
0xcc: {  	v4 =	vld [tilespmem:s21+$0xFFFFFFE0];
	_ =	sdelay $0x4  }
0xcd: {  	[tilespmem:s22+$0x4920] =	vst.add.f32.msk $0xffff, v4;
	v3 =	vmax.f32 v3, v4  }
0xce: {  	[tilespmem:s22+$0x2920] =	vst v3;
	v3 =	vld [tilespmem:s22+$0x2930]  }
0xcf: {  	v4 =	vld [tilespmem:s21+$0xFFFFFFF0];
	_ =	sdelay $0x4  }
0xd0: {  	[tilespmem:s22+$0x4930] =	vst.add.f32.msk $0xffff, v4;
	v3 =	vmax.f32 v3, v4  }
0xd1: {  	[tilespmem:s22+$0x2930] =	vst v3;
	v3 =	vld [tilespmem:s22+$0x2940]  }
0xd2: {  	v4 =	vld [tilespmem:s21+$0x0];
	_ =	sdelay $0x4  }
0xd3: {  	[tilespmem:s22+$0x4940] =	vst.add.f32.msk $0xffff, v4;
	v3 =	vmax.f32 v3, v4  }
0xd4: {  	[tilespmem:s22+$0x2940] =	vst v3;
	v3 =	vld [tilespmem:s22+$0x2950]  }
0xd5: {  	v4 =	vld [tilespmem:s21+$0x10];
	_ =	sdelay $0x4  }
0xd6: {  	[tilespmem:s22+$0x4950] =	vst.add.f32.msk $0xffff, v4;
	v3 =	vmax.f32 v3, v4  }
0xd7: {  	[tilespmem:s22+$0x2950] =	vst v3;
	v3 =	vld [tilespmem:s22+$0x2960]  }
0xd8: {  	v4 =	vld [tilespmem:s21+$0x20];
	_ =	sdelay $0x2  }
.Ltmp9:
0xd9: {  	(pc) =	sbr.rel @p0 .LBB2_10-.Ltmp9, $4  }
0xda: {  	_ = 	snop  }
0xdb: {  	[tilespmem:s22+$0x4960] =	vst.add.f32.msk $0xffff, v4;
	v3 =	vmax.f32 v3, v4  }
0xdc: {  	[tilespmem:s22+$0x2960] =	vst v3;
	v3 =	vld [tilespmem:s22+$0x2970]  }
0xdd: {  	v4 =	vld [tilespmem:s21+$0x30]  }
.Ltmp10:
0xde: {  	_ = 	snop;
	(pc) =	sbr.rel .LBB2_11-.Ltmp10, $1  }
0xdf: {  	_ =	sdelay $0x3  }
.LBB2_14:
0xe0: {  	_ =	sfence.sel $0x180000  }
0xe1: {  	[bflag:$0x0] =	sbarrier.arrive $0xFFFF  }
0xe2: {  	p0 =	sne.s32 s2, $0x0;
	_ =	strace $0x90000050  }
0xe3: {  	s0 =	sadd.s32 @!p0 $0x100000, s0;
	[bflag:$0x2] =	sbarrier.arrive $0xFFFF  }
0xe4: {  	[sflag:s0] =	ssyncadd.tile.s32 @!p0 $0x1;
	_ =	shalt  }
.Lfunc_end2:
_tile_overlayer_lowered:
.L_overlay_start_2:
0xe5: {  	(tag) =	ssettag $0x2  }
0xe6: {  	s0 =	rddreg [dreg:$0x0];
	s2 =	stileid.u32  }
0xe7: {  	s1 =	rddreg [dreg:$0x1];
	p0 =	sne.s32 s2, $0x0  }
0xe8: {  	s3 =	rddreg [dreg:$0x2];
	[bflag:$0x3] =	sbarrier.arrive $0xFFFF;
	s2 =	simm.s32 @!p0 $0x1C01  }
0xe9: {  	[timem:s3], [sflag:s2] =	dma.local @!p0 [hbm:s0], s1  }
0xea: {  	s0 =	simm.s32 @!p0 $0x1  }
0xeb: {  	_ =	swait.ge @!p0 [sflag:s0], s1  }
0xec: {  	s1 =	ssub.s32 @!p0 $0x0, s1;
	[sflag:s0] =	ssyncset.done @!p0 $0x0  }
0xed: {  	[sflag:s0] =	ssyncadd.s32 @!p0 s1  }
0xee: {  	[bflag:$0x3] =	sbarrier.arrive $0xFFFF  }
0xef: {  	_ =	shalt  }

</sc_bundles>
